<compile_context>
chip_gen: v7x
topology: tpu7x:2x2x1
jax: 0.10.2.dev20260603
libtpu: 0.0.44.dev20260713+nightly
codegen_flags: <defaults>
</compile_context>

<pallas_src>
import functools

import jax
import jax.numpy as jnp
from jax import lax
from jax.experimental import pallas as pl
from jax.experimental.pallas import tpu as pltpu
from jax.experimental.pallas import tpu_sc as plsc

H = 16
S = 4096
D = 64
N_IMG = 3072
N_TXT = S - N_IMG
TOP_K = N_IMG // 2
N_REM = N_IMG - TOP_K
N_GPU = N_TXT + TOP_K

NW = 32
G_PER = H * N_GPU // NW
C_PER = H * N_REM // NW


def _attn_mass_scores(query_states, key_states, image_mask):
    im = image_mask[0]
    img_idx = jnp.nonzero(im, size=N_IMG)[0]
    image_keys = key_states[0][:, img_idx, :]
    text_queries = query_states[0][:, N_IMG:, :]
    q = jnp.transpose(text_queries[None], (0, 2, 1, 3))
    k = jnp.transpose(image_keys[None], (0, 2, 1, 3))
    d = q.shape[-1]
    logits = jnp.einsum('bthd,bnhd->bhtn', q, k) / jnp.sqrt(jnp.float32(d))
    probs = jax.nn.softmax(logits, axis=-1)
    return probs.sum(axis=2)[0]


def _roll(x, shift, n):
    return pltpu.roll(x, shift % n, 1)


def _bitonic(keys, vals, n, cmp):
    pos = lax.broadcasted_iota(jnp.int32, keys.shape, 1)
    lvl = 2
    while lvl <= n:
        j = lvl // 2
        while j >= 1:
            upper = (pos & j) != 0
            pk = jnp.where(upper, _roll(keys, j, n), _roll(keys, -j, n))
            pv = None
            if vals is not None:
                pv = jnp.where(upper, _roll(vals, j, n), _roll(vals, -j, n))
            mine_first = cmp(keys, vals, pk, pv)
            first_pos = ~upper
            fwd_blk = (pos & lvl) == 0
            keep = fwd_blk == (first_pos == mine_first)
            keys = jnp.where(keep, keys, pk)
            if vals is not None:
                vals = jnp.where(keep, vals, pv)
            j //= 2
        lvl *= 2
    return keys, vals


def _cmp_desc(a, ia, b, ib):
    return (a > b) | ((a == b) & (ia < ib))


def _cmp_asc(a, ia, b, ib):
    return a < b


def _select_body(scores_ref, gpu_ref, cpu_ref):
    s = scores_ref[...].reshape(H, N_IMG)
    pad = jnp.full((H, S - N_IMG), -1.0, jnp.float32)
    s4 = jnp.concatenate([s, pad], axis=1)
    idx = lax.broadcasted_iota(jnp.int32, (H, S), 1)
    _, sidx = _bitonic(s4, idx, S, _cmp_desc)
    top = sidx[:, :TOP_K]
    rem = sidx[:, TOP_K:N_IMG]
    big = jnp.full((H, 2048 - N_REM), 1 << 30, jnp.int32)
    rem_p = jnp.concatenate([rem, big], axis=1)
    rem_s, _ = _bitonic(rem_p, None, 2048, _cmp_asc)
    rem_s = rem_s[:, :N_REM]
    hoff = lax.broadcasted_iota(jnp.int32, (H, 1), 0) * S
    text = lax.broadcasted_iota(jnp.int32, (H, N_TXT), 1) + N_IMG
    gpu_ref[...] = jnp.concatenate([text, top], axis=1) + hoff
    cpu_ref[...] = rem_s + hoff


_select_call = pl.pallas_call(
    _select_body,
    out_shape=(
        jax.ShapeDtypeStruct((H, N_GPU), jnp.int32),
        jax.ShapeDtypeStruct((H, N_REM), jnp.int32),
    ),
)


@functools.cache
def _make_gather_call():
    return functools.partial(
        pl.kernel,
        out_type=(
            jax.ShapeDtypeStruct((1, H, N_GPU, D), jnp.float32),
            jax.ShapeDtypeStruct((1, H, N_GPU, D), jnp.float32),
            jax.ShapeDtypeStruct((1, H, N_REM, D), jnp.float32),
            jax.ShapeDtypeStruct((1, H, N_REM, D), jnp.float32),
        ),
        mesh=plsc.VectorSubcoreMesh(core_axis_name="c", subcore_axis_name="s"),
        scratch_types=[
            pltpu.VMEM((G_PER,), jnp.int32),
            pltpu.VMEM((C_PER,), jnp.int32),
            pltpu.VMEM((G_PER, D), jnp.float32),
            pltpu.SemaphoreType.DMA,
        ],
        compiler_params=pltpu.CompilerParams(use_tc_tiling_on_sc=False),
    )(_gather_body)


def _gather_body(ktab, vtab, gidx, cidx, gk, gv, ck, cv,
                 gidx_v, cidx_v, rows, sem):
    wid = lax.axis_index("s") * 2 + lax.axis_index("c")
    head = wid // 2
    half = wid % 2
    gb = wid * G_PER
    cb = wid * C_PER
    gh = half * G_PER
    ch = half * C_PER
    pltpu.sync_copy(gidx.at[pl.ds(gb, G_PER)], gidx_v)
    pltpu.sync_copy(cidx.at[pl.ds(cb, C_PER)], cidx_v)
    pltpu.async_copy(ktab.at[gidx_v], rows, sem).wait()
    pltpu.sync_copy(rows, gk.at[0, head, pl.ds(gh, G_PER)])
    pltpu.async_copy(vtab.at[gidx_v], rows, sem).wait()
    pltpu.sync_copy(rows, gv.at[0, head, pl.ds(gh, G_PER)])
    sub = rows.at[pl.ds(0, C_PER)]
    pltpu.async_copy(ktab.at[cidx_v], sub, sem).wait()
    pltpu.sync_copy(sub, ck.at[0, head, pl.ds(ch, C_PER)])
    pltpu.async_copy(vtab.at[cidx_v], sub, sem).wait()
    pltpu.sync_copy(sub, cv.at[0, head, pl.ds(ch, C_PER)])


def kernel(query_states, key_states, value_states, image_mask):
    k = key_states.reshape(H, S, D)
    v = value_states.reshape(H, S, D)
    scores = _attn_mass_scores(query_states, key_states, image_mask)
    gpu_idx, cpu_idx = _select_call(scores.reshape(H, 1, N_IMG))
    return _make_gather_call()(
        k.reshape(H * S, D), v.reshape(H * S, D),
        gpu_idx.reshape(H * N_GPU), cpu_idx.reshape(H * N_REM))

# --- scband reference (transcript-rebuilt; emitter-appended) ---
"""Pipeline reference for scband-select-offload-kv-4999341932654 (READ-ONLY COPY).

The authoritative reference and input builder live on the scoring server;
editing this copy changes nothing except your own understanding.
"""

import jax, jax.numpy as jnp
import numpy as np

TOP_P = 0.5
NUM_IMG = 3072


def flash_attn_kv_score(q, k):
    # q: [B, T, H, D], k: [B, N, H, D] -> aggregated attention mass per key: [B, H, N]
    d = q.shape[-1]
    logits = jnp.einsum('bthd,bnhd->bhtn', q, k) / jnp.sqrt(jnp.float32(d))
    probs = jax.nn.softmax(logits, axis=-1)
    return probs.sum(axis=2)


def setup_inputs(seed: int = 0):
    key = jax.random.key(seed)
    k1, k2, k3 = jax.random.split(key, 3)
    B, H, S, D = 1, 16, 4096, 64
    query_states = jax.random.normal(k1, (B, H, S, D), dtype=jnp.float32)
    key_states = jax.random.normal(k2, (B, H, S, D), dtype=jnp.float32)
    value_states = jax.random.normal(k3, (B, H, S, D), dtype=jnp.float32)
    image_mask = (jnp.arange(S) < NUM_IMG)[None, :]
    return {"query_states": query_states, "key_states": key_states, "value_states": value_states, "image_mask": image_mask}


def reference(query_states, key_states, value_states, image_mask):
    bsz, num_heads, seq_len, head_dim = query_states.shape
    assert bsz == 1
    im = image_mask[0]
    img_idx = jnp.nonzero(im, size=NUM_IMG)[0]
    text_idx = jnp.nonzero(~im, size=seq_len - NUM_IMG)[0]
    image_keys = key_states[0][:, img_idx, :]
    image_values = value_states[0][:, img_idx, :]
    num_image_tokens = image_keys.shape[1]
    top_k = int(num_image_tokens * TOP_P)
    last_image_pos = NUM_IMG - 1
    text_queries = query_states[0][:, last_image_pos + 1:, :]
    q = jnp.transpose(text_queries[None], (0, 2, 1, 3))
    k = jnp.transpose(image_keys[None], (0, 2, 1, 3))
    attention_scores = flash_attn_kv_score(q, k)[0]
    _, indices = jax.lax.top_k(attention_scores, top_k)
    top_image_keys = jnp.take_along_axis(image_keys, indices[:, :, None], axis=1)
    top_image_values = jnp.take_along_axis(image_values, indices[:, :, None], axis=1)
    mask = jnp.zeros((num_heads, num_image_tokens), dtype=bool).at[jnp.arange(num_heads)[:, None], indices].set(True)
    remaining_mask = ~mask
    remaining_count = num_image_tokens - top_k
    flat_remaining_idx = jnp.nonzero(remaining_mask.reshape(-1), size=num_heads * remaining_count)[0]
    cpu_key_states = image_keys.reshape(num_heads * num_image_tokens, head_dim)[flat_remaining_idx].reshape(num_heads, remaining_count, head_dim)
    cpu_value_states = image_values.reshape(num_heads * num_image_tokens, head_dim)[flat_remaining_idx].reshape(num_heads, remaining_count, head_dim)
    text_keys = key_states[0][:, text_idx, :]
    text_values = value_states[0][:, text_idx, :]
    gpu_key_states = jnp.concatenate([text_keys, top_image_keys], axis=1)[None]
    gpu_value_states = jnp.concatenate([text_values, top_image_values], axis=1)[None]
    return (gpu_key_states, gpu_value_states, cpu_key_states[None], cpu_value_states[None])

if __name__ == "__main__":
    import jax
    _d = setup_inputs()
    print(jax.jit(kernel)(*tuple(_d.values())))

</pallas_src>

<mosaic_0001>
#map = affine_map<(d0, d1) -> (0, 0)>
#map1 = affine_map<(d0, d1) -> (0)>
#map2 = affine_map<(d0, d1) -> (0, 0, 0, 0)>
module attributes {stable_mosaic.version = 14 : i64} {
  func.func @_gather_body(%arg0: i32, %arg1: i32, %arg2: memref<65536x64xf32, #tpu.memory_space<hbm>>, %arg3: memref<65536x64xf32, #tpu.memory_space<hbm>>, %arg4: memref<40960xi32, #tpu.memory_space<hbm>>, %arg5: memref<24576xi32, #tpu.memory_space<hbm>>, %arg6: memref<1x16x2560x64xf32, #tpu.memory_space<hbm>>, %arg7: memref<1x16x2560x64xf32, #tpu.memory_space<hbm>>, %arg8: memref<1x16x1536x64xf32, #tpu.memory_space<hbm>>, %arg9: memref<1x16x1536x64xf32, #tpu.memory_space<hbm>>, %arg10: memref<1280xi32, #tpu.memory_space<vmem>>, %arg11: memref<768xi32, #tpu.memory_space<vmem>>, %arg12: memref<1280x64xf32, #tpu.memory_space<vmem>>, %arg13: memref<!tpu.dma_semaphore, #tpu.memory_space<semaphore_mem>>) attributes {dimension_semantics = [#tpu.dimension_semantics<core_parallel>, #tpu.dimension_semantics<subcore_parallel>], iteration_bounds = array<i64: 2, 16>, scalar_prefetch = 0 : i64, scratch_operands = 4 : i64, tpu.core_type = #tpu.core_type<sc_vector_subcore>, window_params = [{transform_indices = #map}, {transform_indices = #map}, {transform_indices = #map1}, {transform_indices = #map1}, {transform_indices = #map2}, {transform_indices = #map2}, {transform_indices = #map2}, {transform_indices = #map2}]} {
    %mul3A = arith.constant 2 : i32
    %mul3A_0 = arith.muli %arg1, %mul3A : i32
    %add3A = arith.addi %mul3A_0, %arg0 : i32
    %jit3A = arith.constant 2 : i32
    %div3A = arith.divsi %add3A, %jit3A : i32
    %sign3A = arith.constant 0 : i32
    %sign3A_1 = arith.cmpi sgt, %add3A, %sign3A : i32
    %sign3A_2 = arith.extui %sign3A_1 : i1 to i32
    %sign3A_3 = arith.constant 0 : i32
    %sign3A_4 = arith.cmpi slt, %add3A, %sign3A_3 : i32
    %sign3A_5 = arith.extui %sign3A_4 : i1 to i32
    %sign3A_6 = arith.subi %sign3A_2, %sign3A_5 : i32
    %sign3A_7 = arith.constant 0 : i32
    %sign3A_8 = arith.cmpi sgt, %jit3A, %sign3A_7 : i32
    %sign3A_9 = arith.extui %sign3A_8 : i1 to i32
    %sign3A_10 = arith.constant 0 : i32
    %sign3A_11 = arith.cmpi slt, %jit3A, %sign3A_10 : i32
    %sign3A_12 = arith.extui %sign3A_11 : i1 to i32
    %sign3A_13 = arith.subi %sign3A_9, %sign3A_12 : i32
    %ne3A = arith.cmpi ne, %sign3A_6, %sign3A_13 : i32
    %rem3A = arith.remsi %add3A, %jit3A : i32
    %ne3A_14 = arith.constant 0 : i32
    %ne3A_15 = arith.cmpi ne, %rem3A, %ne3A_14 : i32
    %and3A = arith.andi %ne3A, %ne3A_15 : i1
    %sub3A = arith.constant 1 : i32
    %sub3A_16 = arith.subi %div3A, %sub3A : i32
    %select_n3A = arith.select %and3A, %sub3A_16, %div3A : i32
    %jit3A_17 = arith.constant 2 : i32
    %eq3A = arith.constant 0 : i32
    %eq3A_18 = arith.cmpi eq, %jit3A_17, %eq3A : i32
    %jit3A_19 = arith.constant 1 : i32
    %select_n3A_20 = arith.select %eq3A_18, %jit3A_19, %jit3A_17 : i32
    %rem3A_21 = arith.remsi %add3A, %select_n3A_20 : i32
    %ne3A_22 = arith.constant 0 : i32
    %ne3A_23 = arith.cmpi ne, %rem3A_21, %ne3A_22 : i32
    %lt3A = arith.constant 0 : i32
    %lt3A_24 = arith.cmpi slt, %rem3A_21, %lt3A : i32
    %lt3A_25 = arith.constant 0 : i32
    %lt3A_26 = arith.cmpi slt, %select_n3A_20, %lt3A_25 : i32
    %ne3A_27 = arith.xori %lt3A_24, %lt3A_26 : i1
    %and3A_28 = arith.andi %ne3A_27, %ne3A_23 : i1
    %add3A_29 = arith.addi %rem3A_21, %select_n3A_20 : i32
    %select_n3A_30 = arith.select %and3A_28, %add3A_29, %rem3A_21 : i32
    %mul3A_31 = arith.constant 1280 : i32
    %mul3A_32 = arith.muli %add3A, %mul3A_31 : i32
    %mul3A_33 = arith.constant 768 : i32
    %mul3A_34 = arith.muli %add3A, %mul3A_33 : i32
    %mul3A_35 = arith.constant 1280 : i32
    %mul3A_36 = arith.muli %select_n3A_30, %mul3A_35 : i32
    %mul3A_37 = arith.constant 768 : i32
    %mul3A_38 = arith.muli %select_n3A_30, %mul3A_37 : i32
    "tpu.region"() ({
      %run_scoped3A_76 = tpu.sem_alloc : memref<!tpu.dma_semaphore, #tpu.memory_space<semaphore_mem>>
      %dma_start3A_77 = tpu.memref_slice %arg4[%mul3A_32] : memref<40960xi32, #tpu.memory_space<hbm>> -> memref<1280xi32, #tpu.memory_space<hbm>>
      %dma_start3A_78 = tpu.memref_slice %arg4[%mul3A_32] : memref<40960xi32, #tpu.memory_space<hbm>> -> memref<1280xi32, #tpu.memory_space<hbm>>
      tpu.enqueue_dma source(%dma_start3A_78 : memref<1280xi32, #tpu.memory_space<hbm>>) target(%arg10 : memref<1280xi32, #tpu.memory_space<vmem>>) target_semaphore(%run_scoped3A_76 : memref<!tpu.dma_semaphore, #tpu.memory_space<semaphore_mem>>)
      %dma_wait3A_79 = tpu.memref_slice %arg4[%mul3A_32] : memref<40960xi32, #tpu.memory_space<hbm>> -> memref<1280xi32, #tpu.memory_space<hbm>>
      %dma_wait3A_80 = tpu.memref_slice %arg4[%mul3A_32] : memref<40960xi32, #tpu.memory_space<hbm>> -> memref<1280xi32, #tpu.memory_space<hbm>>
      tpu.wait_dma2 semaphore(%run_scoped3A_76 : memref<!tpu.dma_semaphore, #tpu.memory_space<semaphore_mem>>) src(%dma_wait3A_80 : memref<1280xi32, #tpu.memory_space<hbm>>) dst(%arg10 : memref<1280xi32, #tpu.memory_space<vmem>>)
      tpu.yield
    }) : () -> ()
    "tpu.region"() ({
      %run_scoped3A_76 = tpu.sem_alloc : memref<!tpu.dma_semaphore, #tpu.memory_space<semaphore_mem>>
      %dma_start3A_77 = tpu.memref_slice %arg5[%mul3A_34] : memref<24576xi32, #tpu.memory_space<hbm>> -> memref<768xi32, #tpu.memory_space<hbm>>
      %dma_start3A_78 = tpu.memref_slice %arg5[%mul3A_34] : memref<24576xi32, #tpu.memory_space<hbm>> -> memref<768xi32, #tpu.memory_space<hbm>>
      tpu.enqueue_dma source(%dma_start3A_78 : memref<768xi32, #tpu.memory_space<hbm>>) target(%arg11 : memref<768xi32, #tpu.memory_space<vmem>>) target_semaphore(%run_scoped3A_76 : memref<!tpu.dma_semaphore, #tpu.memory_space<semaphore_mem>>)
      %dma_wait3A_79 = tpu.memref_slice %arg5[%mul3A_34] : memref<24576xi32, #tpu.memory_space<hbm>> -> memref<768xi32, #tpu.memory_space<hbm>>
      %dma_wait3A_80 = tpu.memref_slice %arg5[%mul3A_34] : memref<24576xi32, #tpu.memory_space<hbm>> -> memref<768xi32, #tpu.memory_space<hbm>>
      tpu.wait_dma2 semaphore(%run_scoped3A_76 : memref<!tpu.dma_semaphore, #tpu.memory_space<semaphore_mem>>) src(%dma_wait3A_80 : memref<768xi32, #tpu.memory_space<hbm>>) dst(%arg11 : memref<768xi32, #tpu.memory_space<vmem>>)
      tpu.yield
    }) : () -> ()
    %dma_start3A = arith.constant 0 : i32
    %dma_start3A_39 = arith.constant 0 : i32
    %dma_start3A_40 = tpu.memref_slice %arg2[%dma_start3A, %dma_start3A_39] : memref<65536x64xf32, #tpu.memory_space<hbm>> -> memref<65536x64xf32, #tpu.memory_space<hbm>>
    tpu.enqueue_indirect_dma source(%dma_start3A_40 : memref<65536x64xf32, #tpu.memory_space<hbm>>) target(%arg12 : memref<1280x64xf32, #tpu.memory_space<vmem>>) offsets(%arg10 : memref<1280xi32, #tpu.memory_space<vmem>>) semaphore(%arg13 : memref<!tpu.dma_semaphore, #tpu.memory_space<semaphore_mem>>)
    %dma_wait3A = arith.constant 0 : i32
    %dma_wait3A_41 = arith.constant 0 : i32
    %dma_wait3A_42 = tpu.memref_slice %arg2[%dma_wait3A, %dma_wait3A_41] : memref<65536x64xf32, #tpu.memory_space<hbm>> -> memref<65536x64xf32, #tpu.memory_space<hbm>>
    tpu.wait_indirect_dma semaphore(%arg13 : memref<!tpu.dma_semaphore, #tpu.memory_space<semaphore_mem>>) src(%dma_wait3A_42 : memref<65536x64xf32, #tpu.memory_space<hbm>>) dst(%arg12 : memref<1280x64xf32, #tpu.memory_space<vmem>>)
    %run_scoped3A = arith.constant 0 : i32
    "tpu.region"() ({
      %run_scoped3A_76 = tpu.sem_alloc : memref<!tpu.dma_semaphore, #tpu.memory_space<semaphore_mem>>
      %dma_start3A_77 = arith.constant 0 : i32
      %dma_start3A_78 = tpu.memref_slice %arg6[%run_scoped3A, %select_n3A, %mul3A_36, %dma_start3A_77] : memref<1x16x2560x64xf32, #tpu.memory_space<hbm>> -> memref<1x1x1280x64xf32, #tpu.memory_space<hbm>>
      %dma_start3A_79 = tpu.memref_squeeze %dma_start3A_78 : memref<1x1x1280x64xf32, #tpu.memory_space<hbm>> -> memref<1280x64xf32, #tpu.memory_space<hbm>>
      %dma_start3A_80 = arith.constant 0 : i32
      %dma_start3A_81 = tpu.memref_slice %arg6[%run_scoped3A, %select_n3A, %mul3A_36, %dma_start3A_80] : memref<1x16x2560x64xf32, #tpu.memory_space<hbm>> -> memref<1x1x1280x64xf32, #tpu.memory_space<hbm>>
      %dma_start3A_82 = tpu.memref_squeeze %dma_start3A_81 : memref<1x1x1280x64xf32, #tpu.memory_space<hbm>> -> memref<1280x64xf32, #tpu.memory_space<hbm>>
      tpu.enqueue_dma source(%arg12 : memref<1280x64xf32, #tpu.memory_space<vmem>>) target(%dma_start3A_82 : memref<1280x64xf32, #tpu.memory_space<hbm>>) target_semaphore(%run_scoped3A_76 : memref<!tpu.dma_semaphore, #tpu.memory_space<semaphore_mem>>)
      %dma_wait3A_83 = arith.constant 0 : i32
      %dma_wait3A_84 = tpu.memref_slice %arg6[%run_scoped3A, %select_n3A, %mul3A_36, %dma_wait3A_83] : memref<1x16x2560x64xf32, #tpu.memory_space<hbm>> -> memref<1x1x1280x64xf32, #tpu.memory_space<hbm>>
      %dma_wait3A_85 = tpu.memref_squeeze %dma_wait3A_84 : memref<1x1x1280x64xf32, #tpu.memory_space<hbm>> -> memref<1280x64xf32, #tpu.memory_space<hbm>>
      %dma_wait3A_86 = arith.constant 0 : i32
      %dma_wait3A_87 = tpu.memref_slice %arg6[%run_scoped3A, %select_n3A, %mul3A_36, %dma_wait3A_86] : memref<1x16x2560x64xf32, #tpu.memory_space<hbm>> -> memref<1x1x1280x64xf32, #tpu.memory_space<hbm>>
      %dma_wait3A_88 = tpu.memref_squeeze %dma_wait3A_87 : memref<1x1x1280x64xf32, #tpu.memory_space<hbm>> -> memref<1280x64xf32, #tpu.memory_space<hbm>>
      tpu.wait_dma2 semaphore(%run_scoped3A_76 : memref<!tpu.dma_semaphore, #tpu.memory_space<semaphore_mem>>) src(%arg12 : memref<1280x64xf32, #tpu.memory_space<vmem>>) dst(%dma_wait3A_88 : memref<1280x64xf32, #tpu.memory_space<hbm>>)
      tpu.yield
    }) : () -> ()
    %dma_start3A_43 = arith.constant 0 : i32
    %dma_start3A_44 = arith.constant 0 : i32
    %dma_start3A_45 = tpu.memref_slice %arg3[%dma_start3A_43, %dma_start3A_44] : memref<65536x64xf32, #tpu.memory_space<hbm>> -> memref<65536x64xf32, #tpu.memory_space<hbm>>
    tpu.enqueue_indirect_dma source(%dma_start3A_45 : memref<65536x64xf32, #tpu.memory_space<hbm>>) target(%arg12 : memref<1280x64xf32, #tpu.memory_space<vmem>>) offsets(%arg10 : memref<1280xi32, #tpu.memory_space<vmem>>) semaphore(%arg13 : memref<!tpu.dma_semaphore, #tpu.memory_space<semaphore_mem>>)
    %dma_wait3A_46 = arith.constant 0 : i32
    %dma_wait3A_47 = arith.constant 0 : i32
    %dma_wait3A_48 = tpu.memref_slice %arg3[%dma_wait3A_46, %dma_wait3A_47] : memref<65536x64xf32, #tpu.memory_space<hbm>> -> memref<65536x64xf32, #tpu.memory_space<hbm>>
    tpu.wait_indirect_dma semaphore(%arg13 : memref<!tpu.dma_semaphore, #tpu.memory_space<semaphore_mem>>) src(%dma_wait3A_48 : memref<65536x64xf32, #tpu.memory_space<hbm>>) dst(%arg12 : memref<1280x64xf32, #tpu.memory_space<vmem>>)
    %run_scoped3A_49 = arith.constant 0 : i32
    "tpu.region"() ({
      %run_scoped3A_76 = tpu.sem_alloc : memref<!tpu.dma_semaphore, #tpu.memory_space<semaphore_mem>>
      %dma_start3A_77 = arith.constant 0 : i32
      %dma_start3A_78 = tpu.memref_slice %arg7[%run_scoped3A_49, %select_n3A, %mul3A_36, %dma_start3A_77] : memref<1x16x2560x64xf32, #tpu.memory_space<hbm>> -> memref<1x1x1280x64xf32, #tpu.memory_space<hbm>>
      %dma_start3A_79 = tpu.memref_squeeze %dma_start3A_78 : memref<1x1x1280x64xf32, #tpu.memory_space<hbm>> -> memref<1280x64xf32, #tpu.memory_space<hbm>>
      %dma_start3A_80 = arith.constant 0 : i32
      %dma_start3A_81 = tpu.memref_slice %arg7[%run_scoped3A_49, %select_n3A, %mul3A_36, %dma_start3A_80] : memref<1x16x2560x64xf32, #tpu.memory_space<hbm>> -> memref<1x1x1280x64xf32, #tpu.memory_space<hbm>>
      %dma_start3A_82 = tpu.memref_squeeze %dma_start3A_81 : memref<1x1x1280x64xf32, #tpu.memory_space<hbm>> -> memref<1280x64xf32, #tpu.memory_space<hbm>>
      tpu.enqueue_dma source(%arg12 : memref<1280x64xf32, #tpu.memory_space<vmem>>) target(%dma_start3A_82 : memref<1280x64xf32, #tpu.memory_space<hbm>>) target_semaphore(%run_scoped3A_76 : memref<!tpu.dma_semaphore, #tpu.memory_space<semaphore_mem>>)
      %dma_wait3A_83 = arith.constant 0 : i32
      %dma_wait3A_84 = tpu.memref_slice %arg7[%run_scoped3A_49, %select_n3A, %mul3A_36, %dma_wait3A_83] : memref<1x16x2560x64xf32, #tpu.memory_space<hbm>> -> memref<1x1x1280x64xf32, #tpu.memory_space<hbm>>
      %dma_wait3A_85 = tpu.memref_squeeze %dma_wait3A_84 : memref<1x1x1280x64xf32, #tpu.memory_space<hbm>> -> memref<1280x64xf32, #tpu.memory_space<hbm>>
      %dma_wait3A_86 = arith.constant 0 : i32
      %dma_wait3A_87 = tpu.memref_slice %arg7[%run_scoped3A_49, %select_n3A, %mul3A_36, %dma_wait3A_86] : memref<1x16x2560x64xf32, #tpu.memory_space<hbm>> -> memref<1x1x1280x64xf32, #tpu.memory_space<hbm>>
      %dma_wait3A_88 = tpu.memref_squeeze %dma_wait3A_87 : memref<1x1x1280x64xf32, #tpu.memory_space<hbm>> -> memref<1280x64xf32, #tpu.memory_space<hbm>>
      tpu.wait_dma2 semaphore(%run_scoped3A_76 : memref<!tpu.dma_semaphore, #tpu.memory_space<semaphore_mem>>) src(%arg12 : memref<1280x64xf32, #tpu.memory_space<vmem>>) dst(%dma_wait3A_88 : memref<1280x64xf32, #tpu.memory_space<hbm>>)
      tpu.yield
    }) : () -> ()
    %dma_start3A_50 = arith.constant 0 : i32
    %dma_start3A_51 = arith.constant 0 : i32
    %dma_start3A_52 = tpu.memref_slice %arg12[%dma_start3A_50, %dma_start3A_51] : memref<1280x64xf32, #tpu.memory_space<vmem>> -> memref<768x64xf32, #tpu.memory_space<vmem>>
    %dma_start3A_53 = arith.constant 0 : i32
    %dma_start3A_54 = arith.constant 0 : i32
    %dma_start3A_55 = tpu.memref_slice %arg2[%dma_start3A_53, %dma_start3A_54] : memref<65536x64xf32, #tpu.memory_space<hbm>> -> memref<65536x64xf32, #tpu.memory_space<hbm>>
    tpu.enqueue_indirect_dma source(%dma_start3A_55 : memref<65536x64xf32, #tpu.memory_space<hbm>>) target(%dma_start3A_52 : memref<768x64xf32, #tpu.memory_space<vmem>>) offsets(%arg11 : memref<768xi32, #tpu.memory_space<vmem>>) semaphore(%arg13 : memref<!tpu.dma_semaphore, #tpu.memory_space<semaphore_mem>>)
    %dma_wait3A_56 = arith.constant 0 : i32
    %dma_wait3A_57 = arith.constant 0 : i32
    %dma_wait3A_58 = tpu.memref_slice %arg12[%dma_wait3A_56, %dma_wait3A_57] : memref<1280x64xf32, #tpu.memory_space<vmem>> -> memref<768x64xf32, #tpu.memory_space<vmem>>
    %dma_wait3A_59 = arith.constant 0 : i32
    %dma_wait3A_60 = arith.constant 0 : i32
    %dma_wait3A_61 = tpu.memref_slice %arg2[%dma_wait3A_59, %dma_wait3A_60] : memref<65536x64xf32, #tpu.memory_space<hbm>> -> memref<65536x64xf32, #tpu.memory_space<hbm>>
    tpu.wait_indirect_dma semaphore(%arg13 : memref<!tpu.dma_semaphore, #tpu.memory_space<semaphore_mem>>) src(%dma_wait3A_61 : memref<65536x64xf32, #tpu.memory_space<hbm>>) dst(%dma_wait3A_58 : memref<768x64xf32, #tpu.memory_space<vmem>>)
    %run_scoped3A_62 = arith.constant 0 : i32
    "tpu.region"() ({
      %run_scoped3A_76 = tpu.sem_alloc : memref<!tpu.dma_semaphore, #tpu.memory_space<semaphore_mem>>
      %dma_start3A_77 = arith.constant 0 : i32
      %dma_start3A_78 = arith.constant 0 : i32
      %dma_start3A_79 = tpu.memref_slice %arg12[%dma_start3A_77, %dma_start3A_78] : memref<1280x64xf32, #tpu.memory_space<vmem>> -> memref<768x64xf32, #tpu.memory_space<vmem>>
      %dma_start3A_80 = arith.constant 0 : i32
      %dma_start3A_81 = tpu.memref_slice %arg8[%run_scoped3A_62, %select_n3A, %mul3A_38, %dma_start3A_80] : memref<1x16x1536x64xf32, #tpu.memory_space<hbm>> -> memref<1x1x768x64xf32, #tpu.memory_space<hbm>>
      %dma_start3A_82 = tpu.memref_squeeze %dma_start3A_81 : memref<1x1x768x64xf32, #tpu.memory_space<hbm>> -> memref<768x64xf32, #tpu.memory_space<hbm>>
      %dma_start3A_83 = arith.constant 0 : i32
      %dma_start3A_84 = tpu.memref_slice %arg8[%run_scoped3A_62, %select_n3A, %mul3A_38, %dma_start3A_83] : memref<1x16x1536x64xf32, #tpu.memory_space<hbm>> -> memref<1x1x768x64xf32, #tpu.memory_space<hbm>>
      %dma_start3A_85 = tpu.memref_squeeze %dma_start3A_84 : memref<1x1x768x64xf32, #tpu.memory_space<hbm>> -> memref<768x64xf32, #tpu.memory_space<hbm>>
      %dma_start3A_86 = arith.constant 0 : i32
      %dma_start3A_87 = arith.constant 0 : i32
      %dma_start3A_88 = tpu.memref_slice %arg12[%dma_start3A_86, %dma_start3A_87] : memref<1280x64xf32, #tpu.memory_space<vmem>> -> memref<768x64xf32, #tpu.memory_space<vmem>>
      tpu.enqueue_dma source(%dma_start3A_88 : memref<768x64xf32, #tpu.memory_space<vmem>>) target(%dma_start3A_85 : memref<768x64xf32, #tpu.memory_space<hbm>>) target_semaphore(%run_scoped3A_76 : memref<!tpu.dma_semaphore, #tpu.memory_space<semaphore_mem>>)
      %dma_wait3A_89 = arith.constant 0 : i32
      %dma_wait3A_90 = arith.constant 0 : i32
      %dma_wait3A_91 = tpu.memref_slice %arg12[%dma_wait3A_89, %dma_wait3A_90] : memref<1280x64xf32, #tpu.memory_space<vmem>> -> memref<768x64xf32, #tpu.memory_space<vmem>>
      %dma_wait3A_92 = arith.constant 0 : i32
      %dma_wait3A_93 = tpu.memref_slice %arg8[%run_scoped3A_62, %select_n3A, %mul3A_38, %dma_wait3A_92] : memref<1x16x1536x64xf32, #tpu.memory_space<hbm>> -> memref<1x1x768x64xf32, #tpu.memory_space<hbm>>
      %dma_wait3A_94 = tpu.memref_squeeze %dma_wait3A_93 : memref<1x1x768x64xf32, #tpu.memory_space<hbm>> -> memref<768x64xf32, #tpu.memory_space<hbm>>
      %dma_wait3A_95 = arith.constant 0 : i32
      %dma_wait3A_96 = tpu.memref_slice %arg8[%run_scoped3A_62, %select_n3A, %mul3A_38, %dma_wait3A_95] : memref<1x16x1536x64xf32, #tpu.memory_space<hbm>> -> memref<1x1x768x64xf32, #tpu.memory_space<hbm>>
      %dma_wait3A_97 = tpu.memref_squeeze %dma_wait3A_96 : memref<1x1x768x64xf32, #tpu.memory_space<hbm>> -> memref<768x64xf32, #tpu.memory_space<hbm>>
      %dma_wait3A_98 = arith.constant 0 : i32
      %dma_wait3A_99 = arith.constant 0 : i32
      %dma_wait3A_100 = tpu.memref_slice %arg12[%dma_wait3A_98, %dma_wait3A_99] : memref<1280x64xf32, #tpu.memory_space<vmem>> -> memref<768x64xf32, #tpu.memory_space<vmem>>
      tpu.wait_dma2 semaphore(%run_scoped3A_76 : memref<!tpu.dma_semaphore, #tpu.memory_space<semaphore_mem>>) src(%dma_wait3A_100 : memref<768x64xf32, #tpu.memory_space<vmem>>) dst(%dma_wait3A_97 : memref<768x64xf32, #tpu.memory_space<hbm>>)
      tpu.yield
    }) : () -> ()
    %dma_start3A_63 = arith.constant 0 : i32
    %dma_start3A_64 = arith.constant 0 : i32
    %dma_start3A_65 = tpu.memref_slice %arg12[%dma_start3A_63, %dma_start3A_64] : memref<1280x64xf32, #tpu.memory_space<vmem>> -> memref<768x64xf32, #tpu.memory_space<vmem>>
    %dma_start3A_66 = arith.constant 0 : i32
    %dma_start3A_67 = arith.constant 0 : i32
    %dma_start3A_68 = tpu.memref_slice %arg3[%dma_start3A_66, %dma_start3A_67] : memref<65536x64xf32, #tpu.memory_space<hbm>> -> memref<65536x64xf32, #tpu.memory_space<hbm>>
    tpu.enqueue_indirect_dma source(%dma_start3A_68 : memref<65536x64xf32, #tpu.memory_space<hbm>>) target(%dma_start3A_65 : memref<768x64xf32, #tpu.memory_space<vmem>>) offsets(%arg11 : memref<768xi32, #tpu.memory_space<vmem>>) semaphore(%arg13 : memref<!tpu.dma_semaphore, #tpu.memory_space<semaphore_mem>>)
    %dma_wait3A_69 = arith.constant 0 : i32
    %dma_wait3A_70 = arith.constant 0 : i32
    %dma_wait3A_71 = tpu.memref_slice %arg12[%dma_wait3A_69, %dma_wait3A_70] : memref<1280x64xf32, #tpu.memory_space<vmem>> -> memref<768x64xf32, #tpu.memory_space<vmem>>
    %dma_wait3A_72 = arith.constant 0 : i32
    %dma_wait3A_73 = arith.constant 0 : i32
    %dma_wait3A_74 = tpu.memref_slice %arg3[%dma_wait3A_72, %dma_wait3A_73] : memref<65536x64xf32, #tpu.memory_space<hbm>> -> memref<65536x64xf32, #tpu.memory_space<hbm>>
    tpu.wait_indirect_dma semaphore(%arg13 : memref<!tpu.dma_semaphore, #tpu.memory_space<semaphore_mem>>) src(%dma_wait3A_74 : memref<65536x64xf32, #tpu.memory_space<hbm>>) dst(%dma_wait3A_71 : memref<768x64xf32, #tpu.memory_space<vmem>>)
    %run_scoped3A_75 = arith.constant 0 : i32
    "tpu.region"() ({
      %run_scoped3A_76 = tpu.sem_alloc : memref<!tpu.dma_semaphore, #tpu.memory_space<semaphore_mem>>
      %dma_start3A_77 = arith.constant 0 : i32
      %dma_start3A_78 = arith.constant 0 : i32
      %dma_start3A_79 = tpu.memref_slice %arg12[%dma_start3A_77, %dma_start3A_78] : memref<1280x64xf32, #tpu.memory_space<vmem>> -> memref<768x64xf32, #tpu.memory_space<vmem>>
      %dma_start3A_80 = arith.constant 0 : i32
      %dma_start3A_81 = tpu.memref_slice %arg9[%run_scoped3A_75, %select_n3A, %mul3A_38, %dma_start3A_80] : memref<1x16x1536x64xf32, #tpu.memory_space<hbm>> -> memref<1x1x768x64xf32, #tpu.memory_space<hbm>>
      %dma_start3A_82 = tpu.memref_squeeze %dma_start3A_81 : memref<1x1x768x64xf32, #tpu.memory_space<hbm>> -> memref<768x64xf32, #tpu.memory_space<hbm>>
      %dma_start3A_83 = arith.constant 0 : i32
      %dma_start3A_84 = tpu.memref_slice %arg9[%run_scoped3A_75, %select_n3A, %mul3A_38, %dma_start3A_83] : memref<1x16x1536x64xf32, #tpu.memory_space<hbm>> -> memref<1x1x768x64xf32, #tpu.memory_space<hbm>>
      %dma_start3A_85 = tpu.memref_squeeze %dma_start3A_84 : memref<1x1x768x64xf32, #tpu.memory_space<hbm>> -> memref<768x64xf32, #tpu.memory_space<hbm>>
      %dma_start3A_86 = arith.constant 0 : i32
      %dma_start3A_87 = arith.constant 0 : i32
      %dma_start3A_88 = tpu.memref_slice %arg12[%dma_start3A_86, %dma_start3A_87] : memref<1280x64xf32, #tpu.memory_space<vmem>> -> memref<768x64xf32, #tpu.memory_space<vmem>>
      tpu.enqueue_dma source(%dma_start3A_88 : memref<768x64xf32, #tpu.memory_space<vmem>>) target(%dma_start3A_85 : memref<768x64xf32, #tpu.memory_space<hbm>>) target_semaphore(%run_scoped3A_76 : memref<!tpu.dma_semaphore, #tpu.memory_space<semaphore_mem>>)
      %dma_wait3A_89 = arith.constant 0 : i32
      %dma_wait3A_90 = arith.constant 0 : i32
      %dma_wait3A_91 = tpu.memref_slice %arg12[%dma_wait3A_89, %dma_wait3A_90] : memref<1280x64xf32, #tpu.memory_space<vmem>> -> memref<768x64xf32, #tpu.memory_space<vmem>>
      %dma_wait3A_92 = arith.constant 0 : i32
      %dma_wait3A_93 = tpu.memref_slice %arg9[%run_scoped3A_75, %select_n3A, %mul3A_38, %dma_wait3A_92] : memref<1x16x1536x64xf32, #tpu.memory_space<hbm>> -> memref<1x1x768x64xf32, #tpu.memory_space<hbm>>
      %dma_wait3A_94 = tpu.memref_squeeze %dma_wait3A_93 : memref<1x1x768x64xf32, #tpu.memory_space<hbm>> -> memref<768x64xf32, #tpu.memory_space<hbm>>
      %dma_wait3A_95 = arith.constant 0 : i32
      %dma_wait3A_96 = tpu.memref_slice %arg9[%run_scoped3A_75, %select_n3A, %mul3A_38, %dma_wait3A_95] : memref<1x16x1536x64xf32, #tpu.memory_space<hbm>> -> memref<1x1x768x64xf32, #tpu.memory_space<hbm>>
      %dma_wait3A_97 = tpu.memref_squeeze %dma_wait3A_96 : memref<1x1x768x64xf32, #tpu.memory_space<hbm>> -> memref<768x64xf32, #tpu.memory_space<hbm>>
      %dma_wait3A_98 = arith.constant 0 : i32
      %dma_wait3A_99 = arith.constant 0 : i32
      %dma_wait3A_100 = tpu.memref_slice %arg12[%dma_wait3A_98, %dma_wait3A_99] : memref<1280x64xf32, #tpu.memory_space<vmem>> -> memref<768x64xf32, #tpu.memory_space<vmem>>
      tpu.wait_dma2 semaphore(%run_scoped3A_76 : memref<!tpu.dma_semaphore, #tpu.memory_space<semaphore_mem>>) src(%dma_wait3A_100 : memref<768x64xf32, #tpu.memory_space<vmem>>) dst(%dma_wait3A_97 : memref<768x64xf32, #tpu.memory_space<hbm>>)
      tpu.yield
    }) : () -> ()
    return
  }
}

module attributes {stable_mosaic.version = 14 : i64} {
  func.func @_select_body(%arg0: memref<16x1x3072xf32, #tpu.memory_space<vmem>>, %arg1: memref<16x2560xi32, #tpu.memory_space<vmem>>, %arg2: memref<16x1536xi32, #tpu.memory_space<vmem>>) attributes {dimension_semantics = [], scalar_prefetch = 0 : i64, scratch_operands = 0 : i64, tpu.core_type = #tpu.core_type<tc>} {
    %get3A = arith.constant 0 : index
    %get3A_0 = arith.constant 0 : index
    %get3A_1 = arith.constant 0 : index
    %get3A_2 = vector.load %arg0[%get3A, %get3A_0, %get3A_1] : memref<16x1x3072xf32, #tpu.memory_space<vmem>>, vector<16x1x3072xf32>
    %reshape3A = vector.shape_cast %get3A_2 : vector<16x1x3072xf32> to vector<16x3072xf32>
    %broadcast_in_dim3A = arith.constant -1.000000e+00 : f32
    %broadcast_in_dim3A_3 = vector.broadcast %broadcast_in_dim3A : f32 to vector<16x1024xf32>
    %concatenate3A = tpu.concatenate %reshape3A, %broadcast_in_dim3A_3 in 1 : vector<16x3072xf32>, vector<16x1024xf32> -> vector<16x4096xf32>
    %iota3A = tpu.iota {dimensions = array<i32: 1>} : vector<16x4096xi32>
    %iota3A_4 = tpu.iota {dimensions = array<i32: 1>} : vector<16x4096xi32>
    %and3A = arith.constant 1 : i32
    %and3A_5 = vector.broadcast %and3A : i32 to vector<16x4096xi32>
    %and3A_6 = arith.andi %iota3A_4, %and3A_5 : vector<16x4096xi32>
    %ne3A = arith.constant 0 : i32
    %ne3A_7 = vector.broadcast %ne3A : i32 to vector<16x4096xi32>
    %ne3A_8 = arith.cmpi ne, %and3A_6, %ne3A_7 : vector<16x4096xi32>
    %roll3A = arith.constant 1 : i32
    %roll3A_9 = tpu.dynamic_rotate %concatenate3A by %roll3A dim 1 : vector<16x4096xf32>, i32 -> vector<16x4096xf32>
    %roll3A_10 = arith.constant 4095 : i32
    %roll3A_11 = tpu.dynamic_rotate %concatenate3A by %roll3A_10 dim 1 : vector<16x4096xf32>, i32 -> vector<16x4096xf32>
    %select_n3A = arith.select %ne3A_8, %roll3A_9, %roll3A_11 : vector<16x4096xi1>, vector<16x4096xf32>
    %roll3A_12 = arith.constant 1 : i32
    %roll3A_13 = tpu.dynamic_rotate %iota3A by %roll3A_12 dim 1 : vector<16x4096xi32>, i32 -> vector<16x4096xi32>
    %roll3A_14 = arith.constant 4095 : i32
    %roll3A_15 = tpu.dynamic_rotate %iota3A by %roll3A_14 dim 1 : vector<16x4096xi32>, i32 -> vector<16x4096xi32>
    %select_n3A_16 = arith.select %ne3A_8, %roll3A_13, %roll3A_15 : vector<16x4096xi1>, vector<16x4096xi32>
    %gt3A = arith.cmpf ogt, %concatenate3A, %select_n3A : vector<16x4096xf32>
    %eq3A = arith.cmpf oeq, %concatenate3A, %select_n3A : vector<16x4096xf32>
    %lt3A = arith.cmpi slt, %iota3A, %select_n3A_16 : vector<16x4096xi32>
    %and3A_17 = arith.andi %eq3A, %lt3A : vector<16x4096xi1>
    %or3A = arith.ori %gt3A, %and3A_17 : vector<16x4096xi1>
    %not3A = arith.constant dense<true> : vector<16x4096xi1>
    %not3A_18 = arith.xori %ne3A_8, %not3A : vector<16x4096xi1>
    %and3A_19 = arith.constant 2 : i32
    %and3A_20 = vector.broadcast %and3A_19 : i32 to vector<16x4096xi32>
    %and3A_21 = arith.andi %iota3A_4, %and3A_20 : vector<16x4096xi32>
    %eq3A_22 = arith.constant 0 : i32
    %eq3A_23 = vector.broadcast %eq3A_22 : i32 to vector<16x4096xi32>
    %eq3A_24 = arith.cmpi eq, %and3A_21, %eq3A_23 : vector<16x4096xi32>
    %eq3A_25 = arith.xori %not3A_18, %or3A : vector<16x4096xi1>
    %eq3A_26 = arith.constant dense<true> : vector<16x4096xi1>
    %eq3A_27 = arith.xori %eq3A_25, %eq3A_26 : vector<16x4096xi1>
    %eq3A_28 = arith.xori %eq3A_24, %eq3A_27 : vector<16x4096xi1>
    %eq3A_29 = arith.constant dense<true> : vector<16x4096xi1>
    %eq3A_30 = arith.xori %eq3A_28, %eq3A_29 : vector<16x4096xi1>
    %select_n3A_31 = arith.select %eq3A_30, %concatenate3A, %select_n3A : vector<16x4096xi1>, vector<16x4096xf32>
    %select_n3A_32 = arith.select %eq3A_30, %iota3A, %select_n3A_16 : vector<16x4096xi1>, vector<16x4096xi32>
    %and3A_33 = arith.constant 2 : i32
    %and3A_34 = vector.broadcast %and3A_33 : i32 to vector<16x4096xi32>
    %and3A_35 = arith.andi %iota3A_4, %and3A_34 : vector<16x4096xi32>
    %ne3A_36 = arith.constant 0 : i32
    %ne3A_37 = vector.broadcast %ne3A_36 : i32 to vector<16x4096xi32>
    %ne3A_38 = arith.cmpi ne, %and3A_35, %ne3A_37 : vector<16x4096xi32>
    %roll3A_39 = arith.constant 2 : i32
    %roll3A_40 = tpu.dynamic_rotate %select_n3A_31 by %roll3A_39 dim 1 : vector<16x4096xf32>, i32 -> vector<16x4096xf32>
    %roll3A_41 = arith.constant 4094 : i32
    %roll3A_42 = tpu.dynamic_rotate %select_n3A_31 by %roll3A_41 dim 1 : vector<16x4096xf32>, i32 -> vector<16x4096xf32>
    %select_n3A_43 = arith.select %ne3A_38, %roll3A_40, %roll3A_42 : vector<16x4096xi1>, vector<16x4096xf32>
    %roll3A_44 = arith.constant 2 : i32
    %roll3A_45 = tpu.dynamic_rotate %select_n3A_32 by %roll3A_44 dim 1 : vector<16x4096xi32>, i32 -> vector<16x4096xi32>
    %roll3A_46 = arith.constant 4094 : i32
    %roll3A_47 = tpu.dynamic_rotate %select_n3A_32 by %roll3A_46 dim 1 : vector<16x4096xi32>, i32 -> vector<16x4096xi32>
    %select_n3A_48 = arith.select %ne3A_38, %roll3A_45, %roll3A_47 : vector<16x4096xi1>, vector<16x4096xi32>
    %gt3A_49 = arith.cmpf ogt, %select_n3A_31, %select_n3A_43 : vector<16x4096xf32>
    %eq3A_50 = arith.cmpf oeq, %select_n3A_31, %select_n3A_43 : vector<16x4096xf32>
    %lt3A_51 = arith.cmpi slt, %select_n3A_32, %select_n3A_48 : vector<16x4096xi32>
    %and3A_52 = arith.andi %eq3A_50, %lt3A_51 : vector<16x4096xi1>
    %or3A_53 = arith.ori %gt3A_49, %and3A_52 : vector<16x4096xi1>
    %not3A_54 = arith.constant dense<true> : vector<16x4096xi1>
    %not3A_55 = arith.xori %ne3A_38, %not3A_54 : vector<16x4096xi1>
    %and3A_56 = arith.constant 4 : i32
    %and3A_57 = vector.broadcast %and3A_56 : i32 to vector<16x4096xi32>
    %and3A_58 = arith.andi %iota3A_4, %and3A_57 : vector<16x4096xi32>
    %eq3A_59 = arith.constant 0 : i32
    %eq3A_60 = vector.broadcast %eq3A_59 : i32 to vector<16x4096xi32>
    %eq3A_61 = arith.cmpi eq, %and3A_58, %eq3A_60 : vector<16x4096xi32>
    %eq3A_62 = arith.xori %not3A_55, %or3A_53 : vector<16x4096xi1>
    %eq3A_63 = arith.constant dense<true> : vector<16x4096xi1>
    %eq3A_64 = arith.xori %eq3A_62, %eq3A_63 : vector<16x4096xi1>
    %eq3A_65 = arith.xori %eq3A_61, %eq3A_64 : vector<16x4096xi1>
    %eq3A_66 = arith.constant dense<true> : vector<16x4096xi1>
    %eq3A_67 = arith.xori %eq3A_65, %eq3A_66 : vector<16x4096xi1>
    %select_n3A_68 = arith.select %eq3A_67, %select_n3A_31, %select_n3A_43 : vector<16x4096xi1>, vector<16x4096xf32>
    %select_n3A_69 = arith.select %eq3A_67, %select_n3A_32, %select_n3A_48 : vector<16x4096xi1>, vector<16x4096xi32>
    %and3A_70 = arith.constant 1 : i32
    %and3A_71 = vector.broadcast %and3A_70 : i32 to vector<16x4096xi32>
    %and3A_72 = arith.andi %iota3A_4, %and3A_71 : vector<16x4096xi32>
    %ne3A_73 = arith.constant 0 : i32
    %ne3A_74 = vector.broadcast %ne3A_73 : i32 to vector<16x4096xi32>
    %ne3A_75 = arith.cmpi ne, %and3A_72, %ne3A_74 : vector<16x4096xi32>
    %roll3A_76 = arith.constant 1 : i32
    %roll3A_77 = tpu.dynamic_rotate %select_n3A_68 by %roll3A_76 dim 1 : vector<16x4096xf32>, i32 -> vector<16x4096xf32>
    %roll3A_78 = arith.constant 4095 : i32
    %roll3A_79 = tpu.dynamic_rotate %select_n3A_68 by %roll3A_78 dim 1 : vector<16x4096xf32>, i32 -> vector<16x4096xf32>
    %select_n3A_80 = arith.select %ne3A_75, %roll3A_77, %roll3A_79 : vector<16x4096xi1>, vector<16x4096xf32>
    %roll3A_81 = arith.constant 1 : i32
    %roll3A_82 = tpu.dynamic_rotate %select_n3A_69 by %roll3A_81 dim 1 : vector<16x4096xi32>, i32 -> vector<16x4096xi32>
    %roll3A_83 = arith.constant 4095 : i32
    %roll3A_84 = tpu.dynamic_rotate %select_n3A_69 by %roll3A_83 dim 1 : vector<16x4096xi32>, i32 -> vector<16x4096xi32>
    %select_n3A_85 = arith.select %ne3A_75, %roll3A_82, %roll3A_84 : vector<16x4096xi1>, vector<16x4096xi32>
    %gt3A_86 = arith.cmpf ogt, %select_n3A_68, %select_n3A_80 : vector<16x4096xf32>
    %eq3A_87 = arith.cmpf oeq, %select_n3A_68, %select_n3A_80 : vector<16x4096xf32>
    %lt3A_88 = arith.cmpi slt, %select_n3A_69, %select_n3A_85 : vector<16x4096xi32>
    %and3A_89 = arith.andi %eq3A_87, %lt3A_88 : vector<16x4096xi1>
    %or3A_90 = arith.ori %gt3A_86, %and3A_89 : vector<16x4096xi1>
    %not3A_91 = arith.constant dense<true> : vector<16x4096xi1>
    %not3A_92 = arith.xori %ne3A_75, %not3A_91 : vector<16x4096xi1>
    %and3A_93 = arith.constant 4 : i32
    %and3A_94 = vector.broadcast %and3A_93 : i32 to vector<16x4096xi32>
    %and3A_95 = arith.andi %iota3A_4, %and3A_94 : vector<16x4096xi32>
    %eq3A_96 = arith.constant 0 : i32
    %eq3A_97 = vector.broadcast %eq3A_96 : i32 to vector<16x4096xi32>
    %eq3A_98 = arith.cmpi eq, %and3A_95, %eq3A_97 : vector<16x4096xi32>
    %eq3A_99 = arith.xori %not3A_92, %or3A_90 : vector<16x4096xi1>
    %eq3A_100 = arith.constant dense<true> : vector<16x4096xi1>
    %eq3A_101 = arith.xori %eq3A_99, %eq3A_100 : vector<16x4096xi1>
    %eq3A_102 = arith.xori %eq3A_98, %eq3A_101 : vector<16x4096xi1>
    %eq3A_103 = arith.constant dense<true> : vector<16x4096xi1>
    %eq3A_104 = arith.xori %eq3A_102, %eq3A_103 : vector<16x4096xi1>
    %select_n3A_105 = arith.select %eq3A_104, %select_n3A_68, %select_n3A_80 : vector<16x4096xi1>, vector<16x4096xf32>
    %select_n3A_106 = arith.select %eq3A_104, %select_n3A_69, %select_n3A_85 : vector<16x4096xi1>, vector<16x4096xi32>
    %and3A_107 = arith.constant 4 : i32
    %and3A_108 = vector.broadcast %and3A_107 : i32 to vector<16x4096xi32>
    %and3A_109 = arith.andi %iota3A_4, %and3A_108 : vector<16x4096xi32>
    %ne3A_110 = arith.constant 0 : i32
    %ne3A_111 = vector.broadcast %ne3A_110 : i32 to vector<16x4096xi32>
    %ne3A_112 = arith.cmpi ne, %and3A_109, %ne3A_111 : vector<16x4096xi32>
    %roll3A_113 = arith.constant 4 : i32
    %roll3A_114 = tpu.dynamic_rotate %select_n3A_105 by %roll3A_113 dim 1 : vector<16x4096xf32>, i32 -> vector<16x4096xf32>
    %roll3A_115 = arith.constant 4092 : i32
    %roll3A_116 = tpu.dynamic_rotate %select_n3A_105 by %roll3A_115 dim 1 : vector<16x4096xf32>, i32 -> vector<16x4096xf32>
    %select_n3A_117 = arith.select %ne3A_112, %roll3A_114, %roll3A_116 : vector<16x4096xi1>, vector<16x4096xf32>
    %roll3A_118 = arith.constant 4 : i32
    %roll3A_119 = tpu.dynamic_rotate %select_n3A_106 by %roll3A_118 dim 1 : vector<16x4096xi32>, i32 -> vector<16x4096xi32>
    %roll3A_120 = arith.constant 4092 : i32
    %roll3A_121 = tpu.dynamic_rotate %select_n3A_106 by %roll3A_120 dim 1 : vector<16x4096xi32>, i32 -> vector<16x4096xi32>
    %select_n3A_122 = arith.select %ne3A_112, %roll3A_119, %roll3A_121 : vector<16x4096xi1>, vector<16x4096xi32>
    %gt3A_123 = arith.cmpf ogt, %select_n3A_105, %select_n3A_117 : vector<16x4096xf32>
    %eq3A_124 = arith.cmpf oeq, %select_n3A_105, %select_n3A_117 : vector<16x4096xf32>
    %lt3A_125 = arith.cmpi slt, %select_n3A_106, %select_n3A_122 : vector<16x4096xi32>
    %and3A_126 = arith.andi %eq3A_124, %lt3A_125 : vector<16x4096xi1>
    %or3A_127 = arith.ori %gt3A_123, %and3A_126 : vector<16x4096xi1>
    %not3A_128 = arith.constant dense<true> : vector<16x4096xi1>
    %not3A_129 = arith.xori %ne3A_112, %not3A_128 : vector<16x4096xi1>
    %and3A_130 = arith.constant 8 : i32
    %and3A_131 = vector.broadcast %and3A_130 : i32 to vector<16x4096xi32>
    %and3A_132 = arith.andi %iota3A_4, %and3A_131 : vector<16x4096xi32>
    %eq3A_133 = arith.constant 0 : i32
    %eq3A_134 = vector.broadcast %eq3A_133 : i32 to vector<16x4096xi32>
    %eq3A_135 = arith.cmpi eq, %and3A_132, %eq3A_134 : vector<16x4096xi32>
    %eq3A_136 = arith.xori %not3A_129, %or3A_127 : vector<16x4096xi1>
    %eq3A_137 = arith.constant dense<true> : vector<16x4096xi1>
    %eq3A_138 = arith.xori %eq3A_136, %eq3A_137 : vector<16x4096xi1>
    %eq3A_139 = arith.xori %eq3A_135, %eq3A_138 : vector<16x4096xi1>
    %eq3A_140 = arith.constant dense<true> : vector<16x4096xi1>
    %eq3A_141 = arith.xori %eq3A_139, %eq3A_140 : vector<16x4096xi1>
    %select_n3A_142 = arith.select %eq3A_141, %select_n3A_105, %select_n3A_117 : vector<16x4096xi1>, vector<16x4096xf32>
    %select_n3A_143 = arith.select %eq3A_141, %select_n3A_106, %select_n3A_122 : vector<16x4096xi1>, vector<16x4096xi32>
    %and3A_144 = arith.constant 2 : i32
    %and3A_145 = vector.broadcast %and3A_144 : i32 to vector<16x4096xi32>
    %and3A_146 = arith.andi %iota3A_4, %and3A_145 : vector<16x4096xi32>
    %ne3A_147 = arith.constant 0 : i32
    %ne3A_148 = vector.broadcast %ne3A_147 : i32 to vector<16x4096xi32>
    %ne3A_149 = arith.cmpi ne, %and3A_146, %ne3A_148 : vector<16x4096xi32>
    %roll3A_150 = arith.constant 2 : i32
    %roll3A_151 = tpu.dynamic_rotate %select_n3A_142 by %roll3A_150 dim 1 : vector<16x4096xf32>, i32 -> vector<16x4096xf32>
    %roll3A_152 = arith.constant 4094 : i32
    %roll3A_153 = tpu.dynamic_rotate %select_n3A_142 by %roll3A_152 dim 1 : vector<16x4096xf32>, i32 -> vector<16x4096xf32>
    %select_n3A_154 = arith.select %ne3A_149, %roll3A_151, %roll3A_153 : vector<16x4096xi1>, vector<16x4096xf32>
    %roll3A_155 = arith.constant 2 : i32
    %roll3A_156 = tpu.dynamic_rotate %select_n3A_143 by %roll3A_155 dim 1 : vector<16x4096xi32>, i32 -> vector<16x4096xi32>
    %roll3A_157 = arith.constant 4094 : i32
    %roll3A_158 = tpu.dynamic_rotate %select_n3A_143 by %roll3A_157 dim 1 : vector<16x4096xi32>, i32 -> vector<16x4096xi32>
    %select_n3A_159 = arith.select %ne3A_149, %roll3A_156, %roll3A_158 : vector<16x4096xi1>, vector<16x4096xi32>
    %gt3A_160 = arith.cmpf ogt, %select_n3A_142, %select_n3A_154 : vector<16x4096xf32>
    %eq3A_161 = arith.cmpf oeq, %select_n3A_142, %select_n3A_154 : vector<16x4096xf32>
    %lt3A_162 = arith.cmpi slt, %select_n3A_143, %select_n3A_159 : vector<16x4096xi32>
    %and3A_163 = arith.andi %eq3A_161, %lt3A_162 : vector<16x4096xi1>
    %or3A_164 = arith.ori %gt3A_160, %and3A_163 : vector<16x4096xi1>
    %not3A_165 = arith.constant dense<true> : vector<16x4096xi1>
    %not3A_166 = arith.xori %ne3A_149, %not3A_165 : vector<16x4096xi1>
    %and3A_167 = arith.constant 8 : i32
    %and3A_168 = vector.broadcast %and3A_167 : i32 to vector<16x4096xi32>
    %and3A_169 = arith.andi %iota3A_4, %and3A_168 : vector<16x4096xi32>
    %eq3A_170 = arith.constant 0 : i32
    %eq3A_171 = vector.broadcast %eq3A_170 : i32 to vector<16x4096xi32>
    %eq3A_172 = arith.cmpi eq, %and3A_169, %eq3A_171 : vector<16x4096xi32>
    %eq3A_173 = arith.xori %not3A_166, %or3A_164 : vector<16x4096xi1>
    %eq3A_174 = arith.constant dense<true> : vector<16x4096xi1>
    %eq3A_175 = arith.xori %eq3A_173, %eq3A_174 : vector<16x4096xi1>
    %eq3A_176 = arith.xori %eq3A_172, %eq3A_175 : vector<16x4096xi1>
    %eq3A_177 = arith.constant dense<true> : vector<16x4096xi1>
    %eq3A_178 = arith.xori %eq3A_176, %eq3A_177 : vector<16x4096xi1>
    %select_n3A_179 = arith.select %eq3A_178, %select_n3A_142, %select_n3A_154 : vector<16x4096xi1>, vector<16x4096xf32>
    %select_n3A_180 = arith.select %eq3A_178, %select_n3A_143, %select_n3A_159 : vector<16x4096xi1>, vector<16x4096xi32>
    %and3A_181 = arith.constant 1 : i32
    %and3A_182 = vector.broadcast %and3A_181 : i32 to vector<16x4096xi32>
    %and3A_183 = arith.andi %iota3A_4, %and3A_182 : vector<16x4096xi32>
    %ne3A_184 = arith.constant 0 : i32
    %ne3A_185 = vector.broadcast %ne3A_184 : i32 to vector<16x4096xi32>
    %ne3A_186 = arith.cmpi ne, %and3A_183, %ne3A_185 : vector<16x4096xi32>
    %roll3A_187 = arith.constant 1 : i32
    %roll3A_188 = tpu.dynamic_rotate %select_n3A_179 by %roll3A_187 dim 1 : vector<16x4096xf32>, i32 -> vector<16x4096xf32>
    %roll3A_189 = arith.constant 4095 : i32
    %roll3A_190 = tpu.dynamic_rotate %select_n3A_179 by %roll3A_189 dim 1 : vector<16x4096xf32>, i32 -> vector<16x4096xf32>
    %select_n3A_191 = arith.select %ne3A_186, %roll3A_188, %roll3A_190 : vector<16x4096xi1>, vector<16x4096xf32>
    %roll3A_192 = arith.constant 1 : i32
    %roll3A_193 = tpu.dynamic_rotate %select_n3A_180 by %roll3A_192 dim 1 : vector<16x4096xi32>, i32 -> vector<16x4096xi32>
    %roll3A_194 = arith.constant 4095 : i32
    %roll3A_195 = tpu.dynamic_rotate %select_n3A_180 by %roll3A_194 dim 1 : vector<16x4096xi32>, i32 -> vector<16x4096xi32>
    %select_n3A_196 = arith.select %ne3A_186, %roll3A_193, %roll3A_195 : vector<16x4096xi1>, vector<16x4096xi32>
    %gt3A_197 = arith.cmpf ogt, %select_n3A_179, %select_n3A_191 : vector<16x4096xf32>
    %eq3A_198 = arith.cmpf oeq, %select_n3A_179, %select_n3A_191 : vector<16x4096xf32>
    %lt3A_199 = arith.cmpi slt, %select_n3A_180, %select_n3A_196 : vector<16x4096xi32>
    %and3A_200 = arith.andi %eq3A_198, %lt3A_199 : vector<16x4096xi1>
    %or3A_201 = arith.ori %gt3A_197, %and3A_200 : vector<16x4096xi1>
    %not3A_202 = arith.constant dense<true> : vector<16x4096xi1>
    %not3A_203 = arith.xori %ne3A_186, %not3A_202 : vector<16x4096xi1>
    %and3A_204 = arith.constant 8 : i32
    %and3A_205 = vector.broadcast %and3A_204 : i32 to vector<16x4096xi32>
    %and3A_206 = arith.andi %iota3A_4, %and3A_205 : vector<16x4096xi32>
    %eq3A_207 = arith.constant 0 : i32
    %eq3A_208 = vector.broadcast %eq3A_207 : i32 to vector<16x4096xi32>
    %eq3A_209 = arith.cmpi eq, %and3A_206, %eq3A_208 : vector<16x4096xi32>
    %eq3A_210 = arith.xori %not3A_203, %or3A_201 : vector<16x4096xi1>
    %eq3A_211 = arith.constant dense<true> : vector<16x4096xi1>
    %eq3A_212 = arith.xori %eq3A_210, %eq3A_211 : vector<16x4096xi1>
    %eq3A_213 = arith.xori %eq3A_209, %eq3A_212 : vector<16x4096xi1>
    %eq3A_214 = arith.constant dense<true> : vector<16x4096xi1>
    %eq3A_215 = arith.xori %eq3A_213, %eq3A_214 : vector<16x4096xi1>
    %select_n3A_216 = arith.select %eq3A_215, %select_n3A_179, %select_n3A_191 : vector<16x4096xi1>, vector<16x4096xf32>
    %select_n3A_217 = arith.select %eq3A_215, %select_n3A_180, %select_n3A_196 : vector<16x4096xi1>, vector<16x4096xi32>
    %and3A_218 = arith.constant 8 : i32
    %and3A_219 = vector.broadcast %and3A_218 : i32 to vector<16x4096xi32>
    %and3A_220 = arith.andi %iota3A_4, %and3A_219 : vector<16x4096xi32>
    %ne3A_221 = arith.constant 0 : i32
    %ne3A_222 = vector.broadcast %ne3A_221 : i32 to vector<16x4096xi32>
    %ne3A_223 = arith.cmpi ne, %and3A_220, %ne3A_222 : vector<16x4096xi32>
    %roll3A_224 = arith.constant 8 : i32
    %roll3A_225 = tpu.dynamic_rotate %select_n3A_216 by %roll3A_224 dim 1 : vector<16x4096xf32>, i32 -> vector<16x4096xf32>
    %roll3A_226 = arith.constant 4088 : i32
    %roll3A_227 = tpu.dynamic_rotate %select_n3A_216 by %roll3A_226 dim 1 : vector<16x4096xf32>, i32 -> vector<16x4096xf32>
    %select_n3A_228 = arith.select %ne3A_223, %roll3A_225, %roll3A_227 : vector<16x4096xi1>, vector<16x4096xf32>
    %roll3A_229 = arith.constant 8 : i32
    %roll3A_230 = tpu.dynamic_rotate %select_n3A_217 by %roll3A_229 dim 1 : vector<16x4096xi32>, i32 -> vector<16x4096xi32>
    %roll3A_231 = arith.constant 4088 : i32
    %roll3A_232 = tpu.dynamic_rotate %select_n3A_217 by %roll3A_231 dim 1 : vector<16x4096xi32>, i32 -> vector<16x4096xi32>
    %select_n3A_233 = arith.select %ne3A_223, %roll3A_230, %roll3A_232 : vector<16x4096xi1>, vector<16x4096xi32>
    %gt3A_234 = arith.cmpf ogt, %select_n3A_216, %select_n3A_228 : vector<16x4096xf32>
    %eq3A_235 = arith.cmpf oeq, %select_n3A_216, %select_n3A_228 : vector<16x4096xf32>
    %lt3A_236 = arith.cmpi slt, %select_n3A_217, %select_n3A_233 : vector<16x4096xi32>
    %and3A_237 = arith.andi %eq3A_235, %lt3A_236 : vector<16x4096xi1>
    %or3A_238 = arith.ori %gt3A_234, %and3A_237 : vector<16x4096xi1>
    %not3A_239 = arith.constant dense<true> : vector<16x4096xi1>
    %not3A_240 = arith.xori %ne3A_223, %not3A_239 : vector<16x4096xi1>
    %and3A_241 = arith.constant 16 : i32
    %and3A_242 = vector.broadcast %and3A_241 : i32 to vector<16x4096xi32>
    %and3A_243 = arith.andi %iota3A_4, %and3A_242 : vector<16x4096xi32>
    %eq3A_244 = arith.constant 0 : i32
    %eq3A_245 = vector.broadcast %eq3A_244 : i32 to vector<16x4096xi32>
    %eq3A_246 = arith.cmpi eq, %and3A_243, %eq3A_245 : vector<16x4096xi32>
    %eq3A_247 = arith.xori %not3A_240, %or3A_238 : vector<16x4096xi1>
    %eq3A_248 = arith.constant dense<true> : vector<16x4096xi1>
    %eq3A_249 = arith.xori %eq3A_247, %eq3A_248 : vector<16x4096xi1>
    %eq3A_250 = arith.xori %eq3A_246, %eq3A_249 : vector<16x4096xi1>
    %eq3A_251 = arith.constant dense<true> : vector<16x4096xi1>
    %eq3A_252 = arith.xori %eq3A_250, %eq3A_251 : vector<16x4096xi1>
    %select_n3A_253 = arith.select %eq3A_252, %select_n3A_216, %select_n3A_228 : vector<16x4096xi1>, vector<16x4096xf32>
    %select_n3A_254 = arith.select %eq3A_252, %select_n3A_217, %select_n3A_233 : vector<16x4096xi1>, vector<16x4096xi32>
    %and3A_255 = arith.constant 4 : i32
    %and3A_256 = vector.broadcast %and3A_255 : i32 to vector<16x4096xi32>
    %and3A_257 = arith.andi %iota3A_4, %and3A_256 : vector<16x4096xi32>
    %ne3A_258 = arith.constant 0 : i32
    %ne3A_259 = vector.broadcast %ne3A_258 : i32 to vector<16x4096xi32>
    %ne3A_260 = arith.cmpi ne, %and3A_257, %ne3A_259 : vector<16x4096xi32>
    %roll3A_261 = arith.constant 4 : i32
    %roll3A_262 = tpu.dynamic_rotate %select_n3A_253 by %roll3A_261 dim 1 : vector<16x4096xf32>, i32 -> vector<16x4096xf32>
    %roll3A_263 = arith.constant 4092 : i32
    %roll3A_264 = tpu.dynamic_rotate %select_n3A_253 by %roll3A_263 dim 1 : vector<16x4096xf32>, i32 -> vector<16x4096xf32>
    %select_n3A_265 = arith.select %ne3A_260, %roll3A_262, %roll3A_264 : vector<16x4096xi1>, vector<16x4096xf32>
    %roll3A_266 = arith.constant 4 : i32
    %roll3A_267 = tpu.dynamic_rotate %select_n3A_254 by %roll3A_266 dim 1 : vector<16x4096xi32>, i32 -> vector<16x4096xi32>
    %roll3A_268 = arith.constant 4092 : i32
    %roll3A_269 = tpu.dynamic_rotate %select_n3A_254 by %roll3A_268 dim 1 : vector<16x4096xi32>, i32 -> vector<16x4096xi32>
    %select_n3A_270 = arith.select %ne3A_260, %roll3A_267, %roll3A_269 : vector<16x4096xi1>, vector<16x4096xi32>
    %gt3A_271 = arith.cmpf ogt, %select_n3A_253, %select_n3A_265 : vector<16x4096xf32>
    %eq3A_272 = arith.cmpf oeq, %select_n3A_253, %select_n3A_265 : vector<16x4096xf32>
    %lt3A_273 = arith.cmpi slt, %select_n3A_254, %select_n3A_270 : vector<16x4096xi32>
    %and3A_274 = arith.andi %eq3A_272, %lt3A_273 : vector<16x4096xi1>
    %or3A_275 = arith.ori %gt3A_271, %and3A_274 : vector<16x4096xi1>
    %not3A_276 = arith.constant dense<true> : vector<16x4096xi1>
    %not3A_277 = arith.xori %ne3A_260, %not3A_276 : vector<16x4096xi1>
    %and3A_278 = arith.constant 16 : i32
    %and3A_279 = vector.broadcast %and3A_278 : i32 to vector<16x4096xi32>
    %and3A_280 = arith.andi %iota3A_4, %and3A_279 : vector<16x4096xi32>
    %eq3A_281 = arith.constant 0 : i32
    %eq3A_282 = vector.broadcast %eq3A_281 : i32 to vector<16x4096xi32>
    %eq3A_283 = arith.cmpi eq, %and3A_280, %eq3A_282 : vector<16x4096xi32>
    %eq3A_284 = arith.xori %not3A_277, %or3A_275 : vector<16x4096xi1>
    %eq3A_285 = arith.constant dense<true> : vector<16x4096xi1>
    %eq3A_286 = arith.xori %eq3A_284, %eq3A_285 : vector<16x4096xi1>
    %eq3A_287 = arith.xori %eq3A_283, %eq3A_286 : vector<16x4096xi1>
    %eq3A_288 = arith.constant dense<true> : vector<16x4096xi1>
    %eq3A_289 = arith.xori %eq3A_287, %eq3A_288 : vector<16x4096xi1>
    %select_n3A_290 = arith.select %eq3A_289, %select_n3A_253, %select_n3A_265 : vector<16x4096xi1>, vector<16x4096xf32>
    %select_n3A_291 = arith.select %eq3A_289, %select_n3A_254, %select_n3A_270 : vector<16x4096xi1>, vector<16x4096xi32>
    %and3A_292 = arith.constant 2 : i32
    %and3A_293 = vector.broadcast %and3A_292 : i32 to vector<16x4096xi32>
    %and3A_294 = arith.andi %iota3A_4, %and3A_293 : vector<16x4096xi32>
    %ne3A_295 = arith.constant 0 : i32
    %ne3A_296 = vector.broadcast %ne3A_295 : i32 to vector<16x4096xi32>
    %ne3A_297 = arith.cmpi ne, %and3A_294, %ne3A_296 : vector<16x4096xi32>
    %roll3A_298 = arith.constant 2 : i32
    %roll3A_299 = tpu.dynamic_rotate %select_n3A_290 by %roll3A_298 dim 1 : vector<16x4096xf32>, i32 -> vector<16x4096xf32>
    %roll3A_300 = arith.constant 4094 : i32
    %roll3A_301 = tpu.dynamic_rotate %select_n3A_290 by %roll3A_300 dim 1 : vector<16x4096xf32>, i32 -> vector<16x4096xf32>
    %select_n3A_302 = arith.select %ne3A_297, %roll3A_299, %roll3A_301 : vector<16x4096xi1>, vector<16x4096xf32>
    %roll3A_303 = arith.constant 2 : i32
    %roll3A_304 = tpu.dynamic_rotate %select_n3A_291 by %roll3A_303 dim 1 : vector<16x4096xi32>, i32 -> vector<16x4096xi32>
    %roll3A_305 = arith.constant 4094 : i32
    %roll3A_306 = tpu.dynamic_rotate %select_n3A_291 by %roll3A_305 dim 1 : vector<16x4096xi32>, i32 -> vector<16x4096xi32>
    %select_n3A_307 = arith.select %ne3A_297, %roll3A_304, %roll3A_306 : vector<16x4096xi1>, vector<16x4096xi32>
    %gt3A_308 = arith.cmpf ogt, %select_n3A_290, %select_n3A_302 : vector<16x4096xf32>
    %eq3A_309 = arith.cmpf oeq, %select_n3A_290, %select_n3A_302 : vector<16x4096xf32>
    %lt3A_310 = arith.cmpi slt, %select_n3A_291, %select_n3A_307 : vector<16x4096xi32>
    %and3A_311 = arith.andi %eq3A_309, %lt3A_310 : vector<16x4096xi1>
    %or3A_312 = arith.ori %gt3A_308, %and3A_311 : vector<16x4096xi1>
    %not3A_313 = arith.constant dense<true> : vector<16x4096xi1>
    %not3A_314 = arith.xori %ne3A_297, %not3A_313 : vector<16x4096xi1>
    %and3A_315 = arith.constant 16 : i32
    %and3A_316 = vector.broadcast %and3A_315 : i32 to vector<16x4096xi32>
    %and3A_317 = arith.andi %iota3A_4, %and3A_316 : vector<16x4096xi32>
    %eq3A_318 = arith.constant 0 : i32
    %eq3A_319 = vector.broadcast %eq3A_318 : i32 to vector<16x4096xi32>
    %eq3A_320 = arith.cmpi eq, %and3A_317, %eq3A_319 : vector<16x4096xi32>
    %eq3A_321 = arith.xori %not3A_314, %or3A_312 : vector<16x4096xi1>
    %eq3A_322 = arith.constant dense<true> : vector<16x4096xi1>
    %eq3A_323 = arith.xori %eq3A_321, %eq3A_322 : vector<16x4096xi1>
    %eq3A_324 = arith.xori %eq3A_320, %eq3A_323 : vector<16x4096xi1>
    %eq3A_325 = arith.constant dense<true> : vector<16x4096xi1>
    %eq3A_326 = arith.xori %eq3A_324, %eq3A_325 : vector<16x4096xi1>
    %select_n3A_327 = arith.select %eq3A_326, %select_n3A_290, %select_n3A_302 : vector<16x4096xi1>, vector<16x4096xf32>
    %select_n3A_328 = arith.select %eq3A_326, %select_n3A_291, %select_n3A_307 : vector<16x4096xi1>, vector<16x4096xi32>
    %and3A_329 = arith.constant 1 : i32
    %and3A_330 = vector.broadcast %and3A_329 : i32 to vector<16x4096xi32>
    %and3A_331 = arith.andi %iota3A_4, %and3A_330 : vector<16x4096xi32>
    %ne3A_332 = arith.constant 0 : i32
    %ne3A_333 = vector.broadcast %ne3A_332 : i32 to vector<16x4096xi32>
    %ne3A_334 = arith.cmpi ne, %and3A_331, %ne3A_333 : vector<16x4096xi32>
    %roll3A_335 = arith.constant 1 : i32
    %roll3A_336 = tpu.dynamic_rotate %select_n3A_327 by %roll3A_335 dim 1 : vector<16x4096xf32>, i32 -> vector<16x4096xf32>
    %roll3A_337 = arith.constant 4095 : i32
    %roll3A_338 = tpu.dynamic_rotate %select_n3A_327 by %roll3A_337 dim 1 : vector<16x4096xf32>, i32 -> vector<16x4096xf32>
    %select_n3A_339 = arith.select %ne3A_334, %roll3A_336, %roll3A_338 : vector<16x4096xi1>, vector<16x4096xf32>
    %roll3A_340 = arith.constant 1 : i32
    %roll3A_341 = tpu.dynamic_rotate %select_n3A_328 by %roll3A_340 dim 1 : vector<16x4096xi32>, i32 -> vector<16x4096xi32>
    %roll3A_342 = arith.constant 4095 : i32
    %roll3A_343 = tpu.dynamic_rotate %select_n3A_328 by %roll3A_342 dim 1 : vector<16x4096xi32>, i32 -> vector<16x4096xi32>
    %select_n3A_344 = arith.select %ne3A_334, %roll3A_341, %roll3A_343 : vector<16x4096xi1>, vector<16x4096xi32>
    %gt3A_345 = arith.cmpf ogt, %select_n3A_327, %select_n3A_339 : vector<16x4096xf32>
    %eq3A_346 = arith.cmpf oeq, %select_n3A_327, %select_n3A_339 : vector<16x4096xf32>
    %lt3A_347 = arith.cmpi slt, %select_n3A_328, %select_n3A_344 : vector<16x4096xi32>
    %and3A_348 = arith.andi %eq3A_346, %lt3A_347 : vector<16x4096xi1>
    %or3A_349 = arith.ori %gt3A_345, %and3A_348 : vector<16x4096xi1>
    %not3A_350 = arith.constant dense<true> : vector<16x4096xi1>
    %not3A_351 = arith.xori %ne3A_334, %not3A_350 : vector<16x4096xi1>
    %and3A_352 = arith.constant 16 : i32
    %and3A_353 = vector.broadcast %and3A_352 : i32 to vector<16x4096xi32>
    %and3A_354 = arith.andi %iota3A_4, %and3A_353 : vector<16x4096xi32>
    %eq3A_355 = arith.constant 0 : i32
    %eq3A_356 = vector.broadcast %eq3A_355 : i32 to vector<16x4096xi32>
    %eq3A_357 = arith.cmpi eq, %and3A_354, %eq3A_356 : vector<16x4096xi32>
    %eq3A_358 = arith.xori %not3A_351, %or3A_349 : vector<16x4096xi1>
    %eq3A_359 = arith.constant dense<true> : vector<16x4096xi1>
    %eq3A_360 = arith.xori %eq3A_358, %eq3A_359 : vector<16x4096xi1>
    %eq3A_361 = arith.xori %eq3A_357, %eq3A_360 : vector<16x4096xi1>
    %eq3A_362 = arith.constant dense<true> : vector<16x4096xi1>
    %eq3A_363 = arith.xori %eq3A_361, %eq3A_362 : vector<16x4096xi1>
    %select_n3A_364 = arith.select %eq3A_363, %select_n3A_327, %select_n3A_339 : vector<16x4096xi1>, vector<16x4096xf32>
    %select_n3A_365 = arith.select %eq3A_363, %select_n3A_328, %select_n3A_344 : vector<16x4096xi1>, vector<16x4096xi32>
    %and3A_366 = arith.constant 16 : i32
    %and3A_367 = vector.broadcast %and3A_366 : i32 to vector<16x4096xi32>
    %and3A_368 = arith.andi %iota3A_4, %and3A_367 : vector<16x4096xi32>
    %ne3A_369 = arith.constant 0 : i32
    %ne3A_370 = vector.broadcast %ne3A_369 : i32 to vector<16x4096xi32>
    %ne3A_371 = arith.cmpi ne, %and3A_368, %ne3A_370 : vector<16x4096xi32>
    %roll3A_372 = arith.constant 16 : i32
    %roll3A_373 = tpu.dynamic_rotate %select_n3A_364 by %roll3A_372 dim 1 : vector<16x4096xf32>, i32 -> vector<16x4096xf32>
    %roll3A_374 = arith.constant 4080 : i32
    %roll3A_375 = tpu.dynamic_rotate %select_n3A_364 by %roll3A_374 dim 1 : vector<16x4096xf32>, i32 -> vector<16x4096xf32>
    %select_n3A_376 = arith.select %ne3A_371, %roll3A_373, %roll3A_375 : vector<16x4096xi1>, vector<16x4096xf32>
    %roll3A_377 = arith.constant 16 : i32
    %roll3A_378 = tpu.dynamic_rotate %select_n3A_365 by %roll3A_377 dim 1 : vector<16x4096xi32>, i32 -> vector<16x4096xi32>
    %roll3A_379 = arith.constant 4080 : i32
    %roll3A_380 = tpu.dynamic_rotate %select_n3A_365 by %roll3A_379 dim 1 : vector<16x4096xi32>, i32 -> vector<16x4096xi32>
    %select_n3A_381 = arith.select %ne3A_371, %roll3A_378, %roll3A_380 : vector<16x4096xi1>, vector<16x4096xi32>
    %gt3A_382 = arith.cmpf ogt, %select_n3A_364, %select_n3A_376 : vector<16x4096xf32>
    %eq3A_383 = arith.cmpf oeq, %select_n3A_364, %select_n3A_376 : vector<16x4096xf32>
    %lt3A_384 = arith.cmpi slt, %select_n3A_365, %select_n3A_381 : vector<16x4096xi32>
    %and3A_385 = arith.andi %eq3A_383, %lt3A_384 : vector<16x4096xi1>
    %or3A_386 = arith.ori %gt3A_382, %and3A_385 : vector<16x4096xi1>
    %not3A_387 = arith.constant dense<true> : vector<16x4096xi1>
    %not3A_388 = arith.xori %ne3A_371, %not3A_387 : vector<16x4096xi1>
    %and3A_389 = arith.constant 32 : i32
    %and3A_390 = vector.broadcast %and3A_389 : i32 to vector<16x4096xi32>
    %and3A_391 = arith.andi %iota3A_4, %and3A_390 : vector<16x4096xi32>
    %eq3A_392 = arith.constant 0 : i32
    %eq3A_393 = vector.broadcast %eq3A_392 : i32 to vector<16x4096xi32>
    %eq3A_394 = arith.cmpi eq, %and3A_391, %eq3A_393 : vector<16x4096xi32>
    %eq3A_395 = arith.xori %not3A_388, %or3A_386 : vector<16x4096xi1>
    %eq3A_396 = arith.constant dense<true> : vector<16x4096xi1>
    %eq3A_397 = arith.xori %eq3A_395, %eq3A_396 : vector<16x4096xi1>
    %eq3A_398 = arith.xori %eq3A_394, %eq3A_397 : vector<16x4096xi1>
    %eq3A_399 = arith.constant dense<true> : vector<16x4096xi1>
    %eq3A_400 = arith.xori %eq3A_398, %eq3A_399 : vector<16x4096xi1>
    %select_n3A_401 = arith.select %eq3A_400, %select_n3A_364, %select_n3A_376 : vector<16x4096xi1>, vector<16x4096xf32>
    %select_n3A_402 = arith.select %eq3A_400, %select_n3A_365, %select_n3A_381 : vector<16x4096xi1>, vector<16x4096xi32>
    %and3A_403 = arith.constant 8 : i32
    %and3A_404 = vector.broadcast %and3A_403 : i32 to vector<16x4096xi32>
    %and3A_405 = arith.andi %iota3A_4, %and3A_404 : vector<16x4096xi32>
    %ne3A_406 = arith.constant 0 : i32
    %ne3A_407 = vector.broadcast %ne3A_406 : i32 to vector<16x4096xi32>
    %ne3A_408 = arith.cmpi ne, %and3A_405, %ne3A_407 : vector<16x4096xi32>
    %roll3A_409 = arith.constant 8 : i32
    %roll3A_410 = tpu.dynamic_rotate %select_n3A_401 by %roll3A_409 dim 1 : vector<16x4096xf32>, i32 -> vector<16x4096xf32>
    %roll3A_411 = arith.constant 4088 : i32
    %roll3A_412 = tpu.dynamic_rotate %select_n3A_401 by %roll3A_411 dim 1 : vector<16x4096xf32>, i32 -> vector<16x4096xf32>
    %select_n3A_413 = arith.select %ne3A_408, %roll3A_410, %roll3A_412 : vector<16x4096xi1>, vector<16x4096xf32>
    %roll3A_414 = arith.constant 8 : i32
    %roll3A_415 = tpu.dynamic_rotate %select_n3A_402 by %roll3A_414 dim 1 : vector<16x4096xi32>, i32 -> vector<16x4096xi32>
    %roll3A_416 = arith.constant 4088 : i32
    %roll3A_417 = tpu.dynamic_rotate %select_n3A_402 by %roll3A_416 dim 1 : vector<16x4096xi32>, i32 -> vector<16x4096xi32>
    %select_n3A_418 = arith.select %ne3A_408, %roll3A_415, %roll3A_417 : vector<16x4096xi1>, vector<16x4096xi32>
    %gt3A_419 = arith.cmpf ogt, %select_n3A_401, %select_n3A_413 : vector<16x4096xf32>
    %eq3A_420 = arith.cmpf oeq, %select_n3A_401, %select_n3A_413 : vector<16x4096xf32>
    %lt3A_421 = arith.cmpi slt, %select_n3A_402, %select_n3A_418 : vector<16x4096xi32>
    %and3A_422 = arith.andi %eq3A_420, %lt3A_421 : vector<16x4096xi1>
    %or3A_423 = arith.ori %gt3A_419, %and3A_422 : vector<16x4096xi1>
    %not3A_424 = arith.constant dense<true> : vector<16x4096xi1>
    %not3A_425 = arith.xori %ne3A_408, %not3A_424 : vector<16x4096xi1>
    %and3A_426 = arith.constant 32 : i32
    %and3A_427 = vector.broadcast %and3A_426 : i32 to vector<16x4096xi32>
    %and3A_428 = arith.andi %iota3A_4, %and3A_427 : vector<16x4096xi32>
    %eq3A_429 = arith.constant 0 : i32
    %eq3A_430 = vector.broadcast %eq3A_429 : i32 to vector<16x4096xi32>
    %eq3A_431 = arith.cmpi eq, %and3A_428, %eq3A_430 : vector<16x4096xi32>
    %eq3A_432 = arith.xori %not3A_425, %or3A_423 : vector<16x4096xi1>
    %eq3A_433 = arith.constant dense<true> : vector<16x4096xi1>
    %eq3A_434 = arith.xori %eq3A_432, %eq3A_433 : vector<16x4096xi1>
    %eq3A_435 = arith.xori %eq3A_431, %eq3A_434 : vector<16x4096xi1>
    %eq3A_436 = arith.constant dense<true> : vector<16x4096xi1>
    %eq3A_437 = arith.xori %eq3A_435, %eq3A_436 : vector<16x4096xi1>
    %select_n3A_438 = arith.select %eq3A_437, %select_n3A_401, %select_n3A_413 : vector<16x4096xi1>, vector<16x4096xf32>
    %select_n3A_439 = arith.select %eq3A_437, %select_n3A_402, %select_n3A_418 : vector<16x4096xi1>, vector<16x4096xi32>
    %and3A_440 = arith.constant 4 : i32
    %and3A_441 = vector.broadcast %and3A_440 : i32 to vector<16x4096xi32>
    %and3A_442 = arith.andi %iota3A_4, %and3A_441 : vector<16x4096xi32>
    %ne3A_443 = arith.constant 0 : i32
    %ne3A_444 = vector.broadcast %ne3A_443 : i32 to vector<16x4096xi32>
    %ne3A_445 = arith.cmpi ne, %and3A_442, %ne3A_444 : vector<16x4096xi32>
    %roll3A_446 = arith.constant 4 : i32
    %roll3A_447 = tpu.dynamic_rotate %select_n3A_438 by %roll3A_446 dim 1 : vector<16x4096xf32>, i32 -> vector<16x4096xf32>
    %roll3A_448 = arith.constant 4092 : i32
    %roll3A_449 = tpu.dynamic_rotate %select_n3A_438 by %roll3A_448 dim 1 : vector<16x4096xf32>, i32 -> vector<16x4096xf32>
    %select_n3A_450 = arith.select %ne3A_445, %roll3A_447, %roll3A_449 : vector<16x4096xi1>, vector<16x4096xf32>
    %roll3A_451 = arith.constant 4 : i32
    %roll3A_452 = tpu.dynamic_rotate %select_n3A_439 by %roll3A_451 dim 1 : vector<16x4096xi32>, i32 -> vector<16x4096xi32>
    %roll3A_453 = arith.constant 4092 : i32
    %roll3A_454 = tpu.dynamic_rotate %select_n3A_439 by %roll3A_453 dim 1 : vector<16x4096xi32>, i32 -> vector<16x4096xi32>
    %select_n3A_455 = arith.select %ne3A_445, %roll3A_452, %roll3A_454 : vector<16x4096xi1>, vector<16x4096xi32>
    %gt3A_456 = arith.cmpf ogt, %select_n3A_438, %select_n3A_450 : vector<16x4096xf32>
    %eq3A_457 = arith.cmpf oeq, %select_n3A_438, %select_n3A_450 : vector<16x4096xf32>
    %lt3A_458 = arith.cmpi slt, %select_n3A_439, %select_n3A_455 : vector<16x4096xi32>
    %and3A_459 = arith.andi %eq3A_457, %lt3A_458 : vector<16x4096xi1>
    %or3A_460 = arith.ori %gt3A_456, %and3A_459 : vector<16x4096xi1>
    %not3A_461 = arith.constant dense<true> : vector<16x4096xi1>
    %not3A_462 = arith.xori %ne3A_445, %not3A_461 : vector<16x4096xi1>
    %and3A_463 = arith.constant 32 : i32
    %and3A_464 = vector.broadcast %and3A_463 : i32 to vector<16x4096xi32>
    %and3A_465 = arith.andi %iota3A_4, %and3A_464 : vector<16x4096xi32>
    %eq3A_466 = arith.constant 0 : i32
    %eq3A_467 = vector.broadcast %eq3A_466 : i32 to vector<16x4096xi32>
    %eq3A_468 = arith.cmpi eq, %and3A_465, %eq3A_467 : vector<16x4096xi32>
    %eq3A_469 = arith.xori %not3A_462, %or3A_460 : vector<16x4096xi1>
    %eq3A_470 = arith.constant dense<true> : vector<16x4096xi1>
    %eq3A_471 = arith.xori %eq3A_469, %eq3A_470 : vector<16x4096xi1>
    %eq3A_472 = arith.xori %eq3A_468, %eq3A_471 : vector<16x4096xi1>
    %eq3A_473 = arith.constant dense<true> : vector<16x4096xi1>
    %eq3A_474 = arith.xori %eq3A_472, %eq3A_473 : vector<16x4096xi1>
    %select_n3A_475 = arith.select %eq3A_474, %select_n3A_438, %select_n3A_450 : vector<16x4096xi1>, vector<16x4096xf32>
    %select_n3A_476 = arith.select %eq3A_474, %select_n3A_439, %select_n3A_455 : vector<16x4096xi1>, vector<16x4096xi32>
    %and3A_477 = arith.constant 2 : i32
    %and3A_478 = vector.broadcast %and3A_477 : i32 to vector<16x4096xi32>
    %and3A_479 = arith.andi %iota3A_4, %and3A_478 : vector<16x4096xi32>
    %ne3A_480 = arith.constant 0 : i32
    %ne3A_481 = vector.broadcast %ne3A_480 : i32 to vector<16x4096xi32>
    %ne3A_482 = arith.cmpi ne, %and3A_479, %ne3A_481 : vector<16x4096xi32>
    %roll3A_483 = arith.constant 2 : i32
    %roll3A_484 = tpu.dynamic_rotate %select_n3A_475 by %roll3A_483 dim 1 : vector<16x4096xf32>, i32 -> vector<16x4096xf32>
    %roll3A_485 = arith.constant 4094 : i32
    %roll3A_486 = tpu.dynamic_rotate %select_n3A_475 by %roll3A_485 dim 1 : vector<16x4096xf32>, i32 -> vector<16x4096xf32>
    %select_n3A_487 = arith.select %ne3A_482, %roll3A_484, %roll3A_486 : vector<16x4096xi1>, vector<16x4096xf32>
    %roll3A_488 = arith.constant 2 : i32
    %roll3A_489 = tpu.dynamic_rotate %select_n3A_476 by %roll3A_488 dim 1 : vector<16x4096xi32>, i32 -> vector<16x4096xi32>
    %roll3A_490 = arith.constant 4094 : i32
    %roll3A_491 = tpu.dynamic_rotate %select_n3A_476 by %roll3A_490 dim 1 : vector<16x4096xi32>, i32 -> vector<16x4096xi32>
    %select_n3A_492 = arith.select %ne3A_482, %roll3A_489, %roll3A_491 : vector<16x4096xi1>, vector<16x4096xi32>
    %gt3A_493 = arith.cmpf ogt, %select_n3A_475, %select_n3A_487 : vector<16x4096xf32>
    %eq3A_494 = arith.cmpf oeq, %select_n3A_475, %select_n3A_487 : vector<16x4096xf32>
    %lt3A_495 = arith.cmpi slt, %select_n3A_476, %select_n3A_492 : vector<16x4096xi32>
    %and3A_496 = arith.andi %eq3A_494, %lt3A_495 : vector<16x4096xi1>
    %or3A_497 = arith.ori %gt3A_493, %and3A_496 : vector<16x4096xi1>
    %not3A_498 = arith.constant dense<true> : vector<16x4096xi1>
    %not3A_499 = arith.xori %ne3A_482, %not3A_498 : vector<16x4096xi1>
    %and3A_500 = arith.constant 32 : i32
    %and3A_501 = vector.broadcast %and3A_500 : i32 to vector<16x4096xi32>
    %and3A_502 = arith.andi %iota3A_4, %and3A_501 : vector<16x4096xi32>
    %eq3A_503 = arith.constant 0 : i32
    %eq3A_504 = vector.broadcast %eq3A_503 : i32 to vector<16x4096xi32>
    %eq3A_505 = arith.cmpi eq, %and3A_502, %eq3A_504 : vector<16x4096xi32>
    %eq3A_506 = arith.xori %not3A_499, %or3A_497 : vector<16x4096xi1>
    %eq3A_507 = arith.constant dense<true> : vector<16x4096xi1>
    %eq3A_508 = arith.xori %eq3A_506, %eq3A_507 : vector<16x4096xi1>
    %eq3A_509 = arith.xori %eq3A_505, %eq3A_508 : vector<16x4096xi1>
    %eq3A_510 = arith.constant dense<true> : vector<16x4096xi1>
    %eq3A_511 = arith.xori %eq3A_509, %eq3A_510 : vector<16x4096xi1>
    %select_n3A_512 = arith.select %eq3A_511, %select_n3A_475, %select_n3A_487 : vector<16x4096xi1>, vector<16x4096xf32>
    %select_n3A_513 = arith.select %eq3A_511, %select_n3A_476, %select_n3A_492 : vector<16x4096xi1>, vector<16x4096xi32>
    %and3A_514 = arith.constant 1 : i32
    %and3A_515 = vector.broadcast %and3A_514 : i32 to vector<16x4096xi32>
    %and3A_516 = arith.andi %iota3A_4, %and3A_515 : vector<16x4096xi32>
    %ne3A_517 = arith.constant 0 : i32
    %ne3A_518 = vector.broadcast %ne3A_517 : i32 to vector<16x4096xi32>
    %ne3A_519 = arith.cmpi ne, %and3A_516, %ne3A_518 : vector<16x4096xi32>
    %roll3A_520 = arith.constant 1 : i32
    %roll3A_521 = tpu.dynamic_rotate %select_n3A_512 by %roll3A_520 dim 1 : vector<16x4096xf32>, i32 -> vector<16x4096xf32>
    %roll3A_522 = arith.constant 4095 : i32
    %roll3A_523 = tpu.dynamic_rotate %select_n3A_512 by %roll3A_522 dim 1 : vector<16x4096xf32>, i32 -> vector<16x4096xf32>
    %select_n3A_524 = arith.select %ne3A_519, %roll3A_521, %roll3A_523 : vector<16x4096xi1>, vector<16x4096xf32>
    %roll3A_525 = arith.constant 1 : i32
    %roll3A_526 = tpu.dynamic_rotate %select_n3A_513 by %roll3A_525 dim 1 : vector<16x4096xi32>, i32 -> vector<16x4096xi32>
    %roll3A_527 = arith.constant 4095 : i32
    %roll3A_528 = tpu.dynamic_rotate %select_n3A_513 by %roll3A_527 dim 1 : vector<16x4096xi32>, i32 -> vector<16x4096xi32>
    %select_n3A_529 = arith.select %ne3A_519, %roll3A_526, %roll3A_528 : vector<16x4096xi1>, vector<16x4096xi32>
    %gt3A_530 = arith.cmpf ogt, %select_n3A_512, %select_n3A_524 : vector<16x4096xf32>
    %eq3A_531 = arith.cmpf oeq, %select_n3A_512, %select_n3A_524 : vector<16x4096xf32>
    %lt3A_532 = arith.cmpi slt, %select_n3A_513, %select_n3A_529 : vector<16x4096xi32>
    %and3A_533 = arith.andi %eq3A_531, %lt3A_532 : vector<16x4096xi1>
    %or3A_534 = arith.ori %gt3A_530, %and3A_533 : vector<16x4096xi1>
    %not3A_535 = arith.constant dense<true> : vector<16x4096xi1>
    %not3A_536 = arith.xori %ne3A_519, %not3A_535 : vector<16x4096xi1>
    %and3A_537 = arith.constant 32 : i32
    %and3A_538 = vector.broadcast %and3A_537 : i32 to vector<16x4096xi32>
    %and3A_539 = arith.andi %iota3A_4, %and3A_538 : vector<16x4096xi32>
    %eq3A_540 = arith.constant 0 : i32
    %eq3A_541 = vector.broadcast %eq3A_540 : i32 to vector<16x4096xi32>
    %eq3A_542 = arith.cmpi eq, %and3A_539, %eq3A_541 : vector<16x4096xi32>
    %eq3A_543 = arith.xori %not3A_536, %or3A_534 : vector<16x4096xi1>
    %eq3A_544 = arith.constant dense<true> : vector<16x4096xi1>
    %eq3A_545 = arith.xori %eq3A_543, %eq3A_544 : vector<16x4096xi1>
    %eq3A_546 = arith.xori %eq3A_542, %eq3A_545 : vector<16x4096xi1>
    %eq3A_547 = arith.constant dense<true> : vector<16x4096xi1>
    %eq3A_548 = arith.xori %eq3A_546, %eq3A_547 : vector<16x4096xi1>
    %select_n3A_549 = arith.select %eq3A_548, %select_n3A_512, %select_n3A_524 : vector<16x4096xi1>, vector<16x4096xf32>
    %select_n3A_550 = arith.select %eq3A_548, %select_n3A_513, %select_n3A_529 : vector<16x4096xi1>, vector<16x4096xi32>
    %and3A_551 = arith.constant 32 : i32
    %and3A_552 = vector.broadcast %and3A_551 : i32 to vector<16x4096xi32>
    %and3A_553 = arith.andi %iota3A_4, %and3A_552 : vector<16x4096xi32>
    %ne3A_554 = arith.constant 0 : i32
    %ne3A_555 = vector.broadcast %ne3A_554 : i32 to vector<16x4096xi32>
    %ne3A_556 = arith.cmpi ne, %and3A_553, %ne3A_555 : vector<16x4096xi32>
    %roll3A_557 = arith.constant 32 : i32
    %roll3A_558 = tpu.dynamic_rotate %select_n3A_549 by %roll3A_557 dim 1 : vector<16x4096xf32>, i32 -> vector<16x4096xf32>
    %roll3A_559 = arith.constant 4064 : i32
    %roll3A_560 = tpu.dynamic_rotate %select_n3A_549 by %roll3A_559 dim 1 : vector<16x4096xf32>, i32 -> vector<16x4096xf32>
    %select_n3A_561 = arith.select %ne3A_556, %roll3A_558, %roll3A_560 : vector<16x4096xi1>, vector<16x4096xf32>
    %roll3A_562 = arith.constant 32 : i32
    %roll3A_563 = tpu.dynamic_rotate %select_n3A_550 by %roll3A_562 dim 1 : vector<16x4096xi32>, i32 -> vector<16x4096xi32>
    %roll3A_564 = arith.constant 4064 : i32
    %roll3A_565 = tpu.dynamic_rotate %select_n3A_550 by %roll3A_564 dim 1 : vector<16x4096xi32>, i32 -> vector<16x4096xi32>
    %select_n3A_566 = arith.select %ne3A_556, %roll3A_563, %roll3A_565 : vector<16x4096xi1>, vector<16x4096xi32>
    %gt3A_567 = arith.cmpf ogt, %select_n3A_549, %select_n3A_561 : vector<16x4096xf32>
    %eq3A_568 = arith.cmpf oeq, %select_n3A_549, %select_n3A_561 : vector<16x4096xf32>
    %lt3A_569 = arith.cmpi slt, %select_n3A_550, %select_n3A_566 : vector<16x4096xi32>
    %and3A_570 = arith.andi %eq3A_568, %lt3A_569 : vector<16x4096xi1>
    %or3A_571 = arith.ori %gt3A_567, %and3A_570 : vector<16x4096xi1>
    %not3A_572 = arith.constant dense<true> : vector<16x4096xi1>
    %not3A_573 = arith.xori %ne3A_556, %not3A_572 : vector<16x4096xi1>
    %and3A_574 = arith.constant 64 : i32
    %and3A_575 = vector.broadcast %and3A_574 : i32 to vector<16x4096xi32>
    %and3A_576 = arith.andi %iota3A_4, %and3A_575 : vector<16x4096xi32>
    %eq3A_577 = arith.constant 0 : i32
    %eq3A_578 = vector.broadcast %eq3A_577 : i32 to vector<16x4096xi32>
    %eq3A_579 = arith.cmpi eq, %and3A_576, %eq3A_578 : vector<16x4096xi32>
    %eq3A_580 = arith.xori %not3A_573, %or3A_571 : vector<16x4096xi1>
    %eq3A_581 = arith.constant dense<true> : vector<16x4096xi1>
    %eq3A_582 = arith.xori %eq3A_580, %eq3A_581 : vector<16x4096xi1>
    %eq3A_583 = arith.xori %eq3A_579, %eq3A_582 : vector<16x4096xi1>
    %eq3A_584 = arith.constant dense<true> : vector<16x4096xi1>
    %eq3A_585 = arith.xori %eq3A_583, %eq3A_584 : vector<16x4096xi1>
    %select_n3A_586 = arith.select %eq3A_585, %select_n3A_549, %select_n3A_561 : vector<16x4096xi1>, vector<16x4096xf32>
    %select_n3A_587 = arith.select %eq3A_585, %select_n3A_550, %select_n3A_566 : vector<16x4096xi1>, vector<16x4096xi32>
    %and3A_588 = arith.constant 16 : i32
    %and3A_589 = vector.broadcast %and3A_588 : i32 to vector<16x4096xi32>
    %and3A_590 = arith.andi %iota3A_4, %and3A_589 : vector<16x4096xi32>
    %ne3A_591 = arith.constant 0 : i32
    %ne3A_592 = vector.broadcast %ne3A_591 : i32 to vector<16x4096xi32>
    %ne3A_593 = arith.cmpi ne, %and3A_590, %ne3A_592 : vector<16x4096xi32>
    %roll3A_594 = arith.constant 16 : i32
    %roll3A_595 = tpu.dynamic_rotate %select_n3A_586 by %roll3A_594 dim 1 : vector<16x4096xf32>, i32 -> vector<16x4096xf32>
    %roll3A_596 = arith.constant 4080 : i32
    %roll3A_597 = tpu.dynamic_rotate %select_n3A_586 by %roll3A_596 dim 1 : vector<16x4096xf32>, i32 -> vector<16x4096xf32>
    %select_n3A_598 = arith.select %ne3A_593, %roll3A_595, %roll3A_597 : vector<16x4096xi1>, vector<16x4096xf32>
    %roll3A_599 = arith.constant 16 : i32
    %roll3A_600 = tpu.dynamic_rotate %select_n3A_587 by %roll3A_599 dim 1 : vector<16x4096xi32>, i32 -> vector<16x4096xi32>
    %roll3A_601 = arith.constant 4080 : i32
    %roll3A_602 = tpu.dynamic_rotate %select_n3A_587 by %roll3A_601 dim 1 : vector<16x4096xi32>, i32 -> vector<16x4096xi32>
    %select_n3A_603 = arith.select %ne3A_593, %roll3A_600, %roll3A_602 : vector<16x4096xi1>, vector<16x4096xi32>
    %gt3A_604 = arith.cmpf ogt, %select_n3A_586, %select_n3A_598 : vector<16x4096xf32>
    %eq3A_605 = arith.cmpf oeq, %select_n3A_586, %select_n3A_598 : vector<16x4096xf32>
    %lt3A_606 = arith.cmpi slt, %select_n3A_587, %select_n3A_603 : vector<16x4096xi32>
    %and3A_607 = arith.andi %eq3A_605, %lt3A_606 : vector<16x4096xi1>
    %or3A_608 = arith.ori %gt3A_604, %and3A_607 : vector<16x4096xi1>
    %not3A_609 = arith.constant dense<true> : vector<16x4096xi1>
    %not3A_610 = arith.xori %ne3A_593, %not3A_609 : vector<16x4096xi1>
    %and3A_611 = arith.constant 64 : i32
    %and3A_612 = vector.broadcast %and3A_611 : i32 to vector<16x4096xi32>
    %and3A_613 = arith.andi %iota3A_4, %and3A_612 : vector<16x4096xi32>
    %eq3A_614 = arith.constant 0 : i32
    %eq3A_615 = vector.broadcast %eq3A_614 : i32 to vector<16x4096xi32>
    %eq3A_616 = arith.cmpi eq, %and3A_613, %eq3A_615 : vector<16x4096xi32>
    %eq3A_617 = arith.xori %not3A_610, %or3A_608 : vector<16x4096xi1>
    %eq3A_618 = arith.constant dense<true> : vector<16x4096xi1>
    %eq3A_619 = arith.xori %eq3A_617, %eq3A_618 : vector<16x4096xi1>
    %eq3A_620 = arith.xori %eq3A_616, %eq3A_619 : vector<16x4096xi1>
    %eq3A_621 = arith.constant dense<true> : vector<16x4096xi1>
    %eq3A_622 = arith.xori %eq3A_620, %eq3A_621 : vector<16x4096xi1>
    %select_n3A_623 = arith.select %eq3A_622, %select_n3A_586, %select_n3A_598 : vector<16x4096xi1>, vector<16x4096xf32>
    %select_n3A_624 = arith.select %eq3A_622, %select_n3A_587, %select_n3A_603 : vector<16x4096xi1>, vector<16x4096xi32>
    %and3A_625 = arith.constant 8 : i32
    %and3A_626 = vector.broadcast %and3A_625 : i32 to vector<16x4096xi32>
    %and3A_627 = arith.andi %iota3A_4, %and3A_626 : vector<16x4096xi32>
    %ne3A_628 = arith.constant 0 : i32
    %ne3A_629 = vector.broadcast %ne3A_628 : i32 to vector<16x4096xi32>
    %ne3A_630 = arith.cmpi ne, %and3A_627, %ne3A_629 : vector<16x4096xi32>
    %roll3A_631 = arith.constant 8 : i32
    %roll3A_632 = tpu.dynamic_rotate %select_n3A_623 by %roll3A_631 dim 1 : vector<16x4096xf32>, i32 -> vector<16x4096xf32>
    %roll3A_633 = arith.constant 4088 : i32
    %roll3A_634 = tpu.dynamic_rotate %select_n3A_623 by %roll3A_633 dim 1 : vector<16x4096xf32>, i32 -> vector<16x4096xf32>
    %select_n3A_635 = arith.select %ne3A_630, %roll3A_632, %roll3A_634 : vector<16x4096xi1>, vector<16x4096xf32>
    %roll3A_636 = arith.constant 8 : i32
    %roll3A_637 = tpu.dynamic_rotate %select_n3A_624 by %roll3A_636 dim 1 : vector<16x4096xi32>, i32 -> vector<16x4096xi32>
    %roll3A_638 = arith.constant 4088 : i32
    %roll3A_639 = tpu.dynamic_rotate %select_n3A_624 by %roll3A_638 dim 1 : vector<16x4096xi32>, i32 -> vector<16x4096xi32>
    %select_n3A_640 = arith.select %ne3A_630, %roll3A_637, %roll3A_639 : vector<16x4096xi1>, vector<16x4096xi32>
    %gt3A_641 = arith.cmpf ogt, %select_n3A_623, %select_n3A_635 : vector<16x4096xf32>
    %eq3A_642 = arith.cmpf oeq, %select_n3A_623, %select_n3A_635 : vector<16x4096xf32>
    %lt3A_643 = arith.cmpi slt, %select_n3A_624, %select_n3A_640 : vector<16x4096xi32>
    %and3A_644 = arith.andi %eq3A_642, %lt3A_643 : vector<16x4096xi1>
    %or3A_645 = arith.ori %gt3A_641, %and3A_644 : vector<16x4096xi1>
    %not3A_646 = arith.constant dense<true> : vector<16x4096xi1>
    %not3A_647 = arith.xori %ne3A_630, %not3A_646 : vector<16x4096xi1>
    %and3A_648 = arith.constant 64 : i32
    %and3A_649 = vector.broadcast %and3A_648 : i32 to vector<16x4096xi32>
    %and3A_650 = arith.andi %iota3A_4, %and3A_649 : vector<16x4096xi32>
    %eq3A_651 = arith.constant 0 : i32
    %eq3A_652 = vector.broadcast %eq3A_651 : i32 to vector<16x4096xi32>
    %eq3A_653 = arith.cmpi eq, %and3A_650, %eq3A_652 : vector<16x4096xi32>
    %eq3A_654 = arith.xori %not3A_647, %or3A_645 : vector<16x4096xi1>
    %eq3A_655 = arith.constant dense<true> : vector<16x4096xi1>
    %eq3A_656 = arith.xori %eq3A_654, %eq3A_655 : vector<16x4096xi1>
    %eq3A_657 = arith.xori %eq3A_653, %eq3A_656 : vector<16x4096xi1>
    %eq3A_658 = arith.constant dense<true> : vector<16x4096xi1>
    %eq3A_659 = arith.xori %eq3A_657, %eq3A_658 : vector<16x4096xi1>
    %select_n3A_660 = arith.select %eq3A_659, %select_n3A_623, %select_n3A_635 : vector<16x4096xi1>, vector<16x4096xf32>
    %select_n3A_661 = arith.select %eq3A_659, %select_n3A_624, %select_n3A_640 : vector<16x4096xi1>, vector<16x4096xi32>
    %and3A_662 = arith.constant 4 : i32
    %and3A_663 = vector.broadcast %and3A_662 : i32 to vector<16x4096xi32>
    %and3A_664 = arith.andi %iota3A_4, %and3A_663 : vector<16x4096xi32>
    %ne3A_665 = arith.constant 0 : i32
    %ne3A_666 = vector.broadcast %ne3A_665 : i32 to vector<16x4096xi32>
    %ne3A_667 = arith.cmpi ne, %and3A_664, %ne3A_666 : vector<16x4096xi32>
    %roll3A_668 = arith.constant 4 : i32
    %roll3A_669 = tpu.dynamic_rotate %select_n3A_660 by %roll3A_668 dim 1 : vector<16x4096xf32>, i32 -> vector<16x4096xf32>
    %roll3A_670 = arith.constant 4092 : i32
    %roll3A_671 = tpu.dynamic_rotate %select_n3A_660 by %roll3A_670 dim 1 : vector<16x4096xf32>, i32 -> vector<16x4096xf32>
    %select_n3A_672 = arith.select %ne3A_667, %roll3A_669, %roll3A_671 : vector<16x4096xi1>, vector<16x4096xf32>
    %roll3A_673 = arith.constant 4 : i32
    %roll3A_674 = tpu.dynamic_rotate %select_n3A_661 by %roll3A_673 dim 1 : vector<16x4096xi32>, i32 -> vector<16x4096xi32>
    %roll3A_675 = arith.constant 4092 : i32
    %roll3A_676 = tpu.dynamic_rotate %select_n3A_661 by %roll3A_675 dim 1 : vector<16x4096xi32>, i32 -> vector<16x4096xi32>
    %select_n3A_677 = arith.select %ne3A_667, %roll3A_674, %roll3A_676 : vector<16x4096xi1>, vector<16x4096xi32>
    %gt3A_678 = arith.cmpf ogt, %select_n3A_660, %select_n3A_672 : vector<16x4096xf32>
    %eq3A_679 = arith.cmpf oeq, %select_n3A_660, %select_n3A_672 : vector<16x4096xf32>
    %lt3A_680 = arith.cmpi slt, %select_n3A_661, %select_n3A_677 : vector<16x4096xi32>
    %and3A_681 = arith.andi %eq3A_679, %lt3A_680 : vector<16x4096xi1>
    %or3A_682 = arith.ori %gt3A_678, %and3A_681 : vector<16x4096xi1>
    %not3A_683 = arith.constant dense<true> : vector<16x4096xi1>
    %not3A_684 = arith.xori %ne3A_667, %not3A_683 : vector<16x4096xi1>
    %and3A_685 = arith.constant 64 : i32
    %and3A_686 = vector.broadcast %and3A_685 : i32 to vector<16x4096xi32>
    %and3A_687 = arith.andi %iota3A_4, %and3A_686 : vector<16x4096xi32>
    %eq3A_688 = arith.constant 0 : i32
    %eq3A_689 = vector.broadcast %eq3A_688 : i32 to vector<16x4096xi32>
    %eq3A_690 = arith.cmpi eq, %and3A_687, %eq3A_689 : vector<16x4096xi32>
    %eq3A_691 = arith.xori %not3A_684, %or3A_682 : vector<16x4096xi1>
    %eq3A_692 = arith.constant dense<true> : vector<16x4096xi1>
    %eq3A_693 = arith.xori %eq3A_691, %eq3A_692 : vector<16x4096xi1>
    %eq3A_694 = arith.xori %eq3A_690, %eq3A_693 : vector<16x4096xi1>
    %eq3A_695 = arith.constant dense<true> : vector<16x4096xi1>
    %eq3A_696 = arith.xori %eq3A_694, %eq3A_695 : vector<16x4096xi1>
    %select_n3A_697 = arith.select %eq3A_696, %select_n3A_660, %select_n3A_672 : vector<16x4096xi1>, vector<16x4096xf32>
    %select_n3A_698 = arith.select %eq3A_696, %select_n3A_661, %select_n3A_677 : vector<16x4096xi1>, vector<16x4096xi32>
    %and3A_699 = arith.constant 2 : i32
    %and3A_700 = vector.broadcast %and3A_699 : i32 to vector<16x4096xi32>
    %and3A_701 = arith.andi %iota3A_4, %and3A_700 : vector<16x4096xi32>
    %ne3A_702 = arith.constant 0 : i32
    %ne3A_703 = vector.broadcast %ne3A_702 : i32 to vector<16x4096xi32>
    %ne3A_704 = arith.cmpi ne, %and3A_701, %ne3A_703 : vector<16x4096xi32>
    %roll3A_705 = arith.constant 2 : i32
    %roll3A_706 = tpu.dynamic_rotate %select_n3A_697 by %roll3A_705 dim 1 : vector<16x4096xf32>, i32 -> vector<16x4096xf32>
    %roll3A_707 = arith.constant 4094 : i32
    %roll3A_708 = tpu.dynamic_rotate %select_n3A_697 by %roll3A_707 dim 1 : vector<16x4096xf32>, i32 -> vector<16x4096xf32>
    %select_n3A_709 = arith.select %ne3A_704, %roll3A_706, %roll3A_708 : vector<16x4096xi1>, vector<16x4096xf32>
    %roll3A_710 = arith.constant 2 : i32
    %roll3A_711 = tpu.dynamic_rotate %select_n3A_698 by %roll3A_710 dim 1 : vector<16x4096xi32>, i32 -> vector<16x4096xi32>
    %roll3A_712 = arith.constant 4094 : i32
    %roll3A_713 = tpu.dynamic_rotate %select_n3A_698 by %roll3A_712 dim 1 : vector<16x4096xi32>, i32 -> vector<16x4096xi32>
    %select_n3A_714 = arith.select %ne3A_704, %roll3A_711, %roll3A_713 : vector<16x4096xi1>, vector<16x4096xi32>
    %gt3A_715 = arith.cmpf ogt, %select_n3A_697, %select_n3A_709 : vector<16x4096xf32>
    %eq3A_716 = arith.cmpf oeq, %select_n3A_697, %select_n3A_709 : vector<16x4096xf32>
    %lt3A_717 = arith.cmpi slt, %select_n3A_698, %select_n3A_714 : vector<16x4096xi32>
    %and3A_718 = arith.andi %eq3A_716, %lt3A_717 : vector<16x4096xi1>
    %or3A_719 = arith.ori %gt3A_715, %and3A_718 : vector<16x4096xi1>
    %not3A_720 = arith.constant dense<true> : vector<16x4096xi1>
    %not3A_721 = arith.xori %ne3A_704, %not3A_720 : vector<16x4096xi1>
    %and3A_722 = arith.constant 64 : i32
    %and3A_723 = vector.broadcast %and3A_722 : i32 to vector<16x4096xi32>
    %and3A_724 = arith.andi %iota3A_4, %and3A_723 : vector<16x4096xi32>
    %eq3A_725 = arith.constant 0 : i32
    %eq3A_726 = vector.broadcast %eq3A_725 : i32 to vector<16x4096xi32>
    %eq3A_727 = arith.cmpi eq, %and3A_724, %eq3A_726 : vector<16x4096xi32>
    %eq3A_728 = arith.xori %not3A_721, %or3A_719 : vector<16x4096xi1>
    %eq3A_729 = arith.constant dense<true> : vector<16x4096xi1>
    %eq3A_730 = arith.xori %eq3A_728, %eq3A_729 : vector<16x4096xi1>
    %eq3A_731 = arith.xori %eq3A_727, %eq3A_730 : vector<16x4096xi1>
    %eq3A_732 = arith.constant dense<true> : vector<16x4096xi1>
    %eq3A_733 = arith.xori %eq3A_731, %eq3A_732 : vector<16x4096xi1>
    %select_n3A_734 = arith.select %eq3A_733, %select_n3A_697, %select_n3A_709 : vector<16x4096xi1>, vector<16x4096xf32>
    %select_n3A_735 = arith.select %eq3A_733, %select_n3A_698, %select_n3A_714 : vector<16x4096xi1>, vector<16x4096xi32>
    %and3A_736 = arith.constant 1 : i32
    %and3A_737 = vector.broadcast %and3A_736 : i32 to vector<16x4096xi32>
    %and3A_738 = arith.andi %iota3A_4, %and3A_737 : vector<16x4096xi32>
    %ne3A_739 = arith.constant 0 : i32
    %ne3A_740 = vector.broadcast %ne3A_739 : i32 to vector<16x4096xi32>
    %ne3A_741 = arith.cmpi ne, %and3A_738, %ne3A_740 : vector<16x4096xi32>
    %roll3A_742 = arith.constant 1 : i32
    %roll3A_743 = tpu.dynamic_rotate %select_n3A_734 by %roll3A_742 dim 1 : vector<16x4096xf32>, i32 -> vector<16x4096xf32>
    %roll3A_744 = arith.constant 4095 : i32
    %roll3A_745 = tpu.dynamic_rotate %select_n3A_734 by %roll3A_744 dim 1 : vector<16x4096xf32>, i32 -> vector<16x4096xf32>
    %select_n3A_746 = arith.select %ne3A_741, %roll3A_743, %roll3A_745 : vector<16x4096xi1>, vector<16x4096xf32>
    %roll3A_747 = arith.constant 1 : i32
    %roll3A_748 = tpu.dynamic_rotate %select_n3A_735 by %roll3A_747 dim 1 : vector<16x4096xi32>, i32 -> vector<16x4096xi32>
    %roll3A_749 = arith.constant 4095 : i32
    %roll3A_750 = tpu.dynamic_rotate %select_n3A_735 by %roll3A_749 dim 1 : vector<16x4096xi32>, i32 -> vector<16x4096xi32>
    %select_n3A_751 = arith.select %ne3A_741, %roll3A_748, %roll3A_750 : vector<16x4096xi1>, vector<16x4096xi32>
    %gt3A_752 = arith.cmpf ogt, %select_n3A_734, %select_n3A_746 : vector<16x4096xf32>
    %eq3A_753 = arith.cmpf oeq, %select_n3A_734, %select_n3A_746 : vector<16x4096xf32>
    %lt3A_754 = arith.cmpi slt, %select_n3A_735, %select_n3A_751 : vector<16x4096xi32>
    %and3A_755 = arith.andi %eq3A_753, %lt3A_754 : vector<16x4096xi1>
    %or3A_756 = arith.ori %gt3A_752, %and3A_755 : vector<16x4096xi1>
    %not3A_757 = arith.constant dense<true> : vector<16x4096xi1>
    %not3A_758 = arith.xori %ne3A_741, %not3A_757 : vector<16x4096xi1>
    %and3A_759 = arith.constant 64 : i32
    %and3A_760 = vector.broadcast %and3A_759 : i32 to vector<16x4096xi32>
    %and3A_761 = arith.andi %iota3A_4, %and3A_760 : vector<16x4096xi32>
    %eq3A_762 = arith.constant 0 : i32
    %eq3A_763 = vector.broadcast %eq3A_762 : i32 to vector<16x4096xi32>
    %eq3A_764 = arith.cmpi eq, %and3A_761, %eq3A_763 : vector<16x4096xi32>
    %eq3A_765 = arith.xori %not3A_758, %or3A_756 : vector<16x4096xi1>
    %eq3A_766 = arith.constant dense<true> : vector<16x4096xi1>
    %eq3A_767 = arith.xori %eq3A_765, %eq3A_766 : vector<16x4096xi1>
    %eq3A_768 = arith.xori %eq3A_764, %eq3A_767 : vector<16x4096xi1>
    %eq3A_769 = arith.constant dense<true> : vector<16x4096xi1>
    %eq3A_770 = arith.xori %eq3A_768, %eq3A_769 : vector<16x4096xi1>
    %select_n3A_771 = arith.select %eq3A_770, %select_n3A_734, %select_n3A_746 : vector<16x4096xi1>, vector<16x4096xf32>
    %select_n3A_772 = arith.select %eq3A_770, %select_n3A_735, %select_n3A_751 : vector<16x4096xi1>, vector<16x4096xi32>
    %and3A_773 = arith.constant 64 : i32
    %and3A_774 = vector.broadcast %and3A_773 : i32 to vector<16x4096xi32>
    %and3A_775 = arith.andi %iota3A_4, %and3A_774 : vector<16x4096xi32>
    %ne3A_776 = arith.constant 0 : i32
    %ne3A_777 = vector.broadcast %ne3A_776 : i32 to vector<16x4096xi32>
    %ne3A_778 = arith.cmpi ne, %and3A_775, %ne3A_777 : vector<16x4096xi32>
    %roll3A_779 = arith.constant 64 : i32
    %roll3A_780 = tpu.dynamic_rotate %select_n3A_771 by %roll3A_779 dim 1 : vector<16x4096xf32>, i32 -> vector<16x4096xf32>
    %roll3A_781 = arith.constant 4032 : i32
    %roll3A_782 = tpu.dynamic_rotate %select_n3A_771 by %roll3A_781 dim 1 : vector<16x4096xf32>, i32 -> vector<16x4096xf32>
    %select_n3A_783 = arith.select %ne3A_778, %roll3A_780, %roll3A_782 : vector<16x4096xi1>, vector<16x4096xf32>
    %roll3A_784 = arith.constant 64 : i32
    %roll3A_785 = tpu.dynamic_rotate %select_n3A_772 by %roll3A_784 dim 1 : vector<16x4096xi32>, i32 -> vector<16x4096xi32>
    %roll3A_786 = arith.constant 4032 : i32
    %roll3A_787 = tpu.dynamic_rotate %select_n3A_772 by %roll3A_786 dim 1 : vector<16x4096xi32>, i32 -> vector<16x4096xi32>
    %select_n3A_788 = arith.select %ne3A_778, %roll3A_785, %roll3A_787 : vector<16x4096xi1>, vector<16x4096xi32>
    %gt3A_789 = arith.cmpf ogt, %select_n3A_771, %select_n3A_783 : vector<16x4096xf32>
    %eq3A_790 = arith.cmpf oeq, %select_n3A_771, %select_n3A_783 : vector<16x4096xf32>
    %lt3A_791 = arith.cmpi slt, %select_n3A_772, %select_n3A_788 : vector<16x4096xi32>
    %and3A_792 = arith.andi %eq3A_790, %lt3A_791 : vector<16x4096xi1>
    %or3A_793 = arith.ori %gt3A_789, %and3A_792 : vector<16x4096xi1>
    %not3A_794 = arith.constant dense<true> : vector<16x4096xi1>
    %not3A_795 = arith.xori %ne3A_778, %not3A_794 : vector<16x4096xi1>
    %and3A_796 = arith.constant 128 : i32
    %and3A_797 = vector.broadcast %and3A_796 : i32 to vector<16x4096xi32>
    %and3A_798 = arith.andi %iota3A_4, %and3A_797 : vector<16x4096xi32>
    %eq3A_799 = arith.constant 0 : i32
    %eq3A_800 = vector.broadcast %eq3A_799 : i32 to vector<16x4096xi32>
    %eq3A_801 = arith.cmpi eq, %and3A_798, %eq3A_800 : vector<16x4096xi32>
    %eq3A_802 = arith.xori %not3A_795, %or3A_793 : vector<16x4096xi1>
    %eq3A_803 = arith.constant dense<true> : vector<16x4096xi1>
    %eq3A_804 = arith.xori %eq3A_802, %eq3A_803 : vector<16x4096xi1>
    %eq3A_805 = arith.xori %eq3A_801, %eq3A_804 : vector<16x4096xi1>
    %eq3A_806 = arith.constant dense<true> : vector<16x4096xi1>
    %eq3A_807 = arith.xori %eq3A_805, %eq3A_806 : vector<16x4096xi1>
    %select_n3A_808 = arith.select %eq3A_807, %select_n3A_771, %select_n3A_783 : vector<16x4096xi1>, vector<16x4096xf32>
    %select_n3A_809 = arith.select %eq3A_807, %select_n3A_772, %select_n3A_788 : vector<16x4096xi1>, vector<16x4096xi32>
    %and3A_810 = arith.constant 32 : i32
    %and3A_811 = vector.broadcast %and3A_810 : i32 to vector<16x4096xi32>
    %and3A_812 = arith.andi %iota3A_4, %and3A_811 : vector<16x4096xi32>
    %ne3A_813 = arith.constant 0 : i32
    %ne3A_814 = vector.broadcast %ne3A_813 : i32 to vector<16x4096xi32>
    %ne3A_815 = arith.cmpi ne, %and3A_812, %ne3A_814 : vector<16x4096xi32>
    %roll3A_816 = arith.constant 32 : i32
    %roll3A_817 = tpu.dynamic_rotate %select_n3A_808 by %roll3A_816 dim 1 : vector<16x4096xf32>, i32 -> vector<16x4096xf32>
    %roll3A_818 = arith.constant 4064 : i32
    %roll3A_819 = tpu.dynamic_rotate %select_n3A_808 by %roll3A_818 dim 1 : vector<16x4096xf32>, i32 -> vector<16x4096xf32>
    %select_n3A_820 = arith.select %ne3A_815, %roll3A_817, %roll3A_819 : vector<16x4096xi1>, vector<16x4096xf32>
    %roll3A_821 = arith.constant 32 : i32
    %roll3A_822 = tpu.dynamic_rotate %select_n3A_809 by %roll3A_821 dim 1 : vector<16x4096xi32>, i32 -> vector<16x4096xi32>
    %roll3A_823 = arith.constant 4064 : i32
    %roll3A_824 = tpu.dynamic_rotate %select_n3A_809 by %roll3A_823 dim 1 : vector<16x4096xi32>, i32 -> vector<16x4096xi32>
    %select_n3A_825 = arith.select %ne3A_815, %roll3A_822, %roll3A_824 : vector<16x4096xi1>, vector<16x4096xi32>
    %gt3A_826 = arith.cmpf ogt, %select_n3A_808, %select_n3A_820 : vector<16x4096xf32>
    %eq3A_827 = arith.cmpf oeq, %select_n3A_808, %select_n3A_820 : vector<16x4096xf32>
    %lt3A_828 = arith.cmpi slt, %select_n3A_809, %select_n3A_825 : vector<16x4096xi32>
    %and3A_829 = arith.andi %eq3A_827, %lt3A_828 : vector<16x4096xi1>
    %or3A_830 = arith.ori %gt3A_826, %and3A_829 : vector<16x4096xi1>
    %not3A_831 = arith.constant dense<true> : vector<16x4096xi1>
    %not3A_832 = arith.xori %ne3A_815, %not3A_831 : vector<16x4096xi1>
    %and3A_833 = arith.constant 128 : i32
    %and3A_834 = vector.broadcast %and3A_833 : i32 to vector<16x4096xi32>
    %and3A_835 = arith.andi %iota3A_4, %and3A_834 : vector<16x4096xi32>
    %eq3A_836 = arith.constant 0 : i32
    %eq3A_837 = vector.broadcast %eq3A_836 : i32 to vector<16x4096xi32>
    %eq3A_838 = arith.cmpi eq, %and3A_835, %eq3A_837 : vector<16x4096xi32>
    %eq3A_839 = arith.xori %not3A_832, %or3A_830 : vector<16x4096xi1>
    %eq3A_840 = arith.constant dense<true> : vector<16x4096xi1>
    %eq3A_841 = arith.xori %eq3A_839, %eq3A_840 : vector<16x4096xi1>
    %eq3A_842 = arith.xori %eq3A_838, %eq3A_841 : vector<16x4096xi1>
    %eq3A_843 = arith.constant dense<true> : vector<16x4096xi1>
    %eq3A_844 = arith.xori %eq3A_842, %eq3A_843 : vector<16x4096xi1>
    %select_n3A_845 = arith.select %eq3A_844, %select_n3A_808, %select_n3A_820 : vector<16x4096xi1>, vector<16x4096xf32>
    %select_n3A_846 = arith.select %eq3A_844, %select_n3A_809, %select_n3A_825 : vector<16x4096xi1>, vector<16x4096xi32>
    %and3A_847 = arith.constant 16 : i32
    %and3A_848 = vector.broadcast %and3A_847 : i32 to vector<16x4096xi32>
    %and3A_849 = arith.andi %iota3A_4, %and3A_848 : vector<16x4096xi32>
    %ne3A_850 = arith.constant 0 : i32
    %ne3A_851 = vector.broadcast %ne3A_850 : i32 to vector<16x4096xi32>
    %ne3A_852 = arith.cmpi ne, %and3A_849, %ne3A_851 : vector<16x4096xi32>
    %roll3A_853 = arith.constant 16 : i32
    %roll3A_854 = tpu.dynamic_rotate %select_n3A_845 by %roll3A_853 dim 1 : vector<16x4096xf32>, i32 -> vector<16x4096xf32>
    %roll3A_855 = arith.constant 4080 : i32
    %roll3A_856 = tpu.dynamic_rotate %select_n3A_845 by %roll3A_855 dim 1 : vector<16x4096xf32>, i32 -> vector<16x4096xf32>
    %select_n3A_857 = arith.select %ne3A_852, %roll3A_854, %roll3A_856 : vector<16x4096xi1>, vector<16x4096xf32>
    %roll3A_858 = arith.constant 16 : i32
    %roll3A_859 = tpu.dynamic_rotate %select_n3A_846 by %roll3A_858 dim 1 : vector<16x4096xi32>, i32 -> vector<16x4096xi32>
    %roll3A_860 = arith.constant 4080 : i32
    %roll3A_861 = tpu.dynamic_rotate %select_n3A_846 by %roll3A_860 dim 1 : vector<16x4096xi32>, i32 -> vector<16x4096xi32>
    %select_n3A_862 = arith.select %ne3A_852, %roll3A_859, %roll3A_861 : vector<16x4096xi1>, vector<16x4096xi32>
    %gt3A_863 = arith.cmpf ogt, %select_n3A_845, %select_n3A_857 : vector<16x4096xf32>
    %eq3A_864 = arith.cmpf oeq, %select_n3A_845, %select_n3A_857 : vector<16x4096xf32>
    %lt3A_865 = arith.cmpi slt, %select_n3A_846, %select_n3A_862 : vector<16x4096xi32>
    %and3A_866 = arith.andi %eq3A_864, %lt3A_865 : vector<16x4096xi1>
    %or3A_867 = arith.ori %gt3A_863, %and3A_866 : vector<16x4096xi1>
    %not3A_868 = arith.constant dense<true> : vector<16x4096xi1>
    %not3A_869 = arith.xori %ne3A_852, %not3A_868 : vector<16x4096xi1>
    %and3A_870 = arith.constant 128 : i32
    %and3A_871 = vector.broadcast %and3A_870 : i32 to vector<16x4096xi32>
    %and3A_872 = arith.andi %iota3A_4, %and3A_871 : vector<16x4096xi32>
    %eq3A_873 = arith.constant 0 : i32
    %eq3A_874 = vector.broadcast %eq3A_873 : i32 to vector<16x4096xi32>
    %eq3A_875 = arith.cmpi eq, %and3A_872, %eq3A_874 : vector<16x4096xi32>
    %eq3A_876 = arith.xori %not3A_869, %or3A_867 : vector<16x4096xi1>
    %eq3A_877 = arith.constant dense<true> : vector<16x4096xi1>
    %eq3A_878 = arith.xori %eq3A_876, %eq3A_877 : vector<16x4096xi1>
    %eq3A_879 = arith.xori %eq3A_875, %eq3A_878 : vector<16x4096xi1>
    %eq3A_880 = arith.constant dense<true> : vector<16x4096xi1>
    %eq3A_881 = arith.xori %eq3A_879, %eq3A_880 : vector<16x4096xi1>
    %select_n3A_882 = arith.select %eq3A_881, %select_n3A_845, %select_n3A_857 : vector<16x4096xi1>, vector<16x4096xf32>
    %select_n3A_883 = arith.select %eq3A_881, %select_n3A_846, %select_n3A_862 : vector<16x4096xi1>, vector<16x4096xi32>
    %and3A_884 = arith.constant 8 : i32
    %and3A_885 = vector.broadcast %and3A_884 : i32 to vector<16x4096xi32>
    %and3A_886 = arith.andi %iota3A_4, %and3A_885 : vector<16x4096xi32>
    %ne3A_887 = arith.constant 0 : i32
    %ne3A_888 = vector.broadcast %ne3A_887 : i32 to vector<16x4096xi32>
    %ne3A_889 = arith.cmpi ne, %and3A_886, %ne3A_888 : vector<16x4096xi32>
    %roll3A_890 = arith.constant 8 : i32
    %roll3A_891 = tpu.dynamic_rotate %select_n3A_882 by %roll3A_890 dim 1 : vector<16x4096xf32>, i32 -> vector<16x4096xf32>
    %roll3A_892 = arith.constant 4088 : i32
    %roll3A_893 = tpu.dynamic_rotate %select_n3A_882 by %roll3A_892 dim 1 : vector<16x4096xf32>, i32 -> vector<16x4096xf32>
    %select_n3A_894 = arith.select %ne3A_889, %roll3A_891, %roll3A_893 : vector<16x4096xi1>, vector<16x4096xf32>
    %roll3A_895 = arith.constant 8 : i32
    %roll3A_896 = tpu.dynamic_rotate %select_n3A_883 by %roll3A_895 dim 1 : vector<16x4096xi32>, i32 -> vector<16x4096xi32>
    %roll3A_897 = arith.constant 4088 : i32
    %roll3A_898 = tpu.dynamic_rotate %select_n3A_883 by %roll3A_897 dim 1 : vector<16x4096xi32>, i32 -> vector<16x4096xi32>
    %select_n3A_899 = arith.select %ne3A_889, %roll3A_896, %roll3A_898 : vector<16x4096xi1>, vector<16x4096xi32>
    %gt3A_900 = arith.cmpf ogt, %select_n3A_882, %select_n3A_894 : vector<16x4096xf32>
    %eq3A_901 = arith.cmpf oeq, %select_n3A_882, %select_n3A_894 : vector<16x4096xf32>
    %lt3A_902 = arith.cmpi slt, %select_n3A_883, %select_n3A_899 : vector<16x4096xi32>
    %and3A_903 = arith.andi %eq3A_901, %lt3A_902 : vector<16x4096xi1>
    %or3A_904 = arith.ori %gt3A_900, %and3A_903 : vector<16x4096xi1>
    %not3A_905 = arith.constant dense<true> : vector<16x4096xi1>
    %not3A_906 = arith.xori %ne3A_889, %not3A_905 : vector<16x4096xi1>
    %and3A_907 = arith.constant 128 : i32
    %and3A_908 = vector.broadcast %and3A_907 : i32 to vector<16x4096xi32>
    %and3A_909 = arith.andi %iota3A_4, %and3A_908 : vector<16x4096xi32>
    %eq3A_910 = arith.constant 0 : i32
    %eq3A_911 = vector.broadcast %eq3A_910 : i32 to vector<16x4096xi32>
    %eq3A_912 = arith.cmpi eq, %and3A_909, %eq3A_911 : vector<16x4096xi32>
    %eq3A_913 = arith.xori %not3A_906, %or3A_904 : vector<16x4096xi1>
    %eq3A_914 = arith.constant dense<true> : vector<16x4096xi1>
    %eq3A_915 = arith.xori %eq3A_913, %eq3A_914 : vector<16x4096xi1>
    %eq3A_916 = arith.xori %eq3A_912, %eq3A_915 : vector<16x4096xi1>
    %eq3A_917 = arith.constant dense<true> : vector<16x4096xi1>
    %eq3A_918 = arith.xori %eq3A_916, %eq3A_917 : vector<16x4096xi1>
    %select_n3A_919 = arith.select %eq3A_918, %select_n3A_882, %select_n3A_894 : vector<16x4096xi1>, vector<16x4096xf32>
    %select_n3A_920 = arith.select %eq3A_918, %select_n3A_883, %select_n3A_899 : vector<16x4096xi1>, vector<16x4096xi32>
    %and3A_921 = arith.constant 4 : i32
    %and3A_922 = vector.broadcast %and3A_921 : i32 to vector<16x4096xi32>
    %and3A_923 = arith.andi %iota3A_4, %and3A_922 : vector<16x4096xi32>
    %ne3A_924 = arith.constant 0 : i32
    %ne3A_925 = vector.broadcast %ne3A_924 : i32 to vector<16x4096xi32>
    %ne3A_926 = arith.cmpi ne, %and3A_923, %ne3A_925 : vector<16x4096xi32>
    %roll3A_927 = arith.constant 4 : i32
    %roll3A_928 = tpu.dynamic_rotate %select_n3A_919 by %roll3A_927 dim 1 : vector<16x4096xf32>, i32 -> vector<16x4096xf32>
    %roll3A_929 = arith.constant 4092 : i32
    %roll3A_930 = tpu.dynamic_rotate %select_n3A_919 by %roll3A_929 dim 1 : vector<16x4096xf32>, i32 -> vector<16x4096xf32>
    %select_n3A_931 = arith.select %ne3A_926, %roll3A_928, %roll3A_930 : vector<16x4096xi1>, vector<16x4096xf32>
    %roll3A_932 = arith.constant 4 : i32
    %roll3A_933 = tpu.dynamic_rotate %select_n3A_920 by %roll3A_932 dim 1 : vector<16x4096xi32>, i32 -> vector<16x4096xi32>
    %roll3A_934 = arith.constant 4092 : i32
    %roll3A_935 = tpu.dynamic_rotate %select_n3A_920 by %roll3A_934 dim 1 : vector<16x4096xi32>, i32 -> vector<16x4096xi32>
    %select_n3A_936 = arith.select %ne3A_926, %roll3A_933, %roll3A_935 : vector<16x4096xi1>, vector<16x4096xi32>
    %gt3A_937 = arith.cmpf ogt, %select_n3A_919, %select_n3A_931 : vector<16x4096xf32>
    %eq3A_938 = arith.cmpf oeq, %select_n3A_919, %select_n3A_931 : vector<16x4096xf32>
    %lt3A_939 = arith.cmpi slt, %select_n3A_920, %select_n3A_936 : vector<16x4096xi32>
    %and3A_940 = arith.andi %eq3A_938, %lt3A_939 : vector<16x4096xi1>
    %or3A_941 = arith.ori %gt3A_937, %and3A_940 : vector<16x4096xi1>
    %not3A_942 = arith.constant dense<true> : vector<16x4096xi1>
    %not3A_943 = arith.xori %ne3A_926, %not3A_942 : vector<16x4096xi1>
    %and3A_944 = arith.constant 128 : i32
    %and3A_945 = vector.broadcast %and3A_944 : i32 to vector<16x4096xi32>
    %and3A_946 = arith.andi %iota3A_4, %and3A_945 : vector<16x4096xi32>
    %eq3A_947 = arith.constant 0 : i32
    %eq3A_948 = vector.broadcast %eq3A_947 : i32 to vector<16x4096xi32>
    %eq3A_949 = arith.cmpi eq, %and3A_946, %eq3A_948 : vector<16x4096xi32>
    %eq3A_950 = arith.xori %not3A_943, %or3A_941 : vector<16x4096xi1>
    %eq3A_951 = arith.constant dense<true> : vector<16x4096xi1>
    %eq3A_952 = arith.xori %eq3A_950, %eq3A_951 : vector<16x4096xi1>
    %eq3A_953 = arith.xori %eq3A_949, %eq3A_952 : vector<16x4096xi1>
    %eq3A_954 = arith.constant dense<true> : vector<16x4096xi1>
    %eq3A_955 = arith.xori %eq3A_953, %eq3A_954 : vector<16x4096xi1>
    %select_n3A_956 = arith.select %eq3A_955, %select_n3A_919, %select_n3A_931 : vector<16x4096xi1>, vector<16x4096xf32>
    %select_n3A_957 = arith.select %eq3A_955, %select_n3A_920, %select_n3A_936 : vector<16x4096xi1>, vector<16x4096xi32>
    %and3A_958 = arith.constant 2 : i32
    %and3A_959 = vector.broadcast %and3A_958 : i32 to vector<16x4096xi32>
    %and3A_960 = arith.andi %iota3A_4, %and3A_959 : vector<16x4096xi32>
    %ne3A_961 = arith.constant 0 : i32
    %ne3A_962 = vector.broadcast %ne3A_961 : i32 to vector<16x4096xi32>
    %ne3A_963 = arith.cmpi ne, %and3A_960, %ne3A_962 : vector<16x4096xi32>
    %roll3A_964 = arith.constant 2 : i32
    %roll3A_965 = tpu.dynamic_rotate %select_n3A_956 by %roll3A_964 dim 1 : vector<16x4096xf32>, i32 -> vector<16x4096xf32>
    %roll3A_966 = arith.constant 4094 : i32
    %roll3A_967 = tpu.dynamic_rotate %select_n3A_956 by %roll3A_966 dim 1 : vector<16x4096xf32>, i32 -> vector<16x4096xf32>
    %select_n3A_968 = arith.select %ne3A_963, %roll3A_965, %roll3A_967 : vector<16x4096xi1>, vector<16x4096xf32>
    %roll3A_969 = arith.constant 2 : i32
    %roll3A_970 = tpu.dynamic_rotate %select_n3A_957 by %roll3A_969 dim 1 : vector<16x4096xi32>, i32 -> vector<16x4096xi32>
    %roll3A_971 = arith.constant 4094 : i32
    %roll3A_972 = tpu.dynamic_rotate %select_n3A_957 by %roll3A_971 dim 1 : vector<16x4096xi32>, i32 -> vector<16x4096xi32>
    %select_n3A_973 = arith.select %ne3A_963, %roll3A_970, %roll3A_972 : vector<16x4096xi1>, vector<16x4096xi32>
    %gt3A_974 = arith.cmpf ogt, %select_n3A_956, %select_n3A_968 : vector<16x4096xf32>
    %eq3A_975 = arith.cmpf oeq, %select_n3A_956, %select_n3A_968 : vector<16x4096xf32>
    %lt3A_976 = arith.cmpi slt, %select_n3A_957, %select_n3A_973 : vector<16x4096xi32>
    %and3A_977 = arith.andi %eq3A_975, %lt3A_976 : vector<16x4096xi1>
    %or3A_978 = arith.ori %gt3A_974, %and3A_977 : vector<16x4096xi1>
    %not3A_979 = arith.constant dense<true> : vector<16x4096xi1>
    %not3A_980 = arith.xori %ne3A_963, %not3A_979 : vector<16x4096xi1>
    %and3A_981 = arith.constant 128 : i32
    %and3A_982 = vector.broadcast %and3A_981 : i32 to vector<16x4096xi32>
    %and3A_983 = arith.andi %iota3A_4, %and3A_982 : vector<16x4096xi32>
    %eq3A_984 = arith.constant 0 : i32
    %eq3A_985 = vector.broadcast %eq3A_984 : i32 to vector<16x4096xi32>
    %eq3A_986 = arith.cmpi eq, %and3A_983, %eq3A_985 : vector<16x4096xi32>
    %eq3A_987 = arith.xori %not3A_980, %or3A_978 : vector<16x4096xi1>
    %eq3A_988 = arith.constant dense<true> : vector<16x4096xi1>
    %eq3A_989 = arith.xori %eq3A_987, %eq3A_988 : vector<16x4096xi1>
    %eq3A_990 = arith.xori %eq3A_986, %eq3A_989 : vector<16x4096xi1>
    %eq3A_991 = arith.constant dense<true> : vector<16x4096xi1>
    %eq3A_992 = arith.xori %eq3A_990, %eq3A_991 : vector<16x4096xi1>
    %select_n3A_993 = arith.select %eq3A_992, %select_n3A_956, %select_n3A_968 : vector<16x4096xi1>, vector<16x4096xf32>
    %select_n3A_994 = arith.select %eq3A_992, %select_n3A_957, %select_n3A_973 : vector<16x4096xi1>, vector<16x4096xi32>
    %and3A_995 = arith.constant 1 : i32
    %and3A_996 = vector.broadcast %and3A_995 : i32 to vector<16x4096xi32>
    %and3A_997 = arith.andi %iota3A_4, %and3A_996 : vector<16x4096xi32>
    %ne3A_998 = arith.constant 0 : i32
    %ne3A_999 = vector.broadcast %ne3A_998 : i32 to vector<16x4096xi32>
    %ne3A_1000 = arith.cmpi ne, %and3A_997, %ne3A_999 : vector<16x4096xi32>
    %roll3A_1001 = arith.constant 1 : i32
    %roll3A_1002 = tpu.dynamic_rotate %select_n3A_993 by %roll3A_1001 dim 1 : vector<16x4096xf32>, i32 -> vector<16x4096xf32>
    %roll3A_1003 = arith.constant 4095 : i32
    %roll3A_1004 = tpu.dynamic_rotate %select_n3A_993 by %roll3A_1003 dim 1 : vector<16x4096xf32>, i32 -> vector<16x4096xf32>
    %select_n3A_1005 = arith.select %ne3A_1000, %roll3A_1002, %roll3A_1004 : vector<16x4096xi1>, vector<16x4096xf32>
    %roll3A_1006 = arith.constant 1 : i32
    %roll3A_1007 = tpu.dynamic_rotate %select_n3A_994 by %roll3A_1006 dim 1 : vector<16x4096xi32>, i32 -> vector<16x4096xi32>
    %roll3A_1008 = arith.constant 4095 : i32
    %roll3A_1009 = tpu.dynamic_rotate %select_n3A_994 by %roll3A_1008 dim 1 : vector<16x4096xi32>, i32 -> vector<16x4096xi32>
    %select_n3A_1010 = arith.select %ne3A_1000, %roll3A_1007, %roll3A_1009 : vector<16x4096xi1>, vector<16x4096xi32>
    %gt3A_1011 = arith.cmpf ogt, %select_n3A_993, %select_n3A_1005 : vector<16x4096xf32>
    %eq3A_1012 = arith.cmpf oeq, %select_n3A_993, %select_n3A_1005 : vector<16x4096xf32>
    %lt3A_1013 = arith.cmpi slt, %select_n3A_994, %select_n3A_1010 : vector<16x4096xi32>
    %and3A_1014 = arith.andi %eq3A_1012, %lt3A_1013 : vector<16x4096xi1>
    %or3A_1015 = arith.ori %gt3A_1011, %and3A_1014 : vector<16x4096xi1>
    %not3A_1016 = arith.constant dense<true> : vector<16x4096xi1>
    %not3A_1017 = arith.xori %ne3A_1000, %not3A_1016 : vector<16x4096xi1>
    %and3A_1018 = arith.constant 128 : i32
    %and3A_1019 = vector.broadcast %and3A_1018 : i32 to vector<16x4096xi32>
    %and3A_1020 = arith.andi %iota3A_4, %and3A_1019 : vector<16x4096xi32>
    %eq3A_1021 = arith.constant 0 : i32
    %eq3A_1022 = vector.broadcast %eq3A_1021 : i32 to vector<16x4096xi32>
    %eq3A_1023 = arith.cmpi eq, %and3A_1020, %eq3A_1022 : vector<16x4096xi32>
    %eq3A_1024 = arith.xori %not3A_1017, %or3A_1015 : vector<16x4096xi1>
    %eq3A_1025 = arith.constant dense<true> : vector<16x4096xi1>
    %eq3A_1026 = arith.xori %eq3A_1024, %eq3A_1025 : vector<16x4096xi1>
    %eq3A_1027 = arith.xori %eq3A_1023, %eq3A_1026 : vector<16x4096xi1>
    %eq3A_1028 = arith.constant dense<true> : vector<16x4096xi1>
    %eq3A_1029 = arith.xori %eq3A_1027, %eq3A_1028 : vector<16x4096xi1>
    %select_n3A_1030 = arith.select %eq3A_1029, %select_n3A_993, %select_n3A_1005 : vector<16x4096xi1>, vector<16x4096xf32>
    %select_n3A_1031 = arith.select %eq3A_1029, %select_n3A_994, %select_n3A_1010 : vector<16x4096xi1>, vector<16x4096xi32>
    %and3A_1032 = arith.constant 128 : i32
    %and3A_1033 = vector.broadcast %and3A_1032 : i32 to vector<16x4096xi32>
    %and3A_1034 = arith.andi %iota3A_4, %and3A_1033 : vector<16x4096xi32>
    %ne3A_1035 = arith.constant 0 : i32
    %ne3A_1036 = vector.broadcast %ne3A_1035 : i32 to vector<16x4096xi32>
    %ne3A_1037 = arith.cmpi ne, %and3A_1034, %ne3A_1036 : vector<16x4096xi32>
    %roll3A_1038 = arith.constant 128 : i32
    %roll3A_1039 = tpu.dynamic_rotate %select_n3A_1030 by %roll3A_1038 dim 1 : vector<16x4096xf32>, i32 -> vector<16x4096xf32>
    %roll3A_1040 = arith.constant 3968 : i32
    %roll3A_1041 = tpu.dynamic_rotate %select_n3A_1030 by %roll3A_1040 dim 1 : vector<16x4096xf32>, i32 -> vector<16x4096xf32>
    %select_n3A_1042 = arith.select %ne3A_1037, %roll3A_1039, %roll3A_1041 : vector<16x4096xi1>, vector<16x4096xf32>
    %roll3A_1043 = arith.constant 128 : i32
    %roll3A_1044 = tpu.dynamic_rotate %select_n3A_1031 by %roll3A_1043 dim 1 : vector<16x4096xi32>, i32 -> vector<16x4096xi32>
    %roll3A_1045 = arith.constant 3968 : i32
    %roll3A_1046 = tpu.dynamic_rotate %select_n3A_1031 by %roll3A_1045 dim 1 : vector<16x4096xi32>, i32 -> vector<16x4096xi32>
    %select_n3A_1047 = arith.select %ne3A_1037, %roll3A_1044, %roll3A_1046 : vector<16x4096xi1>, vector<16x4096xi32>
    %gt3A_1048 = arith.cmpf ogt, %select_n3A_1030, %select_n3A_1042 : vector<16x4096xf32>
    %eq3A_1049 = arith.cmpf oeq, %select_n3A_1030, %select_n3A_1042 : vector<16x4096xf32>
    %lt3A_1050 = arith.cmpi slt, %select_n3A_1031, %select_n3A_1047 : vector<16x4096xi32>
    %and3A_1051 = arith.andi %eq3A_1049, %lt3A_1050 : vector<16x4096xi1>
    %or3A_1052 = arith.ori %gt3A_1048, %and3A_1051 : vector<16x4096xi1>
    %not3A_1053 = arith.constant dense<true> : vector<16x4096xi1>
    %not3A_1054 = arith.xori %ne3A_1037, %not3A_1053 : vector<16x4096xi1>
    %and3A_1055 = arith.constant 256 : i32
    %and3A_1056 = vector.broadcast %and3A_1055 : i32 to vector<16x4096xi32>
    %and3A_1057 = arith.andi %iota3A_4, %and3A_1056 : vector<16x4096xi32>
    %eq3A_1058 = arith.constant 0 : i32
    %eq3A_1059 = vector.broadcast %eq3A_1058 : i32 to vector<16x4096xi32>
    %eq3A_1060 = arith.cmpi eq, %and3A_1057, %eq3A_1059 : vector<16x4096xi32>
    %eq3A_1061 = arith.xori %not3A_1054, %or3A_1052 : vector<16x4096xi1>
    %eq3A_1062 = arith.constant dense<true> : vector<16x4096xi1>
    %eq3A_1063 = arith.xori %eq3A_1061, %eq3A_1062 : vector<16x4096xi1>
    %eq3A_1064 = arith.xori %eq3A_1060, %eq3A_1063 : vector<16x4096xi1>
    %eq3A_1065 = arith.constant dense<true> : vector<16x4096xi1>
    %eq3A_1066 = arith.xori %eq3A_1064, %eq3A_1065 : vector<16x4096xi1>
    %select_n3A_1067 = arith.select %eq3A_1066, %select_n3A_1030, %select_n3A_1042 : vector<16x4096xi1>, vector<16x4096xf32>
    %select_n3A_1068 = arith.select %eq3A_1066, %select_n3A_1031, %select_n3A_1047 : vector<16x4096xi1>, vector<16x4096xi32>
    %and3A_1069 = arith.constant 64 : i32
    %and3A_1070 = vector.broadcast %and3A_1069 : i32 to vector<16x4096xi32>
    %and3A_1071 = arith.andi %iota3A_4, %and3A_1070 : vector<16x4096xi32>
    %ne3A_1072 = arith.constant 0 : i32
    %ne3A_1073 = vector.broadcast %ne3A_1072 : i32 to vector<16x4096xi32>
    %ne3A_1074 = arith.cmpi ne, %and3A_1071, %ne3A_1073 : vector<16x4096xi32>
    %roll3A_1075 = arith.constant 64 : i32
    %roll3A_1076 = tpu.dynamic_rotate %select_n3A_1067 by %roll3A_1075 dim 1 : vector<16x4096xf32>, i32 -> vector<16x4096xf32>
    %roll3A_1077 = arith.constant 4032 : i32
    %roll3A_1078 = tpu.dynamic_rotate %select_n3A_1067 by %roll3A_1077 dim 1 : vector<16x4096xf32>, i32 -> vector<16x4096xf32>
    %select_n3A_1079 = arith.select %ne3A_1074, %roll3A_1076, %roll3A_1078 : vector<16x4096xi1>, vector<16x4096xf32>
    %roll3A_1080 = arith.constant 64 : i32
    %roll3A_1081 = tpu.dynamic_rotate %select_n3A_1068 by %roll3A_1080 dim 1 : vector<16x4096xi32>, i32 -> vector<16x4096xi32>
    %roll3A_1082 = arith.constant 4032 : i32
    %roll3A_1083 = tpu.dynamic_rotate %select_n3A_1068 by %roll3A_1082 dim 1 : vector<16x4096xi32>, i32 -> vector<16x4096xi32>
    %select_n3A_1084 = arith.select %ne3A_1074, %roll3A_1081, %roll3A_1083 : vector<16x4096xi1>, vector<16x4096xi32>
    %gt3A_1085 = arith.cmpf ogt, %select_n3A_1067, %select_n3A_1079 : vector<16x4096xf32>
    %eq3A_1086 = arith.cmpf oeq, %select_n3A_1067, %select_n3A_1079 : vector<16x4096xf32>
    %lt3A_1087 = arith.cmpi slt, %select_n3A_1068, %select_n3A_1084 : vector<16x4096xi32>
    %and3A_1088 = arith.andi %eq3A_1086, %lt3A_1087 : vector<16x4096xi1>
    %or3A_1089 = arith.ori %gt3A_1085, %and3A_1088 : vector<16x4096xi1>
    %not3A_1090 = arith.constant dense<true> : vector<16x4096xi1>
    %not3A_1091 = arith.xori %ne3A_1074, %not3A_1090 : vector<16x4096xi1>
    %and3A_1092 = arith.constant 256 : i32
    %and3A_1093 = vector.broadcast %and3A_1092 : i32 to vector<16x4096xi32>
    %and3A_1094 = arith.andi %iota3A_4, %and3A_1093 : vector<16x4096xi32>
    %eq3A_1095 = arith.constant 0 : i32
    %eq3A_1096 = vector.broadcast %eq3A_1095 : i32 to vector<16x4096xi32>
    %eq3A_1097 = arith.cmpi eq, %and3A_1094, %eq3A_1096 : vector<16x4096xi32>
    %eq3A_1098 = arith.xori %not3A_1091, %or3A_1089 : vector<16x4096xi1>
    %eq3A_1099 = arith.constant dense<true> : vector<16x4096xi1>
    %eq3A_1100 = arith.xori %eq3A_1098, %eq3A_1099 : vector<16x4096xi1>
    %eq3A_1101 = arith.xori %eq3A_1097, %eq3A_1100 : vector<16x4096xi1>
    %eq3A_1102 = arith.constant dense<true> : vector<16x4096xi1>
    %eq3A_1103 = arith.xori %eq3A_1101, %eq3A_1102 : vector<16x4096xi1>
    %select_n3A_1104 = arith.select %eq3A_1103, %select_n3A_1067, %select_n3A_1079 : vector<16x4096xi1>, vector<16x4096xf32>
    %select_n3A_1105 = arith.select %eq3A_1103, %select_n3A_1068, %select_n3A_1084 : vector<16x4096xi1>, vector<16x4096xi32>
    %and3A_1106 = arith.constant 32 : i32
    %and3A_1107 = vector.broadcast %and3A_1106 : i32 to vector<16x4096xi32>
    %and3A_1108 = arith.andi %iota3A_4, %and3A_1107 : vector<16x4096xi32>
    %ne3A_1109 = arith.constant 0 : i32
    %ne3A_1110 = vector.broadcast %ne3A_1109 : i32 to vector<16x4096xi32>
    %ne3A_1111 = arith.cmpi ne, %and3A_1108, %ne3A_1110 : vector<16x4096xi32>
    %roll3A_1112 = arith.constant 32 : i32
    %roll3A_1113 = tpu.dynamic_rotate %select_n3A_1104 by %roll3A_1112 dim 1 : vector<16x4096xf32>, i32 -> vector<16x4096xf32>
    %roll3A_1114 = arith.constant 4064 : i32
    %roll3A_1115 = tpu.dynamic_rotate %select_n3A_1104 by %roll3A_1114 dim 1 : vector<16x4096xf32>, i32 -> vector<16x4096xf32>
    %select_n3A_1116 = arith.select %ne3A_1111, %roll3A_1113, %roll3A_1115 : vector<16x4096xi1>, vector<16x4096xf32>
    %roll3A_1117 = arith.constant 32 : i32
    %roll3A_1118 = tpu.dynamic_rotate %select_n3A_1105 by %roll3A_1117 dim 1 : vector<16x4096xi32>, i32 -> vector<16x4096xi32>
    %roll3A_1119 = arith.constant 4064 : i32
    %roll3A_1120 = tpu.dynamic_rotate %select_n3A_1105 by %roll3A_1119 dim 1 : vector<16x4096xi32>, i32 -> vector<16x4096xi32>
    %select_n3A_1121 = arith.select %ne3A_1111, %roll3A_1118, %roll3A_1120 : vector<16x4096xi1>, vector<16x4096xi32>
    %gt3A_1122 = arith.cmpf ogt, %select_n3A_1104, %select_n3A_1116 : vector<16x4096xf32>
    %eq3A_1123 = arith.cmpf oeq, %select_n3A_1104, %select_n3A_1116 : vector<16x4096xf32>
    %lt3A_1124 = arith.cmpi slt, %select_n3A_1105, %select_n3A_1121 : vector<16x4096xi32>
    %and3A_1125 = arith.andi %eq3A_1123, %lt3A_1124 : vector<16x4096xi1>
    %or3A_1126 = arith.ori %gt3A_1122, %and3A_1125 : vector<16x4096xi1>
    %not3A_1127 = arith.constant dense<true> : vector<16x4096xi1>
    %not3A_1128 = arith.xori %ne3A_1111, %not3A_1127 : vector<16x4096xi1>
    %and3A_1129 = arith.constant 256 : i32
    %and3A_1130 = vector.broadcast %and3A_1129 : i32 to vector<16x4096xi32>
    %and3A_1131 = arith.andi %iota3A_4, %and3A_1130 : vector<16x4096xi32>
    %eq3A_1132 = arith.constant 0 : i32
    %eq3A_1133 = vector.broadcast %eq3A_1132 : i32 to vector<16x4096xi32>
    %eq3A_1134 = arith.cmpi eq, %and3A_1131, %eq3A_1133 : vector<16x4096xi32>
    %eq3A_1135 = arith.xori %not3A_1128, %or3A_1126 : vector<16x4096xi1>
    %eq3A_1136 = arith.constant dense<true> : vector<16x4096xi1>
    %eq3A_1137 = arith.xori %eq3A_1135, %eq3A_1136 : vector<16x4096xi1>
    %eq3A_1138 = arith.xori %eq3A_1134, %eq3A_1137 : vector<16x4096xi1>
    %eq3A_1139 = arith.constant dense<true> : vector<16x4096xi1>
    %eq3A_1140 = arith.xori %eq3A_1138, %eq3A_1139 : vector<16x4096xi1>
    %select_n3A_1141 = arith.select %eq3A_1140, %select_n3A_1104, %select_n3A_1116 : vector<16x4096xi1>, vector<16x4096xf32>
    %select_n3A_1142 = arith.select %eq3A_1140, %select_n3A_1105, %select_n3A_1121 : vector<16x4096xi1>, vector<16x4096xi32>
    %and3A_1143 = arith.constant 16 : i32
    %and3A_1144 = vector.broadcast %and3A_1143 : i32 to vector<16x4096xi32>
    %and3A_1145 = arith.andi %iota3A_4, %and3A_1144 : vector<16x4096xi32>
    %ne3A_1146 = arith.constant 0 : i32
    %ne3A_1147 = vector.broadcast %ne3A_1146 : i32 to vector<16x4096xi32>
    %ne3A_1148 = arith.cmpi ne, %and3A_1145, %ne3A_1147 : vector<16x4096xi32>
    %roll3A_1149 = arith.constant 16 : i32
    %roll3A_1150 = tpu.dynamic_rotate %select_n3A_1141 by %roll3A_1149 dim 1 : vector<16x4096xf32>, i32 -> vector<16x4096xf32>
    %roll3A_1151 = arith.constant 4080 : i32
    %roll3A_1152 = tpu.dynamic_rotate %select_n3A_1141 by %roll3A_1151 dim 1 : vector<16x4096xf32>, i32 -> vector<16x4096xf32>
    %select_n3A_1153 = arith.select %ne3A_1148, %roll3A_1150, %roll3A_1152 : vector<16x4096xi1>, vector<16x4096xf32>
    %roll3A_1154 = arith.constant 16 : i32
    %roll3A_1155 = tpu.dynamic_rotate %select_n3A_1142 by %roll3A_1154 dim 1 : vector<16x4096xi32>, i32 -> vector<16x4096xi32>
    %roll3A_1156 = arith.constant 4080 : i32
    %roll3A_1157 = tpu.dynamic_rotate %select_n3A_1142 by %roll3A_1156 dim 1 : vector<16x4096xi32>, i32 -> vector<16x4096xi32>
    %select_n3A_1158 = arith.select %ne3A_1148, %roll3A_1155, %roll3A_1157 : vector<16x4096xi1>, vector<16x4096xi32>
    %gt3A_1159 = arith.cmpf ogt, %select_n3A_1141, %select_n3A_1153 : vector<16x4096xf32>
    %eq3A_1160 = arith.cmpf oeq, %select_n3A_1141, %select_n3A_1153 : vector<16x4096xf32>
    %lt3A_1161 = arith.cmpi slt, %select_n3A_1142, %select_n3A_1158 : vector<16x4096xi32>
    %and3A_1162 = arith.andi %eq3A_1160, %lt3A_1161 : vector<16x4096xi1>
    %or3A_1163 = arith.ori %gt3A_1159, %and3A_1162 : vector<16x4096xi1>
    %not3A_1164 = arith.constant dense<true> : vector<16x4096xi1>
    %not3A_1165 = arith.xori %ne3A_1148, %not3A_1164 : vector<16x4096xi1>
    %and3A_1166 = arith.constant 256 : i32
    %and3A_1167 = vector.broadcast %and3A_1166 : i32 to vector<16x4096xi32>
    %and3A_1168 = arith.andi %iota3A_4, %and3A_1167 : vector<16x4096xi32>
    %eq3A_1169 = arith.constant 0 : i32
    %eq3A_1170 = vector.broadcast %eq3A_1169 : i32 to vector<16x4096xi32>
    %eq3A_1171 = arith.cmpi eq, %and3A_1168, %eq3A_1170 : vector<16x4096xi32>
    %eq3A_1172 = arith.xori %not3A_1165, %or3A_1163 : vector<16x4096xi1>
    %eq3A_1173 = arith.constant dense<true> : vector<16x4096xi1>
    %eq3A_1174 = arith.xori %eq3A_1172, %eq3A_1173 : vector<16x4096xi1>
    %eq3A_1175 = arith.xori %eq3A_1171, %eq3A_1174 : vector<16x4096xi1>
    %eq3A_1176 = arith.constant dense<true> : vector<16x4096xi1>
    %eq3A_1177 = arith.xori %eq3A_1175, %eq3A_1176 : vector<16x4096xi1>
    %select_n3A_1178 = arith.select %eq3A_1177, %select_n3A_1141, %select_n3A_1153 : vector<16x4096xi1>, vector<16x4096xf32>
    %select_n3A_1179 = arith.select %eq3A_1177, %select_n3A_1142, %select_n3A_1158 : vector<16x4096xi1>, vector<16x4096xi32>
    %and3A_1180 = arith.constant 8 : i32
    %and3A_1181 = vector.broadcast %and3A_1180 : i32 to vector<16x4096xi32>
    %and3A_1182 = arith.andi %iota3A_4, %and3A_1181 : vector<16x4096xi32>
    %ne3A_1183 = arith.constant 0 : i32
    %ne3A_1184 = vector.broadcast %ne3A_1183 : i32 to vector<16x4096xi32>
    %ne3A_1185 = arith.cmpi ne, %and3A_1182, %ne3A_1184 : vector<16x4096xi32>
    %roll3A_1186 = arith.constant 8 : i32
    %roll3A_1187 = tpu.dynamic_rotate %select_n3A_1178 by %roll3A_1186 dim 1 : vector<16x4096xf32>, i32 -> vector<16x4096xf32>
    %roll3A_1188 = arith.constant 4088 : i32
    %roll3A_1189 = tpu.dynamic_rotate %select_n3A_1178 by %roll3A_1188 dim 1 : vector<16x4096xf32>, i32 -> vector<16x4096xf32>
    %select_n3A_1190 = arith.select %ne3A_1185, %roll3A_1187, %roll3A_1189 : vector<16x4096xi1>, vector<16x4096xf32>
    %roll3A_1191 = arith.constant 8 : i32
    %roll3A_1192 = tpu.dynamic_rotate %select_n3A_1179 by %roll3A_1191 dim 1 : vector<16x4096xi32>, i32 -> vector<16x4096xi32>
    %roll3A_1193 = arith.constant 4088 : i32
    %roll3A_1194 = tpu.dynamic_rotate %select_n3A_1179 by %roll3A_1193 dim 1 : vector<16x4096xi32>, i32 -> vector<16x4096xi32>
    %select_n3A_1195 = arith.select %ne3A_1185, %roll3A_1192, %roll3A_1194 : vector<16x4096xi1>, vector<16x4096xi32>
    %gt3A_1196 = arith.cmpf ogt, %select_n3A_1178, %select_n3A_1190 : vector<16x4096xf32>
    %eq3A_1197 = arith.cmpf oeq, %select_n3A_1178, %select_n3A_1190 : vector<16x4096xf32>
    %lt3A_1198 = arith.cmpi slt, %select_n3A_1179, %select_n3A_1195 : vector<16x4096xi32>
    %and3A_1199 = arith.andi %eq3A_1197, %lt3A_1198 : vector<16x4096xi1>
    %or3A_1200 = arith.ori %gt3A_1196, %and3A_1199 : vector<16x4096xi1>
    %not3A_1201 = arith.constant dense<true> : vector<16x4096xi1>
    %not3A_1202 = arith.xori %ne3A_1185, %not3A_1201 : vector<16x4096xi1>
    %and3A_1203 = arith.constant 256 : i32
    %and3A_1204 = vector.broadcast %and3A_1203 : i32 to vector<16x4096xi32>
    %and3A_1205 = arith.andi %iota3A_4, %and3A_1204 : vector<16x4096xi32>
    %eq3A_1206 = arith.constant 0 : i32
    %eq3A_1207 = vector.broadcast %eq3A_1206 : i32 to vector<16x4096xi32>
    %eq3A_1208 = arith.cmpi eq, %and3A_1205, %eq3A_1207 : vector<16x4096xi32>
    %eq3A_1209 = arith.xori %not3A_1202, %or3A_1200 : vector<16x4096xi1>
    %eq3A_1210 = arith.constant dense<true> : vector<16x4096xi1>
    %eq3A_1211 = arith.xori %eq3A_1209, %eq3A_1210 : vector<16x4096xi1>
    %eq3A_1212 = arith.xori %eq3A_1208, %eq3A_1211 : vector<16x4096xi1>
    %eq3A_1213 = arith.constant dense<true> : vector<16x4096xi1>
    %eq3A_1214 = arith.xori %eq3A_1212, %eq3A_1213 : vector<16x4096xi1>
    %select_n3A_1215 = arith.select %eq3A_1214, %select_n3A_1178, %select_n3A_1190 : vector<16x4096xi1>, vector<16x4096xf32>
    %select_n3A_1216 = arith.select %eq3A_1214, %select_n3A_1179, %select_n3A_1195 : vector<16x4096xi1>, vector<16x4096xi32>
    %and3A_1217 = arith.constant 4 : i32
    %and3A_1218 = vector.broadcast %and3A_1217 : i32 to vector<16x4096xi32>
    %and3A_1219 = arith.andi %iota3A_4, %and3A_1218 : vector<16x4096xi32>
    %ne3A_1220 = arith.constant 0 : i32
    %ne3A_1221 = vector.broadcast %ne3A_1220 : i32 to vector<16x4096xi32>
    %ne3A_1222 = arith.cmpi ne, %and3A_1219, %ne3A_1221 : vector<16x4096xi32>
    %roll3A_1223 = arith.constant 4 : i32
    %roll3A_1224 = tpu.dynamic_rotate %select_n3A_1215 by %roll3A_1223 dim 1 : vector<16x4096xf32>, i32 -> vector<16x4096xf32>
    %roll3A_1225 = arith.constant 4092 : i32
    %roll3A_1226 = tpu.dynamic_rotate %select_n3A_1215 by %roll3A_1225 dim 1 : vector<16x4096xf32>, i32 -> vector<16x4096xf32>
    %select_n3A_1227 = arith.select %ne3A_1222, %roll3A_1224, %roll3A_1226 : vector<16x4096xi1>, vector<16x4096xf32>
    %roll3A_1228 = arith.constant 4 : i32
    %roll3A_1229 = tpu.dynamic_rotate %select_n3A_1216 by %roll3A_1228 dim 1 : vector<16x4096xi32>, i32 -> vector<16x4096xi32>
    %roll3A_1230 = arith.constant 4092 : i32
    %roll3A_1231 = tpu.dynamic_rotate %select_n3A_1216 by %roll3A_1230 dim 1 : vector<16x4096xi32>, i32 -> vector<16x4096xi32>
    %select_n3A_1232 = arith.select %ne3A_1222, %roll3A_1229, %roll3A_1231 : vector<16x4096xi1>, vector<16x4096xi32>
    %gt3A_1233 = arith.cmpf ogt, %select_n3A_1215, %select_n3A_1227 : vector<16x4096xf32>
    %eq3A_1234 = arith.cmpf oeq, %select_n3A_1215, %select_n3A_1227 : vector<16x4096xf32>
    %lt3A_1235 = arith.cmpi slt, %select_n3A_1216, %select_n3A_1232 : vector<16x4096xi32>
    %and3A_1236 = arith.andi %eq3A_1234, %lt3A_1235 : vector<16x4096xi1>
    %or3A_1237 = arith.ori %gt3A_1233, %and3A_1236 : vector<16x4096xi1>
    %not3A_1238 = arith.constant dense<true> : vector<16x4096xi1>
    %not3A_1239 = arith.xori %ne3A_1222, %not3A_1238 : vector<16x4096xi1>
    %and3A_1240 = arith.constant 256 : i32
    %and3A_1241 = vector.broadcast %and3A_1240 : i32 to vector<16x4096xi32>
    %and3A_1242 = arith.andi %iota3A_4, %and3A_1241 : vector<16x4096xi32>
    %eq3A_1243 = arith.constant 0 : i32
    %eq3A_1244 = vector.broadcast %eq3A_1243 : i32 to vector<16x4096xi32>
    %eq3A_1245 = arith.cmpi eq, %and3A_1242, %eq3A_1244 : vector<16x4096xi32>
    %eq3A_1246 = arith.xori %not3A_1239, %or3A_1237 : vector<16x4096xi1>
    %eq3A_1247 = arith.constant dense<true> : vector<16x4096xi1>
    %eq3A_1248 = arith.xori %eq3A_1246, %eq3A_1247 : vector<16x4096xi1>
    %eq3A_1249 = arith.xori %eq3A_1245, %eq3A_1248 : vector<16x4096xi1>
    %eq3A_1250 = arith.constant dense<true> : vector<16x4096xi1>
    %eq3A_1251 = arith.xori %eq3A_1249, %eq3A_1250 : vector<16x4096xi1>
    %select_n3A_1252 = arith.select %eq3A_1251, %select_n3A_1215, %select_n3A_1227 : vector<16x4096xi1>, vector<16x4096xf32>
    %select_n3A_1253 = arith.select %eq3A_1251, %select_n3A_1216, %select_n3A_1232 : vector<16x4096xi1>, vector<16x4096xi32>
    %and3A_1254 = arith.constant 2 : i32
    %and3A_1255 = vector.broadcast %and3A_1254 : i32 to vector<16x4096xi32>
    %and3A_1256 = arith.andi %iota3A_4, %and3A_1255 : vector<16x4096xi32>
    %ne3A_1257 = arith.constant 0 : i32
    %ne3A_1258 = vector.broadcast %ne3A_1257 : i32 to vector<16x4096xi32>
    %ne3A_1259 = arith.cmpi ne, %and3A_1256, %ne3A_1258 : vector<16x4096xi32>
    %roll3A_1260 = arith.constant 2 : i32
    %roll3A_1261 = tpu.dynamic_rotate %select_n3A_1252 by %roll3A_1260 dim 1 : vector<16x4096xf32>, i32 -> vector<16x4096xf32>
    %roll3A_1262 = arith.constant 4094 : i32
    %roll3A_1263 = tpu.dynamic_rotate %select_n3A_1252 by %roll3A_1262 dim 1 : vector<16x4096xf32>, i32 -> vector<16x4096xf32>
    %select_n3A_1264 = arith.select %ne3A_1259, %roll3A_1261, %roll3A_1263 : vector<16x4096xi1>, vector<16x4096xf32>
    %roll3A_1265 = arith.constant 2 : i32
    %roll3A_1266 = tpu.dynamic_rotate %select_n3A_1253 by %roll3A_1265 dim 1 : vector<16x4096xi32>, i32 -> vector<16x4096xi32>
    %roll3A_1267 = arith.constant 4094 : i32
    %roll3A_1268 = tpu.dynamic_rotate %select_n3A_1253 by %roll3A_1267 dim 1 : vector<16x4096xi32>, i32 -> vector<16x4096xi32>
    %select_n3A_1269 = arith.select %ne3A_1259, %roll3A_1266, %roll3A_1268 : vector<16x4096xi1>, vector<16x4096xi32>
    %gt3A_1270 = arith.cmpf ogt, %select_n3A_1252, %select_n3A_1264 : vector<16x4096xf32>
    %eq3A_1271 = arith.cmpf oeq, %select_n3A_1252, %select_n3A_1264 : vector<16x4096xf32>
    %lt3A_1272 = arith.cmpi slt, %select_n3A_1253, %select_n3A_1269 : vector<16x4096xi32>
    %and3A_1273 = arith.andi %eq3A_1271, %lt3A_1272 : vector<16x4096xi1>
    %or3A_1274 = arith.ori %gt3A_1270, %and3A_1273 : vector<16x4096xi1>
    %not3A_1275 = arith.constant dense<true> : vector<16x4096xi1>
    %not3A_1276 = arith.xori %ne3A_1259, %not3A_1275 : vector<16x4096xi1>
    %and3A_1277 = arith.constant 256 : i32
    %and3A_1278 = vector.broadcast %and3A_1277 : i32 to vector<16x4096xi32>
    %and3A_1279 = arith.andi %iota3A_4, %and3A_1278 : vector<16x4096xi32>
    %eq3A_1280 = arith.constant 0 : i32
    %eq3A_1281 = vector.broadcast %eq3A_1280 : i32 to vector<16x4096xi32>
    %eq3A_1282 = arith.cmpi eq, %and3A_1279, %eq3A_1281 : vector<16x4096xi32>
    %eq3A_1283 = arith.xori %not3A_1276, %or3A_1274 : vector<16x4096xi1>
    %eq3A_1284 = arith.constant dense<true> : vector<16x4096xi1>
    %eq3A_1285 = arith.xori %eq3A_1283, %eq3A_1284 : vector<16x4096xi1>
    %eq3A_1286 = arith.xori %eq3A_1282, %eq3A_1285 : vector<16x4096xi1>
    %eq3A_1287 = arith.constant dense<true> : vector<16x4096xi1>
    %eq3A_1288 = arith.xori %eq3A_1286, %eq3A_1287 : vector<16x4096xi1>
    %select_n3A_1289 = arith.select %eq3A_1288, %select_n3A_1252, %select_n3A_1264 : vector<16x4096xi1>, vector<16x4096xf32>
    %select_n3A_1290 = arith.select %eq3A_1288, %select_n3A_1253, %select_n3A_1269 : vector<16x4096xi1>, vector<16x4096xi32>
    %and3A_1291 = arith.constant 1 : i32
    %and3A_1292 = vector.broadcast %and3A_1291 : i32 to vector<16x4096xi32>
    %and3A_1293 = arith.andi %iota3A_4, %and3A_1292 : vector<16x4096xi32>
    %ne3A_1294 = arith.constant 0 : i32
    %ne3A_1295 = vector.broadcast %ne3A_1294 : i32 to vector<16x4096xi32>
    %ne3A_1296 = arith.cmpi ne, %and3A_1293, %ne3A_1295 : vector<16x4096xi32>
    %roll3A_1297 = arith.constant 1 : i32
    %roll3A_1298 = tpu.dynamic_rotate %select_n3A_1289 by %roll3A_1297 dim 1 : vector<16x4096xf32>, i32 -> vector<16x4096xf32>
    %roll3A_1299 = arith.constant 4095 : i32
    %roll3A_1300 = tpu.dynamic_rotate %select_n3A_1289 by %roll3A_1299 dim 1 : vector<16x4096xf32>, i32 -> vector<16x4096xf32>
    %select_n3A_1301 = arith.select %ne3A_1296, %roll3A_1298, %roll3A_1300 : vector<16x4096xi1>, vector<16x4096xf32>
    %roll3A_1302 = arith.constant 1 : i32
    %roll3A_1303 = tpu.dynamic_rotate %select_n3A_1290 by %roll3A_1302 dim 1 : vector<16x4096xi32>, i32 -> vector<16x4096xi32>
    %roll3A_1304 = arith.constant 4095 : i32
    %roll3A_1305 = tpu.dynamic_rotate %select_n3A_1290 by %roll3A_1304 dim 1 : vector<16x4096xi32>, i32 -> vector<16x4096xi32>
    %select_n3A_1306 = arith.select %ne3A_1296, %roll3A_1303, %roll3A_1305 : vector<16x4096xi1>, vector<16x4096xi32>
    %gt3A_1307 = arith.cmpf ogt, %select_n3A_1289, %select_n3A_1301 : vector<16x4096xf32>
    %eq3A_1308 = arith.cmpf oeq, %select_n3A_1289, %select_n3A_1301 : vector<16x4096xf32>
    %lt3A_1309 = arith.cmpi slt, %select_n3A_1290, %select_n3A_1306 : vector<16x4096xi32>
    %and3A_1310 = arith.andi %eq3A_1308, %lt3A_1309 : vector<16x4096xi1>
    %or3A_1311 = arith.ori %gt3A_1307, %and3A_1310 : vector<16x4096xi1>
    %not3A_1312 = arith.constant dense<true> : vector<16x4096xi1>
    %not3A_1313 = arith.xori %ne3A_1296, %not3A_1312 : vector<16x4096xi1>
    %and3A_1314 = arith.constant 256 : i32
    %and3A_1315 = vector.broadcast %and3A_1314 : i32 to vector<16x4096xi32>
    %and3A_1316 = arith.andi %iota3A_4, %and3A_1315 : vector<16x4096xi32>
    %eq3A_1317 = arith.constant 0 : i32
    %eq3A_1318 = vector.broadcast %eq3A_1317 : i32 to vector<16x4096xi32>
    %eq3A_1319 = arith.cmpi eq, %and3A_1316, %eq3A_1318 : vector<16x4096xi32>
    %eq3A_1320 = arith.xori %not3A_1313, %or3A_1311 : vector<16x4096xi1>
    %eq3A_1321 = arith.constant dense<true> : vector<16x4096xi1>
    %eq3A_1322 = arith.xori %eq3A_1320, %eq3A_1321 : vector<16x4096xi1>
    %eq3A_1323 = arith.xori %eq3A_1319, %eq3A_1322 : vector<16x4096xi1>
    %eq3A_1324 = arith.constant dense<true> : vector<16x4096xi1>
    %eq3A_1325 = arith.xori %eq3A_1323, %eq3A_1324 : vector<16x4096xi1>
    %select_n3A_1326 = arith.select %eq3A_1325, %select_n3A_1289, %select_n3A_1301 : vector<16x4096xi1>, vector<16x4096xf32>
    %select_n3A_1327 = arith.select %eq3A_1325, %select_n3A_1290, %select_n3A_1306 : vector<16x4096xi1>, vector<16x4096xi32>
    %and3A_1328 = arith.constant 256 : i32
    %and3A_1329 = vector.broadcast %and3A_1328 : i32 to vector<16x4096xi32>
    %and3A_1330 = arith.andi %iota3A_4, %and3A_1329 : vector<16x4096xi32>
    %ne3A_1331 = arith.constant 0 : i32
    %ne3A_1332 = vector.broadcast %ne3A_1331 : i32 to vector<16x4096xi32>
    %ne3A_1333 = arith.cmpi ne, %and3A_1330, %ne3A_1332 : vector<16x4096xi32>
    %roll3A_1334 = arith.constant 256 : i32
    %roll3A_1335 = tpu.dynamic_rotate %select_n3A_1326 by %roll3A_1334 dim 1 : vector<16x4096xf32>, i32 -> vector<16x4096xf32>
    %roll3A_1336 = arith.constant 3840 : i32
    %roll3A_1337 = tpu.dynamic_rotate %select_n3A_1326 by %roll3A_1336 dim 1 : vector<16x4096xf32>, i32 -> vector<16x4096xf32>
    %select_n3A_1338 = arith.select %ne3A_1333, %roll3A_1335, %roll3A_1337 : vector<16x4096xi1>, vector<16x4096xf32>
    %roll3A_1339 = arith.constant 256 : i32
    %roll3A_1340 = tpu.dynamic_rotate %select_n3A_1327 by %roll3A_1339 dim 1 : vector<16x4096xi32>, i32 -> vector<16x4096xi32>
    %roll3A_1341 = arith.constant 3840 : i32
    %roll3A_1342 = tpu.dynamic_rotate %select_n3A_1327 by %roll3A_1341 dim 1 : vector<16x4096xi32>, i32 -> vector<16x4096xi32>
    %select_n3A_1343 = arith.select %ne3A_1333, %roll3A_1340, %roll3A_1342 : vector<16x4096xi1>, vector<16x4096xi32>
    %gt3A_1344 = arith.cmpf ogt, %select_n3A_1326, %select_n3A_1338 : vector<16x4096xf32>
    %eq3A_1345 = arith.cmpf oeq, %select_n3A_1326, %select_n3A_1338 : vector<16x4096xf32>
    %lt3A_1346 = arith.cmpi slt, %select_n3A_1327, %select_n3A_1343 : vector<16x4096xi32>
    %and3A_1347 = arith.andi %eq3A_1345, %lt3A_1346 : vector<16x4096xi1>
    %or3A_1348 = arith.ori %gt3A_1344, %and3A_1347 : vector<16x4096xi1>
    %not3A_1349 = arith.constant dense<true> : vector<16x4096xi1>
    %not3A_1350 = arith.xori %ne3A_1333, %not3A_1349 : vector<16x4096xi1>
    %and3A_1351 = arith.constant 512 : i32
    %and3A_1352 = vector.broadcast %and3A_1351 : i32 to vector<16x4096xi32>
    %and3A_1353 = arith.andi %iota3A_4, %and3A_1352 : vector<16x4096xi32>
    %eq3A_1354 = arith.constant 0 : i32
    %eq3A_1355 = vector.broadcast %eq3A_1354 : i32 to vector<16x4096xi32>
    %eq3A_1356 = arith.cmpi eq, %and3A_1353, %eq3A_1355 : vector<16x4096xi32>
    %eq3A_1357 = arith.xori %not3A_1350, %or3A_1348 : vector<16x4096xi1>
    %eq3A_1358 = arith.constant dense<true> : vector<16x4096xi1>
    %eq3A_1359 = arith.xori %eq3A_1357, %eq3A_1358 : vector<16x4096xi1>
    %eq3A_1360 = arith.xori %eq3A_1356, %eq3A_1359 : vector<16x4096xi1>
    %eq3A_1361 = arith.constant dense<true> : vector<16x4096xi1>
    %eq3A_1362 = arith.xori %eq3A_1360, %eq3A_1361 : vector<16x4096xi1>
    %select_n3A_1363 = arith.select %eq3A_1362, %select_n3A_1326, %select_n3A_1338 : vector<16x4096xi1>, vector<16x4096xf32>
    %select_n3A_1364 = arith.select %eq3A_1362, %select_n3A_1327, %select_n3A_1343 : vector<16x4096xi1>, vector<16x4096xi32>
    %and3A_1365 = arith.constant 128 : i32
    %and3A_1366 = vector.broadcast %and3A_1365 : i32 to vector<16x4096xi32>
    %and3A_1367 = arith.andi %iota3A_4, %and3A_1366 : vector<16x4096xi32>
    %ne3A_1368 = arith.constant 0 : i32
    %ne3A_1369 = vector.broadcast %ne3A_1368 : i32 to vector<16x4096xi32>
    %ne3A_1370 = arith.cmpi ne, %and3A_1367, %ne3A_1369 : vector<16x4096xi32>
    %roll3A_1371 = arith.constant 128 : i32
    %roll3A_1372 = tpu.dynamic_rotate %select_n3A_1363 by %roll3A_1371 dim 1 : vector<16x4096xf32>, i32 -> vector<16x4096xf32>
    %roll3A_1373 = arith.constant 3968 : i32
    %roll3A_1374 = tpu.dynamic_rotate %select_n3A_1363 by %roll3A_1373 dim 1 : vector<16x4096xf32>, i32 -> vector<16x4096xf32>
    %select_n3A_1375 = arith.select %ne3A_1370, %roll3A_1372, %roll3A_1374 : vector<16x4096xi1>, vector<16x4096xf32>
    %roll3A_1376 = arith.constant 128 : i32
    %roll3A_1377 = tpu.dynamic_rotate %select_n3A_1364 by %roll3A_1376 dim 1 : vector<16x4096xi32>, i32 -> vector<16x4096xi32>
    %roll3A_1378 = arith.constant 3968 : i32
    %roll3A_1379 = tpu.dynamic_rotate %select_n3A_1364 by %roll3A_1378 dim 1 : vector<16x4096xi32>, i32 -> vector<16x4096xi32>
    %select_n3A_1380 = arith.select %ne3A_1370, %roll3A_1377, %roll3A_1379 : vector<16x4096xi1>, vector<16x4096xi32>
    %gt3A_1381 = arith.cmpf ogt, %select_n3A_1363, %select_n3A_1375 : vector<16x4096xf32>
    %eq3A_1382 = arith.cmpf oeq, %select_n3A_1363, %select_n3A_1375 : vector<16x4096xf32>
    %lt3A_1383 = arith.cmpi slt, %select_n3A_1364, %select_n3A_1380 : vector<16x4096xi32>
    %and3A_1384 = arith.andi %eq3A_1382, %lt3A_1383 : vector<16x4096xi1>
    %or3A_1385 = arith.ori %gt3A_1381, %and3A_1384 : vector<16x4096xi1>
    %not3A_1386 = arith.constant dense<true> : vector<16x4096xi1>
    %not3A_1387 = arith.xori %ne3A_1370, %not3A_1386 : vector<16x4096xi1>
    %and3A_1388 = arith.constant 512 : i32
    %and3A_1389 = vector.broadcast %and3A_1388 : i32 to vector<16x4096xi32>
    %and3A_1390 = arith.andi %iota3A_4, %and3A_1389 : vector<16x4096xi32>
    %eq3A_1391 = arith.constant 0 : i32
    %eq3A_1392 = vector.broadcast %eq3A_1391 : i32 to vector<16x4096xi32>
    %eq3A_1393 = arith.cmpi eq, %and3A_1390, %eq3A_1392 : vector<16x4096xi32>
    %eq3A_1394 = arith.xori %not3A_1387, %or3A_1385 : vector<16x4096xi1>
    %eq3A_1395 = arith.constant dense<true> : vector<16x4096xi1>
    %eq3A_1396 = arith.xori %eq3A_1394, %eq3A_1395 : vector<16x4096xi1>
    %eq3A_1397 = arith.xori %eq3A_1393, %eq3A_1396 : vector<16x4096xi1>
    %eq3A_1398 = arith.constant dense<true> : vector<16x4096xi1>
    %eq3A_1399 = arith.xori %eq3A_1397, %eq3A_1398 : vector<16x4096xi1>
    %select_n3A_1400 = arith.select %eq3A_1399, %select_n3A_1363, %select_n3A_1375 : vector<16x4096xi1>, vector<16x4096xf32>
    %select_n3A_1401 = arith.select %eq3A_1399, %select_n3A_1364, %select_n3A_1380 : vector<16x4096xi1>, vector<16x4096xi32>
    %and3A_1402 = arith.constant 64 : i32
    %and3A_1403 = vector.broadcast %and3A_1402 : i32 to vector<16x4096xi32>
    %and3A_1404 = arith.andi %iota3A_4, %and3A_1403 : vector<16x4096xi32>
    %ne3A_1405 = arith.constant 0 : i32
    %ne3A_1406 = vector.broadcast %ne3A_1405 : i32 to vector<16x4096xi32>
    %ne3A_1407 = arith.cmpi ne, %and3A_1404, %ne3A_1406 : vector<16x4096xi32>
    %roll3A_1408 = arith.constant 64 : i32
    %roll3A_1409 = tpu.dynamic_rotate %select_n3A_1400 by %roll3A_1408 dim 1 : vector<16x4096xf32>, i32 -> vector<16x4096xf32>
    %roll3A_1410 = arith.constant 4032 : i32
    %roll3A_1411 = tpu.dynamic_rotate %select_n3A_1400 by %roll3A_1410 dim 1 : vector<16x4096xf32>, i32 -> vector<16x4096xf32>
    %select_n3A_1412 = arith.select %ne3A_1407, %roll3A_1409, %roll3A_1411 : vector<16x4096xi1>, vector<16x4096xf32>
    %roll3A_1413 = arith.constant 64 : i32
    %roll3A_1414 = tpu.dynamic_rotate %select_n3A_1401 by %roll3A_1413 dim 1 : vector<16x4096xi32>, i32 -> vector<16x4096xi32>
    %roll3A_1415 = arith.constant 4032 : i32
    %roll3A_1416 = tpu.dynamic_rotate %select_n3A_1401 by %roll3A_1415 dim 1 : vector<16x4096xi32>, i32 -> vector<16x4096xi32>
    %select_n3A_1417 = arith.select %ne3A_1407, %roll3A_1414, %roll3A_1416 : vector<16x4096xi1>, vector<16x4096xi32>
    %gt3A_1418 = arith.cmpf ogt, %select_n3A_1400, %select_n3A_1412 : vector<16x4096xf32>
    %eq3A_1419 = arith.cmpf oeq, %select_n3A_1400, %select_n3A_1412 : vector<16x4096xf32>
    %lt3A_1420 = arith.cmpi slt, %select_n3A_1401, %select_n3A_1417 : vector<16x4096xi32>
    %and3A_1421 = arith.andi %eq3A_1419, %lt3A_1420 : vector<16x4096xi1>
    %or3A_1422 = arith.ori %gt3A_1418, %and3A_1421 : vector<16x4096xi1>
    %not3A_1423 = arith.constant dense<true> : vector<16x4096xi1>
    %not3A_1424 = arith.xori %ne3A_1407, %not3A_1423 : vector<16x4096xi1>
    %and3A_1425 = arith.constant 512 : i32
    %and3A_1426 = vector.broadcast %and3A_1425 : i32 to vector<16x4096xi32>
    %and3A_1427 = arith.andi %iota3A_4, %and3A_1426 : vector<16x4096xi32>
    %eq3A_1428 = arith.constant 0 : i32
    %eq3A_1429 = vector.broadcast %eq3A_1428 : i32 to vector<16x4096xi32>
    %eq3A_1430 = arith.cmpi eq, %and3A_1427, %eq3A_1429 : vector<16x4096xi32>
    %eq3A_1431 = arith.xori %not3A_1424, %or3A_1422 : vector<16x4096xi1>
    %eq3A_1432 = arith.constant dense<true> : vector<16x4096xi1>
    %eq3A_1433 = arith.xori %eq3A_1431, %eq3A_1432 : vector<16x4096xi1>
    %eq3A_1434 = arith.xori %eq3A_1430, %eq3A_1433 : vector<16x4096xi1>
    %eq3A_1435 = arith.constant dense<true> : vector<16x4096xi1>
    %eq3A_1436 = arith.xori %eq3A_1434, %eq3A_1435 : vector<16x4096xi1>
    %select_n3A_1437 = arith.select %eq3A_1436, %select_n3A_1400, %select_n3A_1412 : vector<16x4096xi1>, vector<16x4096xf32>
    %select_n3A_1438 = arith.select %eq3A_1436, %select_n3A_1401, %select_n3A_1417 : vector<16x4096xi1>, vector<16x4096xi32>
    %and3A_1439 = arith.constant 32 : i32
    %and3A_1440 = vector.broadcast %and3A_1439 : i32 to vector<16x4096xi32>
    %and3A_1441 = arith.andi %iota3A_4, %and3A_1440 : vector<16x4096xi32>
    %ne3A_1442 = arith.constant 0 : i32
    %ne3A_1443 = vector.broadcast %ne3A_1442 : i32 to vector<16x4096xi32>
    %ne3A_1444 = arith.cmpi ne, %and3A_1441, %ne3A_1443 : vector<16x4096xi32>
    %roll3A_1445 = arith.constant 32 : i32
    %roll3A_1446 = tpu.dynamic_rotate %select_n3A_1437 by %roll3A_1445 dim 1 : vector<16x4096xf32>, i32 -> vector<16x4096xf32>
    %roll3A_1447 = arith.constant 4064 : i32
    %roll3A_1448 = tpu.dynamic_rotate %select_n3A_1437 by %roll3A_1447 dim 1 : vector<16x4096xf32>, i32 -> vector<16x4096xf32>
    %select_n3A_1449 = arith.select %ne3A_1444, %roll3A_1446, %roll3A_1448 : vector<16x4096xi1>, vector<16x4096xf32>
    %roll3A_1450 = arith.constant 32 : i32
    %roll3A_1451 = tpu.dynamic_rotate %select_n3A_1438 by %roll3A_1450 dim 1 : vector<16x4096xi32>, i32 -> vector<16x4096xi32>
    %roll3A_1452 = arith.constant 4064 : i32
    %roll3A_1453 = tpu.dynamic_rotate %select_n3A_1438 by %roll3A_1452 dim 1 : vector<16x4096xi32>, i32 -> vector<16x4096xi32>
    %select_n3A_1454 = arith.select %ne3A_1444, %roll3A_1451, %roll3A_1453 : vector<16x4096xi1>, vector<16x4096xi32>
    %gt3A_1455 = arith.cmpf ogt, %select_n3A_1437, %select_n3A_1449 : vector<16x4096xf32>
    %eq3A_1456 = arith.cmpf oeq, %select_n3A_1437, %select_n3A_1449 : vector<16x4096xf32>
    %lt3A_1457 = arith.cmpi slt, %select_n3A_1438, %select_n3A_1454 : vector<16x4096xi32>
    %and3A_1458 = arith.andi %eq3A_1456, %lt3A_1457 : vector<16x4096xi1>
    %or3A_1459 = arith.ori %gt3A_1455, %and3A_1458 : vector<16x4096xi1>
    %not3A_1460 = arith.constant dense<true> : vector<16x4096xi1>
    %not3A_1461 = arith.xori %ne3A_1444, %not3A_1460 : vector<16x4096xi1>
    %and3A_1462 = arith.constant 512 : i32
    %and3A_1463 = vector.broadcast %and3A_1462 : i32 to vector<16x4096xi32>
    %and3A_1464 = arith.andi %iota3A_4, %and3A_1463 : vector<16x4096xi32>
    %eq3A_1465 = arith.constant 0 : i32
    %eq3A_1466 = vector.broadcast %eq3A_1465 : i32 to vector<16x4096xi32>
    %eq3A_1467 = arith.cmpi eq, %and3A_1464, %eq3A_1466 : vector<16x4096xi32>
    %eq3A_1468 = arith.xori %not3A_1461, %or3A_1459 : vector<16x4096xi1>
    %eq3A_1469 = arith.constant dense<true> : vector<16x4096xi1>
    %eq3A_1470 = arith.xori %eq3A_1468, %eq3A_1469 : vector<16x4096xi1>
    %eq3A_1471 = arith.xori %eq3A_1467, %eq3A_1470 : vector<16x4096xi1>
    %eq3A_1472 = arith.constant dense<true> : vector<16x4096xi1>
    %eq3A_1473 = arith.xori %eq3A_1471, %eq3A_1472 : vector<16x4096xi1>
    %select_n3A_1474 = arith.select %eq3A_1473, %select_n3A_1437, %select_n3A_1449 : vector<16x4096xi1>, vector<16x4096xf32>
    %select_n3A_1475 = arith.select %eq3A_1473, %select_n3A_1438, %select_n3A_1454 : vector<16x4096xi1>, vector<16x4096xi32>
    %and3A_1476 = arith.constant 16 : i32
    %and3A_1477 = vector.broadcast %and3A_1476 : i32 to vector<16x4096xi32>
    %and3A_1478 = arith.andi %iota3A_4, %and3A_1477 : vector<16x4096xi32>
    %ne3A_1479 = arith.constant 0 : i32
    %ne3A_1480 = vector.broadcast %ne3A_1479 : i32 to vector<16x4096xi32>
    %ne3A_1481 = arith.cmpi ne, %and3A_1478, %ne3A_1480 : vector<16x4096xi32>
    %roll3A_1482 = arith.constant 16 : i32
    %roll3A_1483 = tpu.dynamic_rotate %select_n3A_1474 by %roll3A_1482 dim 1 : vector<16x4096xf32>, i32 -> vector<16x4096xf32>
    %roll3A_1484 = arith.constant 4080 : i32
    %roll3A_1485 = tpu.dynamic_rotate %select_n3A_1474 by %roll3A_1484 dim 1 : vector<16x4096xf32>, i32 -> vector<16x4096xf32>
    %select_n3A_1486 = arith.select %ne3A_1481, %roll3A_1483, %roll3A_1485 : vector<16x4096xi1>, vector<16x4096xf32>
    %roll3A_1487 = arith.constant 16 : i32
    %roll3A_1488 = tpu.dynamic_rotate %select_n3A_1475 by %roll3A_1487 dim 1 : vector<16x4096xi32>, i32 -> vector<16x4096xi32>
    %roll3A_1489 = arith.constant 4080 : i32
    %roll3A_1490 = tpu.dynamic_rotate %select_n3A_1475 by %roll3A_1489 dim 1 : vector<16x4096xi32>, i32 -> vector<16x4096xi32>
    %select_n3A_1491 = arith.select %ne3A_1481, %roll3A_1488, %roll3A_1490 : vector<16x4096xi1>, vector<16x4096xi32>
    %gt3A_1492 = arith.cmpf ogt, %select_n3A_1474, %select_n3A_1486 : vector<16x4096xf32>
    %eq3A_1493 = arith.cmpf oeq, %select_n3A_1474, %select_n3A_1486 : vector<16x4096xf32>
    %lt3A_1494 = arith.cmpi slt, %select_n3A_1475, %select_n3A_1491 : vector<16x4096xi32>
    %and3A_1495 = arith.andi %eq3A_1493, %lt3A_1494 : vector<16x4096xi1>
    %or3A_1496 = arith.ori %gt3A_1492, %and3A_1495 : vector<16x4096xi1>
    %not3A_1497 = arith.constant dense<true> : vector<16x4096xi1>
    %not3A_1498 = arith.xori %ne3A_1481, %not3A_1497 : vector<16x4096xi1>
    %and3A_1499 = arith.constant 512 : i32
    %and3A_1500 = vector.broadcast %and3A_1499 : i32 to vector<16x4096xi32>
    %and3A_1501 = arith.andi %iota3A_4, %and3A_1500 : vector<16x4096xi32>
    %eq3A_1502 = arith.constant 0 : i32
    %eq3A_1503 = vector.broadcast %eq3A_1502 : i32 to vector<16x4096xi32>
    %eq3A_1504 = arith.cmpi eq, %and3A_1501, %eq3A_1503 : vector<16x4096xi32>
    %eq3A_1505 = arith.xori %not3A_1498, %or3A_1496 : vector<16x4096xi1>
    %eq3A_1506 = arith.constant dense<true> : vector<16x4096xi1>
    %eq3A_1507 = arith.xori %eq3A_1505, %eq3A_1506 : vector<16x4096xi1>
    %eq3A_1508 = arith.xori %eq3A_1504, %eq3A_1507 : vector<16x4096xi1>
    %eq3A_1509 = arith.constant dense<true> : vector<16x4096xi1>
    %eq3A_1510 = arith.xori %eq3A_1508, %eq3A_1509 : vector<16x4096xi1>
    %select_n3A_1511 = arith.select %eq3A_1510, %select_n3A_1474, %select_n3A_1486 : vector<16x4096xi1>, vector<16x4096xf32>
    %select_n3A_1512 = arith.select %eq3A_1510, %select_n3A_1475, %select_n3A_1491 : vector<16x4096xi1>, vector<16x4096xi32>
    %and3A_1513 = arith.constant 8 : i32
    %and3A_1514 = vector.broadcast %and3A_1513 : i32 to vector<16x4096xi32>
    %and3A_1515 = arith.andi %iota3A_4, %and3A_1514 : vector<16x4096xi32>
    %ne3A_1516 = arith.constant 0 : i32
    %ne3A_1517 = vector.broadcast %ne3A_1516 : i32 to vector<16x4096xi32>
    %ne3A_1518 = arith.cmpi ne, %and3A_1515, %ne3A_1517 : vector<16x4096xi32>
    %roll3A_1519 = arith.constant 8 : i32
    %roll3A_1520 = tpu.dynamic_rotate %select_n3A_1511 by %roll3A_1519 dim 1 : vector<16x4096xf32>, i32 -> vector<16x4096xf32>
    %roll3A_1521 = arith.constant 4088 : i32
    %roll3A_1522 = tpu.dynamic_rotate %select_n3A_1511 by %roll3A_1521 dim 1 : vector<16x4096xf32>, i32 -> vector<16x4096xf32>
    %select_n3A_1523 = arith.select %ne3A_1518, %roll3A_1520, %roll3A_1522 : vector<16x4096xi1>, vector<16x4096xf32>
    %roll3A_1524 = arith.constant 8 : i32
    %roll3A_1525 = tpu.dynamic_rotate %select_n3A_1512 by %roll3A_1524 dim 1 : vector<16x4096xi32>, i32 -> vector<16x4096xi32>
    %roll3A_1526 = arith.constant 4088 : i32
    %roll3A_1527 = tpu.dynamic_rotate %select_n3A_1512 by %roll3A_1526 dim 1 : vector<16x4096xi32>, i32 -> vector<16x4096xi32>
    %select_n3A_1528 = arith.select %ne3A_1518, %roll3A_1525, %roll3A_1527 : vector<16x4096xi1>, vector<16x4096xi32>
    %gt3A_1529 = arith.cmpf ogt, %select_n3A_1511, %select_n3A_1523 : vector<16x4096xf32>
    %eq3A_1530 = arith.cmpf oeq, %select_n3A_1511, %select_n3A_1523 : vector<16x4096xf32>
    %lt3A_1531 = arith.cmpi slt, %select_n3A_1512, %select_n3A_1528 : vector<16x4096xi32>
    %and3A_1532 = arith.andi %eq3A_1530, %lt3A_1531 : vector<16x4096xi1>
    %or3A_1533 = arith.ori %gt3A_1529, %and3A_1532 : vector<16x4096xi1>
    %not3A_1534 = arith.constant dense<true> : vector<16x4096xi1>
    %not3A_1535 = arith.xori %ne3A_1518, %not3A_1534 : vector<16x4096xi1>
    %and3A_1536 = arith.constant 512 : i32
    %and3A_1537 = vector.broadcast %and3A_1536 : i32 to vector<16x4096xi32>
    %and3A_1538 = arith.andi %iota3A_4, %and3A_1537 : vector<16x4096xi32>
    %eq3A_1539 = arith.constant 0 : i32
    %eq3A_1540 = vector.broadcast %eq3A_1539 : i32 to vector<16x4096xi32>
    %eq3A_1541 = arith.cmpi eq, %and3A_1538, %eq3A_1540 : vector<16x4096xi32>
    %eq3A_1542 = arith.xori %not3A_1535, %or3A_1533 : vector<16x4096xi1>
    %eq3A_1543 = arith.constant dense<true> : vector<16x4096xi1>
    %eq3A_1544 = arith.xori %eq3A_1542, %eq3A_1543 : vector<16x4096xi1>
    %eq3A_1545 = arith.xori %eq3A_1541, %eq3A_1544 : vector<16x4096xi1>
    %eq3A_1546 = arith.constant dense<true> : vector<16x4096xi1>
    %eq3A_1547 = arith.xori %eq3A_1545, %eq3A_1546 : vector<16x4096xi1>
    %select_n3A_1548 = arith.select %eq3A_1547, %select_n3A_1511, %select_n3A_1523 : vector<16x4096xi1>, vector<16x4096xf32>
    %select_n3A_1549 = arith.select %eq3A_1547, %select_n3A_1512, %select_n3A_1528 : vector<16x4096xi1>, vector<16x4096xi32>
    %and3A_1550 = arith.constant 4 : i32
    %and3A_1551 = vector.broadcast %and3A_1550 : i32 to vector<16x4096xi32>
    %and3A_1552 = arith.andi %iota3A_4, %and3A_1551 : vector<16x4096xi32>
    %ne3A_1553 = arith.constant 0 : i32
    %ne3A_1554 = vector.broadcast %ne3A_1553 : i32 to vector<16x4096xi32>
    %ne3A_1555 = arith.cmpi ne, %and3A_1552, %ne3A_1554 : vector<16x4096xi32>
    %roll3A_1556 = arith.constant 4 : i32
    %roll3A_1557 = tpu.dynamic_rotate %select_n3A_1548 by %roll3A_1556 dim 1 : vector<16x4096xf32>, i32 -> vector<16x4096xf32>
    %roll3A_1558 = arith.constant 4092 : i32
    %roll3A_1559 = tpu.dynamic_rotate %select_n3A_1548 by %roll3A_1558 dim 1 : vector<16x4096xf32>, i32 -> vector<16x4096xf32>
    %select_n3A_1560 = arith.select %ne3A_1555, %roll3A_1557, %roll3A_1559 : vector<16x4096xi1>, vector<16x4096xf32>
    %roll3A_1561 = arith.constant 4 : i32
    %roll3A_1562 = tpu.dynamic_rotate %select_n3A_1549 by %roll3A_1561 dim 1 : vector<16x4096xi32>, i32 -> vector<16x4096xi32>
    %roll3A_1563 = arith.constant 4092 : i32
    %roll3A_1564 = tpu.dynamic_rotate %select_n3A_1549 by %roll3A_1563 dim 1 : vector<16x4096xi32>, i32 -> vector<16x4096xi32>
    %select_n3A_1565 = arith.select %ne3A_1555, %roll3A_1562, %roll3A_1564 : vector<16x4096xi1>, vector<16x4096xi32>
    %gt3A_1566 = arith.cmpf ogt, %select_n3A_1548, %select_n3A_1560 : vector<16x4096xf32>
    %eq3A_1567 = arith.cmpf oeq, %select_n3A_1548, %select_n3A_1560 : vector<16x4096xf32>
    %lt3A_1568 = arith.cmpi slt, %select_n3A_1549, %select_n3A_1565 : vector<16x4096xi32>
    %and3A_1569 = arith.andi %eq3A_1567, %lt3A_1568 : vector<16x4096xi1>
    %or3A_1570 = arith.ori %gt3A_1566, %and3A_1569 : vector<16x4096xi1>
    %not3A_1571 = arith.constant dense<true> : vector<16x4096xi1>
    %not3A_1572 = arith.xori %ne3A_1555, %not3A_1571 : vector<16x4096xi1>
    %and3A_1573 = arith.constant 512 : i32
    %and3A_1574 = vector.broadcast %and3A_1573 : i32 to vector<16x4096xi32>
    %and3A_1575 = arith.andi %iota3A_4, %and3A_1574 : vector<16x4096xi32>
    %eq3A_1576 = arith.constant 0 : i32
    %eq3A_1577 = vector.broadcast %eq3A_1576 : i32 to vector<16x4096xi32>
    %eq3A_1578 = arith.cmpi eq, %and3A_1575, %eq3A_1577 : vector<16x4096xi32>
    %eq3A_1579 = arith.xori %not3A_1572, %or3A_1570 : vector<16x4096xi1>
    %eq3A_1580 = arith.constant dense<true> : vector<16x4096xi1>
    %eq3A_1581 = arith.xori %eq3A_1579, %eq3A_1580 : vector<16x4096xi1>
    %eq3A_1582 = arith.xori %eq3A_1578, %eq3A_1581 : vector<16x4096xi1>
    %eq3A_1583 = arith.constant dense<true> : vector<16x4096xi1>
    %eq3A_1584 = arith.xori %eq3A_1582, %eq3A_1583 : vector<16x4096xi1>
    %select_n3A_1585 = arith.select %eq3A_1584, %select_n3A_1548, %select_n3A_1560 : vector<16x4096xi1>, vector<16x4096xf32>
    %select_n3A_1586 = arith.select %eq3A_1584, %select_n3A_1549, %select_n3A_1565 : vector<16x4096xi1>, vector<16x4096xi32>
    %and3A_1587 = arith.constant 2 : i32
    %and3A_1588 = vector.broadcast %and3A_1587 : i32 to vector<16x4096xi32>
    %and3A_1589 = arith.andi %iota3A_4, %and3A_1588 : vector<16x4096xi32>
    %ne3A_1590 = arith.constant 0 : i32
    %ne3A_1591 = vector.broadcast %ne3A_1590 : i32 to vector<16x4096xi32>
    %ne3A_1592 = arith.cmpi ne, %and3A_1589, %ne3A_1591 : vector<16x4096xi32>
    %roll3A_1593 = arith.constant 2 : i32
    %roll3A_1594 = tpu.dynamic_rotate %select_n3A_1585 by %roll3A_1593 dim 1 : vector<16x4096xf32>, i32 -> vector<16x4096xf32>
    %roll3A_1595 = arith.constant 4094 : i32
    %roll3A_1596 = tpu.dynamic_rotate %select_n3A_1585 by %roll3A_1595 dim 1 : vector<16x4096xf32>, i32 -> vector<16x4096xf32>
    %select_n3A_1597 = arith.select %ne3A_1592, %roll3A_1594, %roll3A_1596 : vector<16x4096xi1>, vector<16x4096xf32>
    %roll3A_1598 = arith.constant 2 : i32
    %roll3A_1599 = tpu.dynamic_rotate %select_n3A_1586 by %roll3A_1598 dim 1 : vector<16x4096xi32>, i32 -> vector<16x4096xi32>
    %roll3A_1600 = arith.constant 4094 : i32
    %roll3A_1601 = tpu.dynamic_rotate %select_n3A_1586 by %roll3A_1600 dim 1 : vector<16x4096xi32>, i32 -> vector<16x4096xi32>
    %select_n3A_1602 = arith.select %ne3A_1592, %roll3A_1599, %roll3A_1601 : vector<16x4096xi1>, vector<16x4096xi32>
    %gt3A_1603 = arith.cmpf ogt, %select_n3A_1585, %select_n3A_1597 : vector<16x4096xf32>
    %eq3A_1604 = arith.cmpf oeq, %select_n3A_1585, %select_n3A_1597 : vector<16x4096xf32>
    %lt3A_1605 = arith.cmpi slt, %select_n3A_1586, %select_n3A_1602 : vector<16x4096xi32>
    %and3A_1606 = arith.andi %eq3A_1604, %lt3A_1605 : vector<16x4096xi1>
    %or3A_1607 = arith.ori %gt3A_1603, %and3A_1606 : vector<16x4096xi1>
    %not3A_1608 = arith.constant dense<true> : vector<16x4096xi1>
    %not3A_1609 = arith.xori %ne3A_1592, %not3A_1608 : vector<16x4096xi1>
    %and3A_1610 = arith.constant 512 : i32
    %and3A_1611 = vector.broadcast %and3A_1610 : i32 to vector<16x4096xi32>
    %and3A_1612 = arith.andi %iota3A_4, %and3A_1611 : vector<16x4096xi32>
    %eq3A_1613 = arith.constant 0 : i32
    %eq3A_1614 = vector.broadcast %eq3A_1613 : i32 to vector<16x4096xi32>
    %eq3A_1615 = arith.cmpi eq, %and3A_1612, %eq3A_1614 : vector<16x4096xi32>
    %eq3A_1616 = arith.xori %not3A_1609, %or3A_1607 : vector<16x4096xi1>
    %eq3A_1617 = arith.constant dense<true> : vector<16x4096xi1>
    %eq3A_1618 = arith.xori %eq3A_1616, %eq3A_1617 : vector<16x4096xi1>
    %eq3A_1619 = arith.xori %eq3A_1615, %eq3A_1618 : vector<16x4096xi1>
    %eq3A_1620 = arith.constant dense<true> : vector<16x4096xi1>
    %eq3A_1621 = arith.xori %eq3A_1619, %eq3A_1620 : vector<16x4096xi1>
    %select_n3A_1622 = arith.select %eq3A_1621, %select_n3A_1585, %select_n3A_1597 : vector<16x4096xi1>, vector<16x4096xf32>
    %select_n3A_1623 = arith.select %eq3A_1621, %select_n3A_1586, %select_n3A_1602 : vector<16x4096xi1>, vector<16x4096xi32>
    %and3A_1624 = arith.constant 1 : i32
    %and3A_1625 = vector.broadcast %and3A_1624 : i32 to vector<16x4096xi32>
    %and3A_1626 = arith.andi %iota3A_4, %and3A_1625 : vector<16x4096xi32>
    %ne3A_1627 = arith.constant 0 : i32
    %ne3A_1628 = vector.broadcast %ne3A_1627 : i32 to vector<16x4096xi32>
    %ne3A_1629 = arith.cmpi ne, %and3A_1626, %ne3A_1628 : vector<16x4096xi32>
    %roll3A_1630 = arith.constant 1 : i32
    %roll3A_1631 = tpu.dynamic_rotate %select_n3A_1622 by %roll3A_1630 dim 1 : vector<16x4096xf32>, i32 -> vector<16x4096xf32>
    %roll3A_1632 = arith.constant 4095 : i32
    %roll3A_1633 = tpu.dynamic_rotate %select_n3A_1622 by %roll3A_1632 dim 1 : vector<16x4096xf32>, i32 -> vector<16x4096xf32>
    %select_n3A_1634 = arith.select %ne3A_1629, %roll3A_1631, %roll3A_1633 : vector<16x4096xi1>, vector<16x4096xf32>
    %roll3A_1635 = arith.constant 1 : i32
    %roll3A_1636 = tpu.dynamic_rotate %select_n3A_1623 by %roll3A_1635 dim 1 : vector<16x4096xi32>, i32 -> vector<16x4096xi32>
    %roll3A_1637 = arith.constant 4095 : i32
    %roll3A_1638 = tpu.dynamic_rotate %select_n3A_1623 by %roll3A_1637 dim 1 : vector<16x4096xi32>, i32 -> vector<16x4096xi32>
    %select_n3A_1639 = arith.select %ne3A_1629, %roll3A_1636, %roll3A_1638 : vector<16x4096xi1>, vector<16x4096xi32>
    %gt3A_1640 = arith.cmpf ogt, %select_n3A_1622, %select_n3A_1634 : vector<16x4096xf32>
    %eq3A_1641 = arith.cmpf oeq, %select_n3A_1622, %select_n3A_1634 : vector<16x4096xf32>
    %lt3A_1642 = arith.cmpi slt, %select_n3A_1623, %select_n3A_1639 : vector<16x4096xi32>
    %and3A_1643 = arith.andi %eq3A_1641, %lt3A_1642 : vector<16x4096xi1>
    %or3A_1644 = arith.ori %gt3A_1640, %and3A_1643 : vector<16x4096xi1>
    %not3A_1645 = arith.constant dense<true> : vector<16x4096xi1>
    %not3A_1646 = arith.xori %ne3A_1629, %not3A_1645 : vector<16x4096xi1>
    %and3A_1647 = arith.constant 512 : i32
    %and3A_1648 = vector.broadcast %and3A_1647 : i32 to vector<16x4096xi32>
    %and3A_1649 = arith.andi %iota3A_4, %and3A_1648 : vector<16x4096xi32>
    %eq3A_1650 = arith.constant 0 : i32
    %eq3A_1651 = vector.broadcast %eq3A_1650 : i32 to vector<16x4096xi32>
    %eq3A_1652 = arith.cmpi eq, %and3A_1649, %eq3A_1651 : vector<16x4096xi32>
    %eq3A_1653 = arith.xori %not3A_1646, %or3A_1644 : vector<16x4096xi1>
    %eq3A_1654 = arith.constant dense<true> : vector<16x4096xi1>
    %eq3A_1655 = arith.xori %eq3A_1653, %eq3A_1654 : vector<16x4096xi1>
    %eq3A_1656 = arith.xori %eq3A_1652, %eq3A_1655 : vector<16x4096xi1>
    %eq3A_1657 = arith.constant dense<true> : vector<16x4096xi1>
    %eq3A_1658 = arith.xori %eq3A_1656, %eq3A_1657 : vector<16x4096xi1>
    %select_n3A_1659 = arith.select %eq3A_1658, %select_n3A_1622, %select_n3A_1634 : vector<16x4096xi1>, vector<16x4096xf32>
    %select_n3A_1660 = arith.select %eq3A_1658, %select_n3A_1623, %select_n3A_1639 : vector<16x4096xi1>, vector<16x4096xi32>
    %and3A_1661 = arith.constant 512 : i32
    %and3A_1662 = vector.broadcast %and3A_1661 : i32 to vector<16x4096xi32>
    %and3A_1663 = arith.andi %iota3A_4, %and3A_1662 : vector<16x4096xi32>
    %ne3A_1664 = arith.constant 0 : i32
    %ne3A_1665 = vector.broadcast %ne3A_1664 : i32 to vector<16x4096xi32>
    %ne3A_1666 = arith.cmpi ne, %and3A_1663, %ne3A_1665 : vector<16x4096xi32>
    %roll3A_1667 = arith.constant 512 : i32
    %roll3A_1668 = tpu.dynamic_rotate %select_n3A_1659 by %roll3A_1667 dim 1 : vector<16x4096xf32>, i32 -> vector<16x4096xf32>
    %roll3A_1669 = arith.constant 3584 : i32
    %roll3A_1670 = tpu.dynamic_rotate %select_n3A_1659 by %roll3A_1669 dim 1 : vector<16x4096xf32>, i32 -> vector<16x4096xf32>
    %select_n3A_1671 = arith.select %ne3A_1666, %roll3A_1668, %roll3A_1670 : vector<16x4096xi1>, vector<16x4096xf32>
    %roll3A_1672 = arith.constant 512 : i32
    %roll3A_1673 = tpu.dynamic_rotate %select_n3A_1660 by %roll3A_1672 dim 1 : vector<16x4096xi32>, i32 -> vector<16x4096xi32>
    %roll3A_1674 = arith.constant 3584 : i32
    %roll3A_1675 = tpu.dynamic_rotate %select_n3A_1660 by %roll3A_1674 dim 1 : vector<16x4096xi32>, i32 -> vector<16x4096xi32>
    %select_n3A_1676 = arith.select %ne3A_1666, %roll3A_1673, %roll3A_1675 : vector<16x4096xi1>, vector<16x4096xi32>
    %gt3A_1677 = arith.cmpf ogt, %select_n3A_1659, %select_n3A_1671 : vector<16x4096xf32>
    %eq3A_1678 = arith.cmpf oeq, %select_n3A_1659, %select_n3A_1671 : vector<16x4096xf32>
    %lt3A_1679 = arith.cmpi slt, %select_n3A_1660, %select_n3A_1676 : vector<16x4096xi32>
    %and3A_1680 = arith.andi %eq3A_1678, %lt3A_1679 : vector<16x4096xi1>
    %or3A_1681 = arith.ori %gt3A_1677, %and3A_1680 : vector<16x4096xi1>
    %not3A_1682 = arith.constant dense<true> : vector<16x4096xi1>
    %not3A_1683 = arith.xori %ne3A_1666, %not3A_1682 : vector<16x4096xi1>
    %and3A_1684 = arith.constant 1024 : i32
    %and3A_1685 = vector.broadcast %and3A_1684 : i32 to vector<16x4096xi32>
    %and3A_1686 = arith.andi %iota3A_4, %and3A_1685 : vector<16x4096xi32>
    %eq3A_1687 = arith.constant 0 : i32
    %eq3A_1688 = vector.broadcast %eq3A_1687 : i32 to vector<16x4096xi32>
    %eq3A_1689 = arith.cmpi eq, %and3A_1686, %eq3A_1688 : vector<16x4096xi32>
    %eq3A_1690 = arith.xori %not3A_1683, %or3A_1681 : vector<16x4096xi1>
    %eq3A_1691 = arith.constant dense<true> : vector<16x4096xi1>
    %eq3A_1692 = arith.xori %eq3A_1690, %eq3A_1691 : vector<16x4096xi1>
    %eq3A_1693 = arith.xori %eq3A_1689, %eq3A_1692 : vector<16x4096xi1>
    %eq3A_1694 = arith.constant dense<true> : vector<16x4096xi1>
    %eq3A_1695 = arith.xori %eq3A_1693, %eq3A_1694 : vector<16x4096xi1>
    %select_n3A_1696 = arith.select %eq3A_1695, %select_n3A_1659, %select_n3A_1671 : vector<16x4096xi1>, vector<16x4096xf32>
    %select_n3A_1697 = arith.select %eq3A_1695, %select_n3A_1660, %select_n3A_1676 : vector<16x4096xi1>, vector<16x4096xi32>
    %and3A_1698 = arith.constant 256 : i32
    %and3A_1699 = vector.broadcast %and3A_1698 : i32 to vector<16x4096xi32>
    %and3A_1700 = arith.andi %iota3A_4, %and3A_1699 : vector<16x4096xi32>
    %ne3A_1701 = arith.constant 0 : i32
    %ne3A_1702 = vector.broadcast %ne3A_1701 : i32 to vector<16x4096xi32>
    %ne3A_1703 = arith.cmpi ne, %and3A_1700, %ne3A_1702 : vector<16x4096xi32>
    %roll3A_1704 = arith.constant 256 : i32
    %roll3A_1705 = tpu.dynamic_rotate %select_n3A_1696 by %roll3A_1704 dim 1 : vector<16x4096xf32>, i32 -> vector<16x4096xf32>
    %roll3A_1706 = arith.constant 3840 : i32
    %roll3A_1707 = tpu.dynamic_rotate %select_n3A_1696 by %roll3A_1706 dim 1 : vector<16x4096xf32>, i32 -> vector<16x4096xf32>
    %select_n3A_1708 = arith.select %ne3A_1703, %roll3A_1705, %roll3A_1707 : vector<16x4096xi1>, vector<16x4096xf32>
    %roll3A_1709 = arith.constant 256 : i32
    %roll3A_1710 = tpu.dynamic_rotate %select_n3A_1697 by %roll3A_1709 dim 1 : vector<16x4096xi32>, i32 -> vector<16x4096xi32>
    %roll3A_1711 = arith.constant 3840 : i32
    %roll3A_1712 = tpu.dynamic_rotate %select_n3A_1697 by %roll3A_1711 dim 1 : vector<16x4096xi32>, i32 -> vector<16x4096xi32>
    %select_n3A_1713 = arith.select %ne3A_1703, %roll3A_1710, %roll3A_1712 : vector<16x4096xi1>, vector<16x4096xi32>
    %gt3A_1714 = arith.cmpf ogt, %select_n3A_1696, %select_n3A_1708 : vector<16x4096xf32>
    %eq3A_1715 = arith.cmpf oeq, %select_n3A_1696, %select_n3A_1708 : vector<16x4096xf32>
    %lt3A_1716 = arith.cmpi slt, %select_n3A_1697, %select_n3A_1713 : vector<16x4096xi32>
    %and3A_1717 = arith.andi %eq3A_1715, %lt3A_1716 : vector<16x4096xi1>
    %or3A_1718 = arith.ori %gt3A_1714, %and3A_1717 : vector<16x4096xi1>
    %not3A_1719 = arith.constant dense<true> : vector<16x4096xi1>
    %not3A_1720 = arith.xori %ne3A_1703, %not3A_1719 : vector<16x4096xi1>
    %and3A_1721 = arith.constant 1024 : i32
    %and3A_1722 = vector.broadcast %and3A_1721 : i32 to vector<16x4096xi32>
    %and3A_1723 = arith.andi %iota3A_4, %and3A_1722 : vector<16x4096xi32>
    %eq3A_1724 = arith.constant 0 : i32
    %eq3A_1725 = vector.broadcast %eq3A_1724 : i32 to vector<16x4096xi32>
    %eq3A_1726 = arith.cmpi eq, %and3A_1723, %eq3A_1725 : vector<16x4096xi32>
    %eq3A_1727 = arith.xori %not3A_1720, %or3A_1718 : vector<16x4096xi1>
    %eq3A_1728 = arith.constant dense<true> : vector<16x4096xi1>
    %eq3A_1729 = arith.xori %eq3A_1727, %eq3A_1728 : vector<16x4096xi1>
    %eq3A_1730 = arith.xori %eq3A_1726, %eq3A_1729 : vector<16x4096xi1>
    %eq3A_1731 = arith.constant dense<true> : vector<16x4096xi1>
    %eq3A_1732 = arith.xori %eq3A_1730, %eq3A_1731 : vector<16x4096xi1>
    %select_n3A_1733 = arith.select %eq3A_1732, %select_n3A_1696, %select_n3A_1708 : vector<16x4096xi1>, vector<16x4096xf32>
    %select_n3A_1734 = arith.select %eq3A_1732, %select_n3A_1697, %select_n3A_1713 : vector<16x4096xi1>, vector<16x4096xi32>
    %and3A_1735 = arith.constant 128 : i32
    %and3A_1736 = vector.broadcast %and3A_1735 : i32 to vector<16x4096xi32>
    %and3A_1737 = arith.andi %iota3A_4, %and3A_1736 : vector<16x4096xi32>
    %ne3A_1738 = arith.constant 0 : i32
    %ne3A_1739 = vector.broadcast %ne3A_1738 : i32 to vector<16x4096xi32>
    %ne3A_1740 = arith.cmpi ne, %and3A_1737, %ne3A_1739 : vector<16x4096xi32>
    %roll3A_1741 = arith.constant 128 : i32
    %roll3A_1742 = tpu.dynamic_rotate %select_n3A_1733 by %roll3A_1741 dim 1 : vector<16x4096xf32>, i32 -> vector<16x4096xf32>
    %roll3A_1743 = arith.constant 3968 : i32
    %roll3A_1744 = tpu.dynamic_rotate %select_n3A_1733 by %roll3A_1743 dim 1 : vector<16x4096xf32>, i32 -> vector<16x4096xf32>
    %select_n3A_1745 = arith.select %ne3A_1740, %roll3A_1742, %roll3A_1744 : vector<16x4096xi1>, vector<16x4096xf32>
    %roll3A_1746 = arith.constant 128 : i32
    %roll3A_1747 = tpu.dynamic_rotate %select_n3A_1734 by %roll3A_1746 dim 1 : vector<16x4096xi32>, i32 -> vector<16x4096xi32>
    %roll3A_1748 = arith.constant 3968 : i32
    %roll3A_1749 = tpu.dynamic_rotate %select_n3A_1734 by %roll3A_1748 dim 1 : vector<16x4096xi32>, i32 -> vector<16x4096xi32>
    %select_n3A_1750 = arith.select %ne3A_1740, %roll3A_1747, %roll3A_1749 : vector<16x4096xi1>, vector<16x4096xi32>
    %gt3A_1751 = arith.cmpf ogt, %select_n3A_1733, %select_n3A_1745 : vector<16x4096xf32>
    %eq3A_1752 = arith.cmpf oeq, %select_n3A_1733, %select_n3A_1745 : vector<16x4096xf32>
    %lt3A_1753 = arith.cmpi slt, %select_n3A_1734, %select_n3A_1750 : vector<16x4096xi32>
    %and3A_1754 = arith.andi %eq3A_1752, %lt3A_1753 : vector<16x4096xi1>
    %or3A_1755 = arith.ori %gt3A_1751, %and3A_1754 : vector<16x4096xi1>
    %not3A_1756 = arith.constant dense<true> : vector<16x4096xi1>
    %not3A_1757 = arith.xori %ne3A_1740, %not3A_1756 : vector<16x4096xi1>
    %and3A_1758 = arith.constant 1024 : i32
    %and3A_1759 = vector.broadcast %and3A_1758 : i32 to vector<16x4096xi32>
    %and3A_1760 = arith.andi %iota3A_4, %and3A_1759 : vector<16x4096xi32>
    %eq3A_1761 = arith.constant 0 : i32
    %eq3A_1762 = vector.broadcast %eq3A_1761 : i32 to vector<16x4096xi32>
    %eq3A_1763 = arith.cmpi eq, %and3A_1760, %eq3A_1762 : vector<16x4096xi32>
    %eq3A_1764 = arith.xori %not3A_1757, %or3A_1755 : vector<16x4096xi1>
    %eq3A_1765 = arith.constant dense<true> : vector<16x4096xi1>
    %eq3A_1766 = arith.xori %eq3A_1764, %eq3A_1765 : vector<16x4096xi1>
    %eq3A_1767 = arith.xori %eq3A_1763, %eq3A_1766 : vector<16x4096xi1>
    %eq3A_1768 = arith.constant dense<true> : vector<16x4096xi1>
    %eq3A_1769 = arith.xori %eq3A_1767, %eq3A_1768 : vector<16x4096xi1>
    %select_n3A_1770 = arith.select %eq3A_1769, %select_n3A_1733, %select_n3A_1745 : vector<16x4096xi1>, vector<16x4096xf32>
    %select_n3A_1771 = arith.select %eq3A_1769, %select_n3A_1734, %select_n3A_1750 : vector<16x4096xi1>, vector<16x4096xi32>
    %and3A_1772 = arith.constant 64 : i32
    %and3A_1773 = vector.broadcast %and3A_1772 : i32 to vector<16x4096xi32>
    %and3A_1774 = arith.andi %iota3A_4, %and3A_1773 : vector<16x4096xi32>
    %ne3A_1775 = arith.constant 0 : i32
    %ne3A_1776 = vector.broadcast %ne3A_1775 : i32 to vector<16x4096xi32>
    %ne3A_1777 = arith.cmpi ne, %and3A_1774, %ne3A_1776 : vector<16x4096xi32>
    %roll3A_1778 = arith.constant 64 : i32
    %roll3A_1779 = tpu.dynamic_rotate %select_n3A_1770 by %roll3A_1778 dim 1 : vector<16x4096xf32>, i32 -> vector<16x4096xf32>
    %roll3A_1780 = arith.constant 4032 : i32
    %roll3A_1781 = tpu.dynamic_rotate %select_n3A_1770 by %roll3A_1780 dim 1 : vector<16x4096xf32>, i32 -> vector<16x4096xf32>
    %select_n3A_1782 = arith.select %ne3A_1777, %roll3A_1779, %roll3A_1781 : vector<16x4096xi1>, vector<16x4096xf32>
    %roll3A_1783 = arith.constant 64 : i32
    %roll3A_1784 = tpu.dynamic_rotate %select_n3A_1771 by %roll3A_1783 dim 1 : vector<16x4096xi32>, i32 -> vector<16x4096xi32>
    %roll3A_1785 = arith.constant 4032 : i32
    %roll3A_1786 = tpu.dynamic_rotate %select_n3A_1771 by %roll3A_1785 dim 1 : vector<16x4096xi32>, i32 -> vector<16x4096xi32>
    %select_n3A_1787 = arith.select %ne3A_1777, %roll3A_1784, %roll3A_1786 : vector<16x4096xi1>, vector<16x4096xi32>
    %gt3A_1788 = arith.cmpf ogt, %select_n3A_1770, %select_n3A_1782 : vector<16x4096xf32>
    %eq3A_1789 = arith.cmpf oeq, %select_n3A_1770, %select_n3A_1782 : vector<16x4096xf32>
    %lt3A_1790 = arith.cmpi slt, %select_n3A_1771, %select_n3A_1787 : vector<16x4096xi32>
    %and3A_1791 = arith.andi %eq3A_1789, %lt3A_1790 : vector<16x4096xi1>
    %or3A_1792 = arith.ori %gt3A_1788, %and3A_1791 : vector<16x4096xi1>
    %not3A_1793 = arith.constant dense<true> : vector<16x4096xi1>
    %not3A_1794 = arith.xori %ne3A_1777, %not3A_1793 : vector<16x4096xi1>
    %and3A_1795 = arith.constant 1024 : i32
    %and3A_1796 = vector.broadcast %and3A_1795 : i32 to vector<16x4096xi32>
    %and3A_1797 = arith.andi %iota3A_4, %and3A_1796 : vector<16x4096xi32>
    %eq3A_1798 = arith.constant 0 : i32
    %eq3A_1799 = vector.broadcast %eq3A_1798 : i32 to vector<16x4096xi32>
    %eq3A_1800 = arith.cmpi eq, %and3A_1797, %eq3A_1799 : vector<16x4096xi32>
    %eq3A_1801 = arith.xori %not3A_1794, %or3A_1792 : vector<16x4096xi1>
    %eq3A_1802 = arith.constant dense<true> : vector<16x4096xi1>
    %eq3A_1803 = arith.xori %eq3A_1801, %eq3A_1802 : vector<16x4096xi1>
    %eq3A_1804 = arith.xori %eq3A_1800, %eq3A_1803 : vector<16x4096xi1>
    %eq3A_1805 = arith.constant dense<true> : vector<16x4096xi1>
    %eq3A_1806 = arith.xori %eq3A_1804, %eq3A_1805 : vector<16x4096xi1>
    %select_n3A_1807 = arith.select %eq3A_1806, %select_n3A_1770, %select_n3A_1782 : vector<16x4096xi1>, vector<16x4096xf32>
    %select_n3A_1808 = arith.select %eq3A_1806, %select_n3A_1771, %select_n3A_1787 : vector<16x4096xi1>, vector<16x4096xi32>
    %and3A_1809 = arith.constant 32 : i32
    %and3A_1810 = vector.broadcast %and3A_1809 : i32 to vector<16x4096xi32>
    %and3A_1811 = arith.andi %iota3A_4, %and3A_1810 : vector<16x4096xi32>
    %ne3A_1812 = arith.constant 0 : i32
    %ne3A_1813 = vector.broadcast %ne3A_1812 : i32 to vector<16x4096xi32>
    %ne3A_1814 = arith.cmpi ne, %and3A_1811, %ne3A_1813 : vector<16x4096xi32>
    %roll3A_1815 = arith.constant 32 : i32
    %roll3A_1816 = tpu.dynamic_rotate %select_n3A_1807 by %roll3A_1815 dim 1 : vector<16x4096xf32>, i32 -> vector<16x4096xf32>
    %roll3A_1817 = arith.constant 4064 : i32
    %roll3A_1818 = tpu.dynamic_rotate %select_n3A_1807 by %roll3A_1817 dim 1 : vector<16x4096xf32>, i32 -> vector<16x4096xf32>
    %select_n3A_1819 = arith.select %ne3A_1814, %roll3A_1816, %roll3A_1818 : vector<16x4096xi1>, vector<16x4096xf32>
    %roll3A_1820 = arith.constant 32 : i32
    %roll3A_1821 = tpu.dynamic_rotate %select_n3A_1808 by %roll3A_1820 dim 1 : vector<16x4096xi32>, i32 -> vector<16x4096xi32>
    %roll3A_1822 = arith.constant 4064 : i32
    %roll3A_1823 = tpu.dynamic_rotate %select_n3A_1808 by %roll3A_1822 dim 1 : vector<16x4096xi32>, i32 -> vector<16x4096xi32>
    %select_n3A_1824 = arith.select %ne3A_1814, %roll3A_1821, %roll3A_1823 : vector<16x4096xi1>, vector<16x4096xi32>
    %gt3A_1825 = arith.cmpf ogt, %select_n3A_1807, %select_n3A_1819 : vector<16x4096xf32>
    %eq3A_1826 = arith.cmpf oeq, %select_n3A_1807, %select_n3A_1819 : vector<16x4096xf32>
    %lt3A_1827 = arith.cmpi slt, %select_n3A_1808, %select_n3A_1824 : vector<16x4096xi32>
    %and3A_1828 = arith.andi %eq3A_1826, %lt3A_1827 : vector<16x4096xi1>
    %or3A_1829 = arith.ori %gt3A_1825, %and3A_1828 : vector<16x4096xi1>
    %not3A_1830 = arith.constant dense<true> : vector<16x4096xi1>
    %not3A_1831 = arith.xori %ne3A_1814, %not3A_1830 : vector<16x4096xi1>
    %and3A_1832 = arith.constant 1024 : i32
    %and3A_1833 = vector.broadcast %and3A_1832 : i32 to vector<16x4096xi32>
    %and3A_1834 = arith.andi %iota3A_4, %and3A_1833 : vector<16x4096xi32>
    %eq3A_1835 = arith.constant 0 : i32
    %eq3A_1836 = vector.broadcast %eq3A_1835 : i32 to vector<16x4096xi32>
    %eq3A_1837 = arith.cmpi eq, %and3A_1834, %eq3A_1836 : vector<16x4096xi32>
    %eq3A_1838 = arith.xori %not3A_1831, %or3A_1829 : vector<16x4096xi1>
    %eq3A_1839 = arith.constant dense<true> : vector<16x4096xi1>
    %eq3A_1840 = arith.xori %eq3A_1838, %eq3A_1839 : vector<16x4096xi1>
    %eq3A_1841 = arith.xori %eq3A_1837, %eq3A_1840 : vector<16x4096xi1>
    %eq3A_1842 = arith.constant dense<true> : vector<16x4096xi1>
    %eq3A_1843 = arith.xori %eq3A_1841, %eq3A_1842 : vector<16x4096xi1>
    %select_n3A_1844 = arith.select %eq3A_1843, %select_n3A_1807, %select_n3A_1819 : vector<16x4096xi1>, vector<16x4096xf32>
    %select_n3A_1845 = arith.select %eq3A_1843, %select_n3A_1808, %select_n3A_1824 : vector<16x4096xi1>, vector<16x4096xi32>
    %and3A_1846 = arith.constant 16 : i32
    %and3A_1847 = vector.broadcast %and3A_1846 : i32 to vector<16x4096xi32>
    %and3A_1848 = arith.andi %iota3A_4, %and3A_1847 : vector<16x4096xi32>
    %ne3A_1849 = arith.constant 0 : i32
    %ne3A_1850 = vector.broadcast %ne3A_1849 : i32 to vector<16x4096xi32>
    %ne3A_1851 = arith.cmpi ne, %and3A_1848, %ne3A_1850 : vector<16x4096xi32>
    %roll3A_1852 = arith.constant 16 : i32
    %roll3A_1853 = tpu.dynamic_rotate %select_n3A_1844 by %roll3A_1852 dim 1 : vector<16x4096xf32>, i32 -> vector<16x4096xf32>
    %roll3A_1854 = arith.constant 4080 : i32
    %roll3A_1855 = tpu.dynamic_rotate %select_n3A_1844 by %roll3A_1854 dim 1 : vector<16x4096xf32>, i32 -> vector<16x4096xf32>
    %select_n3A_1856 = arith.select %ne3A_1851, %roll3A_1853, %roll3A_1855 : vector<16x4096xi1>, vector<16x4096xf32>
    %roll3A_1857 = arith.constant 16 : i32
    %roll3A_1858 = tpu.dynamic_rotate %select_n3A_1845 by %roll3A_1857 dim 1 : vector<16x4096xi32>, i32 -> vector<16x4096xi32>
    %roll3A_1859 = arith.constant 4080 : i32
    %roll3A_1860 = tpu.dynamic_rotate %select_n3A_1845 by %roll3A_1859 dim 1 : vector<16x4096xi32>, i32 -> vector<16x4096xi32>
    %select_n3A_1861 = arith.select %ne3A_1851, %roll3A_1858, %roll3A_1860 : vector<16x4096xi1>, vector<16x4096xi32>
    %gt3A_1862 = arith.cmpf ogt, %select_n3A_1844, %select_n3A_1856 : vector<16x4096xf32>
    %eq3A_1863 = arith.cmpf oeq, %select_n3A_1844, %select_n3A_1856 : vector<16x4096xf32>
    %lt3A_1864 = arith.cmpi slt, %select_n3A_1845, %select_n3A_1861 : vector<16x4096xi32>
    %and3A_1865 = arith.andi %eq3A_1863, %lt3A_1864 : vector<16x4096xi1>
    %or3A_1866 = arith.ori %gt3A_1862, %and3A_1865 : vector<16x4096xi1>
    %not3A_1867 = arith.constant dense<true> : vector<16x4096xi1>
    %not3A_1868 = arith.xori %ne3A_1851, %not3A_1867 : vector<16x4096xi1>
    %and3A_1869 = arith.constant 1024 : i32
    %and3A_1870 = vector.broadcast %and3A_1869 : i32 to vector<16x4096xi32>
    %and3A_1871 = arith.andi %iota3A_4, %and3A_1870 : vector<16x4096xi32>
    %eq3A_1872 = arith.constant 0 : i32
    %eq3A_1873 = vector.broadcast %eq3A_1872 : i32 to vector<16x4096xi32>
    %eq3A_1874 = arith.cmpi eq, %and3A_1871, %eq3A_1873 : vector<16x4096xi32>
    %eq3A_1875 = arith.xori %not3A_1868, %or3A_1866 : vector<16x4096xi1>
    %eq3A_1876 = arith.constant dense<true> : vector<16x4096xi1>
    %eq3A_1877 = arith.xori %eq3A_1875, %eq3A_1876 : vector<16x4096xi1>
    %eq3A_1878 = arith.xori %eq3A_1874, %eq3A_1877 : vector<16x4096xi1>
    %eq3A_1879 = arith.constant dense<true> : vector<16x4096xi1>
    %eq3A_1880 = arith.xori %eq3A_1878, %eq3A_1879 : vector<16x4096xi1>
    %select_n3A_1881 = arith.select %eq3A_1880, %select_n3A_1844, %select_n3A_1856 : vector<16x4096xi1>, vector<16x4096xf32>
    %select_n3A_1882 = arith.select %eq3A_1880, %select_n3A_1845, %select_n3A_1861 : vector<16x4096xi1>, vector<16x4096xi32>
    %and3A_1883 = arith.constant 8 : i32
    %and3A_1884 = vector.broadcast %and3A_1883 : i32 to vector<16x4096xi32>
    %and3A_1885 = arith.andi %iota3A_4, %and3A_1884 : vector<16x4096xi32>
    %ne3A_1886 = arith.constant 0 : i32
    %ne3A_1887 = vector.broadcast %ne3A_1886 : i32 to vector<16x4096xi32>
    %ne3A_1888 = arith.cmpi ne, %and3A_1885, %ne3A_1887 : vector<16x4096xi32>
    %roll3A_1889 = arith.constant 8 : i32
    %roll3A_1890 = tpu.dynamic_rotate %select_n3A_1881 by %roll3A_1889 dim 1 : vector<16x4096xf32>, i32 -> vector<16x4096xf32>
    %roll3A_1891 = arith.constant 4088 : i32
    %roll3A_1892 = tpu.dynamic_rotate %select_n3A_1881 by %roll3A_1891 dim 1 : vector<16x4096xf32>, i32 -> vector<16x4096xf32>
    %select_n3A_1893 = arith.select %ne3A_1888, %roll3A_1890, %roll3A_1892 : vector<16x4096xi1>, vector<16x4096xf32>
    %roll3A_1894 = arith.constant 8 : i32
    %roll3A_1895 = tpu.dynamic_rotate %select_n3A_1882 by %roll3A_1894 dim 1 : vector<16x4096xi32>, i32 -> vector<16x4096xi32>
    %roll3A_1896 = arith.constant 4088 : i32
    %roll3A_1897 = tpu.dynamic_rotate %select_n3A_1882 by %roll3A_1896 dim 1 : vector<16x4096xi32>, i32 -> vector<16x4096xi32>
    %select_n3A_1898 = arith.select %ne3A_1888, %roll3A_1895, %roll3A_1897 : vector<16x4096xi1>, vector<16x4096xi32>
    %gt3A_1899 = arith.cmpf ogt, %select_n3A_1881, %select_n3A_1893 : vector<16x4096xf32>
    %eq3A_1900 = arith.cmpf oeq, %select_n3A_1881, %select_n3A_1893 : vector<16x4096xf32>
    %lt3A_1901 = arith.cmpi slt, %select_n3A_1882, %select_n3A_1898 : vector<16x4096xi32>
    %and3A_1902 = arith.andi %eq3A_1900, %lt3A_1901 : vector<16x4096xi1>
    %or3A_1903 = arith.ori %gt3A_1899, %and3A_1902 : vector<16x4096xi1>
    %not3A_1904 = arith.constant dense<true> : vector<16x4096xi1>
    %not3A_1905 = arith.xori %ne3A_1888, %not3A_1904 : vector<16x4096xi1>
    %and3A_1906 = arith.constant 1024 : i32
    %and3A_1907 = vector.broadcast %and3A_1906 : i32 to vector<16x4096xi32>
    %and3A_1908 = arith.andi %iota3A_4, %and3A_1907 : vector<16x4096xi32>
    %eq3A_1909 = arith.constant 0 : i32
    %eq3A_1910 = vector.broadcast %eq3A_1909 : i32 to vector<16x4096xi32>
    %eq3A_1911 = arith.cmpi eq, %and3A_1908, %eq3A_1910 : vector<16x4096xi32>
    %eq3A_1912 = arith.xori %not3A_1905, %or3A_1903 : vector<16x4096xi1>
    %eq3A_1913 = arith.constant dense<true> : vector<16x4096xi1>
    %eq3A_1914 = arith.xori %eq3A_1912, %eq3A_1913 : vector<16x4096xi1>
    %eq3A_1915 = arith.xori %eq3A_1911, %eq3A_1914 : vector<16x4096xi1>
    %eq3A_1916 = arith.constant dense<true> : vector<16x4096xi1>
    %eq3A_1917 = arith.xori %eq3A_1915, %eq3A_1916 : vector<16x4096xi1>
    %select_n3A_1918 = arith.select %eq3A_1917, %select_n3A_1881, %select_n3A_1893 : vector<16x4096xi1>, vector<16x4096xf32>
    %select_n3A_1919 = arith.select %eq3A_1917, %select_n3A_1882, %select_n3A_1898 : vector<16x4096xi1>, vector<16x4096xi32>
    %and3A_1920 = arith.constant 4 : i32
    %and3A_1921 = vector.broadcast %and3A_1920 : i32 to vector<16x4096xi32>
    %and3A_1922 = arith.andi %iota3A_4, %and3A_1921 : vector<16x4096xi32>
    %ne3A_1923 = arith.constant 0 : i32
    %ne3A_1924 = vector.broadcast %ne3A_1923 : i32 to vector<16x4096xi32>
    %ne3A_1925 = arith.cmpi ne, %and3A_1922, %ne3A_1924 : vector<16x4096xi32>
    %roll3A_1926 = arith.constant 4 : i32
    %roll3A_1927 = tpu.dynamic_rotate %select_n3A_1918 by %roll3A_1926 dim 1 : vector<16x4096xf32>, i32 -> vector<16x4096xf32>
    %roll3A_1928 = arith.constant 4092 : i32
    %roll3A_1929 = tpu.dynamic_rotate %select_n3A_1918 by %roll3A_1928 dim 1 : vector<16x4096xf32>, i32 -> vector<16x4096xf32>
    %select_n3A_1930 = arith.select %ne3A_1925, %roll3A_1927, %roll3A_1929 : vector<16x4096xi1>, vector<16x4096xf32>
    %roll3A_1931 = arith.constant 4 : i32
    %roll3A_1932 = tpu.dynamic_rotate %select_n3A_1919 by %roll3A_1931 dim 1 : vector<16x4096xi32>, i32 -> vector<16x4096xi32>
    %roll3A_1933 = arith.constant 4092 : i32
    %roll3A_1934 = tpu.dynamic_rotate %select_n3A_1919 by %roll3A_1933 dim 1 : vector<16x4096xi32>, i32 -> vector<16x4096xi32>
    %select_n3A_1935 = arith.select %ne3A_1925, %roll3A_1932, %roll3A_1934 : vector<16x4096xi1>, vector<16x4096xi32>
    %gt3A_1936 = arith.cmpf ogt, %select_n3A_1918, %select_n3A_1930 : vector<16x4096xf32>
    %eq3A_1937 = arith.cmpf oeq, %select_n3A_1918, %select_n3A_1930 : vector<16x4096xf32>
    %lt3A_1938 = arith.cmpi slt, %select_n3A_1919, %select_n3A_1935 : vector<16x4096xi32>
    %and3A_1939 = arith.andi %eq3A_1937, %lt3A_1938 : vector<16x4096xi1>
    %or3A_1940 = arith.ori %gt3A_1936, %and3A_1939 : vector<16x4096xi1>
    %not3A_1941 = arith.constant dense<true> : vector<16x4096xi1>
    %not3A_1942 = arith.xori %ne3A_1925, %not3A_1941 : vector<16x4096xi1>
    %and3A_1943 = arith.constant 1024 : i32
    %and3A_1944 = vector.broadcast %and3A_1943 : i32 to vector<16x4096xi32>
    %and3A_1945 = arith.andi %iota3A_4, %and3A_1944 : vector<16x4096xi32>
    %eq3A_1946 = arith.constant 0 : i32
    %eq3A_1947 = vector.broadcast %eq3A_1946 : i32 to vector<16x4096xi32>
    %eq3A_1948 = arith.cmpi eq, %and3A_1945, %eq3A_1947 : vector<16x4096xi32>
    %eq3A_1949 = arith.xori %not3A_1942, %or3A_1940 : vector<16x4096xi1>
    %eq3A_1950 = arith.constant dense<true> : vector<16x4096xi1>
    %eq3A_1951 = arith.xori %eq3A_1949, %eq3A_1950 : vector<16x4096xi1>
    %eq3A_1952 = arith.xori %eq3A_1948, %eq3A_1951 : vector<16x4096xi1>
    %eq3A_1953 = arith.constant dense<true> : vector<16x4096xi1>
    %eq3A_1954 = arith.xori %eq3A_1952, %eq3A_1953 : vector<16x4096xi1>
    %select_n3A_1955 = arith.select %eq3A_1954, %select_n3A_1918, %select_n3A_1930 : vector<16x4096xi1>, vector<16x4096xf32>
    %select_n3A_1956 = arith.select %eq3A_1954, %select_n3A_1919, %select_n3A_1935 : vector<16x4096xi1>, vector<16x4096xi32>
    %and3A_1957 = arith.constant 2 : i32
    %and3A_1958 = vector.broadcast %and3A_1957 : i32 to vector<16x4096xi32>
    %and3A_1959 = arith.andi %iota3A_4, %and3A_1958 : vector<16x4096xi32>
    %ne3A_1960 = arith.constant 0 : i32
    %ne3A_1961 = vector.broadcast %ne3A_1960 : i32 to vector<16x4096xi32>
    %ne3A_1962 = arith.cmpi ne, %and3A_1959, %ne3A_1961 : vector<16x4096xi32>
    %roll3A_1963 = arith.constant 2 : i32
    %roll3A_1964 = tpu.dynamic_rotate %select_n3A_1955 by %roll3A_1963 dim 1 : vector<16x4096xf32>, i32 -> vector<16x4096xf32>
    %roll3A_1965 = arith.constant 4094 : i32
    %roll3A_1966 = tpu.dynamic_rotate %select_n3A_1955 by %roll3A_1965 dim 1 : vector<16x4096xf32>, i32 -> vector<16x4096xf32>
    %select_n3A_1967 = arith.select %ne3A_1962, %roll3A_1964, %roll3A_1966 : vector<16x4096xi1>, vector<16x4096xf32>
    %roll3A_1968 = arith.constant 2 : i32
    %roll3A_1969 = tpu.dynamic_rotate %select_n3A_1956 by %roll3A_1968 dim 1 : vector<16x4096xi32>, i32 -> vector<16x4096xi32>
    %roll3A_1970 = arith.constant 4094 : i32
    %roll3A_1971 = tpu.dynamic_rotate %select_n3A_1956 by %roll3A_1970 dim 1 : vector<16x4096xi32>, i32 -> vector<16x4096xi32>
    %select_n3A_1972 = arith.select %ne3A_1962, %roll3A_1969, %roll3A_1971 : vector<16x4096xi1>, vector<16x4096xi32>
    %gt3A_1973 = arith.cmpf ogt, %select_n3A_1955, %select_n3A_1967 : vector<16x4096xf32>
    %eq3A_1974 = arith.cmpf oeq, %select_n3A_1955, %select_n3A_1967 : vector<16x4096xf32>
    %lt3A_1975 = arith.cmpi slt, %select_n3A_1956, %select_n3A_1972 : vector<16x4096xi32>
    %and3A_1976 = arith.andi %eq3A_1974, %lt3A_1975 : vector<16x4096xi1>
    %or3A_1977 = arith.ori %gt3A_1973, %and3A_1976 : vector<16x4096xi1>
    %not3A_1978 = arith.constant dense<true> : vector<16x4096xi1>
    %not3A_1979 = arith.xori %ne3A_1962, %not3A_1978 : vector<16x4096xi1>
    %and3A_1980 = arith.constant 1024 : i32
    %and3A_1981 = vector.broadcast %and3A_1980 : i32 to vector<16x4096xi32>
    %and3A_1982 = arith.andi %iota3A_4, %and3A_1981 : vector<16x4096xi32>
    %eq3A_1983 = arith.constant 0 : i32
    %eq3A_1984 = vector.broadcast %eq3A_1983 : i32 to vector<16x4096xi32>
    %eq3A_1985 = arith.cmpi eq, %and3A_1982, %eq3A_1984 : vector<16x4096xi32>
    %eq3A_1986 = arith.xori %not3A_1979, %or3A_1977 : vector<16x4096xi1>
    %eq3A_1987 = arith.constant dense<true> : vector<16x4096xi1>
    %eq3A_1988 = arith.xori %eq3A_1986, %eq3A_1987 : vector<16x4096xi1>
    %eq3A_1989 = arith.xori %eq3A_1985, %eq3A_1988 : vector<16x4096xi1>
    %eq3A_1990 = arith.constant dense<true> : vector<16x4096xi1>
    %eq3A_1991 = arith.xori %eq3A_1989, %eq3A_1990 : vector<16x4096xi1>
    %select_n3A_1992 = arith.select %eq3A_1991, %select_n3A_1955, %select_n3A_1967 : vector<16x4096xi1>, vector<16x4096xf32>
    %select_n3A_1993 = arith.select %eq3A_1991, %select_n3A_1956, %select_n3A_1972 : vector<16x4096xi1>, vector<16x4096xi32>
    %and3A_1994 = arith.constant 1 : i32
    %and3A_1995 = vector.broadcast %and3A_1994 : i32 to vector<16x4096xi32>
    %and3A_1996 = arith.andi %iota3A_4, %and3A_1995 : vector<16x4096xi32>
    %ne3A_1997 = arith.constant 0 : i32
    %ne3A_1998 = vector.broadcast %ne3A_1997 : i32 to vector<16x4096xi32>
    %ne3A_1999 = arith.cmpi ne, %and3A_1996, %ne3A_1998 : vector<16x4096xi32>
    %roll3A_2000 = arith.constant 1 : i32
    %roll3A_2001 = tpu.dynamic_rotate %select_n3A_1992 by %roll3A_2000 dim 1 : vector<16x4096xf32>, i32 -> vector<16x4096xf32>
    %roll3A_2002 = arith.constant 4095 : i32
    %roll3A_2003 = tpu.dynamic_rotate %select_n3A_1992 by %roll3A_2002 dim 1 : vector<16x4096xf32>, i32 -> vector<16x4096xf32>
    %select_n3A_2004 = arith.select %ne3A_1999, %roll3A_2001, %roll3A_2003 : vector<16x4096xi1>, vector<16x4096xf32>
    %roll3A_2005 = arith.constant 1 : i32
    %roll3A_2006 = tpu.dynamic_rotate %select_n3A_1993 by %roll3A_2005 dim 1 : vector<16x4096xi32>, i32 -> vector<16x4096xi32>
    %roll3A_2007 = arith.constant 4095 : i32
    %roll3A_2008 = tpu.dynamic_rotate %select_n3A_1993 by %roll3A_2007 dim 1 : vector<16x4096xi32>, i32 -> vector<16x4096xi32>
    %select_n3A_2009 = arith.select %ne3A_1999, %roll3A_2006, %roll3A_2008 : vector<16x4096xi1>, vector<16x4096xi32>
    %gt3A_2010 = arith.cmpf ogt, %select_n3A_1992, %select_n3A_2004 : vector<16x4096xf32>
    %eq3A_2011 = arith.cmpf oeq, %select_n3A_1992, %select_n3A_2004 : vector<16x4096xf32>
    %lt3A_2012 = arith.cmpi slt, %select_n3A_1993, %select_n3A_2009 : vector<16x4096xi32>
    %and3A_2013 = arith.andi %eq3A_2011, %lt3A_2012 : vector<16x4096xi1>
    %or3A_2014 = arith.ori %gt3A_2010, %and3A_2013 : vector<16x4096xi1>
    %not3A_2015 = arith.constant dense<true> : vector<16x4096xi1>
    %not3A_2016 = arith.xori %ne3A_1999, %not3A_2015 : vector<16x4096xi1>
    %and3A_2017 = arith.constant 1024 : i32
    %and3A_2018 = vector.broadcast %and3A_2017 : i32 to vector<16x4096xi32>
    %and3A_2019 = arith.andi %iota3A_4, %and3A_2018 : vector<16x4096xi32>
    %eq3A_2020 = arith.constant 0 : i32
    %eq3A_2021 = vector.broadcast %eq3A_2020 : i32 to vector<16x4096xi32>
    %eq3A_2022 = arith.cmpi eq, %and3A_2019, %eq3A_2021 : vector<16x4096xi32>
    %eq3A_2023 = arith.xori %not3A_2016, %or3A_2014 : vector<16x4096xi1>
    %eq3A_2024 = arith.constant dense<true> : vector<16x4096xi1>
    %eq3A_2025 = arith.xori %eq3A_2023, %eq3A_2024 : vector<16x4096xi1>
    %eq3A_2026 = arith.xori %eq3A_2022, %eq3A_2025 : vector<16x4096xi1>
    %eq3A_2027 = arith.constant dense<true> : vector<16x4096xi1>
    %eq3A_2028 = arith.xori %eq3A_2026, %eq3A_2027 : vector<16x4096xi1>
    %select_n3A_2029 = arith.select %eq3A_2028, %select_n3A_1992, %select_n3A_2004 : vector<16x4096xi1>, vector<16x4096xf32>
    %select_n3A_2030 = arith.select %eq3A_2028, %select_n3A_1993, %select_n3A_2009 : vector<16x4096xi1>, vector<16x4096xi32>
    %and3A_2031 = arith.constant 1024 : i32
    %and3A_2032 = vector.broadcast %and3A_2031 : i32 to vector<16x4096xi32>
    %and3A_2033 = arith.andi %iota3A_4, %and3A_2032 : vector<16x4096xi32>
    %ne3A_2034 = arith.constant 0 : i32
    %ne3A_2035 = vector.broadcast %ne3A_2034 : i32 to vector<16x4096xi32>
    %ne3A_2036 = arith.cmpi ne, %and3A_2033, %ne3A_2035 : vector<16x4096xi32>
    %roll3A_2037 = arith.constant 1024 : i32
    %roll3A_2038 = tpu.dynamic_rotate %select_n3A_2029 by %roll3A_2037 dim 1 : vector<16x4096xf32>, i32 -> vector<16x4096xf32>
    %roll3A_2039 = arith.constant 3072 : i32
    %roll3A_2040 = tpu.dynamic_rotate %select_n3A_2029 by %roll3A_2039 dim 1 : vector<16x4096xf32>, i32 -> vector<16x4096xf32>
    %select_n3A_2041 = arith.select %ne3A_2036, %roll3A_2038, %roll3A_2040 : vector<16x4096xi1>, vector<16x4096xf32>
    %roll3A_2042 = arith.constant 1024 : i32
    %roll3A_2043 = tpu.dynamic_rotate %select_n3A_2030 by %roll3A_2042 dim 1 : vector<16x4096xi32>, i32 -> vector<16x4096xi32>
    %roll3A_2044 = arith.constant 3072 : i32
    %roll3A_2045 = tpu.dynamic_rotate %select_n3A_2030 by %roll3A_2044 dim 1 : vector<16x4096xi32>, i32 -> vector<16x4096xi32>
    %select_n3A_2046 = arith.select %ne3A_2036, %roll3A_2043, %roll3A_2045 : vector<16x4096xi1>, vector<16x4096xi32>
    %gt3A_2047 = arith.cmpf ogt, %select_n3A_2029, %select_n3A_2041 : vector<16x4096xf32>
    %eq3A_2048 = arith.cmpf oeq, %select_n3A_2029, %select_n3A_2041 : vector<16x4096xf32>
    %lt3A_2049 = arith.cmpi slt, %select_n3A_2030, %select_n3A_2046 : vector<16x4096xi32>
    %and3A_2050 = arith.andi %eq3A_2048, %lt3A_2049 : vector<16x4096xi1>
    %or3A_2051 = arith.ori %gt3A_2047, %and3A_2050 : vector<16x4096xi1>
    %not3A_2052 = arith.constant dense<true> : vector<16x4096xi1>
    %not3A_2053 = arith.xori %ne3A_2036, %not3A_2052 : vector<16x4096xi1>
    %and3A_2054 = arith.constant 2048 : i32
    %and3A_2055 = vector.broadcast %and3A_2054 : i32 to vector<16x4096xi32>
    %and3A_2056 = arith.andi %iota3A_4, %and3A_2055 : vector<16x4096xi32>
    %eq3A_2057 = arith.constant 0 : i32
    %eq3A_2058 = vector.broadcast %eq3A_2057 : i32 to vector<16x4096xi32>
    %eq3A_2059 = arith.cmpi eq, %and3A_2056, %eq3A_2058 : vector<16x4096xi32>
    %eq3A_2060 = arith.xori %not3A_2053, %or3A_2051 : vector<16x4096xi1>
    %eq3A_2061 = arith.constant dense<true> : vector<16x4096xi1>
    %eq3A_2062 = arith.xori %eq3A_2060, %eq3A_2061 : vector<16x4096xi1>
    %eq3A_2063 = arith.xori %eq3A_2059, %eq3A_2062 : vector<16x4096xi1>
    %eq3A_2064 = arith.constant dense<true> : vector<16x4096xi1>
    %eq3A_2065 = arith.xori %eq3A_2063, %eq3A_2064 : vector<16x4096xi1>
    %select_n3A_2066 = arith.select %eq3A_2065, %select_n3A_2029, %select_n3A_2041 : vector<16x4096xi1>, vector<16x4096xf32>
    %select_n3A_2067 = arith.select %eq3A_2065, %select_n3A_2030, %select_n3A_2046 : vector<16x4096xi1>, vector<16x4096xi32>
    %and3A_2068 = arith.constant 512 : i32
    %and3A_2069 = vector.broadcast %and3A_2068 : i32 to vector<16x4096xi32>
    %and3A_2070 = arith.andi %iota3A_4, %and3A_2069 : vector<16x4096xi32>
    %ne3A_2071 = arith.constant 0 : i32
    %ne3A_2072 = vector.broadcast %ne3A_2071 : i32 to vector<16x4096xi32>
    %ne3A_2073 = arith.cmpi ne, %and3A_2070, %ne3A_2072 : vector<16x4096xi32>
    %roll3A_2074 = arith.constant 512 : i32
    %roll3A_2075 = tpu.dynamic_rotate %select_n3A_2066 by %roll3A_2074 dim 1 : vector<16x4096xf32>, i32 -> vector<16x4096xf32>
    %roll3A_2076 = arith.constant 3584 : i32
    %roll3A_2077 = tpu.dynamic_rotate %select_n3A_2066 by %roll3A_2076 dim 1 : vector<16x4096xf32>, i32 -> vector<16x4096xf32>
    %select_n3A_2078 = arith.select %ne3A_2073, %roll3A_2075, %roll3A_2077 : vector<16x4096xi1>, vector<16x4096xf32>
    %roll3A_2079 = arith.constant 512 : i32
    %roll3A_2080 = tpu.dynamic_rotate %select_n3A_2067 by %roll3A_2079 dim 1 : vector<16x4096xi32>, i32 -> vector<16x4096xi32>
    %roll3A_2081 = arith.constant 3584 : i32
    %roll3A_2082 = tpu.dynamic_rotate %select_n3A_2067 by %roll3A_2081 dim 1 : vector<16x4096xi32>, i32 -> vector<16x4096xi32>
    %select_n3A_2083 = arith.select %ne3A_2073, %roll3A_2080, %roll3A_2082 : vector<16x4096xi1>, vector<16x4096xi32>
    %gt3A_2084 = arith.cmpf ogt, %select_n3A_2066, %select_n3A_2078 : vector<16x4096xf32>
    %eq3A_2085 = arith.cmpf oeq, %select_n3A_2066, %select_n3A_2078 : vector<16x4096xf32>
    %lt3A_2086 = arith.cmpi slt, %select_n3A_2067, %select_n3A_2083 : vector<16x4096xi32>
    %and3A_2087 = arith.andi %eq3A_2085, %lt3A_2086 : vector<16x4096xi1>
    %or3A_2088 = arith.ori %gt3A_2084, %and3A_2087 : vector<16x4096xi1>
    %not3A_2089 = arith.constant dense<true> : vector<16x4096xi1>
    %not3A_2090 = arith.xori %ne3A_2073, %not3A_2089 : vector<16x4096xi1>
    %and3A_2091 = arith.constant 2048 : i32
    %and3A_2092 = vector.broadcast %and3A_2091 : i32 to vector<16x4096xi32>
    %and3A_2093 = arith.andi %iota3A_4, %and3A_2092 : vector<16x4096xi32>
    %eq3A_2094 = arith.constant 0 : i32
    %eq3A_2095 = vector.broadcast %eq3A_2094 : i32 to vector<16x4096xi32>
    %eq3A_2096 = arith.cmpi eq, %and3A_2093, %eq3A_2095 : vector<16x4096xi32>
    %eq3A_2097 = arith.xori %not3A_2090, %or3A_2088 : vector<16x4096xi1>
    %eq3A_2098 = arith.constant dense<true> : vector<16x4096xi1>
    %eq3A_2099 = arith.xori %eq3A_2097, %eq3A_2098 : vector<16x4096xi1>
    %eq3A_2100 = arith.xori %eq3A_2096, %eq3A_2099 : vector<16x4096xi1>
    %eq3A_2101 = arith.constant dense<true> : vector<16x4096xi1>
    %eq3A_2102 = arith.xori %eq3A_2100, %eq3A_2101 : vector<16x4096xi1>
    %select_n3A_2103 = arith.select %eq3A_2102, %select_n3A_2066, %select_n3A_2078 : vector<16x4096xi1>, vector<16x4096xf32>
    %select_n3A_2104 = arith.select %eq3A_2102, %select_n3A_2067, %select_n3A_2083 : vector<16x4096xi1>, vector<16x4096xi32>
    %and3A_2105 = arith.constant 256 : i32
    %and3A_2106 = vector.broadcast %and3A_2105 : i32 to vector<16x4096xi32>
    %and3A_2107 = arith.andi %iota3A_4, %and3A_2106 : vector<16x4096xi32>
    %ne3A_2108 = arith.constant 0 : i32
    %ne3A_2109 = vector.broadcast %ne3A_2108 : i32 to vector<16x4096xi32>
    %ne3A_2110 = arith.cmpi ne, %and3A_2107, %ne3A_2109 : vector<16x4096xi32>
    %roll3A_2111 = arith.constant 256 : i32
    %roll3A_2112 = tpu.dynamic_rotate %select_n3A_2103 by %roll3A_2111 dim 1 : vector<16x4096xf32>, i32 -> vector<16x4096xf32>
    %roll3A_2113 = arith.constant 3840 : i32
    %roll3A_2114 = tpu.dynamic_rotate %select_n3A_2103 by %roll3A_2113 dim 1 : vector<16x4096xf32>, i32 -> vector<16x4096xf32>
    %select_n3A_2115 = arith.select %ne3A_2110, %roll3A_2112, %roll3A_2114 : vector<16x4096xi1>, vector<16x4096xf32>
    %roll3A_2116 = arith.constant 256 : i32
    %roll3A_2117 = tpu.dynamic_rotate %select_n3A_2104 by %roll3A_2116 dim 1 : vector<16x4096xi32>, i32 -> vector<16x4096xi32>
    %roll3A_2118 = arith.constant 3840 : i32
    %roll3A_2119 = tpu.dynamic_rotate %select_n3A_2104 by %roll3A_2118 dim 1 : vector<16x4096xi32>, i32 -> vector<16x4096xi32>
    %select_n3A_2120 = arith.select %ne3A_2110, %roll3A_2117, %roll3A_2119 : vector<16x4096xi1>, vector<16x4096xi32>
    %gt3A_2121 = arith.cmpf ogt, %select_n3A_2103, %select_n3A_2115 : vector<16x4096xf32>
    %eq3A_2122 = arith.cmpf oeq, %select_n3A_2103, %select_n3A_2115 : vector<16x4096xf32>
    %lt3A_2123 = arith.cmpi slt, %select_n3A_2104, %select_n3A_2120 : vector<16x4096xi32>
    %and3A_2124 = arith.andi %eq3A_2122, %lt3A_2123 : vector<16x4096xi1>
    %or3A_2125 = arith.ori %gt3A_2121, %and3A_2124 : vector<16x4096xi1>
    %not3A_2126 = arith.constant dense<true> : vector<16x4096xi1>
    %not3A_2127 = arith.xori %ne3A_2110, %not3A_2126 : vector<16x4096xi1>
    %and3A_2128 = arith.constant 2048 : i32
    %and3A_2129 = vector.broadcast %and3A_2128 : i32 to vector<16x4096xi32>
    %and3A_2130 = arith.andi %iota3A_4, %and3A_2129 : vector<16x4096xi32>
    %eq3A_2131 = arith.constant 0 : i32
    %eq3A_2132 = vector.broadcast %eq3A_2131 : i32 to vector<16x4096xi32>
    %eq3A_2133 = arith.cmpi eq, %and3A_2130, %eq3A_2132 : vector<16x4096xi32>
    %eq3A_2134 = arith.xori %not3A_2127, %or3A_2125 : vector<16x4096xi1>
    %eq3A_2135 = arith.constant dense<true> : vector<16x4096xi1>
    %eq3A_2136 = arith.xori %eq3A_2134, %eq3A_2135 : vector<16x4096xi1>
    %eq3A_2137 = arith.xori %eq3A_2133, %eq3A_2136 : vector<16x4096xi1>
    %eq3A_2138 = arith.constant dense<true> : vector<16x4096xi1>
    %eq3A_2139 = arith.xori %eq3A_2137, %eq3A_2138 : vector<16x4096xi1>
    %select_n3A_2140 = arith.select %eq3A_2139, %select_n3A_2103, %select_n3A_2115 : vector<16x4096xi1>, vector<16x4096xf32>
    %select_n3A_2141 = arith.select %eq3A_2139, %select_n3A_2104, %select_n3A_2120 : vector<16x4096xi1>, vector<16x4096xi32>
    %and3A_2142 = arith.constant 128 : i32
    %and3A_2143 = vector.broadcast %and3A_2142 : i32 to vector<16x4096xi32>
    %and3A_2144 = arith.andi %iota3A_4, %and3A_2143 : vector<16x4096xi32>
    %ne3A_2145 = arith.constant 0 : i32
    %ne3A_2146 = vector.broadcast %ne3A_2145 : i32 to vector<16x4096xi32>
    %ne3A_2147 = arith.cmpi ne, %and3A_2144, %ne3A_2146 : vector<16x4096xi32>
    %roll3A_2148 = arith.constant 128 : i32
    %roll3A_2149 = tpu.dynamic_rotate %select_n3A_2140 by %roll3A_2148 dim 1 : vector<16x4096xf32>, i32 -> vector<16x4096xf32>
    %roll3A_2150 = arith.constant 3968 : i32
    %roll3A_2151 = tpu.dynamic_rotate %select_n3A_2140 by %roll3A_2150 dim 1 : vector<16x4096xf32>, i32 -> vector<16x4096xf32>
    %select_n3A_2152 = arith.select %ne3A_2147, %roll3A_2149, %roll3A_2151 : vector<16x4096xi1>, vector<16x4096xf32>
    %roll3A_2153 = arith.constant 128 : i32
    %roll3A_2154 = tpu.dynamic_rotate %select_n3A_2141 by %roll3A_2153 dim 1 : vector<16x4096xi32>, i32 -> vector<16x4096xi32>
    %roll3A_2155 = arith.constant 3968 : i32
    %roll3A_2156 = tpu.dynamic_rotate %select_n3A_2141 by %roll3A_2155 dim 1 : vector<16x4096xi32>, i32 -> vector<16x4096xi32>
    %select_n3A_2157 = arith.select %ne3A_2147, %roll3A_2154, %roll3A_2156 : vector<16x4096xi1>, vector<16x4096xi32>
    %gt3A_2158 = arith.cmpf ogt, %select_n3A_2140, %select_n3A_2152 : vector<16x4096xf32>
    %eq3A_2159 = arith.cmpf oeq, %select_n3A_2140, %select_n3A_2152 : vector<16x4096xf32>
    %lt3A_2160 = arith.cmpi slt, %select_n3A_2141, %select_n3A_2157 : vector<16x4096xi32>
    %and3A_2161 = arith.andi %eq3A_2159, %lt3A_2160 : vector<16x4096xi1>
    %or3A_2162 = arith.ori %gt3A_2158, %and3A_2161 : vector<16x4096xi1>
    %not3A_2163 = arith.constant dense<true> : vector<16x4096xi1>
    %not3A_2164 = arith.xori %ne3A_2147, %not3A_2163 : vector<16x4096xi1>
    %and3A_2165 = arith.constant 2048 : i32
    %and3A_2166 = vector.broadcast %and3A_2165 : i32 to vector<16x4096xi32>
    %and3A_2167 = arith.andi %iota3A_4, %and3A_2166 : vector<16x4096xi32>
    %eq3A_2168 = arith.constant 0 : i32
    %eq3A_2169 = vector.broadcast %eq3A_2168 : i32 to vector<16x4096xi32>
    %eq3A_2170 = arith.cmpi eq, %and3A_2167, %eq3A_2169 : vector<16x4096xi32>
    %eq3A_2171 = arith.xori %not3A_2164, %or3A_2162 : vector<16x4096xi1>
    %eq3A_2172 = arith.constant dense<true> : vector<16x4096xi1>
    %eq3A_2173 = arith.xori %eq3A_2171, %eq3A_2172 : vector<16x4096xi1>
    %eq3A_2174 = arith.xori %eq3A_2170, %eq3A_2173 : vector<16x4096xi1>
    %eq3A_2175 = arith.constant dense<true> : vector<16x4096xi1>
    %eq3A_2176 = arith.xori %eq3A_2174, %eq3A_2175 : vector<16x4096xi1>
    %select_n3A_2177 = arith.select %eq3A_2176, %select_n3A_2140, %select_n3A_2152 : vector<16x4096xi1>, vector<16x4096xf32>
    %select_n3A_2178 = arith.select %eq3A_2176, %select_n3A_2141, %select_n3A_2157 : vector<16x4096xi1>, vector<16x4096xi32>
    %and3A_2179 = arith.constant 64 : i32
    %and3A_2180 = vector.broadcast %and3A_2179 : i32 to vector<16x4096xi32>
    %and3A_2181 = arith.andi %iota3A_4, %and3A_2180 : vector<16x4096xi32>
    %ne3A_2182 = arith.constant 0 : i32
    %ne3A_2183 = vector.broadcast %ne3A_2182 : i32 to vector<16x4096xi32>
    %ne3A_2184 = arith.cmpi ne, %and3A_2181, %ne3A_2183 : vector<16x4096xi32>
    %roll3A_2185 = arith.constant 64 : i32
    %roll3A_2186 = tpu.dynamic_rotate %select_n3A_2177 by %roll3A_2185 dim 1 : vector<16x4096xf32>, i32 -> vector<16x4096xf32>
    %roll3A_2187 = arith.constant 4032 : i32
    %roll3A_2188 = tpu.dynamic_rotate %select_n3A_2177 by %roll3A_2187 dim 1 : vector<16x4096xf32>, i32 -> vector<16x4096xf32>
    %select_n3A_2189 = arith.select %ne3A_2184, %roll3A_2186, %roll3A_2188 : vector<16x4096xi1>, vector<16x4096xf32>
    %roll3A_2190 = arith.constant 64 : i32
    %roll3A_2191 = tpu.dynamic_rotate %select_n3A_2178 by %roll3A_2190 dim 1 : vector<16x4096xi32>, i32 -> vector<16x4096xi32>
    %roll3A_2192 = arith.constant 4032 : i32
    %roll3A_2193 = tpu.dynamic_rotate %select_n3A_2178 by %roll3A_2192 dim 1 : vector<16x4096xi32>, i32 -> vector<16x4096xi32>
    %select_n3A_2194 = arith.select %ne3A_2184, %roll3A_2191, %roll3A_2193 : vector<16x4096xi1>, vector<16x4096xi32>
    %gt3A_2195 = arith.cmpf ogt, %select_n3A_2177, %select_n3A_2189 : vector<16x4096xf32>
    %eq3A_2196 = arith.cmpf oeq, %select_n3A_2177, %select_n3A_2189 : vector<16x4096xf32>
    %lt3A_2197 = arith.cmpi slt, %select_n3A_2178, %select_n3A_2194 : vector<16x4096xi32>
    %and3A_2198 = arith.andi %eq3A_2196, %lt3A_2197 : vector<16x4096xi1>
    %or3A_2199 = arith.ori %gt3A_2195, %and3A_2198 : vector<16x4096xi1>
    %not3A_2200 = arith.constant dense<true> : vector<16x4096xi1>
    %not3A_2201 = arith.xori %ne3A_2184, %not3A_2200 : vector<16x4096xi1>
    %and3A_2202 = arith.constant 2048 : i32
    %and3A_2203 = vector.broadcast %and3A_2202 : i32 to vector<16x4096xi32>
    %and3A_2204 = arith.andi %iota3A_4, %and3A_2203 : vector<16x4096xi32>
    %eq3A_2205 = arith.constant 0 : i32
    %eq3A_2206 = vector.broadcast %eq3A_2205 : i32 to vector<16x4096xi32>
    %eq3A_2207 = arith.cmpi eq, %and3A_2204, %eq3A_2206 : vector<16x4096xi32>
    %eq3A_2208 = arith.xori %not3A_2201, %or3A_2199 : vector<16x4096xi1>
    %eq3A_2209 = arith.constant dense<true> : vector<16x4096xi1>
    %eq3A_2210 = arith.xori %eq3A_2208, %eq3A_2209 : vector<16x4096xi1>
    %eq3A_2211 = arith.xori %eq3A_2207, %eq3A_2210 : vector<16x4096xi1>
    %eq3A_2212 = arith.constant dense<true> : vector<16x4096xi1>
    %eq3A_2213 = arith.xori %eq3A_2211, %eq3A_2212 : vector<16x4096xi1>
    %select_n3A_2214 = arith.select %eq3A_2213, %select_n3A_2177, %select_n3A_2189 : vector<16x4096xi1>, vector<16x4096xf32>
    %select_n3A_2215 = arith.select %eq3A_2213, %select_n3A_2178, %select_n3A_2194 : vector<16x4096xi1>, vector<16x4096xi32>
    %and3A_2216 = arith.constant 32 : i32
    %and3A_2217 = vector.broadcast %and3A_2216 : i32 to vector<16x4096xi32>
    %and3A_2218 = arith.andi %iota3A_4, %and3A_2217 : vector<16x4096xi32>
    %ne3A_2219 = arith.constant 0 : i32
    %ne3A_2220 = vector.broadcast %ne3A_2219 : i32 to vector<16x4096xi32>
    %ne3A_2221 = arith.cmpi ne, %and3A_2218, %ne3A_2220 : vector<16x4096xi32>
    %roll3A_2222 = arith.constant 32 : i32
    %roll3A_2223 = tpu.dynamic_rotate %select_n3A_2214 by %roll3A_2222 dim 1 : vector<16x4096xf32>, i32 -> vector<16x4096xf32>
    %roll3A_2224 = arith.constant 4064 : i32
    %roll3A_2225 = tpu.dynamic_rotate %select_n3A_2214 by %roll3A_2224 dim 1 : vector<16x4096xf32>, i32 -> vector<16x4096xf32>
    %select_n3A_2226 = arith.select %ne3A_2221, %roll3A_2223, %roll3A_2225 : vector<16x4096xi1>, vector<16x4096xf32>
    %roll3A_2227 = arith.constant 32 : i32
    %roll3A_2228 = tpu.dynamic_rotate %select_n3A_2215 by %roll3A_2227 dim 1 : vector<16x4096xi32>, i32 -> vector<16x4096xi32>
    %roll3A_2229 = arith.constant 4064 : i32
    %roll3A_2230 = tpu.dynamic_rotate %select_n3A_2215 by %roll3A_2229 dim 1 : vector<16x4096xi32>, i32 -> vector<16x4096xi32>
    %select_n3A_2231 = arith.select %ne3A_2221, %roll3A_2228, %roll3A_2230 : vector<16x4096xi1>, vector<16x4096xi32>
    %gt3A_2232 = arith.cmpf ogt, %select_n3A_2214, %select_n3A_2226 : vector<16x4096xf32>
    %eq3A_2233 = arith.cmpf oeq, %select_n3A_2214, %select_n3A_2226 : vector<16x4096xf32>
    %lt3A_2234 = arith.cmpi slt, %select_n3A_2215, %select_n3A_2231 : vector<16x4096xi32>
    %and3A_2235 = arith.andi %eq3A_2233, %lt3A_2234 : vector<16x4096xi1>
    %or3A_2236 = arith.ori %gt3A_2232, %and3A_2235 : vector<16x4096xi1>
    %not3A_2237 = arith.constant dense<true> : vector<16x4096xi1>
    %not3A_2238 = arith.xori %ne3A_2221, %not3A_2237 : vector<16x4096xi1>
    %and3A_2239 = arith.constant 2048 : i32
    %and3A_2240 = vector.broadcast %and3A_2239 : i32 to vector<16x4096xi32>
    %and3A_2241 = arith.andi %iota3A_4, %and3A_2240 : vector<16x4096xi32>
    %eq3A_2242 = arith.constant 0 : i32
    %eq3A_2243 = vector.broadcast %eq3A_2242 : i32 to vector<16x4096xi32>
    %eq3A_2244 = arith.cmpi eq, %and3A_2241, %eq3A_2243 : vector<16x4096xi32>
    %eq3A_2245 = arith.xori %not3A_2238, %or3A_2236 : vector<16x4096xi1>
    %eq3A_2246 = arith.constant dense<true> : vector<16x4096xi1>
    %eq3A_2247 = arith.xori %eq3A_2245, %eq3A_2246 : vector<16x4096xi1>
    %eq3A_2248 = arith.xori %eq3A_2244, %eq3A_2247 : vector<16x4096xi1>
    %eq3A_2249 = arith.constant dense<true> : vector<16x4096xi1>
    %eq3A_2250 = arith.xori %eq3A_2248, %eq3A_2249 : vector<16x4096xi1>
    %select_n3A_2251 = arith.select %eq3A_2250, %select_n3A_2214, %select_n3A_2226 : vector<16x4096xi1>, vector<16x4096xf32>
    %select_n3A_2252 = arith.select %eq3A_2250, %select_n3A_2215, %select_n3A_2231 : vector<16x4096xi1>, vector<16x4096xi32>
    %and3A_2253 = arith.constant 16 : i32
    %and3A_2254 = vector.broadcast %and3A_2253 : i32 to vector<16x4096xi32>
    %and3A_2255 = arith.andi %iota3A_4, %and3A_2254 : vector<16x4096xi32>
    %ne3A_2256 = arith.constant 0 : i32
    %ne3A_2257 = vector.broadcast %ne3A_2256 : i32 to vector<16x4096xi32>
    %ne3A_2258 = arith.cmpi ne, %and3A_2255, %ne3A_2257 : vector<16x4096xi32>
    %roll3A_2259 = arith.constant 16 : i32
    %roll3A_2260 = tpu.dynamic_rotate %select_n3A_2251 by %roll3A_2259 dim 1 : vector<16x4096xf32>, i32 -> vector<16x4096xf32>
    %roll3A_2261 = arith.constant 4080 : i32
    %roll3A_2262 = tpu.dynamic_rotate %select_n3A_2251 by %roll3A_2261 dim 1 : vector<16x4096xf32>, i32 -> vector<16x4096xf32>
    %select_n3A_2263 = arith.select %ne3A_2258, %roll3A_2260, %roll3A_2262 : vector<16x4096xi1>, vector<16x4096xf32>
    %roll3A_2264 = arith.constant 16 : i32
    %roll3A_2265 = tpu.dynamic_rotate %select_n3A_2252 by %roll3A_2264 dim 1 : vector<16x4096xi32>, i32 -> vector<16x4096xi32>
    %roll3A_2266 = arith.constant 4080 : i32
    %roll3A_2267 = tpu.dynamic_rotate %select_n3A_2252 by %roll3A_2266 dim 1 : vector<16x4096xi32>, i32 -> vector<16x4096xi32>
    %select_n3A_2268 = arith.select %ne3A_2258, %roll3A_2265, %roll3A_2267 : vector<16x4096xi1>, vector<16x4096xi32>
    %gt3A_2269 = arith.cmpf ogt, %select_n3A_2251, %select_n3A_2263 : vector<16x4096xf32>
    %eq3A_2270 = arith.cmpf oeq, %select_n3A_2251, %select_n3A_2263 : vector<16x4096xf32>
    %lt3A_2271 = arith.cmpi slt, %select_n3A_2252, %select_n3A_2268 : vector<16x4096xi32>
    %and3A_2272 = arith.andi %eq3A_2270, %lt3A_2271 : vector<16x4096xi1>
    %or3A_2273 = arith.ori %gt3A_2269, %and3A_2272 : vector<16x4096xi1>
    %not3A_2274 = arith.constant dense<true> : vector<16x4096xi1>
    %not3A_2275 = arith.xori %ne3A_2258, %not3A_2274 : vector<16x4096xi1>
    %and3A_2276 = arith.constant 2048 : i32
    %and3A_2277 = vector.broadcast %and3A_2276 : i32 to vector<16x4096xi32>
    %and3A_2278 = arith.andi %iota3A_4, %and3A_2277 : vector<16x4096xi32>
    %eq3A_2279 = arith.constant 0 : i32
    %eq3A_2280 = vector.broadcast %eq3A_2279 : i32 to vector<16x4096xi32>
    %eq3A_2281 = arith.cmpi eq, %and3A_2278, %eq3A_2280 : vector<16x4096xi32>
    %eq3A_2282 = arith.xori %not3A_2275, %or3A_2273 : vector<16x4096xi1>
    %eq3A_2283 = arith.constant dense<true> : vector<16x4096xi1>
    %eq3A_2284 = arith.xori %eq3A_2282, %eq3A_2283 : vector<16x4096xi1>
    %eq3A_2285 = arith.xori %eq3A_2281, %eq3A_2284 : vector<16x4096xi1>
    %eq3A_2286 = arith.constant dense<true> : vector<16x4096xi1>
    %eq3A_2287 = arith.xori %eq3A_2285, %eq3A_2286 : vector<16x4096xi1>
    %select_n3A_2288 = arith.select %eq3A_2287, %select_n3A_2251, %select_n3A_2263 : vector<16x4096xi1>, vector<16x4096xf32>
    %select_n3A_2289 = arith.select %eq3A_2287, %select_n3A_2252, %select_n3A_2268 : vector<16x4096xi1>, vector<16x4096xi32>
    %and3A_2290 = arith.constant 8 : i32
    %and3A_2291 = vector.broadcast %and3A_2290 : i32 to vector<16x4096xi32>
    %and3A_2292 = arith.andi %iota3A_4, %and3A_2291 : vector<16x4096xi32>
    %ne3A_2293 = arith.constant 0 : i32
    %ne3A_2294 = vector.broadcast %ne3A_2293 : i32 to vector<16x4096xi32>
    %ne3A_2295 = arith.cmpi ne, %and3A_2292, %ne3A_2294 : vector<16x4096xi32>
    %roll3A_2296 = arith.constant 8 : i32
    %roll3A_2297 = tpu.dynamic_rotate %select_n3A_2288 by %roll3A_2296 dim 1 : vector<16x4096xf32>, i32 -> vector<16x4096xf32>
    %roll3A_2298 = arith.constant 4088 : i32
    %roll3A_2299 = tpu.dynamic_rotate %select_n3A_2288 by %roll3A_2298 dim 1 : vector<16x4096xf32>, i32 -> vector<16x4096xf32>
    %select_n3A_2300 = arith.select %ne3A_2295, %roll3A_2297, %roll3A_2299 : vector<16x4096xi1>, vector<16x4096xf32>
    %roll3A_2301 = arith.constant 8 : i32
    %roll3A_2302 = tpu.dynamic_rotate %select_n3A_2289 by %roll3A_2301 dim 1 : vector<16x4096xi32>, i32 -> vector<16x4096xi32>
    %roll3A_2303 = arith.constant 4088 : i32
    %roll3A_2304 = tpu.dynamic_rotate %select_n3A_2289 by %roll3A_2303 dim 1 : vector<16x4096xi32>, i32 -> vector<16x4096xi32>
    %select_n3A_2305 = arith.select %ne3A_2295, %roll3A_2302, %roll3A_2304 : vector<16x4096xi1>, vector<16x4096xi32>
    %gt3A_2306 = arith.cmpf ogt, %select_n3A_2288, %select_n3A_2300 : vector<16x4096xf32>
    %eq3A_2307 = arith.cmpf oeq, %select_n3A_2288, %select_n3A_2300 : vector<16x4096xf32>
    %lt3A_2308 = arith.cmpi slt, %select_n3A_2289, %select_n3A_2305 : vector<16x4096xi32>
    %and3A_2309 = arith.andi %eq3A_2307, %lt3A_2308 : vector<16x4096xi1>
    %or3A_2310 = arith.ori %gt3A_2306, %and3A_2309 : vector<16x4096xi1>
    %not3A_2311 = arith.constant dense<true> : vector<16x4096xi1>
    %not3A_2312 = arith.xori %ne3A_2295, %not3A_2311 : vector<16x4096xi1>
    %and3A_2313 = arith.constant 2048 : i32
    %and3A_2314 = vector.broadcast %and3A_2313 : i32 to vector<16x4096xi32>
    %and3A_2315 = arith.andi %iota3A_4, %and3A_2314 : vector<16x4096xi32>
    %eq3A_2316 = arith.constant 0 : i32
    %eq3A_2317 = vector.broadcast %eq3A_2316 : i32 to vector<16x4096xi32>
    %eq3A_2318 = arith.cmpi eq, %and3A_2315, %eq3A_2317 : vector<16x4096xi32>
    %eq3A_2319 = arith.xori %not3A_2312, %or3A_2310 : vector<16x4096xi1>
    %eq3A_2320 = arith.constant dense<true> : vector<16x4096xi1>
    %eq3A_2321 = arith.xori %eq3A_2319, %eq3A_2320 : vector<16x4096xi1>
    %eq3A_2322 = arith.xori %eq3A_2318, %eq3A_2321 : vector<16x4096xi1>
    %eq3A_2323 = arith.constant dense<true> : vector<16x4096xi1>
    %eq3A_2324 = arith.xori %eq3A_2322, %eq3A_2323 : vector<16x4096xi1>
    %select_n3A_2325 = arith.select %eq3A_2324, %select_n3A_2288, %select_n3A_2300 : vector<16x4096xi1>, vector<16x4096xf32>
    %select_n3A_2326 = arith.select %eq3A_2324, %select_n3A_2289, %select_n3A_2305 : vector<16x4096xi1>, vector<16x4096xi32>
    %and3A_2327 = arith.constant 4 : i32
    %and3A_2328 = vector.broadcast %and3A_2327 : i32 to vector<16x4096xi32>
    %and3A_2329 = arith.andi %iota3A_4, %and3A_2328 : vector<16x4096xi32>
    %ne3A_2330 = arith.constant 0 : i32
    %ne3A_2331 = vector.broadcast %ne3A_2330 : i32 to vector<16x4096xi32>
    %ne3A_2332 = arith.cmpi ne, %and3A_2329, %ne3A_2331 : vector<16x4096xi32>
    %roll3A_2333 = arith.constant 4 : i32
    %roll3A_2334 = tpu.dynamic_rotate %select_n3A_2325 by %roll3A_2333 dim 1 : vector<16x4096xf32>, i32 -> vector<16x4096xf32>
    %roll3A_2335 = arith.constant 4092 : i32
    %roll3A_2336 = tpu.dynamic_rotate %select_n3A_2325 by %roll3A_2335 dim 1 : vector<16x4096xf32>, i32 -> vector<16x4096xf32>
    %select_n3A_2337 = arith.select %ne3A_2332, %roll3A_2334, %roll3A_2336 : vector<16x4096xi1>, vector<16x4096xf32>
    %roll3A_2338 = arith.constant 4 : i32
    %roll3A_2339 = tpu.dynamic_rotate %select_n3A_2326 by %roll3A_2338 dim 1 : vector<16x4096xi32>, i32 -> vector<16x4096xi32>
    %roll3A_2340 = arith.constant 4092 : i32
    %roll3A_2341 = tpu.dynamic_rotate %select_n3A_2326 by %roll3A_2340 dim 1 : vector<16x4096xi32>, i32 -> vector<16x4096xi32>
    %select_n3A_2342 = arith.select %ne3A_2332, %roll3A_2339, %roll3A_2341 : vector<16x4096xi1>, vector<16x4096xi32>
    %gt3A_2343 = arith.cmpf ogt, %select_n3A_2325, %select_n3A_2337 : vector<16x4096xf32>
    %eq3A_2344 = arith.cmpf oeq, %select_n3A_2325, %select_n3A_2337 : vector<16x4096xf32>
    %lt3A_2345 = arith.cmpi slt, %select_n3A_2326, %select_n3A_2342 : vector<16x4096xi32>
    %and3A_2346 = arith.andi %eq3A_2344, %lt3A_2345 : vector<16x4096xi1>
    %or3A_2347 = arith.ori %gt3A_2343, %and3A_2346 : vector<16x4096xi1>
    %not3A_2348 = arith.constant dense<true> : vector<16x4096xi1>
    %not3A_2349 = arith.xori %ne3A_2332, %not3A_2348 : vector<16x4096xi1>
    %and3A_2350 = arith.constant 2048 : i32
    %and3A_2351 = vector.broadcast %and3A_2350 : i32 to vector<16x4096xi32>
    %and3A_2352 = arith.andi %iota3A_4, %and3A_2351 : vector<16x4096xi32>
    %eq3A_2353 = arith.constant 0 : i32
    %eq3A_2354 = vector.broadcast %eq3A_2353 : i32 to vector<16x4096xi32>
    %eq3A_2355 = arith.cmpi eq, %and3A_2352, %eq3A_2354 : vector<16x4096xi32>
    %eq3A_2356 = arith.xori %not3A_2349, %or3A_2347 : vector<16x4096xi1>
    %eq3A_2357 = arith.constant dense<true> : vector<16x4096xi1>
    %eq3A_2358 = arith.xori %eq3A_2356, %eq3A_2357 : vector<16x4096xi1>
    %eq3A_2359 = arith.xori %eq3A_2355, %eq3A_2358 : vector<16x4096xi1>
    %eq3A_2360 = arith.constant dense<true> : vector<16x4096xi1>
    %eq3A_2361 = arith.xori %eq3A_2359, %eq3A_2360 : vector<16x4096xi1>
    %select_n3A_2362 = arith.select %eq3A_2361, %select_n3A_2325, %select_n3A_2337 : vector<16x4096xi1>, vector<16x4096xf32>
    %select_n3A_2363 = arith.select %eq3A_2361, %select_n3A_2326, %select_n3A_2342 : vector<16x4096xi1>, vector<16x4096xi32>
    %and3A_2364 = arith.constant 2 : i32
    %and3A_2365 = vector.broadcast %and3A_2364 : i32 to vector<16x4096xi32>
    %and3A_2366 = arith.andi %iota3A_4, %and3A_2365 : vector<16x4096xi32>
    %ne3A_2367 = arith.constant 0 : i32
    %ne3A_2368 = vector.broadcast %ne3A_2367 : i32 to vector<16x4096xi32>
    %ne3A_2369 = arith.cmpi ne, %and3A_2366, %ne3A_2368 : vector<16x4096xi32>
    %roll3A_2370 = arith.constant 2 : i32
    %roll3A_2371 = tpu.dynamic_rotate %select_n3A_2362 by %roll3A_2370 dim 1 : vector<16x4096xf32>, i32 -> vector<16x4096xf32>
    %roll3A_2372 = arith.constant 4094 : i32
    %roll3A_2373 = tpu.dynamic_rotate %select_n3A_2362 by %roll3A_2372 dim 1 : vector<16x4096xf32>, i32 -> vector<16x4096xf32>
    %select_n3A_2374 = arith.select %ne3A_2369, %roll3A_2371, %roll3A_2373 : vector<16x4096xi1>, vector<16x4096xf32>
    %roll3A_2375 = arith.constant 2 : i32
    %roll3A_2376 = tpu.dynamic_rotate %select_n3A_2363 by %roll3A_2375 dim 1 : vector<16x4096xi32>, i32 -> vector<16x4096xi32>
    %roll3A_2377 = arith.constant 4094 : i32
    %roll3A_2378 = tpu.dynamic_rotate %select_n3A_2363 by %roll3A_2377 dim 1 : vector<16x4096xi32>, i32 -> vector<16x4096xi32>
    %select_n3A_2379 = arith.select %ne3A_2369, %roll3A_2376, %roll3A_2378 : vector<16x4096xi1>, vector<16x4096xi32>
    %gt3A_2380 = arith.cmpf ogt, %select_n3A_2362, %select_n3A_2374 : vector<16x4096xf32>
    %eq3A_2381 = arith.cmpf oeq, %select_n3A_2362, %select_n3A_2374 : vector<16x4096xf32>
    %lt3A_2382 = arith.cmpi slt, %select_n3A_2363, %select_n3A_2379 : vector<16x4096xi32>
    %and3A_2383 = arith.andi %eq3A_2381, %lt3A_2382 : vector<16x4096xi1>
    %or3A_2384 = arith.ori %gt3A_2380, %and3A_2383 : vector<16x4096xi1>
    %not3A_2385 = arith.constant dense<true> : vector<16x4096xi1>
    %not3A_2386 = arith.xori %ne3A_2369, %not3A_2385 : vector<16x4096xi1>
    %and3A_2387 = arith.constant 2048 : i32
    %and3A_2388 = vector.broadcast %and3A_2387 : i32 to vector<16x4096xi32>
    %and3A_2389 = arith.andi %iota3A_4, %and3A_2388 : vector<16x4096xi32>
    %eq3A_2390 = arith.constant 0 : i32
    %eq3A_2391 = vector.broadcast %eq3A_2390 : i32 to vector<16x4096xi32>
    %eq3A_2392 = arith.cmpi eq, %and3A_2389, %eq3A_2391 : vector<16x4096xi32>
    %eq3A_2393 = arith.xori %not3A_2386, %or3A_2384 : vector<16x4096xi1>
    %eq3A_2394 = arith.constant dense<true> : vector<16x4096xi1>
    %eq3A_2395 = arith.xori %eq3A_2393, %eq3A_2394 : vector<16x4096xi1>
    %eq3A_2396 = arith.xori %eq3A_2392, %eq3A_2395 : vector<16x4096xi1>
    %eq3A_2397 = arith.constant dense<true> : vector<16x4096xi1>
    %eq3A_2398 = arith.xori %eq3A_2396, %eq3A_2397 : vector<16x4096xi1>
    %select_n3A_2399 = arith.select %eq3A_2398, %select_n3A_2362, %select_n3A_2374 : vector<16x4096xi1>, vector<16x4096xf32>
    %select_n3A_2400 = arith.select %eq3A_2398, %select_n3A_2363, %select_n3A_2379 : vector<16x4096xi1>, vector<16x4096xi32>
    %and3A_2401 = arith.constant 1 : i32
    %and3A_2402 = vector.broadcast %and3A_2401 : i32 to vector<16x4096xi32>
    %and3A_2403 = arith.andi %iota3A_4, %and3A_2402 : vector<16x4096xi32>
    %ne3A_2404 = arith.constant 0 : i32
    %ne3A_2405 = vector.broadcast %ne3A_2404 : i32 to vector<16x4096xi32>
    %ne3A_2406 = arith.cmpi ne, %and3A_2403, %ne3A_2405 : vector<16x4096xi32>
    %roll3A_2407 = arith.constant 1 : i32
    %roll3A_2408 = tpu.dynamic_rotate %select_n3A_2399 by %roll3A_2407 dim 1 : vector<16x4096xf32>, i32 -> vector<16x4096xf32>
    %roll3A_2409 = arith.constant 4095 : i32
    %roll3A_2410 = tpu.dynamic_rotate %select_n3A_2399 by %roll3A_2409 dim 1 : vector<16x4096xf32>, i32 -> vector<16x4096xf32>
    %select_n3A_2411 = arith.select %ne3A_2406, %roll3A_2408, %roll3A_2410 : vector<16x4096xi1>, vector<16x4096xf32>
    %roll3A_2412 = arith.constant 1 : i32
    %roll3A_2413 = tpu.dynamic_rotate %select_n3A_2400 by %roll3A_2412 dim 1 : vector<16x4096xi32>, i32 -> vector<16x4096xi32>
    %roll3A_2414 = arith.constant 4095 : i32
    %roll3A_2415 = tpu.dynamic_rotate %select_n3A_2400 by %roll3A_2414 dim 1 : vector<16x4096xi32>, i32 -> vector<16x4096xi32>
    %select_n3A_2416 = arith.select %ne3A_2406, %roll3A_2413, %roll3A_2415 : vector<16x4096xi1>, vector<16x4096xi32>
    %gt3A_2417 = arith.cmpf ogt, %select_n3A_2399, %select_n3A_2411 : vector<16x4096xf32>
    %eq3A_2418 = arith.cmpf oeq, %select_n3A_2399, %select_n3A_2411 : vector<16x4096xf32>
    %lt3A_2419 = arith.cmpi slt, %select_n3A_2400, %select_n3A_2416 : vector<16x4096xi32>
    %and3A_2420 = arith.andi %eq3A_2418, %lt3A_2419 : vector<16x4096xi1>
    %or3A_2421 = arith.ori %gt3A_2417, %and3A_2420 : vector<16x4096xi1>
    %not3A_2422 = arith.constant dense<true> : vector<16x4096xi1>
    %not3A_2423 = arith.xori %ne3A_2406, %not3A_2422 : vector<16x4096xi1>
    %and3A_2424 = arith.constant 2048 : i32
    %and3A_2425 = vector.broadcast %and3A_2424 : i32 to vector<16x4096xi32>
    %and3A_2426 = arith.andi %iota3A_4, %and3A_2425 : vector<16x4096xi32>
    %eq3A_2427 = arith.constant 0 : i32
    %eq3A_2428 = vector.broadcast %eq3A_2427 : i32 to vector<16x4096xi32>
    %eq3A_2429 = arith.cmpi eq, %and3A_2426, %eq3A_2428 : vector<16x4096xi32>
    %eq3A_2430 = arith.xori %not3A_2423, %or3A_2421 : vector<16x4096xi1>
    %eq3A_2431 = arith.constant dense<true> : vector<16x4096xi1>
    %eq3A_2432 = arith.xori %eq3A_2430, %eq3A_2431 : vector<16x4096xi1>
    %eq3A_2433 = arith.xori %eq3A_2429, %eq3A_2432 : vector<16x4096xi1>
    %eq3A_2434 = arith.constant dense<true> : vector<16x4096xi1>
    %eq3A_2435 = arith.xori %eq3A_2433, %eq3A_2434 : vector<16x4096xi1>
    %select_n3A_2436 = arith.select %eq3A_2435, %select_n3A_2399, %select_n3A_2411 : vector<16x4096xi1>, vector<16x4096xf32>
    %select_n3A_2437 = arith.select %eq3A_2435, %select_n3A_2400, %select_n3A_2416 : vector<16x4096xi1>, vector<16x4096xi32>
    %and3A_2438 = arith.constant 2048 : i32
    %and3A_2439 = vector.broadcast %and3A_2438 : i32 to vector<16x4096xi32>
    %and3A_2440 = arith.andi %iota3A_4, %and3A_2439 : vector<16x4096xi32>
    %ne3A_2441 = arith.constant 0 : i32
    %ne3A_2442 = vector.broadcast %ne3A_2441 : i32 to vector<16x4096xi32>
    %ne3A_2443 = arith.cmpi ne, %and3A_2440, %ne3A_2442 : vector<16x4096xi32>
    %roll3A_2444 = arith.constant 2048 : i32
    %roll3A_2445 = tpu.dynamic_rotate %select_n3A_2436 by %roll3A_2444 dim 1 : vector<16x4096xf32>, i32 -> vector<16x4096xf32>
    %roll3A_2446 = arith.constant 2048 : i32
    %roll3A_2447 = tpu.dynamic_rotate %select_n3A_2436 by %roll3A_2446 dim 1 : vector<16x4096xf32>, i32 -> vector<16x4096xf32>
    %select_n3A_2448 = arith.select %ne3A_2443, %roll3A_2445, %roll3A_2447 : vector<16x4096xi1>, vector<16x4096xf32>
    %roll3A_2449 = arith.constant 2048 : i32
    %roll3A_2450 = tpu.dynamic_rotate %select_n3A_2437 by %roll3A_2449 dim 1 : vector<16x4096xi32>, i32 -> vector<16x4096xi32>
    %roll3A_2451 = arith.constant 2048 : i32
    %roll3A_2452 = tpu.dynamic_rotate %select_n3A_2437 by %roll3A_2451 dim 1 : vector<16x4096xi32>, i32 -> vector<16x4096xi32>
    %select_n3A_2453 = arith.select %ne3A_2443, %roll3A_2450, %roll3A_2452 : vector<16x4096xi1>, vector<16x4096xi32>
    %gt3A_2454 = arith.cmpf ogt, %select_n3A_2436, %select_n3A_2448 : vector<16x4096xf32>
    %eq3A_2455 = arith.cmpf oeq, %select_n3A_2436, %select_n3A_2448 : vector<16x4096xf32>
    %lt3A_2456 = arith.cmpi slt, %select_n3A_2437, %select_n3A_2453 : vector<16x4096xi32>
    %and3A_2457 = arith.andi %eq3A_2455, %lt3A_2456 : vector<16x4096xi1>
    %or3A_2458 = arith.ori %gt3A_2454, %and3A_2457 : vector<16x4096xi1>
    %not3A_2459 = arith.constant dense<true> : vector<16x4096xi1>
    %not3A_2460 = arith.xori %ne3A_2443, %not3A_2459 : vector<16x4096xi1>
    %and3A_2461 = arith.constant 4096 : i32
    %and3A_2462 = vector.broadcast %and3A_2461 : i32 to vector<16x4096xi32>
    %and3A_2463 = arith.andi %iota3A_4, %and3A_2462 : vector<16x4096xi32>
    %eq3A_2464 = arith.constant 0 : i32
    %eq3A_2465 = vector.broadcast %eq3A_2464 : i32 to vector<16x4096xi32>
    %eq3A_2466 = arith.cmpi eq, %and3A_2463, %eq3A_2465 : vector<16x4096xi32>
    %eq3A_2467 = arith.xori %not3A_2460, %or3A_2458 : vector<16x4096xi1>
    %eq3A_2468 = arith.constant dense<true> : vector<16x4096xi1>
    %eq3A_2469 = arith.xori %eq3A_2467, %eq3A_2468 : vector<16x4096xi1>
    %eq3A_2470 = arith.xori %eq3A_2466, %eq3A_2469 : vector<16x4096xi1>
    %eq3A_2471 = arith.constant dense<true> : vector<16x4096xi1>
    %eq3A_2472 = arith.xori %eq3A_2470, %eq3A_2471 : vector<16x4096xi1>
    %select_n3A_2473 = arith.select %eq3A_2472, %select_n3A_2436, %select_n3A_2448 : vector<16x4096xi1>, vector<16x4096xf32>
    %select_n3A_2474 = arith.select %eq3A_2472, %select_n3A_2437, %select_n3A_2453 : vector<16x4096xi1>, vector<16x4096xi32>
    %and3A_2475 = arith.constant 1024 : i32
    %and3A_2476 = vector.broadcast %and3A_2475 : i32 to vector<16x4096xi32>
    %and3A_2477 = arith.andi %iota3A_4, %and3A_2476 : vector<16x4096xi32>
    %ne3A_2478 = arith.constant 0 : i32
    %ne3A_2479 = vector.broadcast %ne3A_2478 : i32 to vector<16x4096xi32>
    %ne3A_2480 = arith.cmpi ne, %and3A_2477, %ne3A_2479 : vector<16x4096xi32>
    %roll3A_2481 = arith.constant 1024 : i32
    %roll3A_2482 = tpu.dynamic_rotate %select_n3A_2473 by %roll3A_2481 dim 1 : vector<16x4096xf32>, i32 -> vector<16x4096xf32>
    %roll3A_2483 = arith.constant 3072 : i32
    %roll3A_2484 = tpu.dynamic_rotate %select_n3A_2473 by %roll3A_2483 dim 1 : vector<16x4096xf32>, i32 -> vector<16x4096xf32>
    %select_n3A_2485 = arith.select %ne3A_2480, %roll3A_2482, %roll3A_2484 : vector<16x4096xi1>, vector<16x4096xf32>
    %roll3A_2486 = arith.constant 1024 : i32
    %roll3A_2487 = tpu.dynamic_rotate %select_n3A_2474 by %roll3A_2486 dim 1 : vector<16x4096xi32>, i32 -> vector<16x4096xi32>
    %roll3A_2488 = arith.constant 3072 : i32
    %roll3A_2489 = tpu.dynamic_rotate %select_n3A_2474 by %roll3A_2488 dim 1 : vector<16x4096xi32>, i32 -> vector<16x4096xi32>
    %select_n3A_2490 = arith.select %ne3A_2480, %roll3A_2487, %roll3A_2489 : vector<16x4096xi1>, vector<16x4096xi32>
    %gt3A_2491 = arith.cmpf ogt, %select_n3A_2473, %select_n3A_2485 : vector<16x4096xf32>
    %eq3A_2492 = arith.cmpf oeq, %select_n3A_2473, %select_n3A_2485 : vector<16x4096xf32>
    %lt3A_2493 = arith.cmpi slt, %select_n3A_2474, %select_n3A_2490 : vector<16x4096xi32>
    %and3A_2494 = arith.andi %eq3A_2492, %lt3A_2493 : vector<16x4096xi1>
    %or3A_2495 = arith.ori %gt3A_2491, %and3A_2494 : vector<16x4096xi1>
    %not3A_2496 = arith.constant dense<true> : vector<16x4096xi1>
    %not3A_2497 = arith.xori %ne3A_2480, %not3A_2496 : vector<16x4096xi1>
    %and3A_2498 = arith.constant 4096 : i32
    %and3A_2499 = vector.broadcast %and3A_2498 : i32 to vector<16x4096xi32>
    %and3A_2500 = arith.andi %iota3A_4, %and3A_2499 : vector<16x4096xi32>
    %eq3A_2501 = arith.constant 0 : i32
    %eq3A_2502 = vector.broadcast %eq3A_2501 : i32 to vector<16x4096xi32>
    %eq3A_2503 = arith.cmpi eq, %and3A_2500, %eq3A_2502 : vector<16x4096xi32>
    %eq3A_2504 = arith.xori %not3A_2497, %or3A_2495 : vector<16x4096xi1>
    %eq3A_2505 = arith.constant dense<true> : vector<16x4096xi1>
    %eq3A_2506 = arith.xori %eq3A_2504, %eq3A_2505 : vector<16x4096xi1>
    %eq3A_2507 = arith.xori %eq3A_2503, %eq3A_2506 : vector<16x4096xi1>
    %eq3A_2508 = arith.constant dense<true> : vector<16x4096xi1>
    %eq3A_2509 = arith.xori %eq3A_2507, %eq3A_2508 : vector<16x4096xi1>
    %select_n3A_2510 = arith.select %eq3A_2509, %select_n3A_2473, %select_n3A_2485 : vector<16x4096xi1>, vector<16x4096xf32>
    %select_n3A_2511 = arith.select %eq3A_2509, %select_n3A_2474, %select_n3A_2490 : vector<16x4096xi1>, vector<16x4096xi32>
    %and3A_2512 = arith.constant 512 : i32
    %and3A_2513 = vector.broadcast %and3A_2512 : i32 to vector<16x4096xi32>
    %and3A_2514 = arith.andi %iota3A_4, %and3A_2513 : vector<16x4096xi32>
    %ne3A_2515 = arith.constant 0 : i32
    %ne3A_2516 = vector.broadcast %ne3A_2515 : i32 to vector<16x4096xi32>
    %ne3A_2517 = arith.cmpi ne, %and3A_2514, %ne3A_2516 : vector<16x4096xi32>
    %roll3A_2518 = arith.constant 512 : i32
    %roll3A_2519 = tpu.dynamic_rotate %select_n3A_2510 by %roll3A_2518 dim 1 : vector<16x4096xf32>, i32 -> vector<16x4096xf32>
    %roll3A_2520 = arith.constant 3584 : i32
    %roll3A_2521 = tpu.dynamic_rotate %select_n3A_2510 by %roll3A_2520 dim 1 : vector<16x4096xf32>, i32 -> vector<16x4096xf32>
    %select_n3A_2522 = arith.select %ne3A_2517, %roll3A_2519, %roll3A_2521 : vector<16x4096xi1>, vector<16x4096xf32>
    %roll3A_2523 = arith.constant 512 : i32
    %roll3A_2524 = tpu.dynamic_rotate %select_n3A_2511 by %roll3A_2523 dim 1 : vector<16x4096xi32>, i32 -> vector<16x4096xi32>
    %roll3A_2525 = arith.constant 3584 : i32
    %roll3A_2526 = tpu.dynamic_rotate %select_n3A_2511 by %roll3A_2525 dim 1 : vector<16x4096xi32>, i32 -> vector<16x4096xi32>
    %select_n3A_2527 = arith.select %ne3A_2517, %roll3A_2524, %roll3A_2526 : vector<16x4096xi1>, vector<16x4096xi32>
    %gt3A_2528 = arith.cmpf ogt, %select_n3A_2510, %select_n3A_2522 : vector<16x4096xf32>
    %eq3A_2529 = arith.cmpf oeq, %select_n3A_2510, %select_n3A_2522 : vector<16x4096xf32>
    %lt3A_2530 = arith.cmpi slt, %select_n3A_2511, %select_n3A_2527 : vector<16x4096xi32>
    %and3A_2531 = arith.andi %eq3A_2529, %lt3A_2530 : vector<16x4096xi1>
    %or3A_2532 = arith.ori %gt3A_2528, %and3A_2531 : vector<16x4096xi1>
    %not3A_2533 = arith.constant dense<true> : vector<16x4096xi1>
    %not3A_2534 = arith.xori %ne3A_2517, %not3A_2533 : vector<16x4096xi1>
    %and3A_2535 = arith.constant 4096 : i32
    %and3A_2536 = vector.broadcast %and3A_2535 : i32 to vector<16x4096xi32>
    %and3A_2537 = arith.andi %iota3A_4, %and3A_2536 : vector<16x4096xi32>
    %eq3A_2538 = arith.constant 0 : i32
    %eq3A_2539 = vector.broadcast %eq3A_2538 : i32 to vector<16x4096xi32>
    %eq3A_2540 = arith.cmpi eq, %and3A_2537, %eq3A_2539 : vector<16x4096xi32>
    %eq3A_2541 = arith.xori %not3A_2534, %or3A_2532 : vector<16x4096xi1>
    %eq3A_2542 = arith.constant dense<true> : vector<16x4096xi1>
    %eq3A_2543 = arith.xori %eq3A_2541, %eq3A_2542 : vector<16x4096xi1>
    %eq3A_2544 = arith.xori %eq3A_2540, %eq3A_2543 : vector<16x4096xi1>
    %eq3A_2545 = arith.constant dense<true> : vector<16x4096xi1>
    %eq3A_2546 = arith.xori %eq3A_2544, %eq3A_2545 : vector<16x4096xi1>
    %select_n3A_2547 = arith.select %eq3A_2546, %select_n3A_2510, %select_n3A_2522 : vector<16x4096xi1>, vector<16x4096xf32>
    %select_n3A_2548 = arith.select %eq3A_2546, %select_n3A_2511, %select_n3A_2527 : vector<16x4096xi1>, vector<16x4096xi32>
    %and3A_2549 = arith.constant 256 : i32
    %and3A_2550 = vector.broadcast %and3A_2549 : i32 to vector<16x4096xi32>
    %and3A_2551 = arith.andi %iota3A_4, %and3A_2550 : vector<16x4096xi32>
    %ne3A_2552 = arith.constant 0 : i32
    %ne3A_2553 = vector.broadcast %ne3A_2552 : i32 to vector<16x4096xi32>
    %ne3A_2554 = arith.cmpi ne, %and3A_2551, %ne3A_2553 : vector<16x4096xi32>
    %roll3A_2555 = arith.constant 256 : i32
    %roll3A_2556 = tpu.dynamic_rotate %select_n3A_2547 by %roll3A_2555 dim 1 : vector<16x4096xf32>, i32 -> vector<16x4096xf32>
    %roll3A_2557 = arith.constant 3840 : i32
    %roll3A_2558 = tpu.dynamic_rotate %select_n3A_2547 by %roll3A_2557 dim 1 : vector<16x4096xf32>, i32 -> vector<16x4096xf32>
    %select_n3A_2559 = arith.select %ne3A_2554, %roll3A_2556, %roll3A_2558 : vector<16x4096xi1>, vector<16x4096xf32>
    %roll3A_2560 = arith.constant 256 : i32
    %roll3A_2561 = tpu.dynamic_rotate %select_n3A_2548 by %roll3A_2560 dim 1 : vector<16x4096xi32>, i32 -> vector<16x4096xi32>
    %roll3A_2562 = arith.constant 3840 : i32
    %roll3A_2563 = tpu.dynamic_rotate %select_n3A_2548 by %roll3A_2562 dim 1 : vector<16x4096xi32>, i32 -> vector<16x4096xi32>
    %select_n3A_2564 = arith.select %ne3A_2554, %roll3A_2561, %roll3A_2563 : vector<16x4096xi1>, vector<16x4096xi32>
    %gt3A_2565 = arith.cmpf ogt, %select_n3A_2547, %select_n3A_2559 : vector<16x4096xf32>
    %eq3A_2566 = arith.cmpf oeq, %select_n3A_2547, %select_n3A_2559 : vector<16x4096xf32>
    %lt3A_2567 = arith.cmpi slt, %select_n3A_2548, %select_n3A_2564 : vector<16x4096xi32>
    %and3A_2568 = arith.andi %eq3A_2566, %lt3A_2567 : vector<16x4096xi1>
    %or3A_2569 = arith.ori %gt3A_2565, %and3A_2568 : vector<16x4096xi1>
    %not3A_2570 = arith.constant dense<true> : vector<16x4096xi1>
    %not3A_2571 = arith.xori %ne3A_2554, %not3A_2570 : vector<16x4096xi1>
    %and3A_2572 = arith.constant 4096 : i32
    %and3A_2573 = vector.broadcast %and3A_2572 : i32 to vector<16x4096xi32>
    %and3A_2574 = arith.andi %iota3A_4, %and3A_2573 : vector<16x4096xi32>
    %eq3A_2575 = arith.constant 0 : i32
    %eq3A_2576 = vector.broadcast %eq3A_2575 : i32 to vector<16x4096xi32>
    %eq3A_2577 = arith.cmpi eq, %and3A_2574, %eq3A_2576 : vector<16x4096xi32>
    %eq3A_2578 = arith.xori %not3A_2571, %or3A_2569 : vector<16x4096xi1>
    %eq3A_2579 = arith.constant dense<true> : vector<16x4096xi1>
    %eq3A_2580 = arith.xori %eq3A_2578, %eq3A_2579 : vector<16x4096xi1>
    %eq3A_2581 = arith.xori %eq3A_2577, %eq3A_2580 : vector<16x4096xi1>
    %eq3A_2582 = arith.constant dense<true> : vector<16x4096xi1>
    %eq3A_2583 = arith.xori %eq3A_2581, %eq3A_2582 : vector<16x4096xi1>
    %select_n3A_2584 = arith.select %eq3A_2583, %select_n3A_2547, %select_n3A_2559 : vector<16x4096xi1>, vector<16x4096xf32>
    %select_n3A_2585 = arith.select %eq3A_2583, %select_n3A_2548, %select_n3A_2564 : vector<16x4096xi1>, vector<16x4096xi32>
    %and3A_2586 = arith.constant 128 : i32
    %and3A_2587 = vector.broadcast %and3A_2586 : i32 to vector<16x4096xi32>
    %and3A_2588 = arith.andi %iota3A_4, %and3A_2587 : vector<16x4096xi32>
    %ne3A_2589 = arith.constant 0 : i32
    %ne3A_2590 = vector.broadcast %ne3A_2589 : i32 to vector<16x4096xi32>
    %ne3A_2591 = arith.cmpi ne, %and3A_2588, %ne3A_2590 : vector<16x4096xi32>
    %roll3A_2592 = arith.constant 128 : i32
    %roll3A_2593 = tpu.dynamic_rotate %select_n3A_2584 by %roll3A_2592 dim 1 : vector<16x4096xf32>, i32 -> vector<16x4096xf32>
    %roll3A_2594 = arith.constant 3968 : i32
    %roll3A_2595 = tpu.dynamic_rotate %select_n3A_2584 by %roll3A_2594 dim 1 : vector<16x4096xf32>, i32 -> vector<16x4096xf32>
    %select_n3A_2596 = arith.select %ne3A_2591, %roll3A_2593, %roll3A_2595 : vector<16x4096xi1>, vector<16x4096xf32>
    %roll3A_2597 = arith.constant 128 : i32
    %roll3A_2598 = tpu.dynamic_rotate %select_n3A_2585 by %roll3A_2597 dim 1 : vector<16x4096xi32>, i32 -> vector<16x4096xi32>
    %roll3A_2599 = arith.constant 3968 : i32
    %roll3A_2600 = tpu.dynamic_rotate %select_n3A_2585 by %roll3A_2599 dim 1 : vector<16x4096xi32>, i32 -> vector<16x4096xi32>
    %select_n3A_2601 = arith.select %ne3A_2591, %roll3A_2598, %roll3A_2600 : vector<16x4096xi1>, vector<16x4096xi32>
    %gt3A_2602 = arith.cmpf ogt, %select_n3A_2584, %select_n3A_2596 : vector<16x4096xf32>
    %eq3A_2603 = arith.cmpf oeq, %select_n3A_2584, %select_n3A_2596 : vector<16x4096xf32>
    %lt3A_2604 = arith.cmpi slt, %select_n3A_2585, %select_n3A_2601 : vector<16x4096xi32>
    %and3A_2605 = arith.andi %eq3A_2603, %lt3A_2604 : vector<16x4096xi1>
    %or3A_2606 = arith.ori %gt3A_2602, %and3A_2605 : vector<16x4096xi1>
    %not3A_2607 = arith.constant dense<true> : vector<16x4096xi1>
    %not3A_2608 = arith.xori %ne3A_2591, %not3A_2607 : vector<16x4096xi1>
    %and3A_2609 = arith.constant 4096 : i32
    %and3A_2610 = vector.broadcast %and3A_2609 : i32 to vector<16x4096xi32>
    %and3A_2611 = arith.andi %iota3A_4, %and3A_2610 : vector<16x4096xi32>
    %eq3A_2612 = arith.constant 0 : i32
    %eq3A_2613 = vector.broadcast %eq3A_2612 : i32 to vector<16x4096xi32>
    %eq3A_2614 = arith.cmpi eq, %and3A_2611, %eq3A_2613 : vector<16x4096xi32>
    %eq3A_2615 = arith.xori %not3A_2608, %or3A_2606 : vector<16x4096xi1>
    %eq3A_2616 = arith.constant dense<true> : vector<16x4096xi1>
    %eq3A_2617 = arith.xori %eq3A_2615, %eq3A_2616 : vector<16x4096xi1>
    %eq3A_2618 = arith.xori %eq3A_2614, %eq3A_2617 : vector<16x4096xi1>
    %eq3A_2619 = arith.constant dense<true> : vector<16x4096xi1>
    %eq3A_2620 = arith.xori %eq3A_2618, %eq3A_2619 : vector<16x4096xi1>
    %select_n3A_2621 = arith.select %eq3A_2620, %select_n3A_2584, %select_n3A_2596 : vector<16x4096xi1>, vector<16x4096xf32>
    %select_n3A_2622 = arith.select %eq3A_2620, %select_n3A_2585, %select_n3A_2601 : vector<16x4096xi1>, vector<16x4096xi32>
    %and3A_2623 = arith.constant 64 : i32
    %and3A_2624 = vector.broadcast %and3A_2623 : i32 to vector<16x4096xi32>
    %and3A_2625 = arith.andi %iota3A_4, %and3A_2624 : vector<16x4096xi32>
    %ne3A_2626 = arith.constant 0 : i32
    %ne3A_2627 = vector.broadcast %ne3A_2626 : i32 to vector<16x4096xi32>
    %ne3A_2628 = arith.cmpi ne, %and3A_2625, %ne3A_2627 : vector<16x4096xi32>
    %roll3A_2629 = arith.constant 64 : i32
    %roll3A_2630 = tpu.dynamic_rotate %select_n3A_2621 by %roll3A_2629 dim 1 : vector<16x4096xf32>, i32 -> vector<16x4096xf32>
    %roll3A_2631 = arith.constant 4032 : i32
    %roll3A_2632 = tpu.dynamic_rotate %select_n3A_2621 by %roll3A_2631 dim 1 : vector<16x4096xf32>, i32 -> vector<16x4096xf32>
    %select_n3A_2633 = arith.select %ne3A_2628, %roll3A_2630, %roll3A_2632 : vector<16x4096xi1>, vector<16x4096xf32>
    %roll3A_2634 = arith.constant 64 : i32
    %roll3A_2635 = tpu.dynamic_rotate %select_n3A_2622 by %roll3A_2634 dim 1 : vector<16x4096xi32>, i32 -> vector<16x4096xi32>
    %roll3A_2636 = arith.constant 4032 : i32
    %roll3A_2637 = tpu.dynamic_rotate %select_n3A_2622 by %roll3A_2636 dim 1 : vector<16x4096xi32>, i32 -> vector<16x4096xi32>
    %select_n3A_2638 = arith.select %ne3A_2628, %roll3A_2635, %roll3A_2637 : vector<16x4096xi1>, vector<16x4096xi32>
    %gt3A_2639 = arith.cmpf ogt, %select_n3A_2621, %select_n3A_2633 : vector<16x4096xf32>
    %eq3A_2640 = arith.cmpf oeq, %select_n3A_2621, %select_n3A_2633 : vector<16x4096xf32>
    %lt3A_2641 = arith.cmpi slt, %select_n3A_2622, %select_n3A_2638 : vector<16x4096xi32>
    %and3A_2642 = arith.andi %eq3A_2640, %lt3A_2641 : vector<16x4096xi1>
    %or3A_2643 = arith.ori %gt3A_2639, %and3A_2642 : vector<16x4096xi1>
    %not3A_2644 = arith.constant dense<true> : vector<16x4096xi1>
    %not3A_2645 = arith.xori %ne3A_2628, %not3A_2644 : vector<16x4096xi1>
    %and3A_2646 = arith.constant 4096 : i32
    %and3A_2647 = vector.broadcast %and3A_2646 : i32 to vector<16x4096xi32>
    %and3A_2648 = arith.andi %iota3A_4, %and3A_2647 : vector<16x4096xi32>
    %eq3A_2649 = arith.constant 0 : i32
    %eq3A_2650 = vector.broadcast %eq3A_2649 : i32 to vector<16x4096xi32>
    %eq3A_2651 = arith.cmpi eq, %and3A_2648, %eq3A_2650 : vector<16x4096xi32>
    %eq3A_2652 = arith.xori %not3A_2645, %or3A_2643 : vector<16x4096xi1>
    %eq3A_2653 = arith.constant dense<true> : vector<16x4096xi1>
    %eq3A_2654 = arith.xori %eq3A_2652, %eq3A_2653 : vector<16x4096xi1>
    %eq3A_2655 = arith.xori %eq3A_2651, %eq3A_2654 : vector<16x4096xi1>
    %eq3A_2656 = arith.constant dense<true> : vector<16x4096xi1>
    %eq3A_2657 = arith.xori %eq3A_2655, %eq3A_2656 : vector<16x4096xi1>
    %select_n3A_2658 = arith.select %eq3A_2657, %select_n3A_2621, %select_n3A_2633 : vector<16x4096xi1>, vector<16x4096xf32>
    %select_n3A_2659 = arith.select %eq3A_2657, %select_n3A_2622, %select_n3A_2638 : vector<16x4096xi1>, vector<16x4096xi32>
    %and3A_2660 = arith.constant 32 : i32
    %and3A_2661 = vector.broadcast %and3A_2660 : i32 to vector<16x4096xi32>
    %and3A_2662 = arith.andi %iota3A_4, %and3A_2661 : vector<16x4096xi32>
    %ne3A_2663 = arith.constant 0 : i32
    %ne3A_2664 = vector.broadcast %ne3A_2663 : i32 to vector<16x4096xi32>
    %ne3A_2665 = arith.cmpi ne, %and3A_2662, %ne3A_2664 : vector<16x4096xi32>
    %roll3A_2666 = arith.constant 32 : i32
    %roll3A_2667 = tpu.dynamic_rotate %select_n3A_2658 by %roll3A_2666 dim 1 : vector<16x4096xf32>, i32 -> vector<16x4096xf32>
    %roll3A_2668 = arith.constant 4064 : i32
    %roll3A_2669 = tpu.dynamic_rotate %select_n3A_2658 by %roll3A_2668 dim 1 : vector<16x4096xf32>, i32 -> vector<16x4096xf32>
    %select_n3A_2670 = arith.select %ne3A_2665, %roll3A_2667, %roll3A_2669 : vector<16x4096xi1>, vector<16x4096xf32>
    %roll3A_2671 = arith.constant 32 : i32
    %roll3A_2672 = tpu.dynamic_rotate %select_n3A_2659 by %roll3A_2671 dim 1 : vector<16x4096xi32>, i32 -> vector<16x4096xi32>
    %roll3A_2673 = arith.constant 4064 : i32
    %roll3A_2674 = tpu.dynamic_rotate %select_n3A_2659 by %roll3A_2673 dim 1 : vector<16x4096xi32>, i32 -> vector<16x4096xi32>
    %select_n3A_2675 = arith.select %ne3A_2665, %roll3A_2672, %roll3A_2674 : vector<16x4096xi1>, vector<16x4096xi32>
    %gt3A_2676 = arith.cmpf ogt, %select_n3A_2658, %select_n3A_2670 : vector<16x4096xf32>
    %eq3A_2677 = arith.cmpf oeq, %select_n3A_2658, %select_n3A_2670 : vector<16x4096xf32>
    %lt3A_2678 = arith.cmpi slt, %select_n3A_2659, %select_n3A_2675 : vector<16x4096xi32>
    %and3A_2679 = arith.andi %eq3A_2677, %lt3A_2678 : vector<16x4096xi1>
    %or3A_2680 = arith.ori %gt3A_2676, %and3A_2679 : vector<16x4096xi1>
    %not3A_2681 = arith.constant dense<true> : vector<16x4096xi1>
    %not3A_2682 = arith.xori %ne3A_2665, %not3A_2681 : vector<16x4096xi1>
    %and3A_2683 = arith.constant 4096 : i32
    %and3A_2684 = vector.broadcast %and3A_2683 : i32 to vector<16x4096xi32>
    %and3A_2685 = arith.andi %iota3A_4, %and3A_2684 : vector<16x4096xi32>
    %eq3A_2686 = arith.constant 0 : i32
    %eq3A_2687 = vector.broadcast %eq3A_2686 : i32 to vector<16x4096xi32>
    %eq3A_2688 = arith.cmpi eq, %and3A_2685, %eq3A_2687 : vector<16x4096xi32>
    %eq3A_2689 = arith.xori %not3A_2682, %or3A_2680 : vector<16x4096xi1>
    %eq3A_2690 = arith.constant dense<true> : vector<16x4096xi1>
    %eq3A_2691 = arith.xori %eq3A_2689, %eq3A_2690 : vector<16x4096xi1>
    %eq3A_2692 = arith.xori %eq3A_2688, %eq3A_2691 : vector<16x4096xi1>
    %eq3A_2693 = arith.constant dense<true> : vector<16x4096xi1>
    %eq3A_2694 = arith.xori %eq3A_2692, %eq3A_2693 : vector<16x4096xi1>
    %select_n3A_2695 = arith.select %eq3A_2694, %select_n3A_2658, %select_n3A_2670 : vector<16x4096xi1>, vector<16x4096xf32>
    %select_n3A_2696 = arith.select %eq3A_2694, %select_n3A_2659, %select_n3A_2675 : vector<16x4096xi1>, vector<16x4096xi32>
    %and3A_2697 = arith.constant 16 : i32
    %and3A_2698 = vector.broadcast %and3A_2697 : i32 to vector<16x4096xi32>
    %and3A_2699 = arith.andi %iota3A_4, %and3A_2698 : vector<16x4096xi32>
    %ne3A_2700 = arith.constant 0 : i32
    %ne3A_2701 = vector.broadcast %ne3A_2700 : i32 to vector<16x4096xi32>
    %ne3A_2702 = arith.cmpi ne, %and3A_2699, %ne3A_2701 : vector<16x4096xi32>
    %roll3A_2703 = arith.constant 16 : i32
    %roll3A_2704 = tpu.dynamic_rotate %select_n3A_2695 by %roll3A_2703 dim 1 : vector<16x4096xf32>, i32 -> vector<16x4096xf32>
    %roll3A_2705 = arith.constant 4080 : i32
    %roll3A_2706 = tpu.dynamic_rotate %select_n3A_2695 by %roll3A_2705 dim 1 : vector<16x4096xf32>, i32 -> vector<16x4096xf32>
    %select_n3A_2707 = arith.select %ne3A_2702, %roll3A_2704, %roll3A_2706 : vector<16x4096xi1>, vector<16x4096xf32>
    %roll3A_2708 = arith.constant 16 : i32
    %roll3A_2709 = tpu.dynamic_rotate %select_n3A_2696 by %roll3A_2708 dim 1 : vector<16x4096xi32>, i32 -> vector<16x4096xi32>
    %roll3A_2710 = arith.constant 4080 : i32
    %roll3A_2711 = tpu.dynamic_rotate %select_n3A_2696 by %roll3A_2710 dim 1 : vector<16x4096xi32>, i32 -> vector<16x4096xi32>
    %select_n3A_2712 = arith.select %ne3A_2702, %roll3A_2709, %roll3A_2711 : vector<16x4096xi1>, vector<16x4096xi32>
    %gt3A_2713 = arith.cmpf ogt, %select_n3A_2695, %select_n3A_2707 : vector<16x4096xf32>
    %eq3A_2714 = arith.cmpf oeq, %select_n3A_2695, %select_n3A_2707 : vector<16x4096xf32>
    %lt3A_2715 = arith.cmpi slt, %select_n3A_2696, %select_n3A_2712 : vector<16x4096xi32>
    %and3A_2716 = arith.andi %eq3A_2714, %lt3A_2715 : vector<16x4096xi1>
    %or3A_2717 = arith.ori %gt3A_2713, %and3A_2716 : vector<16x4096xi1>
    %not3A_2718 = arith.constant dense<true> : vector<16x4096xi1>
    %not3A_2719 = arith.xori %ne3A_2702, %not3A_2718 : vector<16x4096xi1>
    %and3A_2720 = arith.constant 4096 : i32
    %and3A_2721 = vector.broadcast %and3A_2720 : i32 to vector<16x4096xi32>
    %and3A_2722 = arith.andi %iota3A_4, %and3A_2721 : vector<16x4096xi32>
    %eq3A_2723 = arith.constant 0 : i32
    %eq3A_2724 = vector.broadcast %eq3A_2723 : i32 to vector<16x4096xi32>
    %eq3A_2725 = arith.cmpi eq, %and3A_2722, %eq3A_2724 : vector<16x4096xi32>
    %eq3A_2726 = arith.xori %not3A_2719, %or3A_2717 : vector<16x4096xi1>
    %eq3A_2727 = arith.constant dense<true> : vector<16x4096xi1>
    %eq3A_2728 = arith.xori %eq3A_2726, %eq3A_2727 : vector<16x4096xi1>
    %eq3A_2729 = arith.xori %eq3A_2725, %eq3A_2728 : vector<16x4096xi1>
    %eq3A_2730 = arith.constant dense<true> : vector<16x4096xi1>
    %eq3A_2731 = arith.xori %eq3A_2729, %eq3A_2730 : vector<16x4096xi1>
    %select_n3A_2732 = arith.select %eq3A_2731, %select_n3A_2695, %select_n3A_2707 : vector<16x4096xi1>, vector<16x4096xf32>
    %select_n3A_2733 = arith.select %eq3A_2731, %select_n3A_2696, %select_n3A_2712 : vector<16x4096xi1>, vector<16x4096xi32>
    %and3A_2734 = arith.constant 8 : i32
    %and3A_2735 = vector.broadcast %and3A_2734 : i32 to vector<16x4096xi32>
    %and3A_2736 = arith.andi %iota3A_4, %and3A_2735 : vector<16x4096xi32>
    %ne3A_2737 = arith.constant 0 : i32
    %ne3A_2738 = vector.broadcast %ne3A_2737 : i32 to vector<16x4096xi32>
    %ne3A_2739 = arith.cmpi ne, %and3A_2736, %ne3A_2738 : vector<16x4096xi32>
    %roll3A_2740 = arith.constant 8 : i32
    %roll3A_2741 = tpu.dynamic_rotate %select_n3A_2732 by %roll3A_2740 dim 1 : vector<16x4096xf32>, i32 -> vector<16x4096xf32>
    %roll3A_2742 = arith.constant 4088 : i32
    %roll3A_2743 = tpu.dynamic_rotate %select_n3A_2732 by %roll3A_2742 dim 1 : vector<16x4096xf32>, i32 -> vector<16x4096xf32>
    %select_n3A_2744 = arith.select %ne3A_2739, %roll3A_2741, %roll3A_2743 : vector<16x4096xi1>, vector<16x4096xf32>
    %roll3A_2745 = arith.constant 8 : i32
    %roll3A_2746 = tpu.dynamic_rotate %select_n3A_2733 by %roll3A_2745 dim 1 : vector<16x4096xi32>, i32 -> vector<16x4096xi32>
    %roll3A_2747 = arith.constant 4088 : i32
    %roll3A_2748 = tpu.dynamic_rotate %select_n3A_2733 by %roll3A_2747 dim 1 : vector<16x4096xi32>, i32 -> vector<16x4096xi32>
    %select_n3A_2749 = arith.select %ne3A_2739, %roll3A_2746, %roll3A_2748 : vector<16x4096xi1>, vector<16x4096xi32>
    %gt3A_2750 = arith.cmpf ogt, %select_n3A_2732, %select_n3A_2744 : vector<16x4096xf32>
    %eq3A_2751 = arith.cmpf oeq, %select_n3A_2732, %select_n3A_2744 : vector<16x4096xf32>
    %lt3A_2752 = arith.cmpi slt, %select_n3A_2733, %select_n3A_2749 : vector<16x4096xi32>
    %and3A_2753 = arith.andi %eq3A_2751, %lt3A_2752 : vector<16x4096xi1>
    %or3A_2754 = arith.ori %gt3A_2750, %and3A_2753 : vector<16x4096xi1>
    %not3A_2755 = arith.constant dense<true> : vector<16x4096xi1>
    %not3A_2756 = arith.xori %ne3A_2739, %not3A_2755 : vector<16x4096xi1>
    %and3A_2757 = arith.constant 4096 : i32
    %and3A_2758 = vector.broadcast %and3A_2757 : i32 to vector<16x4096xi32>
    %and3A_2759 = arith.andi %iota3A_4, %and3A_2758 : vector<16x4096xi32>
    %eq3A_2760 = arith.constant 0 : i32
    %eq3A_2761 = vector.broadcast %eq3A_2760 : i32 to vector<16x4096xi32>
    %eq3A_2762 = arith.cmpi eq, %and3A_2759, %eq3A_2761 : vector<16x4096xi32>
    %eq3A_2763 = arith.xori %not3A_2756, %or3A_2754 : vector<16x4096xi1>
    %eq3A_2764 = arith.constant dense<true> : vector<16x4096xi1>
    %eq3A_2765 = arith.xori %eq3A_2763, %eq3A_2764 : vector<16x4096xi1>
    %eq3A_2766 = arith.xori %eq3A_2762, %eq3A_2765 : vector<16x4096xi1>
    %eq3A_2767 = arith.constant dense<true> : vector<16x4096xi1>
    %eq3A_2768 = arith.xori %eq3A_2766, %eq3A_2767 : vector<16x4096xi1>
    %select_n3A_2769 = arith.select %eq3A_2768, %select_n3A_2732, %select_n3A_2744 : vector<16x4096xi1>, vector<16x4096xf32>
    %select_n3A_2770 = arith.select %eq3A_2768, %select_n3A_2733, %select_n3A_2749 : vector<16x4096xi1>, vector<16x4096xi32>
    %and3A_2771 = arith.constant 4 : i32
    %and3A_2772 = vector.broadcast %and3A_2771 : i32 to vector<16x4096xi32>
    %and3A_2773 = arith.andi %iota3A_4, %and3A_2772 : vector<16x4096xi32>
    %ne3A_2774 = arith.constant 0 : i32
    %ne3A_2775 = vector.broadcast %ne3A_2774 : i32 to vector<16x4096xi32>
    %ne3A_2776 = arith.cmpi ne, %and3A_2773, %ne3A_2775 : vector<16x4096xi32>
    %roll3A_2777 = arith.constant 4 : i32
    %roll3A_2778 = tpu.dynamic_rotate %select_n3A_2769 by %roll3A_2777 dim 1 : vector<16x4096xf32>, i32 -> vector<16x4096xf32>
    %roll3A_2779 = arith.constant 4092 : i32
    %roll3A_2780 = tpu.dynamic_rotate %select_n3A_2769 by %roll3A_2779 dim 1 : vector<16x4096xf32>, i32 -> vector<16x4096xf32>
    %select_n3A_2781 = arith.select %ne3A_2776, %roll3A_2778, %roll3A_2780 : vector<16x4096xi1>, vector<16x4096xf32>
    %roll3A_2782 = arith.constant 4 : i32
    %roll3A_2783 = tpu.dynamic_rotate %select_n3A_2770 by %roll3A_2782 dim 1 : vector<16x4096xi32>, i32 -> vector<16x4096xi32>
    %roll3A_2784 = arith.constant 4092 : i32
    %roll3A_2785 = tpu.dynamic_rotate %select_n3A_2770 by %roll3A_2784 dim 1 : vector<16x4096xi32>, i32 -> vector<16x4096xi32>
    %select_n3A_2786 = arith.select %ne3A_2776, %roll3A_2783, %roll3A_2785 : vector<16x4096xi1>, vector<16x4096xi32>
    %gt3A_2787 = arith.cmpf ogt, %select_n3A_2769, %select_n3A_2781 : vector<16x4096xf32>
    %eq3A_2788 = arith.cmpf oeq, %select_n3A_2769, %select_n3A_2781 : vector<16x4096xf32>
    %lt3A_2789 = arith.cmpi slt, %select_n3A_2770, %select_n3A_2786 : vector<16x4096xi32>
    %and3A_2790 = arith.andi %eq3A_2788, %lt3A_2789 : vector<16x4096xi1>
    %or3A_2791 = arith.ori %gt3A_2787, %and3A_2790 : vector<16x4096xi1>
    %not3A_2792 = arith.constant dense<true> : vector<16x4096xi1>
    %not3A_2793 = arith.xori %ne3A_2776, %not3A_2792 : vector<16x4096xi1>
    %and3A_2794 = arith.constant 4096 : i32
    %and3A_2795 = vector.broadcast %and3A_2794 : i32 to vector<16x4096xi32>
    %and3A_2796 = arith.andi %iota3A_4, %and3A_2795 : vector<16x4096xi32>
    %eq3A_2797 = arith.constant 0 : i32
    %eq3A_2798 = vector.broadcast %eq3A_2797 : i32 to vector<16x4096xi32>
    %eq3A_2799 = arith.cmpi eq, %and3A_2796, %eq3A_2798 : vector<16x4096xi32>
    %eq3A_2800 = arith.xori %not3A_2793, %or3A_2791 : vector<16x4096xi1>
    %eq3A_2801 = arith.constant dense<true> : vector<16x4096xi1>
    %eq3A_2802 = arith.xori %eq3A_2800, %eq3A_2801 : vector<16x4096xi1>
    %eq3A_2803 = arith.xori %eq3A_2799, %eq3A_2802 : vector<16x4096xi1>
    %eq3A_2804 = arith.constant dense<true> : vector<16x4096xi1>
    %eq3A_2805 = arith.xori %eq3A_2803, %eq3A_2804 : vector<16x4096xi1>
    %select_n3A_2806 = arith.select %eq3A_2805, %select_n3A_2769, %select_n3A_2781 : vector<16x4096xi1>, vector<16x4096xf32>
    %select_n3A_2807 = arith.select %eq3A_2805, %select_n3A_2770, %select_n3A_2786 : vector<16x4096xi1>, vector<16x4096xi32>
    %and3A_2808 = arith.constant 2 : i32
    %and3A_2809 = vector.broadcast %and3A_2808 : i32 to vector<16x4096xi32>
    %and3A_2810 = arith.andi %iota3A_4, %and3A_2809 : vector<16x4096xi32>
    %ne3A_2811 = arith.constant 0 : i32
    %ne3A_2812 = vector.broadcast %ne3A_2811 : i32 to vector<16x4096xi32>
    %ne3A_2813 = arith.cmpi ne, %and3A_2810, %ne3A_2812 : vector<16x4096xi32>
    %roll3A_2814 = arith.constant 2 : i32
    %roll3A_2815 = tpu.dynamic_rotate %select_n3A_2806 by %roll3A_2814 dim 1 : vector<16x4096xf32>, i32 -> vector<16x4096xf32>
    %roll3A_2816 = arith.constant 4094 : i32
    %roll3A_2817 = tpu.dynamic_rotate %select_n3A_2806 by %roll3A_2816 dim 1 : vector<16x4096xf32>, i32 -> vector<16x4096xf32>
    %select_n3A_2818 = arith.select %ne3A_2813, %roll3A_2815, %roll3A_2817 : vector<16x4096xi1>, vector<16x4096xf32>
    %roll3A_2819 = arith.constant 2 : i32
    %roll3A_2820 = tpu.dynamic_rotate %select_n3A_2807 by %roll3A_2819 dim 1 : vector<16x4096xi32>, i32 -> vector<16x4096xi32>
    %roll3A_2821 = arith.constant 4094 : i32
    %roll3A_2822 = tpu.dynamic_rotate %select_n3A_2807 by %roll3A_2821 dim 1 : vector<16x4096xi32>, i32 -> vector<16x4096xi32>
    %select_n3A_2823 = arith.select %ne3A_2813, %roll3A_2820, %roll3A_2822 : vector<16x4096xi1>, vector<16x4096xi32>
    %gt3A_2824 = arith.cmpf ogt, %select_n3A_2806, %select_n3A_2818 : vector<16x4096xf32>
    %eq3A_2825 = arith.cmpf oeq, %select_n3A_2806, %select_n3A_2818 : vector<16x4096xf32>
    %lt3A_2826 = arith.cmpi slt, %select_n3A_2807, %select_n3A_2823 : vector<16x4096xi32>
    %and3A_2827 = arith.andi %eq3A_2825, %lt3A_2826 : vector<16x4096xi1>
    %or3A_2828 = arith.ori %gt3A_2824, %and3A_2827 : vector<16x4096xi1>
    %not3A_2829 = arith.constant dense<true> : vector<16x4096xi1>
    %not3A_2830 = arith.xori %ne3A_2813, %not3A_2829 : vector<16x4096xi1>
    %and3A_2831 = arith.constant 4096 : i32
    %and3A_2832 = vector.broadcast %and3A_2831 : i32 to vector<16x4096xi32>
    %and3A_2833 = arith.andi %iota3A_4, %and3A_2832 : vector<16x4096xi32>
    %eq3A_2834 = arith.constant 0 : i32
    %eq3A_2835 = vector.broadcast %eq3A_2834 : i32 to vector<16x4096xi32>
    %eq3A_2836 = arith.cmpi eq, %and3A_2833, %eq3A_2835 : vector<16x4096xi32>
    %eq3A_2837 = arith.xori %not3A_2830, %or3A_2828 : vector<16x4096xi1>
    %eq3A_2838 = arith.constant dense<true> : vector<16x4096xi1>
    %eq3A_2839 = arith.xori %eq3A_2837, %eq3A_2838 : vector<16x4096xi1>
    %eq3A_2840 = arith.xori %eq3A_2836, %eq3A_2839 : vector<16x4096xi1>
    %eq3A_2841 = arith.constant dense<true> : vector<16x4096xi1>
    %eq3A_2842 = arith.xori %eq3A_2840, %eq3A_2841 : vector<16x4096xi1>
    %select_n3A_2843 = arith.select %eq3A_2842, %select_n3A_2806, %select_n3A_2818 : vector<16x4096xi1>, vector<16x4096xf32>
    %select_n3A_2844 = arith.select %eq3A_2842, %select_n3A_2807, %select_n3A_2823 : vector<16x4096xi1>, vector<16x4096xi32>
    %and3A_2845 = arith.constant 1 : i32
    %and3A_2846 = vector.broadcast %and3A_2845 : i32 to vector<16x4096xi32>
    %and3A_2847 = arith.andi %iota3A_4, %and3A_2846 : vector<16x4096xi32>
    %ne3A_2848 = arith.constant 0 : i32
    %ne3A_2849 = vector.broadcast %ne3A_2848 : i32 to vector<16x4096xi32>
    %ne3A_2850 = arith.cmpi ne, %and3A_2847, %ne3A_2849 : vector<16x4096xi32>
    %roll3A_2851 = arith.constant 1 : i32
    %roll3A_2852 = tpu.dynamic_rotate %select_n3A_2843 by %roll3A_2851 dim 1 : vector<16x4096xf32>, i32 -> vector<16x4096xf32>
    %roll3A_2853 = arith.constant 4095 : i32
    %roll3A_2854 = tpu.dynamic_rotate %select_n3A_2843 by %roll3A_2853 dim 1 : vector<16x4096xf32>, i32 -> vector<16x4096xf32>
    %select_n3A_2855 = arith.select %ne3A_2850, %roll3A_2852, %roll3A_2854 : vector<16x4096xi1>, vector<16x4096xf32>
    %roll3A_2856 = arith.constant 1 : i32
    %roll3A_2857 = tpu.dynamic_rotate %select_n3A_2844 by %roll3A_2856 dim 1 : vector<16x4096xi32>, i32 -> vector<16x4096xi32>
    %roll3A_2858 = arith.constant 4095 : i32
    %roll3A_2859 = tpu.dynamic_rotate %select_n3A_2844 by %roll3A_2858 dim 1 : vector<16x4096xi32>, i32 -> vector<16x4096xi32>
    %select_n3A_2860 = arith.select %ne3A_2850, %roll3A_2857, %roll3A_2859 : vector<16x4096xi1>, vector<16x4096xi32>
    %gt3A_2861 = arith.cmpf ogt, %select_n3A_2843, %select_n3A_2855 : vector<16x4096xf32>
    %eq3A_2862 = arith.cmpf oeq, %select_n3A_2843, %select_n3A_2855 : vector<16x4096xf32>
    %lt3A_2863 = arith.cmpi slt, %select_n3A_2844, %select_n3A_2860 : vector<16x4096xi32>
    %and3A_2864 = arith.andi %eq3A_2862, %lt3A_2863 : vector<16x4096xi1>
    %or3A_2865 = arith.ori %gt3A_2861, %and3A_2864 : vector<16x4096xi1>
    %not3A_2866 = arith.constant dense<true> : vector<16x4096xi1>
    %not3A_2867 = arith.xori %ne3A_2850, %not3A_2866 : vector<16x4096xi1>
    %and3A_2868 = arith.constant 4096 : i32
    %and3A_2869 = vector.broadcast %and3A_2868 : i32 to vector<16x4096xi32>
    %and3A_2870 = arith.andi %iota3A_4, %and3A_2869 : vector<16x4096xi32>
    %eq3A_2871 = arith.constant 0 : i32
    %eq3A_2872 = vector.broadcast %eq3A_2871 : i32 to vector<16x4096xi32>
    %eq3A_2873 = arith.cmpi eq, %and3A_2870, %eq3A_2872 : vector<16x4096xi32>
    %eq3A_2874 = arith.xori %not3A_2867, %or3A_2865 : vector<16x4096xi1>
    %eq3A_2875 = arith.constant dense<true> : vector<16x4096xi1>
    %eq3A_2876 = arith.xori %eq3A_2874, %eq3A_2875 : vector<16x4096xi1>
    %eq3A_2877 = arith.xori %eq3A_2873, %eq3A_2876 : vector<16x4096xi1>
    %eq3A_2878 = arith.constant dense<true> : vector<16x4096xi1>
    %eq3A_2879 = arith.xori %eq3A_2877, %eq3A_2878 : vector<16x4096xi1>
    %select_n3A_2880 = arith.select %eq3A_2879, %select_n3A_2844, %select_n3A_2860 : vector<16x4096xi1>, vector<16x4096xi32>
    %slice3A = vector.extract_strided_slice %select_n3A_2880 {offsets = [0, 0], sizes = [16, 1536], strides = [1, 1]} : vector<16x4096xi32> to vector<16x1536xi32>
    %slice3A_2881 = vector.extract_strided_slice %select_n3A_2880 {offsets = [0, 1536], sizes = [16, 1536], strides = [1, 1]} : vector<16x4096xi32> to vector<16x1536xi32>
    %broadcast_in_dim3A_2882 = arith.constant 1073741824 : i32
    %broadcast_in_dim3A_2883 = vector.broadcast %broadcast_in_dim3A_2882 : i32 to vector<16x512xi32>
    %concatenate3A_2884 = tpu.concatenate %slice3A_2881, %broadcast_in_dim3A_2883 in 1 : vector<16x1536xi32>, vector<16x512xi32> -> vector<16x2048xi32>
    %iota3A_2885 = tpu.iota {dimensions = array<i32: 1>} : vector<16x2048xi32>
    %and3A_2886 = arith.constant 1 : i32
    %and3A_2887 = vector.broadcast %and3A_2886 : i32 to vector<16x2048xi32>
    %and3A_2888 = arith.andi %iota3A_2885, %and3A_2887 : vector<16x2048xi32>
    %ne3A_2889 = arith.constant 0 : i32
    %ne3A_2890 = vector.broadcast %ne3A_2889 : i32 to vector<16x2048xi32>
    %ne3A_2891 = arith.cmpi ne, %and3A_2888, %ne3A_2890 : vector<16x2048xi32>
    %roll3A_2892 = arith.constant 1 : i32
    %roll3A_2893 = tpu.dynamic_rotate %concatenate3A_2884 by %roll3A_2892 dim 1 : vector<16x2048xi32>, i32 -> vector<16x2048xi32>
    %roll3A_2894 = arith.constant 2047 : i32
    %roll3A_2895 = tpu.dynamic_rotate %concatenate3A_2884 by %roll3A_2894 dim 1 : vector<16x2048xi32>, i32 -> vector<16x2048xi32>
    %select_n3A_2896 = arith.select %ne3A_2891, %roll3A_2893, %roll3A_2895 : vector<16x2048xi1>, vector<16x2048xi32>
    %lt3A_2897 = arith.cmpi slt, %concatenate3A_2884, %select_n3A_2896 : vector<16x2048xi32>
    %not3A_2898 = arith.constant dense<true> : vector<16x2048xi1>
    %not3A_2899 = arith.xori %ne3A_2891, %not3A_2898 : vector<16x2048xi1>
    %and3A_2900 = arith.constant 2 : i32
    %and3A_2901 = vector.broadcast %and3A_2900 : i32 to vector<16x2048xi32>
    %and3A_2902 = arith.andi %iota3A_2885, %and3A_2901 : vector<16x2048xi32>
    %eq3A_2903 = arith.constant 0 : i32
    %eq3A_2904 = vector.broadcast %eq3A_2903 : i32 to vector<16x2048xi32>
    %eq3A_2905 = arith.cmpi eq, %and3A_2902, %eq3A_2904 : vector<16x2048xi32>
    %eq3A_2906 = arith.xori %not3A_2899, %lt3A_2897 : vector<16x2048xi1>
    %eq3A_2907 = arith.constant dense<true> : vector<16x2048xi1>
    %eq3A_2908 = arith.xori %eq3A_2906, %eq3A_2907 : vector<16x2048xi1>
    %eq3A_2909 = arith.xori %eq3A_2905, %eq3A_2908 : vector<16x2048xi1>
    %eq3A_2910 = arith.constant dense<true> : vector<16x2048xi1>
    %eq3A_2911 = arith.xori %eq3A_2909, %eq3A_2910 : vector<16x2048xi1>
    %select_n3A_2912 = arith.select %eq3A_2911, %concatenate3A_2884, %select_n3A_2896 : vector<16x2048xi1>, vector<16x2048xi32>
    %and3A_2913 = arith.constant 2 : i32
    %and3A_2914 = vector.broadcast %and3A_2913 : i32 to vector<16x2048xi32>
    %and3A_2915 = arith.andi %iota3A_2885, %and3A_2914 : vector<16x2048xi32>
    %ne3A_2916 = arith.constant 0 : i32
    %ne3A_2917 = vector.broadcast %ne3A_2916 : i32 to vector<16x2048xi32>
    %ne3A_2918 = arith.cmpi ne, %and3A_2915, %ne3A_2917 : vector<16x2048xi32>
    %roll3A_2919 = arith.constant 2 : i32
    %roll3A_2920 = tpu.dynamic_rotate %select_n3A_2912 by %roll3A_2919 dim 1 : vector<16x2048xi32>, i32 -> vector<16x2048xi32>
    %roll3A_2921 = arith.constant 2046 : i32
    %roll3A_2922 = tpu.dynamic_rotate %select_n3A_2912 by %roll3A_2921 dim 1 : vector<16x2048xi32>, i32 -> vector<16x2048xi32>
    %select_n3A_2923 = arith.select %ne3A_2918, %roll3A_2920, %roll3A_2922 : vector<16x2048xi1>, vector<16x2048xi32>
    %lt3A_2924 = arith.cmpi slt, %select_n3A_2912, %select_n3A_2923 : vector<16x2048xi32>
    %not3A_2925 = arith.constant dense<true> : vector<16x2048xi1>
    %not3A_2926 = arith.xori %ne3A_2918, %not3A_2925 : vector<16x2048xi1>
    %and3A_2927 = arith.constant 4 : i32
    %and3A_2928 = vector.broadcast %and3A_2927 : i32 to vector<16x2048xi32>
    %and3A_2929 = arith.andi %iota3A_2885, %and3A_2928 : vector<16x2048xi32>
    %eq3A_2930 = arith.constant 0 : i32
    %eq3A_2931 = vector.broadcast %eq3A_2930 : i32 to vector<16x2048xi32>
    %eq3A_2932 = arith.cmpi eq, %and3A_2929, %eq3A_2931 : vector<16x2048xi32>
    %eq3A_2933 = arith.xori %not3A_2926, %lt3A_2924 : vector<16x2048xi1>
    %eq3A_2934 = arith.constant dense<true> : vector<16x2048xi1>
    %eq3A_2935 = arith.xori %eq3A_2933, %eq3A_2934 : vector<16x2048xi1>
    %eq3A_2936 = arith.xori %eq3A_2932, %eq3A_2935 : vector<16x2048xi1>
    %eq3A_2937 = arith.constant dense<true> : vector<16x2048xi1>
    %eq3A_2938 = arith.xori %eq3A_2936, %eq3A_2937 : vector<16x2048xi1>
    %select_n3A_2939 = arith.select %eq3A_2938, %select_n3A_2912, %select_n3A_2923 : vector<16x2048xi1>, vector<16x2048xi32>
    %and3A_2940 = arith.constant 1 : i32
    %and3A_2941 = vector.broadcast %and3A_2940 : i32 to vector<16x2048xi32>
    %and3A_2942 = arith.andi %iota3A_2885, %and3A_2941 : vector<16x2048xi32>
    %ne3A_2943 = arith.constant 0 : i32
    %ne3A_2944 = vector.broadcast %ne3A_2943 : i32 to vector<16x2048xi32>
    %ne3A_2945 = arith.cmpi ne, %and3A_2942, %ne3A_2944 : vector<16x2048xi32>
    %roll3A_2946 = arith.constant 1 : i32
    %roll3A_2947 = tpu.dynamic_rotate %select_n3A_2939 by %roll3A_2946 dim 1 : vector<16x2048xi32>, i32 -> vector<16x2048xi32>
    %roll3A_2948 = arith.constant 2047 : i32
    %roll3A_2949 = tpu.dynamic_rotate %select_n3A_2939 by %roll3A_2948 dim 1 : vector<16x2048xi32>, i32 -> vector<16x2048xi32>
    %select_n3A_2950 = arith.select %ne3A_2945, %roll3A_2947, %roll3A_2949 : vector<16x2048xi1>, vector<16x2048xi32>
    %lt3A_2951 = arith.cmpi slt, %select_n3A_2939, %select_n3A_2950 : vector<16x2048xi32>
    %not3A_2952 = arith.constant dense<true> : vector<16x2048xi1>
    %not3A_2953 = arith.xori %ne3A_2945, %not3A_2952 : vector<16x2048xi1>
    %and3A_2954 = arith.constant 4 : i32
    %and3A_2955 = vector.broadcast %and3A_2954 : i32 to vector<16x2048xi32>
    %and3A_2956 = arith.andi %iota3A_2885, %and3A_2955 : vector<16x2048xi32>
    %eq3A_2957 = arith.constant 0 : i32
    %eq3A_2958 = vector.broadcast %eq3A_2957 : i32 to vector<16x2048xi32>
    %eq3A_2959 = arith.cmpi eq, %and3A_2956, %eq3A_2958 : vector<16x2048xi32>
    %eq3A_2960 = arith.xori %not3A_2953, %lt3A_2951 : vector<16x2048xi1>
    %eq3A_2961 = arith.constant dense<true> : vector<16x2048xi1>
    %eq3A_2962 = arith.xori %eq3A_2960, %eq3A_2961 : vector<16x2048xi1>
    %eq3A_2963 = arith.xori %eq3A_2959, %eq3A_2962 : vector<16x2048xi1>
    %eq3A_2964 = arith.constant dense<true> : vector<16x2048xi1>
    %eq3A_2965 = arith.xori %eq3A_2963, %eq3A_2964 : vector<16x2048xi1>
    %select_n3A_2966 = arith.select %eq3A_2965, %select_n3A_2939, %select_n3A_2950 : vector<16x2048xi1>, vector<16x2048xi32>
    %and3A_2967 = arith.constant 4 : i32
    %and3A_2968 = vector.broadcast %and3A_2967 : i32 to vector<16x2048xi32>
    %and3A_2969 = arith.andi %iota3A_2885, %and3A_2968 : vector<16x2048xi32>
    %ne3A_2970 = arith.constant 0 : i32
    %ne3A_2971 = vector.broadcast %ne3A_2970 : i32 to vector<16x2048xi32>
    %ne3A_2972 = arith.cmpi ne, %and3A_2969, %ne3A_2971 : vector<16x2048xi32>
    %roll3A_2973 = arith.constant 4 : i32
    %roll3A_2974 = tpu.dynamic_rotate %select_n3A_2966 by %roll3A_2973 dim 1 : vector<16x2048xi32>, i32 -> vector<16x2048xi32>
    %roll3A_2975 = arith.constant 2044 : i32
    %roll3A_2976 = tpu.dynamic_rotate %select_n3A_2966 by %roll3A_2975 dim 1 : vector<16x2048xi32>, i32 -> vector<16x2048xi32>
    %select_n3A_2977 = arith.select %ne3A_2972, %roll3A_2974, %roll3A_2976 : vector<16x2048xi1>, vector<16x2048xi32>
    %lt3A_2978 = arith.cmpi slt, %select_n3A_2966, %select_n3A_2977 : vector<16x2048xi32>
    %not3A_2979 = arith.constant dense<true> : vector<16x2048xi1>
    %not3A_2980 = arith.xori %ne3A_2972, %not3A_2979 : vector<16x2048xi1>
    %and3A_2981 = arith.constant 8 : i32
    %and3A_2982 = vector.broadcast %and3A_2981 : i32 to vector<16x2048xi32>
    %and3A_2983 = arith.andi %iota3A_2885, %and3A_2982 : vector<16x2048xi32>
    %eq3A_2984 = arith.constant 0 : i32
    %eq3A_2985 = vector.broadcast %eq3A_2984 : i32 to vector<16x2048xi32>
    %eq3A_2986 = arith.cmpi eq, %and3A_2983, %eq3A_2985 : vector<16x2048xi32>
    %eq3A_2987 = arith.xori %not3A_2980, %lt3A_2978 : vector<16x2048xi1>
    %eq3A_2988 = arith.constant dense<true> : vector<16x2048xi1>
    %eq3A_2989 = arith.xori %eq3A_2987, %eq3A_2988 : vector<16x2048xi1>
    %eq3A_2990 = arith.xori %eq3A_2986, %eq3A_2989 : vector<16x2048xi1>
    %eq3A_2991 = arith.constant dense<true> : vector<16x2048xi1>
    %eq3A_2992 = arith.xori %eq3A_2990, %eq3A_2991 : vector<16x2048xi1>
    %select_n3A_2993 = arith.select %eq3A_2992, %select_n3A_2966, %select_n3A_2977 : vector<16x2048xi1>, vector<16x2048xi32>
    %and3A_2994 = arith.constant 2 : i32
    %and3A_2995 = vector.broadcast %and3A_2994 : i32 to vector<16x2048xi32>
    %and3A_2996 = arith.andi %iota3A_2885, %and3A_2995 : vector<16x2048xi32>
    %ne3A_2997 = arith.constant 0 : i32
    %ne3A_2998 = vector.broadcast %ne3A_2997 : i32 to vector<16x2048xi32>
    %ne3A_2999 = arith.cmpi ne, %and3A_2996, %ne3A_2998 : vector<16x2048xi32>
    %roll3A_3000 = arith.constant 2 : i32
    %roll3A_3001 = tpu.dynamic_rotate %select_n3A_2993 by %roll3A_3000 dim 1 : vector<16x2048xi32>, i32 -> vector<16x2048xi32>
    %roll3A_3002 = arith.constant 2046 : i32
    %roll3A_3003 = tpu.dynamic_rotate %select_n3A_2993 by %roll3A_3002 dim 1 : vector<16x2048xi32>, i32 -> vector<16x2048xi32>
    %select_n3A_3004 = arith.select %ne3A_2999, %roll3A_3001, %roll3A_3003 : vector<16x2048xi1>, vector<16x2048xi32>
    %lt3A_3005 = arith.cmpi slt, %select_n3A_2993, %select_n3A_3004 : vector<16x2048xi32>
    %not3A_3006 = arith.constant dense<true> : vector<16x2048xi1>
    %not3A_3007 = arith.xori %ne3A_2999, %not3A_3006 : vector<16x2048xi1>
    %and3A_3008 = arith.constant 8 : i32
    %and3A_3009 = vector.broadcast %and3A_3008 : i32 to vector<16x2048xi32>
    %and3A_3010 = arith.andi %iota3A_2885, %and3A_3009 : vector<16x2048xi32>
    %eq3A_3011 = arith.constant 0 : i32
    %eq3A_3012 = vector.broadcast %eq3A_3011 : i32 to vector<16x2048xi32>
    %eq3A_3013 = arith.cmpi eq, %and3A_3010, %eq3A_3012 : vector<16x2048xi32>
    %eq3A_3014 = arith.xori %not3A_3007, %lt3A_3005 : vector<16x2048xi1>
    %eq3A_3015 = arith.constant dense<true> : vector<16x2048xi1>
    %eq3A_3016 = arith.xori %eq3A_3014, %eq3A_3015 : vector<16x2048xi1>
    %eq3A_3017 = arith.xori %eq3A_3013, %eq3A_3016 : vector<16x2048xi1>
    %eq3A_3018 = arith.constant dense<true> : vector<16x2048xi1>
    %eq3A_3019 = arith.xori %eq3A_3017, %eq3A_3018 : vector<16x2048xi1>
    %select_n3A_3020 = arith.select %eq3A_3019, %select_n3A_2993, %select_n3A_3004 : vector<16x2048xi1>, vector<16x2048xi32>
    %and3A_3021 = arith.constant 1 : i32
    %and3A_3022 = vector.broadcast %and3A_3021 : i32 to vector<16x2048xi32>
    %and3A_3023 = arith.andi %iota3A_2885, %and3A_3022 : vector<16x2048xi32>
    %ne3A_3024 = arith.constant 0 : i32
    %ne3A_3025 = vector.broadcast %ne3A_3024 : i32 to vector<16x2048xi32>
    %ne3A_3026 = arith.cmpi ne, %and3A_3023, %ne3A_3025 : vector<16x2048xi32>
    %roll3A_3027 = arith.constant 1 : i32
    %roll3A_3028 = tpu.dynamic_rotate %select_n3A_3020 by %roll3A_3027 dim 1 : vector<16x2048xi32>, i32 -> vector<16x2048xi32>
    %roll3A_3029 = arith.constant 2047 : i32
    %roll3A_3030 = tpu.dynamic_rotate %select_n3A_3020 by %roll3A_3029 dim 1 : vector<16x2048xi32>, i32 -> vector<16x2048xi32>
    %select_n3A_3031 = arith.select %ne3A_3026, %roll3A_3028, %roll3A_3030 : vector<16x2048xi1>, vector<16x2048xi32>
    %lt3A_3032 = arith.cmpi slt, %select_n3A_3020, %select_n3A_3031 : vector<16x2048xi32>
    %not3A_3033 = arith.constant dense<true> : vector<16x2048xi1>
    %not3A_3034 = arith.xori %ne3A_3026, %not3A_3033 : vector<16x2048xi1>
    %and3A_3035 = arith.constant 8 : i32
    %and3A_3036 = vector.broadcast %and3A_3035 : i32 to vector<16x2048xi32>
    %and3A_3037 = arith.andi %iota3A_2885, %and3A_3036 : vector<16x2048xi32>
    %eq3A_3038 = arith.constant 0 : i32
    %eq3A_3039 = vector.broadcast %eq3A_3038 : i32 to vector<16x2048xi32>
    %eq3A_3040 = arith.cmpi eq, %and3A_3037, %eq3A_3039 : vector<16x2048xi32>
    %eq3A_3041 = arith.xori %not3A_3034, %lt3A_3032 : vector<16x2048xi1>
    %eq3A_3042 = arith.constant dense<true> : vector<16x2048xi1>
    %eq3A_3043 = arith.xori %eq3A_3041, %eq3A_3042 : vector<16x2048xi1>
    %eq3A_3044 = arith.xori %eq3A_3040, %eq3A_3043 : vector<16x2048xi1>
    %eq3A_3045 = arith.constant dense<true> : vector<16x2048xi1>
    %eq3A_3046 = arith.xori %eq3A_3044, %eq3A_3045 : vector<16x2048xi1>
    %select_n3A_3047 = arith.select %eq3A_3046, %select_n3A_3020, %select_n3A_3031 : vector<16x2048xi1>, vector<16x2048xi32>
    %and3A_3048 = arith.constant 8 : i32
    %and3A_3049 = vector.broadcast %and3A_3048 : i32 to vector<16x2048xi32>
    %and3A_3050 = arith.andi %iota3A_2885, %and3A_3049 : vector<16x2048xi32>
    %ne3A_3051 = arith.constant 0 : i32
    %ne3A_3052 = vector.broadcast %ne3A_3051 : i32 to vector<16x2048xi32>
    %ne3A_3053 = arith.cmpi ne, %and3A_3050, %ne3A_3052 : vector<16x2048xi32>
    %roll3A_3054 = arith.constant 8 : i32
    %roll3A_3055 = tpu.dynamic_rotate %select_n3A_3047 by %roll3A_3054 dim 1 : vector<16x2048xi32>, i32 -> vector<16x2048xi32>
    %roll3A_3056 = arith.constant 2040 : i32
    %roll3A_3057 = tpu.dynamic_rotate %select_n3A_3047 by %roll3A_3056 dim 1 : vector<16x2048xi32>, i32 -> vector<16x2048xi32>
    %select_n3A_3058 = arith.select %ne3A_3053, %roll3A_3055, %roll3A_3057 : vector<16x2048xi1>, vector<16x2048xi32>
    %lt3A_3059 = arith.cmpi slt, %select_n3A_3047, %select_n3A_3058 : vector<16x2048xi32>
    %not3A_3060 = arith.constant dense<true> : vector<16x2048xi1>
    %not3A_3061 = arith.xori %ne3A_3053, %not3A_3060 : vector<16x2048xi1>
    %and3A_3062 = arith.constant 16 : i32
    %and3A_3063 = vector.broadcast %and3A_3062 : i32 to vector<16x2048xi32>
    %and3A_3064 = arith.andi %iota3A_2885, %and3A_3063 : vector<16x2048xi32>
    %eq3A_3065 = arith.constant 0 : i32
    %eq3A_3066 = vector.broadcast %eq3A_3065 : i32 to vector<16x2048xi32>
    %eq3A_3067 = arith.cmpi eq, %and3A_3064, %eq3A_3066 : vector<16x2048xi32>
    %eq3A_3068 = arith.xori %not3A_3061, %lt3A_3059 : vector<16x2048xi1>
    %eq3A_3069 = arith.constant dense<true> : vector<16x2048xi1>
    %eq3A_3070 = arith.xori %eq3A_3068, %eq3A_3069 : vector<16x2048xi1>
    %eq3A_3071 = arith.xori %eq3A_3067, %eq3A_3070 : vector<16x2048xi1>
    %eq3A_3072 = arith.constant dense<true> : vector<16x2048xi1>
    %eq3A_3073 = arith.xori %eq3A_3071, %eq3A_3072 : vector<16x2048xi1>
    %select_n3A_3074 = arith.select %eq3A_3073, %select_n3A_3047, %select_n3A_3058 : vector<16x2048xi1>, vector<16x2048xi32>
    %and3A_3075 = arith.constant 4 : i32
    %and3A_3076 = vector.broadcast %and3A_3075 : i32 to vector<16x2048xi32>
    %and3A_3077 = arith.andi %iota3A_2885, %and3A_3076 : vector<16x2048xi32>
    %ne3A_3078 = arith.constant 0 : i32
    %ne3A_3079 = vector.broadcast %ne3A_3078 : i32 to vector<16x2048xi32>
    %ne3A_3080 = arith.cmpi ne, %and3A_3077, %ne3A_3079 : vector<16x2048xi32>
    %roll3A_3081 = arith.constant 4 : i32
    %roll3A_3082 = tpu.dynamic_rotate %select_n3A_3074 by %roll3A_3081 dim 1 : vector<16x2048xi32>, i32 -> vector<16x2048xi32>
    %roll3A_3083 = arith.constant 2044 : i32
    %roll3A_3084 = tpu.dynamic_rotate %select_n3A_3074 by %roll3A_3083 dim 1 : vector<16x2048xi32>, i32 -> vector<16x2048xi32>
    %select_n3A_3085 = arith.select %ne3A_3080, %roll3A_3082, %roll3A_3084 : vector<16x2048xi1>, vector<16x2048xi32>
    %lt3A_3086 = arith.cmpi slt, %select_n3A_3074, %select_n3A_3085 : vector<16x2048xi32>
    %not3A_3087 = arith.constant dense<true> : vector<16x2048xi1>
    %not3A_3088 = arith.xori %ne3A_3080, %not3A_3087 : vector<16x2048xi1>
    %and3A_3089 = arith.constant 16 : i32
    %and3A_3090 = vector.broadcast %and3A_3089 : i32 to vector<16x2048xi32>
    %and3A_3091 = arith.andi %iota3A_2885, %and3A_3090 : vector<16x2048xi32>
    %eq3A_3092 = arith.constant 0 : i32
    %eq3A_3093 = vector.broadcast %eq3A_3092 : i32 to vector<16x2048xi32>
    %eq3A_3094 = arith.cmpi eq, %and3A_3091, %eq3A_3093 : vector<16x2048xi32>
    %eq3A_3095 = arith.xori %not3A_3088, %lt3A_3086 : vector<16x2048xi1>
    %eq3A_3096 = arith.constant dense<true> : vector<16x2048xi1>
    %eq3A_3097 = arith.xori %eq3A_3095, %eq3A_3096 : vector<16x2048xi1>
    %eq3A_3098 = arith.xori %eq3A_3094, %eq3A_3097 : vector<16x2048xi1>
    %eq3A_3099 = arith.constant dense<true> : vector<16x2048xi1>
    %eq3A_3100 = arith.xori %eq3A_3098, %eq3A_3099 : vector<16x2048xi1>
    %select_n3A_3101 = arith.select %eq3A_3100, %select_n3A_3074, %select_n3A_3085 : vector<16x2048xi1>, vector<16x2048xi32>
    %and3A_3102 = arith.constant 2 : i32
    %and3A_3103 = vector.broadcast %and3A_3102 : i32 to vector<16x2048xi32>
    %and3A_3104 = arith.andi %iota3A_2885, %and3A_3103 : vector<16x2048xi32>
    %ne3A_3105 = arith.constant 0 : i32
    %ne3A_3106 = vector.broadcast %ne3A_3105 : i32 to vector<16x2048xi32>
    %ne3A_3107 = arith.cmpi ne, %and3A_3104, %ne3A_3106 : vector<16x2048xi32>
    %roll3A_3108 = arith.constant 2 : i32
    %roll3A_3109 = tpu.dynamic_rotate %select_n3A_3101 by %roll3A_3108 dim 1 : vector<16x2048xi32>, i32 -> vector<16x2048xi32>
    %roll3A_3110 = arith.constant 2046 : i32
    %roll3A_3111 = tpu.dynamic_rotate %select_n3A_3101 by %roll3A_3110 dim 1 : vector<16x2048xi32>, i32 -> vector<16x2048xi32>
    %select_n3A_3112 = arith.select %ne3A_3107, %roll3A_3109, %roll3A_3111 : vector<16x2048xi1>, vector<16x2048xi32>
    %lt3A_3113 = arith.cmpi slt, %select_n3A_3101, %select_n3A_3112 : vector<16x2048xi32>
    %not3A_3114 = arith.constant dense<true> : vector<16x2048xi1>
    %not3A_3115 = arith.xori %ne3A_3107, %not3A_3114 : vector<16x2048xi1>
    %and3A_3116 = arith.constant 16 : i32
    %and3A_3117 = vector.broadcast %and3A_3116 : i32 to vector<16x2048xi32>
    %and3A_3118 = arith.andi %iota3A_2885, %and3A_3117 : vector<16x2048xi32>
    %eq3A_3119 = arith.constant 0 : i32
    %eq3A_3120 = vector.broadcast %eq3A_3119 : i32 to vector<16x2048xi32>
    %eq3A_3121 = arith.cmpi eq, %and3A_3118, %eq3A_3120 : vector<16x2048xi32>
    %eq3A_3122 = arith.xori %not3A_3115, %lt3A_3113 : vector<16x2048xi1>
    %eq3A_3123 = arith.constant dense<true> : vector<16x2048xi1>
    %eq3A_3124 = arith.xori %eq3A_3122, %eq3A_3123 : vector<16x2048xi1>
    %eq3A_3125 = arith.xori %eq3A_3121, %eq3A_3124 : vector<16x2048xi1>
    %eq3A_3126 = arith.constant dense<true> : vector<16x2048xi1>
    %eq3A_3127 = arith.xori %eq3A_3125, %eq3A_3126 : vector<16x2048xi1>
    %select_n3A_3128 = arith.select %eq3A_3127, %select_n3A_3101, %select_n3A_3112 : vector<16x2048xi1>, vector<16x2048xi32>
    %and3A_3129 = arith.constant 1 : i32
    %and3A_3130 = vector.broadcast %and3A_3129 : i32 to vector<16x2048xi32>
    %and3A_3131 = arith.andi %iota3A_2885, %and3A_3130 : vector<16x2048xi32>
    %ne3A_3132 = arith.constant 0 : i32
    %ne3A_3133 = vector.broadcast %ne3A_3132 : i32 to vector<16x2048xi32>
    %ne3A_3134 = arith.cmpi ne, %and3A_3131, %ne3A_3133 : vector<16x2048xi32>
    %roll3A_3135 = arith.constant 1 : i32
    %roll3A_3136 = tpu.dynamic_rotate %select_n3A_3128 by %roll3A_3135 dim 1 : vector<16x2048xi32>, i32 -> vector<16x2048xi32>
    %roll3A_3137 = arith.constant 2047 : i32
    %roll3A_3138 = tpu.dynamic_rotate %select_n3A_3128 by %roll3A_3137 dim 1 : vector<16x2048xi32>, i32 -> vector<16x2048xi32>
    %select_n3A_3139 = arith.select %ne3A_3134, %roll3A_3136, %roll3A_3138 : vector<16x2048xi1>, vector<16x2048xi32>
    %lt3A_3140 = arith.cmpi slt, %select_n3A_3128, %select_n3A_3139 : vector<16x2048xi32>
    %not3A_3141 = arith.constant dense<true> : vector<16x2048xi1>
    %not3A_3142 = arith.xori %ne3A_3134, %not3A_3141 : vector<16x2048xi1>
    %and3A_3143 = arith.constant 16 : i32
    %and3A_3144 = vector.broadcast %and3A_3143 : i32 to vector<16x2048xi32>
    %and3A_3145 = arith.andi %iota3A_2885, %and3A_3144 : vector<16x2048xi32>
    %eq3A_3146 = arith.constant 0 : i32
    %eq3A_3147 = vector.broadcast %eq3A_3146 : i32 to vector<16x2048xi32>
    %eq3A_3148 = arith.cmpi eq, %and3A_3145, %eq3A_3147 : vector<16x2048xi32>
    %eq3A_3149 = arith.xori %not3A_3142, %lt3A_3140 : vector<16x2048xi1>
    %eq3A_3150 = arith.constant dense<true> : vector<16x2048xi1>
    %eq3A_3151 = arith.xori %eq3A_3149, %eq3A_3150 : vector<16x2048xi1>
    %eq3A_3152 = arith.xori %eq3A_3148, %eq3A_3151 : vector<16x2048xi1>
    %eq3A_3153 = arith.constant dense<true> : vector<16x2048xi1>
    %eq3A_3154 = arith.xori %eq3A_3152, %eq3A_3153 : vector<16x2048xi1>
    %select_n3A_3155 = arith.select %eq3A_3154, %select_n3A_3128, %select_n3A_3139 : vector<16x2048xi1>, vector<16x2048xi32>
    %and3A_3156 = arith.constant 16 : i32
    %and3A_3157 = vector.broadcast %and3A_3156 : i32 to vector<16x2048xi32>
    %and3A_3158 = arith.andi %iota3A_2885, %and3A_3157 : vector<16x2048xi32>
    %ne3A_3159 = arith.constant 0 : i32
    %ne3A_3160 = vector.broadcast %ne3A_3159 : i32 to vector<16x2048xi32>
    %ne3A_3161 = arith.cmpi ne, %and3A_3158, %ne3A_3160 : vector<16x2048xi32>
    %roll3A_3162 = arith.constant 16 : i32
    %roll3A_3163 = tpu.dynamic_rotate %select_n3A_3155 by %roll3A_3162 dim 1 : vector<16x2048xi32>, i32 -> vector<16x2048xi32>
    %roll3A_3164 = arith.constant 2032 : i32
    %roll3A_3165 = tpu.dynamic_rotate %select_n3A_3155 by %roll3A_3164 dim 1 : vector<16x2048xi32>, i32 -> vector<16x2048xi32>
    %select_n3A_3166 = arith.select %ne3A_3161, %roll3A_3163, %roll3A_3165 : vector<16x2048xi1>, vector<16x2048xi32>
    %lt3A_3167 = arith.cmpi slt, %select_n3A_3155, %select_n3A_3166 : vector<16x2048xi32>
    %not3A_3168 = arith.constant dense<true> : vector<16x2048xi1>
    %not3A_3169 = arith.xori %ne3A_3161, %not3A_3168 : vector<16x2048xi1>
    %and3A_3170 = arith.constant 32 : i32
    %and3A_3171 = vector.broadcast %and3A_3170 : i32 to vector<16x2048xi32>
    %and3A_3172 = arith.andi %iota3A_2885, %and3A_3171 : vector<16x2048xi32>
    %eq3A_3173 = arith.constant 0 : i32
    %eq3A_3174 = vector.broadcast %eq3A_3173 : i32 to vector<16x2048xi32>
    %eq3A_3175 = arith.cmpi eq, %and3A_3172, %eq3A_3174 : vector<16x2048xi32>
    %eq3A_3176 = arith.xori %not3A_3169, %lt3A_3167 : vector<16x2048xi1>
    %eq3A_3177 = arith.constant dense<true> : vector<16x2048xi1>
    %eq3A_3178 = arith.xori %eq3A_3176, %eq3A_3177 : vector<16x2048xi1>
    %eq3A_3179 = arith.xori %eq3A_3175, %eq3A_3178 : vector<16x2048xi1>
    %eq3A_3180 = arith.constant dense<true> : vector<16x2048xi1>
    %eq3A_3181 = arith.xori %eq3A_3179, %eq3A_3180 : vector<16x2048xi1>
    %select_n3A_3182 = arith.select %eq3A_3181, %select_n3A_3155, %select_n3A_3166 : vector<16x2048xi1>, vector<16x2048xi32>
    %and3A_3183 = arith.constant 8 : i32
    %and3A_3184 = vector.broadcast %and3A_3183 : i32 to vector<16x2048xi32>
    %and3A_3185 = arith.andi %iota3A_2885, %and3A_3184 : vector<16x2048xi32>
    %ne3A_3186 = arith.constant 0 : i32
    %ne3A_3187 = vector.broadcast %ne3A_3186 : i32 to vector<16x2048xi32>
    %ne3A_3188 = arith.cmpi ne, %and3A_3185, %ne3A_3187 : vector<16x2048xi32>
    %roll3A_3189 = arith.constant 8 : i32
    %roll3A_3190 = tpu.dynamic_rotate %select_n3A_3182 by %roll3A_3189 dim 1 : vector<16x2048xi32>, i32 -> vector<16x2048xi32>
    %roll3A_3191 = arith.constant 2040 : i32
    %roll3A_3192 = tpu.dynamic_rotate %select_n3A_3182 by %roll3A_3191 dim 1 : vector<16x2048xi32>, i32 -> vector<16x2048xi32>
    %select_n3A_3193 = arith.select %ne3A_3188, %roll3A_3190, %roll3A_3192 : vector<16x2048xi1>, vector<16x2048xi32>
    %lt3A_3194 = arith.cmpi slt, %select_n3A_3182, %select_n3A_3193 : vector<16x2048xi32>
    %not3A_3195 = arith.constant dense<true> : vector<16x2048xi1>
    %not3A_3196 = arith.xori %ne3A_3188, %not3A_3195 : vector<16x2048xi1>
    %and3A_3197 = arith.constant 32 : i32
    %and3A_3198 = vector.broadcast %and3A_3197 : i32 to vector<16x2048xi32>
    %and3A_3199 = arith.andi %iota3A_2885, %and3A_3198 : vector<16x2048xi32>
    %eq3A_3200 = arith.constant 0 : i32
    %eq3A_3201 = vector.broadcast %eq3A_3200 : i32 to vector<16x2048xi32>
    %eq3A_3202 = arith.cmpi eq, %and3A_3199, %eq3A_3201 : vector<16x2048xi32>
    %eq3A_3203 = arith.xori %not3A_3196, %lt3A_3194 : vector<16x2048xi1>
    %eq3A_3204 = arith.constant dense<true> : vector<16x2048xi1>
    %eq3A_3205 = arith.xori %eq3A_3203, %eq3A_3204 : vector<16x2048xi1>
    %eq3A_3206 = arith.xori %eq3A_3202, %eq3A_3205 : vector<16x2048xi1>
    %eq3A_3207 = arith.constant dense<true> : vector<16x2048xi1>
    %eq3A_3208 = arith.xori %eq3A_3206, %eq3A_3207 : vector<16x2048xi1>
    %select_n3A_3209 = arith.select %eq3A_3208, %select_n3A_3182, %select_n3A_3193 : vector<16x2048xi1>, vector<16x2048xi32>
    %and3A_3210 = arith.constant 4 : i32
    %and3A_3211 = vector.broadcast %and3A_3210 : i32 to vector<16x2048xi32>
    %and3A_3212 = arith.andi %iota3A_2885, %and3A_3211 : vector<16x2048xi32>
    %ne3A_3213 = arith.constant 0 : i32
    %ne3A_3214 = vector.broadcast %ne3A_3213 : i32 to vector<16x2048xi32>
    %ne3A_3215 = arith.cmpi ne, %and3A_3212, %ne3A_3214 : vector<16x2048xi32>
    %roll3A_3216 = arith.constant 4 : i32
    %roll3A_3217 = tpu.dynamic_rotate %select_n3A_3209 by %roll3A_3216 dim 1 : vector<16x2048xi32>, i32 -> vector<16x2048xi32>
    %roll3A_3218 = arith.constant 2044 : i32
    %roll3A_3219 = tpu.dynamic_rotate %select_n3A_3209 by %roll3A_3218 dim 1 : vector<16x2048xi32>, i32 -> vector<16x2048xi32>
    %select_n3A_3220 = arith.select %ne3A_3215, %roll3A_3217, %roll3A_3219 : vector<16x2048xi1>, vector<16x2048xi32>
    %lt3A_3221 = arith.cmpi slt, %select_n3A_3209, %select_n3A_3220 : vector<16x2048xi32>
    %not3A_3222 = arith.constant dense<true> : vector<16x2048xi1>
    %not3A_3223 = arith.xori %ne3A_3215, %not3A_3222 : vector<16x2048xi1>
    %and3A_3224 = arith.constant 32 : i32
    %and3A_3225 = vector.broadcast %and3A_3224 : i32 to vector<16x2048xi32>
    %and3A_3226 = arith.andi %iota3A_2885, %and3A_3225 : vector<16x2048xi32>
    %eq3A_3227 = arith.constant 0 : i32
    %eq3A_3228 = vector.broadcast %eq3A_3227 : i32 to vector<16x2048xi32>
    %eq3A_3229 = arith.cmpi eq, %and3A_3226, %eq3A_3228 : vector<16x2048xi32>
    %eq3A_3230 = arith.xori %not3A_3223, %lt3A_3221 : vector<16x2048xi1>
    %eq3A_3231 = arith.constant dense<true> : vector<16x2048xi1>
    %eq3A_3232 = arith.xori %eq3A_3230, %eq3A_3231 : vector<16x2048xi1>
    %eq3A_3233 = arith.xori %eq3A_3229, %eq3A_3232 : vector<16x2048xi1>
    %eq3A_3234 = arith.constant dense<true> : vector<16x2048xi1>
    %eq3A_3235 = arith.xori %eq3A_3233, %eq3A_3234 : vector<16x2048xi1>
    %select_n3A_3236 = arith.select %eq3A_3235, %select_n3A_3209, %select_n3A_3220 : vector<16x2048xi1>, vector<16x2048xi32>
    %and3A_3237 = arith.constant 2 : i32
    %and3A_3238 = vector.broadcast %and3A_3237 : i32 to vector<16x2048xi32>
    %and3A_3239 = arith.andi %iota3A_2885, %and3A_3238 : vector<16x2048xi32>
    %ne3A_3240 = arith.constant 0 : i32
    %ne3A_3241 = vector.broadcast %ne3A_3240 : i32 to vector<16x2048xi32>
    %ne3A_3242 = arith.cmpi ne, %and3A_3239, %ne3A_3241 : vector<16x2048xi32>
    %roll3A_3243 = arith.constant 2 : i32
    %roll3A_3244 = tpu.dynamic_rotate %select_n3A_3236 by %roll3A_3243 dim 1 : vector<16x2048xi32>, i32 -> vector<16x2048xi32>
    %roll3A_3245 = arith.constant 2046 : i32
    %roll3A_3246 = tpu.dynamic_rotate %select_n3A_3236 by %roll3A_3245 dim 1 : vector<16x2048xi32>, i32 -> vector<16x2048xi32>
    %select_n3A_3247 = arith.select %ne3A_3242, %roll3A_3244, %roll3A_3246 : vector<16x2048xi1>, vector<16x2048xi32>
    %lt3A_3248 = arith.cmpi slt, %select_n3A_3236, %select_n3A_3247 : vector<16x2048xi32>
    %not3A_3249 = arith.constant dense<true> : vector<16x2048xi1>
    %not3A_3250 = arith.xori %ne3A_3242, %not3A_3249 : vector<16x2048xi1>
    %and3A_3251 = arith.constant 32 : i32
    %and3A_3252 = vector.broadcast %and3A_3251 : i32 to vector<16x2048xi32>
    %and3A_3253 = arith.andi %iota3A_2885, %and3A_3252 : vector<16x2048xi32>
    %eq3A_3254 = arith.constant 0 : i32
    %eq3A_3255 = vector.broadcast %eq3A_3254 : i32 to vector<16x2048xi32>
    %eq3A_3256 = arith.cmpi eq, %and3A_3253, %eq3A_3255 : vector<16x2048xi32>
    %eq3A_3257 = arith.xori %not3A_3250, %lt3A_3248 : vector<16x2048xi1>
    %eq3A_3258 = arith.constant dense<true> : vector<16x2048xi1>
    %eq3A_3259 = arith.xori %eq3A_3257, %eq3A_3258 : vector<16x2048xi1>
    %eq3A_3260 = arith.xori %eq3A_3256, %eq3A_3259 : vector<16x2048xi1>
    %eq3A_3261 = arith.constant dense<true> : vector<16x2048xi1>
    %eq3A_3262 = arith.xori %eq3A_3260, %eq3A_3261 : vector<16x2048xi1>
    %select_n3A_3263 = arith.select %eq3A_3262, %select_n3A_3236, %select_n3A_3247 : vector<16x2048xi1>, vector<16x2048xi32>
    %and3A_3264 = arith.constant 1 : i32
    %and3A_3265 = vector.broadcast %and3A_3264 : i32 to vector<16x2048xi32>
    %and3A_3266 = arith.andi %iota3A_2885, %and3A_3265 : vector<16x2048xi32>
    %ne3A_3267 = arith.constant 0 : i32
    %ne3A_3268 = vector.broadcast %ne3A_3267 : i32 to vector<16x2048xi32>
    %ne3A_3269 = arith.cmpi ne, %and3A_3266, %ne3A_3268 : vector<16x2048xi32>
    %roll3A_3270 = arith.constant 1 : i32
    %roll3A_3271 = tpu.dynamic_rotate %select_n3A_3263 by %roll3A_3270 dim 1 : vector<16x2048xi32>, i32 -> vector<16x2048xi32>
    %roll3A_3272 = arith.constant 2047 : i32
    %roll3A_3273 = tpu.dynamic_rotate %select_n3A_3263 by %roll3A_3272 dim 1 : vector<16x2048xi32>, i32 -> vector<16x2048xi32>
    %select_n3A_3274 = arith.select %ne3A_3269, %roll3A_3271, %roll3A_3273 : vector<16x2048xi1>, vector<16x2048xi32>
    %lt3A_3275 = arith.cmpi slt, %select_n3A_3263, %select_n3A_3274 : vector<16x2048xi32>
    %not3A_3276 = arith.constant dense<true> : vector<16x2048xi1>
    %not3A_3277 = arith.xori %ne3A_3269, %not3A_3276 : vector<16x2048xi1>
    %and3A_3278 = arith.constant 32 : i32
    %and3A_3279 = vector.broadcast %and3A_3278 : i32 to vector<16x2048xi32>
    %and3A_3280 = arith.andi %iota3A_2885, %and3A_3279 : vector<16x2048xi32>
    %eq3A_3281 = arith.constant 0 : i32
    %eq3A_3282 = vector.broadcast %eq3A_3281 : i32 to vector<16x2048xi32>
    %eq3A_3283 = arith.cmpi eq, %and3A_3280, %eq3A_3282 : vector<16x2048xi32>
    %eq3A_3284 = arith.xori %not3A_3277, %lt3A_3275 : vector<16x2048xi1>
    %eq3A_3285 = arith.constant dense<true> : vector<16x2048xi1>
    %eq3A_3286 = arith.xori %eq3A_3284, %eq3A_3285 : vector<16x2048xi1>
    %eq3A_3287 = arith.xori %eq3A_3283, %eq3A_3286 : vector<16x2048xi1>
    %eq3A_3288 = arith.constant dense<true> : vector<16x2048xi1>
    %eq3A_3289 = arith.xori %eq3A_3287, %eq3A_3288 : vector<16x2048xi1>
    %select_n3A_3290 = arith.select %eq3A_3289, %select_n3A_3263, %select_n3A_3274 : vector<16x2048xi1>, vector<16x2048xi32>
    %and3A_3291 = arith.constant 32 : i32
    %and3A_3292 = vector.broadcast %and3A_3291 : i32 to vector<16x2048xi32>
    %and3A_3293 = arith.andi %iota3A_2885, %and3A_3292 : vector<16x2048xi32>
    %ne3A_3294 = arith.constant 0 : i32
    %ne3A_3295 = vector.broadcast %ne3A_3294 : i32 to vector<16x2048xi32>
    %ne3A_3296 = arith.cmpi ne, %and3A_3293, %ne3A_3295 : vector<16x2048xi32>
    %roll3A_3297 = arith.constant 32 : i32
    %roll3A_3298 = tpu.dynamic_rotate %select_n3A_3290 by %roll3A_3297 dim 1 : vector<16x2048xi32>, i32 -> vector<16x2048xi32>
    %roll3A_3299 = arith.constant 2016 : i32
    %roll3A_3300 = tpu.dynamic_rotate %select_n3A_3290 by %roll3A_3299 dim 1 : vector<16x2048xi32>, i32 -> vector<16x2048xi32>
    %select_n3A_3301 = arith.select %ne3A_3296, %roll3A_3298, %roll3A_3300 : vector<16x2048xi1>, vector<16x2048xi32>
    %lt3A_3302 = arith.cmpi slt, %select_n3A_3290, %select_n3A_3301 : vector<16x2048xi32>
    %not3A_3303 = arith.constant dense<true> : vector<16x2048xi1>
    %not3A_3304 = arith.xori %ne3A_3296, %not3A_3303 : vector<16x2048xi1>
    %and3A_3305 = arith.constant 64 : i32
    %and3A_3306 = vector.broadcast %and3A_3305 : i32 to vector<16x2048xi32>
    %and3A_3307 = arith.andi %iota3A_2885, %and3A_3306 : vector<16x2048xi32>
    %eq3A_3308 = arith.constant 0 : i32
    %eq3A_3309 = vector.broadcast %eq3A_3308 : i32 to vector<16x2048xi32>
    %eq3A_3310 = arith.cmpi eq, %and3A_3307, %eq3A_3309 : vector<16x2048xi32>
    %eq3A_3311 = arith.xori %not3A_3304, %lt3A_3302 : vector<16x2048xi1>
    %eq3A_3312 = arith.constant dense<true> : vector<16x2048xi1>
    %eq3A_3313 = arith.xori %eq3A_3311, %eq3A_3312 : vector<16x2048xi1>
    %eq3A_3314 = arith.xori %eq3A_3310, %eq3A_3313 : vector<16x2048xi1>
    %eq3A_3315 = arith.constant dense<true> : vector<16x2048xi1>
    %eq3A_3316 = arith.xori %eq3A_3314, %eq3A_3315 : vector<16x2048xi1>
    %select_n3A_3317 = arith.select %eq3A_3316, %select_n3A_3290, %select_n3A_3301 : vector<16x2048xi1>, vector<16x2048xi32>
    %and3A_3318 = arith.constant 16 : i32
    %and3A_3319 = vector.broadcast %and3A_3318 : i32 to vector<16x2048xi32>
    %and3A_3320 = arith.andi %iota3A_2885, %and3A_3319 : vector<16x2048xi32>
    %ne3A_3321 = arith.constant 0 : i32
    %ne3A_3322 = vector.broadcast %ne3A_3321 : i32 to vector<16x2048xi32>
    %ne3A_3323 = arith.cmpi ne, %and3A_3320, %ne3A_3322 : vector<16x2048xi32>
    %roll3A_3324 = arith.constant 16 : i32
    %roll3A_3325 = tpu.dynamic_rotate %select_n3A_3317 by %roll3A_3324 dim 1 : vector<16x2048xi32>, i32 -> vector<16x2048xi32>
    %roll3A_3326 = arith.constant 2032 : i32
    %roll3A_3327 = tpu.dynamic_rotate %select_n3A_3317 by %roll3A_3326 dim 1 : vector<16x2048xi32>, i32 -> vector<16x2048xi32>
    %select_n3A_3328 = arith.select %ne3A_3323, %roll3A_3325, %roll3A_3327 : vector<16x2048xi1>, vector<16x2048xi32>
    %lt3A_3329 = arith.cmpi slt, %select_n3A_3317, %select_n3A_3328 : vector<16x2048xi32>
    %not3A_3330 = arith.constant dense<true> : vector<16x2048xi1>
    %not3A_3331 = arith.xori %ne3A_3323, %not3A_3330 : vector<16x2048xi1>
    %and3A_3332 = arith.constant 64 : i32
    %and3A_3333 = vector.broadcast %and3A_3332 : i32 to vector<16x2048xi32>
    %and3A_3334 = arith.andi %iota3A_2885, %and3A_3333 : vector<16x2048xi32>
    %eq3A_3335 = arith.constant 0 : i32
    %eq3A_3336 = vector.broadcast %eq3A_3335 : i32 to vector<16x2048xi32>
    %eq3A_3337 = arith.cmpi eq, %and3A_3334, %eq3A_3336 : vector<16x2048xi32>
    %eq3A_3338 = arith.xori %not3A_3331, %lt3A_3329 : vector<16x2048xi1>
    %eq3A_3339 = arith.constant dense<true> : vector<16x2048xi1>
    %eq3A_3340 = arith.xori %eq3A_3338, %eq3A_3339 : vector<16x2048xi1>
    %eq3A_3341 = arith.xori %eq3A_3337, %eq3A_3340 : vector<16x2048xi1>
    %eq3A_3342 = arith.constant dense<true> : vector<16x2048xi1>
    %eq3A_3343 = arith.xori %eq3A_3341, %eq3A_3342 : vector<16x2048xi1>
    %select_n3A_3344 = arith.select %eq3A_3343, %select_n3A_3317, %select_n3A_3328 : vector<16x2048xi1>, vector<16x2048xi32>
    %and3A_3345 = arith.constant 8 : i32
    %and3A_3346 = vector.broadcast %and3A_3345 : i32 to vector<16x2048xi32>
    %and3A_3347 = arith.andi %iota3A_2885, %and3A_3346 : vector<16x2048xi32>
    %ne3A_3348 = arith.constant 0 : i32
    %ne3A_3349 = vector.broadcast %ne3A_3348 : i32 to vector<16x2048xi32>
    %ne3A_3350 = arith.cmpi ne, %and3A_3347, %ne3A_3349 : vector<16x2048xi32>
    %roll3A_3351 = arith.constant 8 : i32
    %roll3A_3352 = tpu.dynamic_rotate %select_n3A_3344 by %roll3A_3351 dim 1 : vector<16x2048xi32>, i32 -> vector<16x2048xi32>
    %roll3A_3353 = arith.constant 2040 : i32
    %roll3A_3354 = tpu.dynamic_rotate %select_n3A_3344 by %roll3A_3353 dim 1 : vector<16x2048xi32>, i32 -> vector<16x2048xi32>
    %select_n3A_3355 = arith.select %ne3A_3350, %roll3A_3352, %roll3A_3354 : vector<16x2048xi1>, vector<16x2048xi32>
    %lt3A_3356 = arith.cmpi slt, %select_n3A_3344, %select_n3A_3355 : vector<16x2048xi32>
    %not3A_3357 = arith.constant dense<true> : vector<16x2048xi1>
    %not3A_3358 = arith.xori %ne3A_3350, %not3A_3357 : vector<16x2048xi1>
    %and3A_3359 = arith.constant 64 : i32
    %and3A_3360 = vector.broadcast %and3A_3359 : i32 to vector<16x2048xi32>
    %and3A_3361 = arith.andi %iota3A_2885, %and3A_3360 : vector<16x2048xi32>
    %eq3A_3362 = arith.constant 0 : i32
    %eq3A_3363 = vector.broadcast %eq3A_3362 : i32 to vector<16x2048xi32>
    %eq3A_3364 = arith.cmpi eq, %and3A_3361, %eq3A_3363 : vector<16x2048xi32>
    %eq3A_3365 = arith.xori %not3A_3358, %lt3A_3356 : vector<16x2048xi1>
    %eq3A_3366 = arith.constant dense<true> : vector<16x2048xi1>
    %eq3A_3367 = arith.xori %eq3A_3365, %eq3A_3366 : vector<16x2048xi1>
    %eq3A_3368 = arith.xori %eq3A_3364, %eq3A_3367 : vector<16x2048xi1>
    %eq3A_3369 = arith.constant dense<true> : vector<16x2048xi1>
    %eq3A_3370 = arith.xori %eq3A_3368, %eq3A_3369 : vector<16x2048xi1>
    %select_n3A_3371 = arith.select %eq3A_3370, %select_n3A_3344, %select_n3A_3355 : vector<16x2048xi1>, vector<16x2048xi32>
    %and3A_3372 = arith.constant 4 : i32
    %and3A_3373 = vector.broadcast %and3A_3372 : i32 to vector<16x2048xi32>
    %and3A_3374 = arith.andi %iota3A_2885, %and3A_3373 : vector<16x2048xi32>
    %ne3A_3375 = arith.constant 0 : i32
    %ne3A_3376 = vector.broadcast %ne3A_3375 : i32 to vector<16x2048xi32>
    %ne3A_3377 = arith.cmpi ne, %and3A_3374, %ne3A_3376 : vector<16x2048xi32>
    %roll3A_3378 = arith.constant 4 : i32
    %roll3A_3379 = tpu.dynamic_rotate %select_n3A_3371 by %roll3A_3378 dim 1 : vector<16x2048xi32>, i32 -> vector<16x2048xi32>
    %roll3A_3380 = arith.constant 2044 : i32
    %roll3A_3381 = tpu.dynamic_rotate %select_n3A_3371 by %roll3A_3380 dim 1 : vector<16x2048xi32>, i32 -> vector<16x2048xi32>
    %select_n3A_3382 = arith.select %ne3A_3377, %roll3A_3379, %roll3A_3381 : vector<16x2048xi1>, vector<16x2048xi32>
    %lt3A_3383 = arith.cmpi slt, %select_n3A_3371, %select_n3A_3382 : vector<16x2048xi32>
    %not3A_3384 = arith.constant dense<true> : vector<16x2048xi1>
    %not3A_3385 = arith.xori %ne3A_3377, %not3A_3384 : vector<16x2048xi1>
    %and3A_3386 = arith.constant 64 : i32
    %and3A_3387 = vector.broadcast %and3A_3386 : i32 to vector<16x2048xi32>
    %and3A_3388 = arith.andi %iota3A_2885, %and3A_3387 : vector<16x2048xi32>
    %eq3A_3389 = arith.constant 0 : i32
    %eq3A_3390 = vector.broadcast %eq3A_3389 : i32 to vector<16x2048xi32>
    %eq3A_3391 = arith.cmpi eq, %and3A_3388, %eq3A_3390 : vector<16x2048xi32>
    %eq3A_3392 = arith.xori %not3A_3385, %lt3A_3383 : vector<16x2048xi1>
    %eq3A_3393 = arith.constant dense<true> : vector<16x2048xi1>
    %eq3A_3394 = arith.xori %eq3A_3392, %eq3A_3393 : vector<16x2048xi1>
    %eq3A_3395 = arith.xori %eq3A_3391, %eq3A_3394 : vector<16x2048xi1>
    %eq3A_3396 = arith.constant dense<true> : vector<16x2048xi1>
    %eq3A_3397 = arith.xori %eq3A_3395, %eq3A_3396 : vector<16x2048xi1>
    %select_n3A_3398 = arith.select %eq3A_3397, %select_n3A_3371, %select_n3A_3382 : vector<16x2048xi1>, vector<16x2048xi32>
    %and3A_3399 = arith.constant 2 : i32
    %and3A_3400 = vector.broadcast %and3A_3399 : i32 to vector<16x2048xi32>
    %and3A_3401 = arith.andi %iota3A_2885, %and3A_3400 : vector<16x2048xi32>
    %ne3A_3402 = arith.constant 0 : i32
    %ne3A_3403 = vector.broadcast %ne3A_3402 : i32 to vector<16x2048xi32>
    %ne3A_3404 = arith.cmpi ne, %and3A_3401, %ne3A_3403 : vector<16x2048xi32>
    %roll3A_3405 = arith.constant 2 : i32
    %roll3A_3406 = tpu.dynamic_rotate %select_n3A_3398 by %roll3A_3405 dim 1 : vector<16x2048xi32>, i32 -> vector<16x2048xi32>
    %roll3A_3407 = arith.constant 2046 : i32
    %roll3A_3408 = tpu.dynamic_rotate %select_n3A_3398 by %roll3A_3407 dim 1 : vector<16x2048xi32>, i32 -> vector<16x2048xi32>
    %select_n3A_3409 = arith.select %ne3A_3404, %roll3A_3406, %roll3A_3408 : vector<16x2048xi1>, vector<16x2048xi32>
    %lt3A_3410 = arith.cmpi slt, %select_n3A_3398, %select_n3A_3409 : vector<16x2048xi32>
    %not3A_3411 = arith.constant dense<true> : vector<16x2048xi1>
    %not3A_3412 = arith.xori %ne3A_3404, %not3A_3411 : vector<16x2048xi1>
    %and3A_3413 = arith.constant 64 : i32
    %and3A_3414 = vector.broadcast %and3A_3413 : i32 to vector<16x2048xi32>
    %and3A_3415 = arith.andi %iota3A_2885, %and3A_3414 : vector<16x2048xi32>
    %eq3A_3416 = arith.constant 0 : i32
    %eq3A_3417 = vector.broadcast %eq3A_3416 : i32 to vector<16x2048xi32>
    %eq3A_3418 = arith.cmpi eq, %and3A_3415, %eq3A_3417 : vector<16x2048xi32>
    %eq3A_3419 = arith.xori %not3A_3412, %lt3A_3410 : vector<16x2048xi1>
    %eq3A_3420 = arith.constant dense<true> : vector<16x2048xi1>
    %eq3A_3421 = arith.xori %eq3A_3419, %eq3A_3420 : vector<16x2048xi1>
    %eq3A_3422 = arith.xori %eq3A_3418, %eq3A_3421 : vector<16x2048xi1>
    %eq3A_3423 = arith.constant dense<true> : vector<16x2048xi1>
    %eq3A_3424 = arith.xori %eq3A_3422, %eq3A_3423 : vector<16x2048xi1>
    %select_n3A_3425 = arith.select %eq3A_3424, %select_n3A_3398, %select_n3A_3409 : vector<16x2048xi1>, vector<16x2048xi32>
    %and3A_3426 = arith.constant 1 : i32
    %and3A_3427 = vector.broadcast %and3A_3426 : i32 to vector<16x2048xi32>
    %and3A_3428 = arith.andi %iota3A_2885, %and3A_3427 : vector<16x2048xi32>
    %ne3A_3429 = arith.constant 0 : i32
    %ne3A_3430 = vector.broadcast %ne3A_3429 : i32 to vector<16x2048xi32>
    %ne3A_3431 = arith.cmpi ne, %and3A_3428, %ne3A_3430 : vector<16x2048xi32>
    %roll3A_3432 = arith.constant 1 : i32
    %roll3A_3433 = tpu.dynamic_rotate %select_n3A_3425 by %roll3A_3432 dim 1 : vector<16x2048xi32>, i32 -> vector<16x2048xi32>
    %roll3A_3434 = arith.constant 2047 : i32
    %roll3A_3435 = tpu.dynamic_rotate %select_n3A_3425 by %roll3A_3434 dim 1 : vector<16x2048xi32>, i32 -> vector<16x2048xi32>
    %select_n3A_3436 = arith.select %ne3A_3431, %roll3A_3433, %roll3A_3435 : vector<16x2048xi1>, vector<16x2048xi32>
    %lt3A_3437 = arith.cmpi slt, %select_n3A_3425, %select_n3A_3436 : vector<16x2048xi32>
    %not3A_3438 = arith.constant dense<true> : vector<16x2048xi1>
    %not3A_3439 = arith.xori %ne3A_3431, %not3A_3438 : vector<16x2048xi1>
    %and3A_3440 = arith.constant 64 : i32
    %and3A_3441 = vector.broadcast %and3A_3440 : i32 to vector<16x2048xi32>
    %and3A_3442 = arith.andi %iota3A_2885, %and3A_3441 : vector<16x2048xi32>
    %eq3A_3443 = arith.constant 0 : i32
    %eq3A_3444 = vector.broadcast %eq3A_3443 : i32 to vector<16x2048xi32>
    %eq3A_3445 = arith.cmpi eq, %and3A_3442, %eq3A_3444 : vector<16x2048xi32>
    %eq3A_3446 = arith.xori %not3A_3439, %lt3A_3437 : vector<16x2048xi1>
    %eq3A_3447 = arith.constant dense<true> : vector<16x2048xi1>
    %eq3A_3448 = arith.xori %eq3A_3446, %eq3A_3447 : vector<16x2048xi1>
    %eq3A_3449 = arith.xori %eq3A_3445, %eq3A_3448 : vector<16x2048xi1>
    %eq3A_3450 = arith.constant dense<true> : vector<16x2048xi1>
    %eq3A_3451 = arith.xori %eq3A_3449, %eq3A_3450 : vector<16x2048xi1>
    %select_n3A_3452 = arith.select %eq3A_3451, %select_n3A_3425, %select_n3A_3436 : vector<16x2048xi1>, vector<16x2048xi32>
    %and3A_3453 = arith.constant 64 : i32
    %and3A_3454 = vector.broadcast %and3A_3453 : i32 to vector<16x2048xi32>
    %and3A_3455 = arith.andi %iota3A_2885, %and3A_3454 : vector<16x2048xi32>
    %ne3A_3456 = arith.constant 0 : i32
    %ne3A_3457 = vector.broadcast %ne3A_3456 : i32 to vector<16x2048xi32>
    %ne3A_3458 = arith.cmpi ne, %and3A_3455, %ne3A_3457 : vector<16x2048xi32>
    %roll3A_3459 = arith.constant 64 : i32
    %roll3A_3460 = tpu.dynamic_rotate %select_n3A_3452 by %roll3A_3459 dim 1 : vector<16x2048xi32>, i32 -> vector<16x2048xi32>
    %roll3A_3461 = arith.constant 1984 : i32
    %roll3A_3462 = tpu.dynamic_rotate %select_n3A_3452 by %roll3A_3461 dim 1 : vector<16x2048xi32>, i32 -> vector<16x2048xi32>
    %select_n3A_3463 = arith.select %ne3A_3458, %roll3A_3460, %roll3A_3462 : vector<16x2048xi1>, vector<16x2048xi32>
    %lt3A_3464 = arith.cmpi slt, %select_n3A_3452, %select_n3A_3463 : vector<16x2048xi32>
    %not3A_3465 = arith.constant dense<true> : vector<16x2048xi1>
    %not3A_3466 = arith.xori %ne3A_3458, %not3A_3465 : vector<16x2048xi1>
    %and3A_3467 = arith.constant 128 : i32
    %and3A_3468 = vector.broadcast %and3A_3467 : i32 to vector<16x2048xi32>
    %and3A_3469 = arith.andi %iota3A_2885, %and3A_3468 : vector<16x2048xi32>
    %eq3A_3470 = arith.constant 0 : i32
    %eq3A_3471 = vector.broadcast %eq3A_3470 : i32 to vector<16x2048xi32>
    %eq3A_3472 = arith.cmpi eq, %and3A_3469, %eq3A_3471 : vector<16x2048xi32>
    %eq3A_3473 = arith.xori %not3A_3466, %lt3A_3464 : vector<16x2048xi1>
    %eq3A_3474 = arith.constant dense<true> : vector<16x2048xi1>
    %eq3A_3475 = arith.xori %eq3A_3473, %eq3A_3474 : vector<16x2048xi1>
    %eq3A_3476 = arith.xori %eq3A_3472, %eq3A_3475 : vector<16x2048xi1>
    %eq3A_3477 = arith.constant dense<true> : vector<16x2048xi1>
    %eq3A_3478 = arith.xori %eq3A_3476, %eq3A_3477 : vector<16x2048xi1>
    %select_n3A_3479 = arith.select %eq3A_3478, %select_n3A_3452, %select_n3A_3463 : vector<16x2048xi1>, vector<16x2048xi32>
    %and3A_3480 = arith.constant 32 : i32
    %and3A_3481 = vector.broadcast %and3A_3480 : i32 to vector<16x2048xi32>
    %and3A_3482 = arith.andi %iota3A_2885, %and3A_3481 : vector<16x2048xi32>
    %ne3A_3483 = arith.constant 0 : i32
    %ne3A_3484 = vector.broadcast %ne3A_3483 : i32 to vector<16x2048xi32>
    %ne3A_3485 = arith.cmpi ne, %and3A_3482, %ne3A_3484 : vector<16x2048xi32>
    %roll3A_3486 = arith.constant 32 : i32
    %roll3A_3487 = tpu.dynamic_rotate %select_n3A_3479 by %roll3A_3486 dim 1 : vector<16x2048xi32>, i32 -> vector<16x2048xi32>
    %roll3A_3488 = arith.constant 2016 : i32
    %roll3A_3489 = tpu.dynamic_rotate %select_n3A_3479 by %roll3A_3488 dim 1 : vector<16x2048xi32>, i32 -> vector<16x2048xi32>
    %select_n3A_3490 = arith.select %ne3A_3485, %roll3A_3487, %roll3A_3489 : vector<16x2048xi1>, vector<16x2048xi32>
    %lt3A_3491 = arith.cmpi slt, %select_n3A_3479, %select_n3A_3490 : vector<16x2048xi32>
    %not3A_3492 = arith.constant dense<true> : vector<16x2048xi1>
    %not3A_3493 = arith.xori %ne3A_3485, %not3A_3492 : vector<16x2048xi1>
    %and3A_3494 = arith.constant 128 : i32
    %and3A_3495 = vector.broadcast %and3A_3494 : i32 to vector<16x2048xi32>
    %and3A_3496 = arith.andi %iota3A_2885, %and3A_3495 : vector<16x2048xi32>
    %eq3A_3497 = arith.constant 0 : i32
    %eq3A_3498 = vector.broadcast %eq3A_3497 : i32 to vector<16x2048xi32>
    %eq3A_3499 = arith.cmpi eq, %and3A_3496, %eq3A_3498 : vector<16x2048xi32>
    %eq3A_3500 = arith.xori %not3A_3493, %lt3A_3491 : vector<16x2048xi1>
    %eq3A_3501 = arith.constant dense<true> : vector<16x2048xi1>
    %eq3A_3502 = arith.xori %eq3A_3500, %eq3A_3501 : vector<16x2048xi1>
    %eq3A_3503 = arith.xori %eq3A_3499, %eq3A_3502 : vector<16x2048xi1>
    %eq3A_3504 = arith.constant dense<true> : vector<16x2048xi1>
    %eq3A_3505 = arith.xori %eq3A_3503, %eq3A_3504 : vector<16x2048xi1>
    %select_n3A_3506 = arith.select %eq3A_3505, %select_n3A_3479, %select_n3A_3490 : vector<16x2048xi1>, vector<16x2048xi32>
    %and3A_3507 = arith.constant 16 : i32
    %and3A_3508 = vector.broadcast %and3A_3507 : i32 to vector<16x2048xi32>
    %and3A_3509 = arith.andi %iota3A_2885, %and3A_3508 : vector<16x2048xi32>
    %ne3A_3510 = arith.constant 0 : i32
    %ne3A_3511 = vector.broadcast %ne3A_3510 : i32 to vector<16x2048xi32>
    %ne3A_3512 = arith.cmpi ne, %and3A_3509, %ne3A_3511 : vector<16x2048xi32>
    %roll3A_3513 = arith.constant 16 : i32
    %roll3A_3514 = tpu.dynamic_rotate %select_n3A_3506 by %roll3A_3513 dim 1 : vector<16x2048xi32>, i32 -> vector<16x2048xi32>
    %roll3A_3515 = arith.constant 2032 : i32
    %roll3A_3516 = tpu.dynamic_rotate %select_n3A_3506 by %roll3A_3515 dim 1 : vector<16x2048xi32>, i32 -> vector<16x2048xi32>
    %select_n3A_3517 = arith.select %ne3A_3512, %roll3A_3514, %roll3A_3516 : vector<16x2048xi1>, vector<16x2048xi32>
    %lt3A_3518 = arith.cmpi slt, %select_n3A_3506, %select_n3A_3517 : vector<16x2048xi32>
    %not3A_3519 = arith.constant dense<true> : vector<16x2048xi1>
    %not3A_3520 = arith.xori %ne3A_3512, %not3A_3519 : vector<16x2048xi1>
    %and3A_3521 = arith.constant 128 : i32
    %and3A_3522 = vector.broadcast %and3A_3521 : i32 to vector<16x2048xi32>
    %and3A_3523 = arith.andi %iota3A_2885, %and3A_3522 : vector<16x2048xi32>
    %eq3A_3524 = arith.constant 0 : i32
    %eq3A_3525 = vector.broadcast %eq3A_3524 : i32 to vector<16x2048xi32>
    %eq3A_3526 = arith.cmpi eq, %and3A_3523, %eq3A_3525 : vector<16x2048xi32>
    %eq3A_3527 = arith.xori %not3A_3520, %lt3A_3518 : vector<16x2048xi1>
    %eq3A_3528 = arith.constant dense<true> : vector<16x2048xi1>
    %eq3A_3529 = arith.xori %eq3A_3527, %eq3A_3528 : vector<16x2048xi1>
    %eq3A_3530 = arith.xori %eq3A_3526, %eq3A_3529 : vector<16x2048xi1>
    %eq3A_3531 = arith.constant dense<true> : vector<16x2048xi1>
    %eq3A_3532 = arith.xori %eq3A_3530, %eq3A_3531 : vector<16x2048xi1>
    %select_n3A_3533 = arith.select %eq3A_3532, %select_n3A_3506, %select_n3A_3517 : vector<16x2048xi1>, vector<16x2048xi32>
    %and3A_3534 = arith.constant 8 : i32
    %and3A_3535 = vector.broadcast %and3A_3534 : i32 to vector<16x2048xi32>
    %and3A_3536 = arith.andi %iota3A_2885, %and3A_3535 : vector<16x2048xi32>
    %ne3A_3537 = arith.constant 0 : i32
    %ne3A_3538 = vector.broadcast %ne3A_3537 : i32 to vector<16x2048xi32>
    %ne3A_3539 = arith.cmpi ne, %and3A_3536, %ne3A_3538 : vector<16x2048xi32>
    %roll3A_3540 = arith.constant 8 : i32
    %roll3A_3541 = tpu.dynamic_rotate %select_n3A_3533 by %roll3A_3540 dim 1 : vector<16x2048xi32>, i32 -> vector<16x2048xi32>
    %roll3A_3542 = arith.constant 2040 : i32
    %roll3A_3543 = tpu.dynamic_rotate %select_n3A_3533 by %roll3A_3542 dim 1 : vector<16x2048xi32>, i32 -> vector<16x2048xi32>
    %select_n3A_3544 = arith.select %ne3A_3539, %roll3A_3541, %roll3A_3543 : vector<16x2048xi1>, vector<16x2048xi32>
    %lt3A_3545 = arith.cmpi slt, %select_n3A_3533, %select_n3A_3544 : vector<16x2048xi32>
    %not3A_3546 = arith.constant dense<true> : vector<16x2048xi1>
    %not3A_3547 = arith.xori %ne3A_3539, %not3A_3546 : vector<16x2048xi1>
    %and3A_3548 = arith.constant 128 : i32
    %and3A_3549 = vector.broadcast %and3A_3548 : i32 to vector<16x2048xi32>
    %and3A_3550 = arith.andi %iota3A_2885, %and3A_3549 : vector<16x2048xi32>
    %eq3A_3551 = arith.constant 0 : i32
    %eq3A_3552 = vector.broadcast %eq3A_3551 : i32 to vector<16x2048xi32>
    %eq3A_3553 = arith.cmpi eq, %and3A_3550, %eq3A_3552 : vector<16x2048xi32>
    %eq3A_3554 = arith.xori %not3A_3547, %lt3A_3545 : vector<16x2048xi1>
    %eq3A_3555 = arith.constant dense<true> : vector<16x2048xi1>
    %eq3A_3556 = arith.xori %eq3A_3554, %eq3A_3555 : vector<16x2048xi1>
    %eq3A_3557 = arith.xori %eq3A_3553, %eq3A_3556 : vector<16x2048xi1>
    %eq3A_3558 = arith.constant dense<true> : vector<16x2048xi1>
    %eq3A_3559 = arith.xori %eq3A_3557, %eq3A_3558 : vector<16x2048xi1>
    %select_n3A_3560 = arith.select %eq3A_3559, %select_n3A_3533, %select_n3A_3544 : vector<16x2048xi1>, vector<16x2048xi32>
    %and3A_3561 = arith.constant 4 : i32
    %and3A_3562 = vector.broadcast %and3A_3561 : i32 to vector<16x2048xi32>
    %and3A_3563 = arith.andi %iota3A_2885, %and3A_3562 : vector<16x2048xi32>
    %ne3A_3564 = arith.constant 0 : i32
    %ne3A_3565 = vector.broadcast %ne3A_3564 : i32 to vector<16x2048xi32>
    %ne3A_3566 = arith.cmpi ne, %and3A_3563, %ne3A_3565 : vector<16x2048xi32>
    %roll3A_3567 = arith.constant 4 : i32
    %roll3A_3568 = tpu.dynamic_rotate %select_n3A_3560 by %roll3A_3567 dim 1 : vector<16x2048xi32>, i32 -> vector<16x2048xi32>
    %roll3A_3569 = arith.constant 2044 : i32
    %roll3A_3570 = tpu.dynamic_rotate %select_n3A_3560 by %roll3A_3569 dim 1 : vector<16x2048xi32>, i32 -> vector<16x2048xi32>
    %select_n3A_3571 = arith.select %ne3A_3566, %roll3A_3568, %roll3A_3570 : vector<16x2048xi1>, vector<16x2048xi32>
    %lt3A_3572 = arith.cmpi slt, %select_n3A_3560, %select_n3A_3571 : vector<16x2048xi32>
    %not3A_3573 = arith.constant dense<true> : vector<16x2048xi1>
    %not3A_3574 = arith.xori %ne3A_3566, %not3A_3573 : vector<16x2048xi1>
    %and3A_3575 = arith.constant 128 : i32
    %and3A_3576 = vector.broadcast %and3A_3575 : i32 to vector<16x2048xi32>
    %and3A_3577 = arith.andi %iota3A_2885, %and3A_3576 : vector<16x2048xi32>
    %eq3A_3578 = arith.constant 0 : i32
    %eq3A_3579 = vector.broadcast %eq3A_3578 : i32 to vector<16x2048xi32>
    %eq3A_3580 = arith.cmpi eq, %and3A_3577, %eq3A_3579 : vector<16x2048xi32>
    %eq3A_3581 = arith.xori %not3A_3574, %lt3A_3572 : vector<16x2048xi1>
    %eq3A_3582 = arith.constant dense<true> : vector<16x2048xi1>
    %eq3A_3583 = arith.xori %eq3A_3581, %eq3A_3582 : vector<16x2048xi1>
    %eq3A_3584 = arith.xori %eq3A_3580, %eq3A_3583 : vector<16x2048xi1>
    %eq3A_3585 = arith.constant dense<true> : vector<16x2048xi1>
    %eq3A_3586 = arith.xori %eq3A_3584, %eq3A_3585 : vector<16x2048xi1>
    %select_n3A_3587 = arith.select %eq3A_3586, %select_n3A_3560, %select_n3A_3571 : vector<16x2048xi1>, vector<16x2048xi32>
    %and3A_3588 = arith.constant 2 : i32
    %and3A_3589 = vector.broadcast %and3A_3588 : i32 to vector<16x2048xi32>
    %and3A_3590 = arith.andi %iota3A_2885, %and3A_3589 : vector<16x2048xi32>
    %ne3A_3591 = arith.constant 0 : i32
    %ne3A_3592 = vector.broadcast %ne3A_3591 : i32 to vector<16x2048xi32>
    %ne3A_3593 = arith.cmpi ne, %and3A_3590, %ne3A_3592 : vector<16x2048xi32>
    %roll3A_3594 = arith.constant 2 : i32
    %roll3A_3595 = tpu.dynamic_rotate %select_n3A_3587 by %roll3A_3594 dim 1 : vector<16x2048xi32>, i32 -> vector<16x2048xi32>
    %roll3A_3596 = arith.constant 2046 : i32
    %roll3A_3597 = tpu.dynamic_rotate %select_n3A_3587 by %roll3A_3596 dim 1 : vector<16x2048xi32>, i32 -> vector<16x2048xi32>
    %select_n3A_3598 = arith.select %ne3A_3593, %roll3A_3595, %roll3A_3597 : vector<16x2048xi1>, vector<16x2048xi32>
    %lt3A_3599 = arith.cmpi slt, %select_n3A_3587, %select_n3A_3598 : vector<16x2048xi32>
    %not3A_3600 = arith.constant dense<true> : vector<16x2048xi1>
    %not3A_3601 = arith.xori %ne3A_3593, %not3A_3600 : vector<16x2048xi1>
    %and3A_3602 = arith.constant 128 : i32
    %and3A_3603 = vector.broadcast %and3A_3602 : i32 to vector<16x2048xi32>
    %and3A_3604 = arith.andi %iota3A_2885, %and3A_3603 : vector<16x2048xi32>
    %eq3A_3605 = arith.constant 0 : i32
    %eq3A_3606 = vector.broadcast %eq3A_3605 : i32 to vector<16x2048xi32>
    %eq3A_3607 = arith.cmpi eq, %and3A_3604, %eq3A_3606 : vector<16x2048xi32>
    %eq3A_3608 = arith.xori %not3A_3601, %lt3A_3599 : vector<16x2048xi1>
    %eq3A_3609 = arith.constant dense<true> : vector<16x2048xi1>
    %eq3A_3610 = arith.xori %eq3A_3608, %eq3A_3609 : vector<16x2048xi1>
    %eq3A_3611 = arith.xori %eq3A_3607, %eq3A_3610 : vector<16x2048xi1>
    %eq3A_3612 = arith.constant dense<true> : vector<16x2048xi1>
    %eq3A_3613 = arith.xori %eq3A_3611, %eq3A_3612 : vector<16x2048xi1>
    %select_n3A_3614 = arith.select %eq3A_3613, %select_n3A_3587, %select_n3A_3598 : vector<16x2048xi1>, vector<16x2048xi32>
    %and3A_3615 = arith.constant 1 : i32
    %and3A_3616 = vector.broadcast %and3A_3615 : i32 to vector<16x2048xi32>
    %and3A_3617 = arith.andi %iota3A_2885, %and3A_3616 : vector<16x2048xi32>
    %ne3A_3618 = arith.constant 0 : i32
    %ne3A_3619 = vector.broadcast %ne3A_3618 : i32 to vector<16x2048xi32>
    %ne3A_3620 = arith.cmpi ne, %and3A_3617, %ne3A_3619 : vector<16x2048xi32>
    %roll3A_3621 = arith.constant 1 : i32
    %roll3A_3622 = tpu.dynamic_rotate %select_n3A_3614 by %roll3A_3621 dim 1 : vector<16x2048xi32>, i32 -> vector<16x2048xi32>
    %roll3A_3623 = arith.constant 2047 : i32
    %roll3A_3624 = tpu.dynamic_rotate %select_n3A_3614 by %roll3A_3623 dim 1 : vector<16x2048xi32>, i32 -> vector<16x2048xi32>
    %select_n3A_3625 = arith.select %ne3A_3620, %roll3A_3622, %roll3A_3624 : vector<16x2048xi1>, vector<16x2048xi32>
    %lt3A_3626 = arith.cmpi slt, %select_n3A_3614, %select_n3A_3625 : vector<16x2048xi32>
    %not3A_3627 = arith.constant dense<true> : vector<16x2048xi1>
    %not3A_3628 = arith.xori %ne3A_3620, %not3A_3627 : vector<16x2048xi1>
    %and3A_3629 = arith.constant 128 : i32
    %and3A_3630 = vector.broadcast %and3A_3629 : i32 to vector<16x2048xi32>
    %and3A_3631 = arith.andi %iota3A_2885, %and3A_3630 : vector<16x2048xi32>
    %eq3A_3632 = arith.constant 0 : i32
    %eq3A_3633 = vector.broadcast %eq3A_3632 : i32 to vector<16x2048xi32>
    %eq3A_3634 = arith.cmpi eq, %and3A_3631, %eq3A_3633 : vector<16x2048xi32>
    %eq3A_3635 = arith.xori %not3A_3628, %lt3A_3626 : vector<16x2048xi1>
    %eq3A_3636 = arith.constant dense<true> : vector<16x2048xi1>
    %eq3A_3637 = arith.xori %eq3A_3635, %eq3A_3636 : vector<16x2048xi1>
    %eq3A_3638 = arith.xori %eq3A_3634, %eq3A_3637 : vector<16x2048xi1>
    %eq3A_3639 = arith.constant dense<true> : vector<16x2048xi1>
    %eq3A_3640 = arith.xori %eq3A_3638, %eq3A_3639 : vector<16x2048xi1>
    %select_n3A_3641 = arith.select %eq3A_3640, %select_n3A_3614, %select_n3A_3625 : vector<16x2048xi1>, vector<16x2048xi32>
    %and3A_3642 = arith.constant 128 : i32
    %and3A_3643 = vector.broadcast %and3A_3642 : i32 to vector<16x2048xi32>
    %and3A_3644 = arith.andi %iota3A_2885, %and3A_3643 : vector<16x2048xi32>
    %ne3A_3645 = arith.constant 0 : i32
    %ne3A_3646 = vector.broadcast %ne3A_3645 : i32 to vector<16x2048xi32>
    %ne3A_3647 = arith.cmpi ne, %and3A_3644, %ne3A_3646 : vector<16x2048xi32>
    %roll3A_3648 = arith.constant 128 : i32
    %roll3A_3649 = tpu.dynamic_rotate %select_n3A_3641 by %roll3A_3648 dim 1 : vector<16x2048xi32>, i32 -> vector<16x2048xi32>
    %roll3A_3650 = arith.constant 1920 : i32
    %roll3A_3651 = tpu.dynamic_rotate %select_n3A_3641 by %roll3A_3650 dim 1 : vector<16x2048xi32>, i32 -> vector<16x2048xi32>
    %select_n3A_3652 = arith.select %ne3A_3647, %roll3A_3649, %roll3A_3651 : vector<16x2048xi1>, vector<16x2048xi32>
    %lt3A_3653 = arith.cmpi slt, %select_n3A_3641, %select_n3A_3652 : vector<16x2048xi32>
    %not3A_3654 = arith.constant dense<true> : vector<16x2048xi1>
    %not3A_3655 = arith.xori %ne3A_3647, %not3A_3654 : vector<16x2048xi1>
    %and3A_3656 = arith.constant 256 : i32
    %and3A_3657 = vector.broadcast %and3A_3656 : i32 to vector<16x2048xi32>
    %and3A_3658 = arith.andi %iota3A_2885, %and3A_3657 : vector<16x2048xi32>
    %eq3A_3659 = arith.constant 0 : i32
    %eq3A_3660 = vector.broadcast %eq3A_3659 : i32 to vector<16x2048xi32>
    %eq3A_3661 = arith.cmpi eq, %and3A_3658, %eq3A_3660 : vector<16x2048xi32>
    %eq3A_3662 = arith.xori %not3A_3655, %lt3A_3653 : vector<16x2048xi1>
    %eq3A_3663 = arith.constant dense<true> : vector<16x2048xi1>
    %eq3A_3664 = arith.xori %eq3A_3662, %eq3A_3663 : vector<16x2048xi1>
    %eq3A_3665 = arith.xori %eq3A_3661, %eq3A_3664 : vector<16x2048xi1>
    %eq3A_3666 = arith.constant dense<true> : vector<16x2048xi1>
    %eq3A_3667 = arith.xori %eq3A_3665, %eq3A_3666 : vector<16x2048xi1>
    %select_n3A_3668 = arith.select %eq3A_3667, %select_n3A_3641, %select_n3A_3652 : vector<16x2048xi1>, vector<16x2048xi32>
    %and3A_3669 = arith.constant 64 : i32
    %and3A_3670 = vector.broadcast %and3A_3669 : i32 to vector<16x2048xi32>
    %and3A_3671 = arith.andi %iota3A_2885, %and3A_3670 : vector<16x2048xi32>
    %ne3A_3672 = arith.constant 0 : i32
    %ne3A_3673 = vector.broadcast %ne3A_3672 : i32 to vector<16x2048xi32>
    %ne3A_3674 = arith.cmpi ne, %and3A_3671, %ne3A_3673 : vector<16x2048xi32>
    %roll3A_3675 = arith.constant 64 : i32
    %roll3A_3676 = tpu.dynamic_rotate %select_n3A_3668 by %roll3A_3675 dim 1 : vector<16x2048xi32>, i32 -> vector<16x2048xi32>
    %roll3A_3677 = arith.constant 1984 : i32
    %roll3A_3678 = tpu.dynamic_rotate %select_n3A_3668 by %roll3A_3677 dim 1 : vector<16x2048xi32>, i32 -> vector<16x2048xi32>
    %select_n3A_3679 = arith.select %ne3A_3674, %roll3A_3676, %roll3A_3678 : vector<16x2048xi1>, vector<16x2048xi32>
    %lt3A_3680 = arith.cmpi slt, %select_n3A_3668, %select_n3A_3679 : vector<16x2048xi32>
    %not3A_3681 = arith.constant dense<true> : vector<16x2048xi1>
    %not3A_3682 = arith.xori %ne3A_3674, %not3A_3681 : vector<16x2048xi1>
    %and3A_3683 = arith.constant 256 : i32
    %and3A_3684 = vector.broadcast %and3A_3683 : i32 to vector<16x2048xi32>
    %and3A_3685 = arith.andi %iota3A_2885, %and3A_3684 : vector<16x2048xi32>
    %eq3A_3686 = arith.constant 0 : i32
    %eq3A_3687 = vector.broadcast %eq3A_3686 : i32 to vector<16x2048xi32>
    %eq3A_3688 = arith.cmpi eq, %and3A_3685, %eq3A_3687 : vector<16x2048xi32>
    %eq3A_3689 = arith.xori %not3A_3682, %lt3A_3680 : vector<16x2048xi1>
    %eq3A_3690 = arith.constant dense<true> : vector<16x2048xi1>
    %eq3A_3691 = arith.xori %eq3A_3689, %eq3A_3690 : vector<16x2048xi1>
    %eq3A_3692 = arith.xori %eq3A_3688, %eq3A_3691 : vector<16x2048xi1>
    %eq3A_3693 = arith.constant dense<true> : vector<16x2048xi1>
    %eq3A_3694 = arith.xori %eq3A_3692, %eq3A_3693 : vector<16x2048xi1>
    %select_n3A_3695 = arith.select %eq3A_3694, %select_n3A_3668, %select_n3A_3679 : vector<16x2048xi1>, vector<16x2048xi32>
    %and3A_3696 = arith.constant 32 : i32
    %and3A_3697 = vector.broadcast %and3A_3696 : i32 to vector<16x2048xi32>
    %and3A_3698 = arith.andi %iota3A_2885, %and3A_3697 : vector<16x2048xi32>
    %ne3A_3699 = arith.constant 0 : i32
    %ne3A_3700 = vector.broadcast %ne3A_3699 : i32 to vector<16x2048xi32>
    %ne3A_3701 = arith.cmpi ne, %and3A_3698, %ne3A_3700 : vector<16x2048xi32>
    %roll3A_3702 = arith.constant 32 : i32
    %roll3A_3703 = tpu.dynamic_rotate %select_n3A_3695 by %roll3A_3702 dim 1 : vector<16x2048xi32>, i32 -> vector<16x2048xi32>
    %roll3A_3704 = arith.constant 2016 : i32
    %roll3A_3705 = tpu.dynamic_rotate %select_n3A_3695 by %roll3A_3704 dim 1 : vector<16x2048xi32>, i32 -> vector<16x2048xi32>
    %select_n3A_3706 = arith.select %ne3A_3701, %roll3A_3703, %roll3A_3705 : vector<16x2048xi1>, vector<16x2048xi32>
    %lt3A_3707 = arith.cmpi slt, %select_n3A_3695, %select_n3A_3706 : vector<16x2048xi32>
    %not3A_3708 = arith.constant dense<true> : vector<16x2048xi1>
    %not3A_3709 = arith.xori %ne3A_3701, %not3A_3708 : vector<16x2048xi1>
    %and3A_3710 = arith.constant 256 : i32
    %and3A_3711 = vector.broadcast %and3A_3710 : i32 to vector<16x2048xi32>
    %and3A_3712 = arith.andi %iota3A_2885, %and3A_3711 : vector<16x2048xi32>
    %eq3A_3713 = arith.constant 0 : i32
    %eq3A_3714 = vector.broadcast %eq3A_3713 : i32 to vector<16x2048xi32>
    %eq3A_3715 = arith.cmpi eq, %and3A_3712, %eq3A_3714 : vector<16x2048xi32>
    %eq3A_3716 = arith.xori %not3A_3709, %lt3A_3707 : vector<16x2048xi1>
    %eq3A_3717 = arith.constant dense<true> : vector<16x2048xi1>
    %eq3A_3718 = arith.xori %eq3A_3716, %eq3A_3717 : vector<16x2048xi1>
    %eq3A_3719 = arith.xori %eq3A_3715, %eq3A_3718 : vector<16x2048xi1>
    %eq3A_3720 = arith.constant dense<true> : vector<16x2048xi1>
    %eq3A_3721 = arith.xori %eq3A_3719, %eq3A_3720 : vector<16x2048xi1>
    %select_n3A_3722 = arith.select %eq3A_3721, %select_n3A_3695, %select_n3A_3706 : vector<16x2048xi1>, vector<16x2048xi32>
    %and3A_3723 = arith.constant 16 : i32
    %and3A_3724 = vector.broadcast %and3A_3723 : i32 to vector<16x2048xi32>
    %and3A_3725 = arith.andi %iota3A_2885, %and3A_3724 : vector<16x2048xi32>
    %ne3A_3726 = arith.constant 0 : i32
    %ne3A_3727 = vector.broadcast %ne3A_3726 : i32 to vector<16x2048xi32>
    %ne3A_3728 = arith.cmpi ne, %and3A_3725, %ne3A_3727 : vector<16x2048xi32>
    %roll3A_3729 = arith.constant 16 : i32
    %roll3A_3730 = tpu.dynamic_rotate %select_n3A_3722 by %roll3A_3729 dim 1 : vector<16x2048xi32>, i32 -> vector<16x2048xi32>
    %roll3A_3731 = arith.constant 2032 : i32
    %roll3A_3732 = tpu.dynamic_rotate %select_n3A_3722 by %roll3A_3731 dim 1 : vector<16x2048xi32>, i32 -> vector<16x2048xi32>
    %select_n3A_3733 = arith.select %ne3A_3728, %roll3A_3730, %roll3A_3732 : vector<16x2048xi1>, vector<16x2048xi32>
    %lt3A_3734 = arith.cmpi slt, %select_n3A_3722, %select_n3A_3733 : vector<16x2048xi32>
    %not3A_3735 = arith.constant dense<true> : vector<16x2048xi1>
    %not3A_3736 = arith.xori %ne3A_3728, %not3A_3735 : vector<16x2048xi1>
    %and3A_3737 = arith.constant 256 : i32
    %and3A_3738 = vector.broadcast %and3A_3737 : i32 to vector<16x2048xi32>
    %and3A_3739 = arith.andi %iota3A_2885, %and3A_3738 : vector<16x2048xi32>
    %eq3A_3740 = arith.constant 0 : i32
    %eq3A_3741 = vector.broadcast %eq3A_3740 : i32 to vector<16x2048xi32>
    %eq3A_3742 = arith.cmpi eq, %and3A_3739, %eq3A_3741 : vector<16x2048xi32>
    %eq3A_3743 = arith.xori %not3A_3736, %lt3A_3734 : vector<16x2048xi1>
    %eq3A_3744 = arith.constant dense<true> : vector<16x2048xi1>
    %eq3A_3745 = arith.xori %eq3A_3743, %eq3A_3744 : vector<16x2048xi1>
    %eq3A_3746 = arith.xori %eq3A_3742, %eq3A_3745 : vector<16x2048xi1>
    %eq3A_3747 = arith.constant dense<true> : vector<16x2048xi1>
    %eq3A_3748 = arith.xori %eq3A_3746, %eq3A_3747 : vector<16x2048xi1>
    %select_n3A_3749 = arith.select %eq3A_3748, %select_n3A_3722, %select_n3A_3733 : vector<16x2048xi1>, vector<16x2048xi32>
    %and3A_3750 = arith.constant 8 : i32
    %and3A_3751 = vector.broadcast %and3A_3750 : i32 to vector<16x2048xi32>
    %and3A_3752 = arith.andi %iota3A_2885, %and3A_3751 : vector<16x2048xi32>
    %ne3A_3753 = arith.constant 0 : i32
    %ne3A_3754 = vector.broadcast %ne3A_3753 : i32 to vector<16x2048xi32>
    %ne3A_3755 = arith.cmpi ne, %and3A_3752, %ne3A_3754 : vector<16x2048xi32>
    %roll3A_3756 = arith.constant 8 : i32
    %roll3A_3757 = tpu.dynamic_rotate %select_n3A_3749 by %roll3A_3756 dim 1 : vector<16x2048xi32>, i32 -> vector<16x2048xi32>
    %roll3A_3758 = arith.constant 2040 : i32
    %roll3A_3759 = tpu.dynamic_rotate %select_n3A_3749 by %roll3A_3758 dim 1 : vector<16x2048xi32>, i32 -> vector<16x2048xi32>
    %select_n3A_3760 = arith.select %ne3A_3755, %roll3A_3757, %roll3A_3759 : vector<16x2048xi1>, vector<16x2048xi32>
    %lt3A_3761 = arith.cmpi slt, %select_n3A_3749, %select_n3A_3760 : vector<16x2048xi32>
    %not3A_3762 = arith.constant dense<true> : vector<16x2048xi1>
    %not3A_3763 = arith.xori %ne3A_3755, %not3A_3762 : vector<16x2048xi1>
    %and3A_3764 = arith.constant 256 : i32
    %and3A_3765 = vector.broadcast %and3A_3764 : i32 to vector<16x2048xi32>
    %and3A_3766 = arith.andi %iota3A_2885, %and3A_3765 : vector<16x2048xi32>
    %eq3A_3767 = arith.constant 0 : i32
    %eq3A_3768 = vector.broadcast %eq3A_3767 : i32 to vector<16x2048xi32>
    %eq3A_3769 = arith.cmpi eq, %and3A_3766, %eq3A_3768 : vector<16x2048xi32>
    %eq3A_3770 = arith.xori %not3A_3763, %lt3A_3761 : vector<16x2048xi1>
    %eq3A_3771 = arith.constant dense<true> : vector<16x2048xi1>
    %eq3A_3772 = arith.xori %eq3A_3770, %eq3A_3771 : vector<16x2048xi1>
    %eq3A_3773 = arith.xori %eq3A_3769, %eq3A_3772 : vector<16x2048xi1>
    %eq3A_3774 = arith.constant dense<true> : vector<16x2048xi1>
    %eq3A_3775 = arith.xori %eq3A_3773, %eq3A_3774 : vector<16x2048xi1>
    %select_n3A_3776 = arith.select %eq3A_3775, %select_n3A_3749, %select_n3A_3760 : vector<16x2048xi1>, vector<16x2048xi32>
    %and3A_3777 = arith.constant 4 : i32
    %and3A_3778 = vector.broadcast %and3A_3777 : i32 to vector<16x2048xi32>
    %and3A_3779 = arith.andi %iota3A_2885, %and3A_3778 : vector<16x2048xi32>
    %ne3A_3780 = arith.constant 0 : i32
    %ne3A_3781 = vector.broadcast %ne3A_3780 : i32 to vector<16x2048xi32>
    %ne3A_3782 = arith.cmpi ne, %and3A_3779, %ne3A_3781 : vector<16x2048xi32>
    %roll3A_3783 = arith.constant 4 : i32
    %roll3A_3784 = tpu.dynamic_rotate %select_n3A_3776 by %roll3A_3783 dim 1 : vector<16x2048xi32>, i32 -> vector<16x2048xi32>
    %roll3A_3785 = arith.constant 2044 : i32
    %roll3A_3786 = tpu.dynamic_rotate %select_n3A_3776 by %roll3A_3785 dim 1 : vector<16x2048xi32>, i32 -> vector<16x2048xi32>
    %select_n3A_3787 = arith.select %ne3A_3782, %roll3A_3784, %roll3A_3786 : vector<16x2048xi1>, vector<16x2048xi32>
    %lt3A_3788 = arith.cmpi slt, %select_n3A_3776, %select_n3A_3787 : vector<16x2048xi32>
    %not3A_3789 = arith.constant dense<true> : vector<16x2048xi1>
    %not3A_3790 = arith.xori %ne3A_3782, %not3A_3789 : vector<16x2048xi1>
    %and3A_3791 = arith.constant 256 : i32
    %and3A_3792 = vector.broadcast %and3A_3791 : i32 to vector<16x2048xi32>
    %and3A_3793 = arith.andi %iota3A_2885, %and3A_3792 : vector<16x2048xi32>
    %eq3A_3794 = arith.constant 0 : i32
    %eq3A_3795 = vector.broadcast %eq3A_3794 : i32 to vector<16x2048xi32>
    %eq3A_3796 = arith.cmpi eq, %and3A_3793, %eq3A_3795 : vector<16x2048xi32>
    %eq3A_3797 = arith.xori %not3A_3790, %lt3A_3788 : vector<16x2048xi1>
    %eq3A_3798 = arith.constant dense<true> : vector<16x2048xi1>
    %eq3A_3799 = arith.xori %eq3A_3797, %eq3A_3798 : vector<16x2048xi1>
    %eq3A_3800 = arith.xori %eq3A_3796, %eq3A_3799 : vector<16x2048xi1>
    %eq3A_3801 = arith.constant dense<true> : vector<16x2048xi1>
    %eq3A_3802 = arith.xori %eq3A_3800, %eq3A_3801 : vector<16x2048xi1>
    %select_n3A_3803 = arith.select %eq3A_3802, %select_n3A_3776, %select_n3A_3787 : vector<16x2048xi1>, vector<16x2048xi32>
    %and3A_3804 = arith.constant 2 : i32
    %and3A_3805 = vector.broadcast %and3A_3804 : i32 to vector<16x2048xi32>
    %and3A_3806 = arith.andi %iota3A_2885, %and3A_3805 : vector<16x2048xi32>
    %ne3A_3807 = arith.constant 0 : i32
    %ne3A_3808 = vector.broadcast %ne3A_3807 : i32 to vector<16x2048xi32>
    %ne3A_3809 = arith.cmpi ne, %and3A_3806, %ne3A_3808 : vector<16x2048xi32>
    %roll3A_3810 = arith.constant 2 : i32
    %roll3A_3811 = tpu.dynamic_rotate %select_n3A_3803 by %roll3A_3810 dim 1 : vector<16x2048xi32>, i32 -> vector<16x2048xi32>
    %roll3A_3812 = arith.constant 2046 : i32
    %roll3A_3813 = tpu.dynamic_rotate %select_n3A_3803 by %roll3A_3812 dim 1 : vector<16x2048xi32>, i32 -> vector<16x2048xi32>
    %select_n3A_3814 = arith.select %ne3A_3809, %roll3A_3811, %roll3A_3813 : vector<16x2048xi1>, vector<16x2048xi32>
    %lt3A_3815 = arith.cmpi slt, %select_n3A_3803, %select_n3A_3814 : vector<16x2048xi32>
    %not3A_3816 = arith.constant dense<true> : vector<16x2048xi1>
    %not3A_3817 = arith.xori %ne3A_3809, %not3A_3816 : vector<16x2048xi1>
    %and3A_3818 = arith.constant 256 : i32
    %and3A_3819 = vector.broadcast %and3A_3818 : i32 to vector<16x2048xi32>
    %and3A_3820 = arith.andi %iota3A_2885, %and3A_3819 : vector<16x2048xi32>
    %eq3A_3821 = arith.constant 0 : i32
    %eq3A_3822 = vector.broadcast %eq3A_3821 : i32 to vector<16x2048xi32>
    %eq3A_3823 = arith.cmpi eq, %and3A_3820, %eq3A_3822 : vector<16x2048xi32>
    %eq3A_3824 = arith.xori %not3A_3817, %lt3A_3815 : vector<16x2048xi1>
    %eq3A_3825 = arith.constant dense<true> : vector<16x2048xi1>
    %eq3A_3826 = arith.xori %eq3A_3824, %eq3A_3825 : vector<16x2048xi1>
    %eq3A_3827 = arith.xori %eq3A_3823, %eq3A_3826 : vector<16x2048xi1>
    %eq3A_3828 = arith.constant dense<true> : vector<16x2048xi1>
    %eq3A_3829 = arith.xori %eq3A_3827, %eq3A_3828 : vector<16x2048xi1>
    %select_n3A_3830 = arith.select %eq3A_3829, %select_n3A_3803, %select_n3A_3814 : vector<16x2048xi1>, vector<16x2048xi32>
    %and3A_3831 = arith.constant 1 : i32
    %and3A_3832 = vector.broadcast %and3A_3831 : i32 to vector<16x2048xi32>
    %and3A_3833 = arith.andi %iota3A_2885, %and3A_3832 : vector<16x2048xi32>
    %ne3A_3834 = arith.constant 0 : i32
    %ne3A_3835 = vector.broadcast %ne3A_3834 : i32 to vector<16x2048xi32>
    %ne3A_3836 = arith.cmpi ne, %and3A_3833, %ne3A_3835 : vector<16x2048xi32>
    %roll3A_3837 = arith.constant 1 : i32
    %roll3A_3838 = tpu.dynamic_rotate %select_n3A_3830 by %roll3A_3837 dim 1 : vector<16x2048xi32>, i32 -> vector<16x2048xi32>
    %roll3A_3839 = arith.constant 2047 : i32
    %roll3A_3840 = tpu.dynamic_rotate %select_n3A_3830 by %roll3A_3839 dim 1 : vector<16x2048xi32>, i32 -> vector<16x2048xi32>
    %select_n3A_3841 = arith.select %ne3A_3836, %roll3A_3838, %roll3A_3840 : vector<16x2048xi1>, vector<16x2048xi32>
    %lt3A_3842 = arith.cmpi slt, %select_n3A_3830, %select_n3A_3841 : vector<16x2048xi32>
    %not3A_3843 = arith.constant dense<true> : vector<16x2048xi1>
    %not3A_3844 = arith.xori %ne3A_3836, %not3A_3843 : vector<16x2048xi1>
    %and3A_3845 = arith.constant 256 : i32
    %and3A_3846 = vector.broadcast %and3A_3845 : i32 to vector<16x2048xi32>
    %and3A_3847 = arith.andi %iota3A_2885, %and3A_3846 : vector<16x2048xi32>
    %eq3A_3848 = arith.constant 0 : i32
    %eq3A_3849 = vector.broadcast %eq3A_3848 : i32 to vector<16x2048xi32>
    %eq3A_3850 = arith.cmpi eq, %and3A_3847, %eq3A_3849 : vector<16x2048xi32>
    %eq3A_3851 = arith.xori %not3A_3844, %lt3A_3842 : vector<16x2048xi1>
    %eq3A_3852 = arith.constant dense<true> : vector<16x2048xi1>
    %eq3A_3853 = arith.xori %eq3A_3851, %eq3A_3852 : vector<16x2048xi1>
    %eq3A_3854 = arith.xori %eq3A_3850, %eq3A_3853 : vector<16x2048xi1>
    %eq3A_3855 = arith.constant dense<true> : vector<16x2048xi1>
    %eq3A_3856 = arith.xori %eq3A_3854, %eq3A_3855 : vector<16x2048xi1>
    %select_n3A_3857 = arith.select %eq3A_3856, %select_n3A_3830, %select_n3A_3841 : vector<16x2048xi1>, vector<16x2048xi32>
    %and3A_3858 = arith.constant 256 : i32
    %and3A_3859 = vector.broadcast %and3A_3858 : i32 to vector<16x2048xi32>
    %and3A_3860 = arith.andi %iota3A_2885, %and3A_3859 : vector<16x2048xi32>
    %ne3A_3861 = arith.constant 0 : i32
    %ne3A_3862 = vector.broadcast %ne3A_3861 : i32 to vector<16x2048xi32>
    %ne3A_3863 = arith.cmpi ne, %and3A_3860, %ne3A_3862 : vector<16x2048xi32>
    %roll3A_3864 = arith.constant 256 : i32
    %roll3A_3865 = tpu.dynamic_rotate %select_n3A_3857 by %roll3A_3864 dim 1 : vector<16x2048xi32>, i32 -> vector<16x2048xi32>
    %roll3A_3866 = arith.constant 1792 : i32
    %roll3A_3867 = tpu.dynamic_rotate %select_n3A_3857 by %roll3A_3866 dim 1 : vector<16x2048xi32>, i32 -> vector<16x2048xi32>
    %select_n3A_3868 = arith.select %ne3A_3863, %roll3A_3865, %roll3A_3867 : vector<16x2048xi1>, vector<16x2048xi32>
    %lt3A_3869 = arith.cmpi slt, %select_n3A_3857, %select_n3A_3868 : vector<16x2048xi32>
    %not3A_3870 = arith.constant dense<true> : vector<16x2048xi1>
    %not3A_3871 = arith.xori %ne3A_3863, %not3A_3870 : vector<16x2048xi1>
    %and3A_3872 = arith.constant 512 : i32
    %and3A_3873 = vector.broadcast %and3A_3872 : i32 to vector<16x2048xi32>
    %and3A_3874 = arith.andi %iota3A_2885, %and3A_3873 : vector<16x2048xi32>
    %eq3A_3875 = arith.constant 0 : i32
    %eq3A_3876 = vector.broadcast %eq3A_3875 : i32 to vector<16x2048xi32>
    %eq3A_3877 = arith.cmpi eq, %and3A_3874, %eq3A_3876 : vector<16x2048xi32>
    %eq3A_3878 = arith.xori %not3A_3871, %lt3A_3869 : vector<16x2048xi1>
    %eq3A_3879 = arith.constant dense<true> : vector<16x2048xi1>
    %eq3A_3880 = arith.xori %eq3A_3878, %eq3A_3879 : vector<16x2048xi1>
    %eq3A_3881 = arith.xori %eq3A_3877, %eq3A_3880 : vector<16x2048xi1>
    %eq3A_3882 = arith.constant dense<true> : vector<16x2048xi1>
    %eq3A_3883 = arith.xori %eq3A_3881, %eq3A_3882 : vector<16x2048xi1>
    %select_n3A_3884 = arith.select %eq3A_3883, %select_n3A_3857, %select_n3A_3868 : vector<16x2048xi1>, vector<16x2048xi32>
    %and3A_3885 = arith.constant 128 : i32
    %and3A_3886 = vector.broadcast %and3A_3885 : i32 to vector<16x2048xi32>
    %and3A_3887 = arith.andi %iota3A_2885, %and3A_3886 : vector<16x2048xi32>
    %ne3A_3888 = arith.constant 0 : i32
    %ne3A_3889 = vector.broadcast %ne3A_3888 : i32 to vector<16x2048xi32>
    %ne3A_3890 = arith.cmpi ne, %and3A_3887, %ne3A_3889 : vector<16x2048xi32>
    %roll3A_3891 = arith.constant 128 : i32
    %roll3A_3892 = tpu.dynamic_rotate %select_n3A_3884 by %roll3A_3891 dim 1 : vector<16x2048xi32>, i32 -> vector<16x2048xi32>
    %roll3A_3893 = arith.constant 1920 : i32
    %roll3A_3894 = tpu.dynamic_rotate %select_n3A_3884 by %roll3A_3893 dim 1 : vector<16x2048xi32>, i32 -> vector<16x2048xi32>
    %select_n3A_3895 = arith.select %ne3A_3890, %roll3A_3892, %roll3A_3894 : vector<16x2048xi1>, vector<16x2048xi32>
    %lt3A_3896 = arith.cmpi slt, %select_n3A_3884, %select_n3A_3895 : vector<16x2048xi32>
    %not3A_3897 = arith.constant dense<true> : vector<16x2048xi1>
    %not3A_3898 = arith.xori %ne3A_3890, %not3A_3897 : vector<16x2048xi1>
    %and3A_3899 = arith.constant 512 : i32
    %and3A_3900 = vector.broadcast %and3A_3899 : i32 to vector<16x2048xi32>
    %and3A_3901 = arith.andi %iota3A_2885, %and3A_3900 : vector<16x2048xi32>
    %eq3A_3902 = arith.constant 0 : i32
    %eq3A_3903 = vector.broadcast %eq3A_3902 : i32 to vector<16x2048xi32>
    %eq3A_3904 = arith.cmpi eq, %and3A_3901, %eq3A_3903 : vector<16x2048xi32>
    %eq3A_3905 = arith.xori %not3A_3898, %lt3A_3896 : vector<16x2048xi1>
    %eq3A_3906 = arith.constant dense<true> : vector<16x2048xi1>
    %eq3A_3907 = arith.xori %eq3A_3905, %eq3A_3906 : vector<16x2048xi1>
    %eq3A_3908 = arith.xori %eq3A_3904, %eq3A_3907 : vector<16x2048xi1>
    %eq3A_3909 = arith.constant dense<true> : vector<16x2048xi1>
    %eq3A_3910 = arith.xori %eq3A_3908, %eq3A_3909 : vector<16x2048xi1>
    %select_n3A_3911 = arith.select %eq3A_3910, %select_n3A_3884, %select_n3A_3895 : vector<16x2048xi1>, vector<16x2048xi32>
    %and3A_3912 = arith.constant 64 : i32
    %and3A_3913 = vector.broadcast %and3A_3912 : i32 to vector<16x2048xi32>
    %and3A_3914 = arith.andi %iota3A_2885, %and3A_3913 : vector<16x2048xi32>
    %ne3A_3915 = arith.constant 0 : i32
    %ne3A_3916 = vector.broadcast %ne3A_3915 : i32 to vector<16x2048xi32>
    %ne3A_3917 = arith.cmpi ne, %and3A_3914, %ne3A_3916 : vector<16x2048xi32>
    %roll3A_3918 = arith.constant 64 : i32
    %roll3A_3919 = tpu.dynamic_rotate %select_n3A_3911 by %roll3A_3918 dim 1 : vector<16x2048xi32>, i32 -> vector<16x2048xi32>
    %roll3A_3920 = arith.constant 1984 : i32
    %roll3A_3921 = tpu.dynamic_rotate %select_n3A_3911 by %roll3A_3920 dim 1 : vector<16x2048xi32>, i32 -> vector<16x2048xi32>
    %select_n3A_3922 = arith.select %ne3A_3917, %roll3A_3919, %roll3A_3921 : vector<16x2048xi1>, vector<16x2048xi32>
    %lt3A_3923 = arith.cmpi slt, %select_n3A_3911, %select_n3A_3922 : vector<16x2048xi32>
    %not3A_3924 = arith.constant dense<true> : vector<16x2048xi1>
    %not3A_3925 = arith.xori %ne3A_3917, %not3A_3924 : vector<16x2048xi1>
    %and3A_3926 = arith.constant 512 : i32
    %and3A_3927 = vector.broadcast %and3A_3926 : i32 to vector<16x2048xi32>
    %and3A_3928 = arith.andi %iota3A_2885, %and3A_3927 : vector<16x2048xi32>
    %eq3A_3929 = arith.constant 0 : i32
    %eq3A_3930 = vector.broadcast %eq3A_3929 : i32 to vector<16x2048xi32>
    %eq3A_3931 = arith.cmpi eq, %and3A_3928, %eq3A_3930 : vector<16x2048xi32>
    %eq3A_3932 = arith.xori %not3A_3925, %lt3A_3923 : vector<16x2048xi1>
    %eq3A_3933 = arith.constant dense<true> : vector<16x2048xi1>
    %eq3A_3934 = arith.xori %eq3A_3932, %eq3A_3933 : vector<16x2048xi1>
    %eq3A_3935 = arith.xori %eq3A_3931, %eq3A_3934 : vector<16x2048xi1>
    %eq3A_3936 = arith.constant dense<true> : vector<16x2048xi1>
    %eq3A_3937 = arith.xori %eq3A_3935, %eq3A_3936 : vector<16x2048xi1>
    %select_n3A_3938 = arith.select %eq3A_3937, %select_n3A_3911, %select_n3A_3922 : vector<16x2048xi1>, vector<16x2048xi32>
    %and3A_3939 = arith.constant 32 : i32
    %and3A_3940 = vector.broadcast %and3A_3939 : i32 to vector<16x2048xi32>
    %and3A_3941 = arith.andi %iota3A_2885, %and3A_3940 : vector<16x2048xi32>
    %ne3A_3942 = arith.constant 0 : i32
    %ne3A_3943 = vector.broadcast %ne3A_3942 : i32 to vector<16x2048xi32>
    %ne3A_3944 = arith.cmpi ne, %and3A_3941, %ne3A_3943 : vector<16x2048xi32>
    %roll3A_3945 = arith.constant 32 : i32
    %roll3A_3946 = tpu.dynamic_rotate %select_n3A_3938 by %roll3A_3945 dim 1 : vector<16x2048xi32>, i32 -> vector<16x2048xi32>
    %roll3A_3947 = arith.constant 2016 : i32
    %roll3A_3948 = tpu.dynamic_rotate %select_n3A_3938 by %roll3A_3947 dim 1 : vector<16x2048xi32>, i32 -> vector<16x2048xi32>
    %select_n3A_3949 = arith.select %ne3A_3944, %roll3A_3946, %roll3A_3948 : vector<16x2048xi1>, vector<16x2048xi32>
    %lt3A_3950 = arith.cmpi slt, %select_n3A_3938, %select_n3A_3949 : vector<16x2048xi32>
    %not3A_3951 = arith.constant dense<true> : vector<16x2048xi1>
    %not3A_3952 = arith.xori %ne3A_3944, %not3A_3951 : vector<16x2048xi1>
    %and3A_3953 = arith.constant 512 : i32
    %and3A_3954 = vector.broadcast %and3A_3953 : i32 to vector<16x2048xi32>
    %and3A_3955 = arith.andi %iota3A_2885, %and3A_3954 : vector<16x2048xi32>
    %eq3A_3956 = arith.constant 0 : i32
    %eq3A_3957 = vector.broadcast %eq3A_3956 : i32 to vector<16x2048xi32>
    %eq3A_3958 = arith.cmpi eq, %and3A_3955, %eq3A_3957 : vector<16x2048xi32>
    %eq3A_3959 = arith.xori %not3A_3952, %lt3A_3950 : vector<16x2048xi1>
    %eq3A_3960 = arith.constant dense<true> : vector<16x2048xi1>
    %eq3A_3961 = arith.xori %eq3A_3959, %eq3A_3960 : vector<16x2048xi1>
    %eq3A_3962 = arith.xori %eq3A_3958, %eq3A_3961 : vector<16x2048xi1>
    %eq3A_3963 = arith.constant dense<true> : vector<16x2048xi1>
    %eq3A_3964 = arith.xori %eq3A_3962, %eq3A_3963 : vector<16x2048xi1>
    %select_n3A_3965 = arith.select %eq3A_3964, %select_n3A_3938, %select_n3A_3949 : vector<16x2048xi1>, vector<16x2048xi32>
    %and3A_3966 = arith.constant 16 : i32
    %and3A_3967 = vector.broadcast %and3A_3966 : i32 to vector<16x2048xi32>
    %and3A_3968 = arith.andi %iota3A_2885, %and3A_3967 : vector<16x2048xi32>
    %ne3A_3969 = arith.constant 0 : i32
    %ne3A_3970 = vector.broadcast %ne3A_3969 : i32 to vector<16x2048xi32>
    %ne3A_3971 = arith.cmpi ne, %and3A_3968, %ne3A_3970 : vector<16x2048xi32>
    %roll3A_3972 = arith.constant 16 : i32
    %roll3A_3973 = tpu.dynamic_rotate %select_n3A_3965 by %roll3A_3972 dim 1 : vector<16x2048xi32>, i32 -> vector<16x2048xi32>
    %roll3A_3974 = arith.constant 2032 : i32
    %roll3A_3975 = tpu.dynamic_rotate %select_n3A_3965 by %roll3A_3974 dim 1 : vector<16x2048xi32>, i32 -> vector<16x2048xi32>
    %select_n3A_3976 = arith.select %ne3A_3971, %roll3A_3973, %roll3A_3975 : vector<16x2048xi1>, vector<16x2048xi32>
    %lt3A_3977 = arith.cmpi slt, %select_n3A_3965, %select_n3A_3976 : vector<16x2048xi32>
    %not3A_3978 = arith.constant dense<true> : vector<16x2048xi1>
    %not3A_3979 = arith.xori %ne3A_3971, %not3A_3978 : vector<16x2048xi1>
    %and3A_3980 = arith.constant 512 : i32
    %and3A_3981 = vector.broadcast %and3A_3980 : i32 to vector<16x2048xi32>
    %and3A_3982 = arith.andi %iota3A_2885, %and3A_3981 : vector<16x2048xi32>
    %eq3A_3983 = arith.constant 0 : i32
    %eq3A_3984 = vector.broadcast %eq3A_3983 : i32 to vector<16x2048xi32>
    %eq3A_3985 = arith.cmpi eq, %and3A_3982, %eq3A_3984 : vector<16x2048xi32>
    %eq3A_3986 = arith.xori %not3A_3979, %lt3A_3977 : vector<16x2048xi1>
    %eq3A_3987 = arith.constant dense<true> : vector<16x2048xi1>
    %eq3A_3988 = arith.xori %eq3A_3986, %eq3A_3987 : vector<16x2048xi1>
    %eq3A_3989 = arith.xori %eq3A_3985, %eq3A_3988 : vector<16x2048xi1>
    %eq3A_3990 = arith.constant dense<true> : vector<16x2048xi1>
    %eq3A_3991 = arith.xori %eq3A_3989, %eq3A_3990 : vector<16x2048xi1>
    %select_n3A_3992 = arith.select %eq3A_3991, %select_n3A_3965, %select_n3A_3976 : vector<16x2048xi1>, vector<16x2048xi32>
    %and3A_3993 = arith.constant 8 : i32
    %and3A_3994 = vector.broadcast %and3A_3993 : i32 to vector<16x2048xi32>
    %and3A_3995 = arith.andi %iota3A_2885, %and3A_3994 : vector<16x2048xi32>
    %ne3A_3996 = arith.constant 0 : i32
    %ne3A_3997 = vector.broadcast %ne3A_3996 : i32 to vector<16x2048xi32>
    %ne3A_3998 = arith.cmpi ne, %and3A_3995, %ne3A_3997 : vector<16x2048xi32>
    %roll3A_3999 = arith.constant 8 : i32
    %roll3A_4000 = tpu.dynamic_rotate %select_n3A_3992 by %roll3A_3999 dim 1 : vector<16x2048xi32>, i32 -> vector<16x2048xi32>
    %roll3A_4001 = arith.constant 2040 : i32
    %roll3A_4002 = tpu.dynamic_rotate %select_n3A_3992 by %roll3A_4001 dim 1 : vector<16x2048xi32>, i32 -> vector<16x2048xi32>
    %select_n3A_4003 = arith.select %ne3A_3998, %roll3A_4000, %roll3A_4002 : vector<16x2048xi1>, vector<16x2048xi32>
    %lt3A_4004 = arith.cmpi slt, %select_n3A_3992, %select_n3A_4003 : vector<16x2048xi32>
    %not3A_4005 = arith.constant dense<true> : vector<16x2048xi1>
    %not3A_4006 = arith.xori %ne3A_3998, %not3A_4005 : vector<16x2048xi1>
    %and3A_4007 = arith.constant 512 : i32
    %and3A_4008 = vector.broadcast %and3A_4007 : i32 to vector<16x2048xi32>
    %and3A_4009 = arith.andi %iota3A_2885, %and3A_4008 : vector<16x2048xi32>
    %eq3A_4010 = arith.constant 0 : i32
    %eq3A_4011 = vector.broadcast %eq3A_4010 : i32 to vector<16x2048xi32>
    %eq3A_4012 = arith.cmpi eq, %and3A_4009, %eq3A_4011 : vector<16x2048xi32>
    %eq3A_4013 = arith.xori %not3A_4006, %lt3A_4004 : vector<16x2048xi1>
    %eq3A_4014 = arith.constant dense<true> : vector<16x2048xi1>
    %eq3A_4015 = arith.xori %eq3A_4013, %eq3A_4014 : vector<16x2048xi1>
    %eq3A_4016 = arith.xori %eq3A_4012, %eq3A_4015 : vector<16x2048xi1>
    %eq3A_4017 = arith.constant dense<true> : vector<16x2048xi1>
    %eq3A_4018 = arith.xori %eq3A_4016, %eq3A_4017 : vector<16x2048xi1>
    %select_n3A_4019 = arith.select %eq3A_4018, %select_n3A_3992, %select_n3A_4003 : vector<16x2048xi1>, vector<16x2048xi32>
    %and3A_4020 = arith.constant 4 : i32
    %and3A_4021 = vector.broadcast %and3A_4020 : i32 to vector<16x2048xi32>
    %and3A_4022 = arith.andi %iota3A_2885, %and3A_4021 : vector<16x2048xi32>
    %ne3A_4023 = arith.constant 0 : i32
    %ne3A_4024 = vector.broadcast %ne3A_4023 : i32 to vector<16x2048xi32>
    %ne3A_4025 = arith.cmpi ne, %and3A_4022, %ne3A_4024 : vector<16x2048xi32>
    %roll3A_4026 = arith.constant 4 : i32
    %roll3A_4027 = tpu.dynamic_rotate %select_n3A_4019 by %roll3A_4026 dim 1 : vector<16x2048xi32>, i32 -> vector<16x2048xi32>
    %roll3A_4028 = arith.constant 2044 : i32
    %roll3A_4029 = tpu.dynamic_rotate %select_n3A_4019 by %roll3A_4028 dim 1 : vector<16x2048xi32>, i32 -> vector<16x2048xi32>
    %select_n3A_4030 = arith.select %ne3A_4025, %roll3A_4027, %roll3A_4029 : vector<16x2048xi1>, vector<16x2048xi32>
    %lt3A_4031 = arith.cmpi slt, %select_n3A_4019, %select_n3A_4030 : vector<16x2048xi32>
    %not3A_4032 = arith.constant dense<true> : vector<16x2048xi1>
    %not3A_4033 = arith.xori %ne3A_4025, %not3A_4032 : vector<16x2048xi1>
    %and3A_4034 = arith.constant 512 : i32
    %and3A_4035 = vector.broadcast %and3A_4034 : i32 to vector<16x2048xi32>
    %and3A_4036 = arith.andi %iota3A_2885, %and3A_4035 : vector<16x2048xi32>
    %eq3A_4037 = arith.constant 0 : i32
    %eq3A_4038 = vector.broadcast %eq3A_4037 : i32 to vector<16x2048xi32>
    %eq3A_4039 = arith.cmpi eq, %and3A_4036, %eq3A_4038 : vector<16x2048xi32>
    %eq3A_4040 = arith.xori %not3A_4033, %lt3A_4031 : vector<16x2048xi1>
    %eq3A_4041 = arith.constant dense<true> : vector<16x2048xi1>
    %eq3A_4042 = arith.xori %eq3A_4040, %eq3A_4041 : vector<16x2048xi1>
    %eq3A_4043 = arith.xori %eq3A_4039, %eq3A_4042 : vector<16x2048xi1>
    %eq3A_4044 = arith.constant dense<true> : vector<16x2048xi1>
    %eq3A_4045 = arith.xori %eq3A_4043, %eq3A_4044 : vector<16x2048xi1>
    %select_n3A_4046 = arith.select %eq3A_4045, %select_n3A_4019, %select_n3A_4030 : vector<16x2048xi1>, vector<16x2048xi32>
    %and3A_4047 = arith.constant 2 : i32
    %and3A_4048 = vector.broadcast %and3A_4047 : i32 to vector<16x2048xi32>
    %and3A_4049 = arith.andi %iota3A_2885, %and3A_4048 : vector<16x2048xi32>
    %ne3A_4050 = arith.constant 0 : i32
    %ne3A_4051 = vector.broadcast %ne3A_4050 : i32 to vector<16x2048xi32>
    %ne3A_4052 = arith.cmpi ne, %and3A_4049, %ne3A_4051 : vector<16x2048xi32>
    %roll3A_4053 = arith.constant 2 : i32
    %roll3A_4054 = tpu.dynamic_rotate %select_n3A_4046 by %roll3A_4053 dim 1 : vector<16x2048xi32>, i32 -> vector<16x2048xi32>
    %roll3A_4055 = arith.constant 2046 : i32
    %roll3A_4056 = tpu.dynamic_rotate %select_n3A_4046 by %roll3A_4055 dim 1 : vector<16x2048xi32>, i32 -> vector<16x2048xi32>
    %select_n3A_4057 = arith.select %ne3A_4052, %roll3A_4054, %roll3A_4056 : vector<16x2048xi1>, vector<16x2048xi32>
    %lt3A_4058 = arith.cmpi slt, %select_n3A_4046, %select_n3A_4057 : vector<16x2048xi32>
    %not3A_4059 = arith.constant dense<true> : vector<16x2048xi1>
    %not3A_4060 = arith.xori %ne3A_4052, %not3A_4059 : vector<16x2048xi1>
    %and3A_4061 = arith.constant 512 : i32
    %and3A_4062 = vector.broadcast %and3A_4061 : i32 to vector<16x2048xi32>
    %and3A_4063 = arith.andi %iota3A_2885, %and3A_4062 : vector<16x2048xi32>
    %eq3A_4064 = arith.constant 0 : i32
    %eq3A_4065 = vector.broadcast %eq3A_4064 : i32 to vector<16x2048xi32>
    %eq3A_4066 = arith.cmpi eq, %and3A_4063, %eq3A_4065 : vector<16x2048xi32>
    %eq3A_4067 = arith.xori %not3A_4060, %lt3A_4058 : vector<16x2048xi1>
    %eq3A_4068 = arith.constant dense<true> : vector<16x2048xi1>
    %eq3A_4069 = arith.xori %eq3A_4067, %eq3A_4068 : vector<16x2048xi1>
    %eq3A_4070 = arith.xori %eq3A_4066, %eq3A_4069 : vector<16x2048xi1>
    %eq3A_4071 = arith.constant dense<true> : vector<16x2048xi1>
    %eq3A_4072 = arith.xori %eq3A_4070, %eq3A_4071 : vector<16x2048xi1>
    %select_n3A_4073 = arith.select %eq3A_4072, %select_n3A_4046, %select_n3A_4057 : vector<16x2048xi1>, vector<16x2048xi32>
    %and3A_4074 = arith.constant 1 : i32
    %and3A_4075 = vector.broadcast %and3A_4074 : i32 to vector<16x2048xi32>
    %and3A_4076 = arith.andi %iota3A_2885, %and3A_4075 : vector<16x2048xi32>
    %ne3A_4077 = arith.constant 0 : i32
    %ne3A_4078 = vector.broadcast %ne3A_4077 : i32 to vector<16x2048xi32>
    %ne3A_4079 = arith.cmpi ne, %and3A_4076, %ne3A_4078 : vector<16x2048xi32>
    %roll3A_4080 = arith.constant 1 : i32
    %roll3A_4081 = tpu.dynamic_rotate %select_n3A_4073 by %roll3A_4080 dim 1 : vector<16x2048xi32>, i32 -> vector<16x2048xi32>
    %roll3A_4082 = arith.constant 2047 : i32
    %roll3A_4083 = tpu.dynamic_rotate %select_n3A_4073 by %roll3A_4082 dim 1 : vector<16x2048xi32>, i32 -> vector<16x2048xi32>
    %select_n3A_4084 = arith.select %ne3A_4079, %roll3A_4081, %roll3A_4083 : vector<16x2048xi1>, vector<16x2048xi32>
    %lt3A_4085 = arith.cmpi slt, %select_n3A_4073, %select_n3A_4084 : vector<16x2048xi32>
    %not3A_4086 = arith.constant dense<true> : vector<16x2048xi1>
    %not3A_4087 = arith.xori %ne3A_4079, %not3A_4086 : vector<16x2048xi1>
    %and3A_4088 = arith.constant 512 : i32
    %and3A_4089 = vector.broadcast %and3A_4088 : i32 to vector<16x2048xi32>
    %and3A_4090 = arith.andi %iota3A_2885, %and3A_4089 : vector<16x2048xi32>
    %eq3A_4091 = arith.constant 0 : i32
    %eq3A_4092 = vector.broadcast %eq3A_4091 : i32 to vector<16x2048xi32>
    %eq3A_4093 = arith.cmpi eq, %and3A_4090, %eq3A_4092 : vector<16x2048xi32>
    %eq3A_4094 = arith.xori %not3A_4087, %lt3A_4085 : vector<16x2048xi1>
    %eq3A_4095 = arith.constant dense<true> : vector<16x2048xi1>
    %eq3A_4096 = arith.xori %eq3A_4094, %eq3A_4095 : vector<16x2048xi1>
    %eq3A_4097 = arith.xori %eq3A_4093, %eq3A_4096 : vector<16x2048xi1>
    %eq3A_4098 = arith.constant dense<true> : vector<16x2048xi1>
    %eq3A_4099 = arith.xori %eq3A_4097, %eq3A_4098 : vector<16x2048xi1>
    %select_n3A_4100 = arith.select %eq3A_4099, %select_n3A_4073, %select_n3A_4084 : vector<16x2048xi1>, vector<16x2048xi32>
    %and3A_4101 = arith.constant 512 : i32
    %and3A_4102 = vector.broadcast %and3A_4101 : i32 to vector<16x2048xi32>
    %and3A_4103 = arith.andi %iota3A_2885, %and3A_4102 : vector<16x2048xi32>
    %ne3A_4104 = arith.constant 0 : i32
    %ne3A_4105 = vector.broadcast %ne3A_4104 : i32 to vector<16x2048xi32>
    %ne3A_4106 = arith.cmpi ne, %and3A_4103, %ne3A_4105 : vector<16x2048xi32>
    %roll3A_4107 = arith.constant 512 : i32
    %roll3A_4108 = tpu.dynamic_rotate %select_n3A_4100 by %roll3A_4107 dim 1 : vector<16x2048xi32>, i32 -> vector<16x2048xi32>
    %roll3A_4109 = arith.constant 1536 : i32
    %roll3A_4110 = tpu.dynamic_rotate %select_n3A_4100 by %roll3A_4109 dim 1 : vector<16x2048xi32>, i32 -> vector<16x2048xi32>
    %select_n3A_4111 = arith.select %ne3A_4106, %roll3A_4108, %roll3A_4110 : vector<16x2048xi1>, vector<16x2048xi32>
    %lt3A_4112 = arith.cmpi slt, %select_n3A_4100, %select_n3A_4111 : vector<16x2048xi32>
    %not3A_4113 = arith.constant dense<true> : vector<16x2048xi1>
    %not3A_4114 = arith.xori %ne3A_4106, %not3A_4113 : vector<16x2048xi1>
    %and3A_4115 = arith.constant 1024 : i32
    %and3A_4116 = vector.broadcast %and3A_4115 : i32 to vector<16x2048xi32>
    %and3A_4117 = arith.andi %iota3A_2885, %and3A_4116 : vector<16x2048xi32>
    %eq3A_4118 = arith.constant 0 : i32
    %eq3A_4119 = vector.broadcast %eq3A_4118 : i32 to vector<16x2048xi32>
    %eq3A_4120 = arith.cmpi eq, %and3A_4117, %eq3A_4119 : vector<16x2048xi32>
    %eq3A_4121 = arith.xori %not3A_4114, %lt3A_4112 : vector<16x2048xi1>
    %eq3A_4122 = arith.constant dense<true> : vector<16x2048xi1>
    %eq3A_4123 = arith.xori %eq3A_4121, %eq3A_4122 : vector<16x2048xi1>
    %eq3A_4124 = arith.xori %eq3A_4120, %eq3A_4123 : vector<16x2048xi1>
    %eq3A_4125 = arith.constant dense<true> : vector<16x2048xi1>
    %eq3A_4126 = arith.xori %eq3A_4124, %eq3A_4125 : vector<16x2048xi1>
    %select_n3A_4127 = arith.select %eq3A_4126, %select_n3A_4100, %select_n3A_4111 : vector<16x2048xi1>, vector<16x2048xi32>
    %and3A_4128 = arith.constant 256 : i32
    %and3A_4129 = vector.broadcast %and3A_4128 : i32 to vector<16x2048xi32>
    %and3A_4130 = arith.andi %iota3A_2885, %and3A_4129 : vector<16x2048xi32>
    %ne3A_4131 = arith.constant 0 : i32
    %ne3A_4132 = vector.broadcast %ne3A_4131 : i32 to vector<16x2048xi32>
    %ne3A_4133 = arith.cmpi ne, %and3A_4130, %ne3A_4132 : vector<16x2048xi32>
    %roll3A_4134 = arith.constant 256 : i32
    %roll3A_4135 = tpu.dynamic_rotate %select_n3A_4127 by %roll3A_4134 dim 1 : vector<16x2048xi32>, i32 -> vector<16x2048xi32>
    %roll3A_4136 = arith.constant 1792 : i32
    %roll3A_4137 = tpu.dynamic_rotate %select_n3A_4127 by %roll3A_4136 dim 1 : vector<16x2048xi32>, i32 -> vector<16x2048xi32>
    %select_n3A_4138 = arith.select %ne3A_4133, %roll3A_4135, %roll3A_4137 : vector<16x2048xi1>, vector<16x2048xi32>
    %lt3A_4139 = arith.cmpi slt, %select_n3A_4127, %select_n3A_4138 : vector<16x2048xi32>
    %not3A_4140 = arith.constant dense<true> : vector<16x2048xi1>
    %not3A_4141 = arith.xori %ne3A_4133, %not3A_4140 : vector<16x2048xi1>
    %and3A_4142 = arith.constant 1024 : i32
    %and3A_4143 = vector.broadcast %and3A_4142 : i32 to vector<16x2048xi32>
    %and3A_4144 = arith.andi %iota3A_2885, %and3A_4143 : vector<16x2048xi32>
    %eq3A_4145 = arith.constant 0 : i32
    %eq3A_4146 = vector.broadcast %eq3A_4145 : i32 to vector<16x2048xi32>
    %eq3A_4147 = arith.cmpi eq, %and3A_4144, %eq3A_4146 : vector<16x2048xi32>
    %eq3A_4148 = arith.xori %not3A_4141, %lt3A_4139 : vector<16x2048xi1>
    %eq3A_4149 = arith.constant dense<true> : vector<16x2048xi1>
    %eq3A_4150 = arith.xori %eq3A_4148, %eq3A_4149 : vector<16x2048xi1>
    %eq3A_4151 = arith.xori %eq3A_4147, %eq3A_4150 : vector<16x2048xi1>
    %eq3A_4152 = arith.constant dense<true> : vector<16x2048xi1>
    %eq3A_4153 = arith.xori %eq3A_4151, %eq3A_4152 : vector<16x2048xi1>
    %select_n3A_4154 = arith.select %eq3A_4153, %select_n3A_4127, %select_n3A_4138 : vector<16x2048xi1>, vector<16x2048xi32>
    %and3A_4155 = arith.constant 128 : i32
    %and3A_4156 = vector.broadcast %and3A_4155 : i32 to vector<16x2048xi32>
    %and3A_4157 = arith.andi %iota3A_2885, %and3A_4156 : vector<16x2048xi32>
    %ne3A_4158 = arith.constant 0 : i32
    %ne3A_4159 = vector.broadcast %ne3A_4158 : i32 to vector<16x2048xi32>
    %ne3A_4160 = arith.cmpi ne, %and3A_4157, %ne3A_4159 : vector<16x2048xi32>
    %roll3A_4161 = arith.constant 128 : i32
    %roll3A_4162 = tpu.dynamic_rotate %select_n3A_4154 by %roll3A_4161 dim 1 : vector<16x2048xi32>, i32 -> vector<16x2048xi32>
    %roll3A_4163 = arith.constant 1920 : i32
    %roll3A_4164 = tpu.dynamic_rotate %select_n3A_4154 by %roll3A_4163 dim 1 : vector<16x2048xi32>, i32 -> vector<16x2048xi32>
    %select_n3A_4165 = arith.select %ne3A_4160, %roll3A_4162, %roll3A_4164 : vector<16x2048xi1>, vector<16x2048xi32>
    %lt3A_4166 = arith.cmpi slt, %select_n3A_4154, %select_n3A_4165 : vector<16x2048xi32>
    %not3A_4167 = arith.constant dense<true> : vector<16x2048xi1>
    %not3A_4168 = arith.xori %ne3A_4160, %not3A_4167 : vector<16x2048xi1>
    %and3A_4169 = arith.constant 1024 : i32
    %and3A_4170 = vector.broadcast %and3A_4169 : i32 to vector<16x2048xi32>
    %and3A_4171 = arith.andi %iota3A_2885, %and3A_4170 : vector<16x2048xi32>
    %eq3A_4172 = arith.constant 0 : i32
    %eq3A_4173 = vector.broadcast %eq3A_4172 : i32 to vector<16x2048xi32>
    %eq3A_4174 = arith.cmpi eq, %and3A_4171, %eq3A_4173 : vector<16x2048xi32>
    %eq3A_4175 = arith.xori %not3A_4168, %lt3A_4166 : vector<16x2048xi1>
    %eq3A_4176 = arith.constant dense<true> : vector<16x2048xi1>
    %eq3A_4177 = arith.xori %eq3A_4175, %eq3A_4176 : vector<16x2048xi1>
    %eq3A_4178 = arith.xori %eq3A_4174, %eq3A_4177 : vector<16x2048xi1>
    %eq3A_4179 = arith.constant dense<true> : vector<16x2048xi1>
    %eq3A_4180 = arith.xori %eq3A_4178, %eq3A_4179 : vector<16x2048xi1>
    %select_n3A_4181 = arith.select %eq3A_4180, %select_n3A_4154, %select_n3A_4165 : vector<16x2048xi1>, vector<16x2048xi32>
    %and3A_4182 = arith.constant 64 : i32
    %and3A_4183 = vector.broadcast %and3A_4182 : i32 to vector<16x2048xi32>
    %and3A_4184 = arith.andi %iota3A_2885, %and3A_4183 : vector<16x2048xi32>
    %ne3A_4185 = arith.constant 0 : i32
    %ne3A_4186 = vector.broadcast %ne3A_4185 : i32 to vector<16x2048xi32>
    %ne3A_4187 = arith.cmpi ne, %and3A_4184, %ne3A_4186 : vector<16x2048xi32>
    %roll3A_4188 = arith.constant 64 : i32
    %roll3A_4189 = tpu.dynamic_rotate %select_n3A_4181 by %roll3A_4188 dim 1 : vector<16x2048xi32>, i32 -> vector<16x2048xi32>
    %roll3A_4190 = arith.constant 1984 : i32
    %roll3A_4191 = tpu.dynamic_rotate %select_n3A_4181 by %roll3A_4190 dim 1 : vector<16x2048xi32>, i32 -> vector<16x2048xi32>
    %select_n3A_4192 = arith.select %ne3A_4187, %roll3A_4189, %roll3A_4191 : vector<16x2048xi1>, vector<16x2048xi32>
    %lt3A_4193 = arith.cmpi slt, %select_n3A_4181, %select_n3A_4192 : vector<16x2048xi32>
    %not3A_4194 = arith.constant dense<true> : vector<16x2048xi1>
    %not3A_4195 = arith.xori %ne3A_4187, %not3A_4194 : vector<16x2048xi1>
    %and3A_4196 = arith.constant 1024 : i32
    %and3A_4197 = vector.broadcast %and3A_4196 : i32 to vector<16x2048xi32>
    %and3A_4198 = arith.andi %iota3A_2885, %and3A_4197 : vector<16x2048xi32>
    %eq3A_4199 = arith.constant 0 : i32
    %eq3A_4200 = vector.broadcast %eq3A_4199 : i32 to vector<16x2048xi32>
    %eq3A_4201 = arith.cmpi eq, %and3A_4198, %eq3A_4200 : vector<16x2048xi32>
    %eq3A_4202 = arith.xori %not3A_4195, %lt3A_4193 : vector<16x2048xi1>
    %eq3A_4203 = arith.constant dense<true> : vector<16x2048xi1>
    %eq3A_4204 = arith.xori %eq3A_4202, %eq3A_4203 : vector<16x2048xi1>
    %eq3A_4205 = arith.xori %eq3A_4201, %eq3A_4204 : vector<16x2048xi1>
    %eq3A_4206 = arith.constant dense<true> : vector<16x2048xi1>
    %eq3A_4207 = arith.xori %eq3A_4205, %eq3A_4206 : vector<16x2048xi1>
    %select_n3A_4208 = arith.select %eq3A_4207, %select_n3A_4181, %select_n3A_4192 : vector<16x2048xi1>, vector<16x2048xi32>
    %and3A_4209 = arith.constant 32 : i32
    %and3A_4210 = vector.broadcast %and3A_4209 : i32 to vector<16x2048xi32>
    %and3A_4211 = arith.andi %iota3A_2885, %and3A_4210 : vector<16x2048xi32>
    %ne3A_4212 = arith.constant 0 : i32
    %ne3A_4213 = vector.broadcast %ne3A_4212 : i32 to vector<16x2048xi32>
    %ne3A_4214 = arith.cmpi ne, %and3A_4211, %ne3A_4213 : vector<16x2048xi32>
    %roll3A_4215 = arith.constant 32 : i32
    %roll3A_4216 = tpu.dynamic_rotate %select_n3A_4208 by %roll3A_4215 dim 1 : vector<16x2048xi32>, i32 -> vector<16x2048xi32>
    %roll3A_4217 = arith.constant 2016 : i32
    %roll3A_4218 = tpu.dynamic_rotate %select_n3A_4208 by %roll3A_4217 dim 1 : vector<16x2048xi32>, i32 -> vector<16x2048xi32>
    %select_n3A_4219 = arith.select %ne3A_4214, %roll3A_4216, %roll3A_4218 : vector<16x2048xi1>, vector<16x2048xi32>
    %lt3A_4220 = arith.cmpi slt, %select_n3A_4208, %select_n3A_4219 : vector<16x2048xi32>
    %not3A_4221 = arith.constant dense<true> : vector<16x2048xi1>
    %not3A_4222 = arith.xori %ne3A_4214, %not3A_4221 : vector<16x2048xi1>
    %and3A_4223 = arith.constant 1024 : i32
    %and3A_4224 = vector.broadcast %and3A_4223 : i32 to vector<16x2048xi32>
    %and3A_4225 = arith.andi %iota3A_2885, %and3A_4224 : vector<16x2048xi32>
    %eq3A_4226 = arith.constant 0 : i32
    %eq3A_4227 = vector.broadcast %eq3A_4226 : i32 to vector<16x2048xi32>
    %eq3A_4228 = arith.cmpi eq, %and3A_4225, %eq3A_4227 : vector<16x2048xi32>
    %eq3A_4229 = arith.xori %not3A_4222, %lt3A_4220 : vector<16x2048xi1>
    %eq3A_4230 = arith.constant dense<true> : vector<16x2048xi1>
    %eq3A_4231 = arith.xori %eq3A_4229, %eq3A_4230 : vector<16x2048xi1>
    %eq3A_4232 = arith.xori %eq3A_4228, %eq3A_4231 : vector<16x2048xi1>
    %eq3A_4233 = arith.constant dense<true> : vector<16x2048xi1>
    %eq3A_4234 = arith.xori %eq3A_4232, %eq3A_4233 : vector<16x2048xi1>
    %select_n3A_4235 = arith.select %eq3A_4234, %select_n3A_4208, %select_n3A_4219 : vector<16x2048xi1>, vector<16x2048xi32>
    %and3A_4236 = arith.constant 16 : i32
    %and3A_4237 = vector.broadcast %and3A_4236 : i32 to vector<16x2048xi32>
    %and3A_4238 = arith.andi %iota3A_2885, %and3A_4237 : vector<16x2048xi32>
    %ne3A_4239 = arith.constant 0 : i32
    %ne3A_4240 = vector.broadcast %ne3A_4239 : i32 to vector<16x2048xi32>
    %ne3A_4241 = arith.cmpi ne, %and3A_4238, %ne3A_4240 : vector<16x2048xi32>
    %roll3A_4242 = arith.constant 16 : i32
    %roll3A_4243 = tpu.dynamic_rotate %select_n3A_4235 by %roll3A_4242 dim 1 : vector<16x2048xi32>, i32 -> vector<16x2048xi32>
    %roll3A_4244 = arith.constant 2032 : i32
    %roll3A_4245 = tpu.dynamic_rotate %select_n3A_4235 by %roll3A_4244 dim 1 : vector<16x2048xi32>, i32 -> vector<16x2048xi32>
    %select_n3A_4246 = arith.select %ne3A_4241, %roll3A_4243, %roll3A_4245 : vector<16x2048xi1>, vector<16x2048xi32>
    %lt3A_4247 = arith.cmpi slt, %select_n3A_4235, %select_n3A_4246 : vector<16x2048xi32>
    %not3A_4248 = arith.constant dense<true> : vector<16x2048xi1>
    %not3A_4249 = arith.xori %ne3A_4241, %not3A_4248 : vector<16x2048xi1>
    %and3A_4250 = arith.constant 1024 : i32
    %and3A_4251 = vector.broadcast %and3A_4250 : i32 to vector<16x2048xi32>
    %and3A_4252 = arith.andi %iota3A_2885, %and3A_4251 : vector<16x2048xi32>
    %eq3A_4253 = arith.constant 0 : i32
    %eq3A_4254 = vector.broadcast %eq3A_4253 : i32 to vector<16x2048xi32>
    %eq3A_4255 = arith.cmpi eq, %and3A_4252, %eq3A_4254 : vector<16x2048xi32>
    %eq3A_4256 = arith.xori %not3A_4249, %lt3A_4247 : vector<16x2048xi1>
    %eq3A_4257 = arith.constant dense<true> : vector<16x2048xi1>
    %eq3A_4258 = arith.xori %eq3A_4256, %eq3A_4257 : vector<16x2048xi1>
    %eq3A_4259 = arith.xori %eq3A_4255, %eq3A_4258 : vector<16x2048xi1>
    %eq3A_4260 = arith.constant dense<true> : vector<16x2048xi1>
    %eq3A_4261 = arith.xori %eq3A_4259, %eq3A_4260 : vector<16x2048xi1>
    %select_n3A_4262 = arith.select %eq3A_4261, %select_n3A_4235, %select_n3A_4246 : vector<16x2048xi1>, vector<16x2048xi32>
    %and3A_4263 = arith.constant 8 : i32
    %and3A_4264 = vector.broadcast %and3A_4263 : i32 to vector<16x2048xi32>
    %and3A_4265 = arith.andi %iota3A_2885, %and3A_4264 : vector<16x2048xi32>
    %ne3A_4266 = arith.constant 0 : i32
    %ne3A_4267 = vector.broadcast %ne3A_4266 : i32 to vector<16x2048xi32>
    %ne3A_4268 = arith.cmpi ne, %and3A_4265, %ne3A_4267 : vector<16x2048xi32>
    %roll3A_4269 = arith.constant 8 : i32
    %roll3A_4270 = tpu.dynamic_rotate %select_n3A_4262 by %roll3A_4269 dim 1 : vector<16x2048xi32>, i32 -> vector<16x2048xi32>
    %roll3A_4271 = arith.constant 2040 : i32
    %roll3A_4272 = tpu.dynamic_rotate %select_n3A_4262 by %roll3A_4271 dim 1 : vector<16x2048xi32>, i32 -> vector<16x2048xi32>
    %select_n3A_4273 = arith.select %ne3A_4268, %roll3A_4270, %roll3A_4272 : vector<16x2048xi1>, vector<16x2048xi32>
    %lt3A_4274 = arith.cmpi slt, %select_n3A_4262, %select_n3A_4273 : vector<16x2048xi32>
    %not3A_4275 = arith.constant dense<true> : vector<16x2048xi1>
    %not3A_4276 = arith.xori %ne3A_4268, %not3A_4275 : vector<16x2048xi1>
    %and3A_4277 = arith.constant 1024 : i32
    %and3A_4278 = vector.broadcast %and3A_4277 : i32 to vector<16x2048xi32>
    %and3A_4279 = arith.andi %iota3A_2885, %and3A_4278 : vector<16x2048xi32>
    %eq3A_4280 = arith.constant 0 : i32
    %eq3A_4281 = vector.broadcast %eq3A_4280 : i32 to vector<16x2048xi32>
    %eq3A_4282 = arith.cmpi eq, %and3A_4279, %eq3A_4281 : vector<16x2048xi32>
    %eq3A_4283 = arith.xori %not3A_4276, %lt3A_4274 : vector<16x2048xi1>
    %eq3A_4284 = arith.constant dense<true> : vector<16x2048xi1>
    %eq3A_4285 = arith.xori %eq3A_4283, %eq3A_4284 : vector<16x2048xi1>
    %eq3A_4286 = arith.xori %eq3A_4282, %eq3A_4285 : vector<16x2048xi1>
    %eq3A_4287 = arith.constant dense<true> : vector<16x2048xi1>
    %eq3A_4288 = arith.xori %eq3A_4286, %eq3A_4287 : vector<16x2048xi1>
    %select_n3A_4289 = arith.select %eq3A_4288, %select_n3A_4262, %select_n3A_4273 : vector<16x2048xi1>, vector<16x2048xi32>
    %and3A_4290 = arith.constant 4 : i32
    %and3A_4291 = vector.broadcast %and3A_4290 : i32 to vector<16x2048xi32>
    %and3A_4292 = arith.andi %iota3A_2885, %and3A_4291 : vector<16x2048xi32>
    %ne3A_4293 = arith.constant 0 : i32
    %ne3A_4294 = vector.broadcast %ne3A_4293 : i32 to vector<16x2048xi32>
    %ne3A_4295 = arith.cmpi ne, %and3A_4292, %ne3A_4294 : vector<16x2048xi32>
    %roll3A_4296 = arith.constant 4 : i32
    %roll3A_4297 = tpu.dynamic_rotate %select_n3A_4289 by %roll3A_4296 dim 1 : vector<16x2048xi32>, i32 -> vector<16x2048xi32>
    %roll3A_4298 = arith.constant 2044 : i32
    %roll3A_4299 = tpu.dynamic_rotate %select_n3A_4289 by %roll3A_4298 dim 1 : vector<16x2048xi32>, i32 -> vector<16x2048xi32>
    %select_n3A_4300 = arith.select %ne3A_4295, %roll3A_4297, %roll3A_4299 : vector<16x2048xi1>, vector<16x2048xi32>
    %lt3A_4301 = arith.cmpi slt, %select_n3A_4289, %select_n3A_4300 : vector<16x2048xi32>
    %not3A_4302 = arith.constant dense<true> : vector<16x2048xi1>
    %not3A_4303 = arith.xori %ne3A_4295, %not3A_4302 : vector<16x2048xi1>
    %and3A_4304 = arith.constant 1024 : i32
    %and3A_4305 = vector.broadcast %and3A_4304 : i32 to vector<16x2048xi32>
    %and3A_4306 = arith.andi %iota3A_2885, %and3A_4305 : vector<16x2048xi32>
    %eq3A_4307 = arith.constant 0 : i32
    %eq3A_4308 = vector.broadcast %eq3A_4307 : i32 to vector<16x2048xi32>
    %eq3A_4309 = arith.cmpi eq, %and3A_4306, %eq3A_4308 : vector<16x2048xi32>
    %eq3A_4310 = arith.xori %not3A_4303, %lt3A_4301 : vector<16x2048xi1>
    %eq3A_4311 = arith.constant dense<true> : vector<16x2048xi1>
    %eq3A_4312 = arith.xori %eq3A_4310, %eq3A_4311 : vector<16x2048xi1>
    %eq3A_4313 = arith.xori %eq3A_4309, %eq3A_4312 : vector<16x2048xi1>
    %eq3A_4314 = arith.constant dense<true> : vector<16x2048xi1>
    %eq3A_4315 = arith.xori %eq3A_4313, %eq3A_4314 : vector<16x2048xi1>
    %select_n3A_4316 = arith.select %eq3A_4315, %select_n3A_4289, %select_n3A_4300 : vector<16x2048xi1>, vector<16x2048xi32>
    %and3A_4317 = arith.constant 2 : i32
    %and3A_4318 = vector.broadcast %and3A_4317 : i32 to vector<16x2048xi32>
    %and3A_4319 = arith.andi %iota3A_2885, %and3A_4318 : vector<16x2048xi32>
    %ne3A_4320 = arith.constant 0 : i32
    %ne3A_4321 = vector.broadcast %ne3A_4320 : i32 to vector<16x2048xi32>
    %ne3A_4322 = arith.cmpi ne, %and3A_4319, %ne3A_4321 : vector<16x2048xi32>
    %roll3A_4323 = arith.constant 2 : i32
    %roll3A_4324 = tpu.dynamic_rotate %select_n3A_4316 by %roll3A_4323 dim 1 : vector<16x2048xi32>, i32 -> vector<16x2048xi32>
    %roll3A_4325 = arith.constant 2046 : i32
    %roll3A_4326 = tpu.dynamic_rotate %select_n3A_4316 by %roll3A_4325 dim 1 : vector<16x2048xi32>, i32 -> vector<16x2048xi32>
    %select_n3A_4327 = arith.select %ne3A_4322, %roll3A_4324, %roll3A_4326 : vector<16x2048xi1>, vector<16x2048xi32>
    %lt3A_4328 = arith.cmpi slt, %select_n3A_4316, %select_n3A_4327 : vector<16x2048xi32>
    %not3A_4329 = arith.constant dense<true> : vector<16x2048xi1>
    %not3A_4330 = arith.xori %ne3A_4322, %not3A_4329 : vector<16x2048xi1>
    %and3A_4331 = arith.constant 1024 : i32
    %and3A_4332 = vector.broadcast %and3A_4331 : i32 to vector<16x2048xi32>
    %and3A_4333 = arith.andi %iota3A_2885, %and3A_4332 : vector<16x2048xi32>
    %eq3A_4334 = arith.constant 0 : i32
    %eq3A_4335 = vector.broadcast %eq3A_4334 : i32 to vector<16x2048xi32>
    %eq3A_4336 = arith.cmpi eq, %and3A_4333, %eq3A_4335 : vector<16x2048xi32>
    %eq3A_4337 = arith.xori %not3A_4330, %lt3A_4328 : vector<16x2048xi1>
    %eq3A_4338 = arith.constant dense<true> : vector<16x2048xi1>
    %eq3A_4339 = arith.xori %eq3A_4337, %eq3A_4338 : vector<16x2048xi1>
    %eq3A_4340 = arith.xori %eq3A_4336, %eq3A_4339 : vector<16x2048xi1>
    %eq3A_4341 = arith.constant dense<true> : vector<16x2048xi1>
    %eq3A_4342 = arith.xori %eq3A_4340, %eq3A_4341 : vector<16x2048xi1>
    %select_n3A_4343 = arith.select %eq3A_4342, %select_n3A_4316, %select_n3A_4327 : vector<16x2048xi1>, vector<16x2048xi32>
    %and3A_4344 = arith.constant 1 : i32
    %and3A_4345 = vector.broadcast %and3A_4344 : i32 to vector<16x2048xi32>
    %and3A_4346 = arith.andi %iota3A_2885, %and3A_4345 : vector<16x2048xi32>
    %ne3A_4347 = arith.constant 0 : i32
    %ne3A_4348 = vector.broadcast %ne3A_4347 : i32 to vector<16x2048xi32>
    %ne3A_4349 = arith.cmpi ne, %and3A_4346, %ne3A_4348 : vector<16x2048xi32>
    %roll3A_4350 = arith.constant 1 : i32
    %roll3A_4351 = tpu.dynamic_rotate %select_n3A_4343 by %roll3A_4350 dim 1 : vector<16x2048xi32>, i32 -> vector<16x2048xi32>
    %roll3A_4352 = arith.constant 2047 : i32
    %roll3A_4353 = tpu.dynamic_rotate %select_n3A_4343 by %roll3A_4352 dim 1 : vector<16x2048xi32>, i32 -> vector<16x2048xi32>
    %select_n3A_4354 = arith.select %ne3A_4349, %roll3A_4351, %roll3A_4353 : vector<16x2048xi1>, vector<16x2048xi32>
    %lt3A_4355 = arith.cmpi slt, %select_n3A_4343, %select_n3A_4354 : vector<16x2048xi32>
    %not3A_4356 = arith.constant dense<true> : vector<16x2048xi1>
    %not3A_4357 = arith.xori %ne3A_4349, %not3A_4356 : vector<16x2048xi1>
    %and3A_4358 = arith.constant 1024 : i32
    %and3A_4359 = vector.broadcast %and3A_4358 : i32 to vector<16x2048xi32>
    %and3A_4360 = arith.andi %iota3A_2885, %and3A_4359 : vector<16x2048xi32>
    %eq3A_4361 = arith.constant 0 : i32
    %eq3A_4362 = vector.broadcast %eq3A_4361 : i32 to vector<16x2048xi32>
    %eq3A_4363 = arith.cmpi eq, %and3A_4360, %eq3A_4362 : vector<16x2048xi32>
    %eq3A_4364 = arith.xori %not3A_4357, %lt3A_4355 : vector<16x2048xi1>
    %eq3A_4365 = arith.constant dense<true> : vector<16x2048xi1>
    %eq3A_4366 = arith.xori %eq3A_4364, %eq3A_4365 : vector<16x2048xi1>
    %eq3A_4367 = arith.xori %eq3A_4363, %eq3A_4366 : vector<16x2048xi1>
    %eq3A_4368 = arith.constant dense<true> : vector<16x2048xi1>
    %eq3A_4369 = arith.xori %eq3A_4367, %eq3A_4368 : vector<16x2048xi1>
    %select_n3A_4370 = arith.select %eq3A_4369, %select_n3A_4343, %select_n3A_4354 : vector<16x2048xi1>, vector<16x2048xi32>
    %and3A_4371 = arith.constant 1024 : i32
    %and3A_4372 = vector.broadcast %and3A_4371 : i32 to vector<16x2048xi32>
    %and3A_4373 = arith.andi %iota3A_2885, %and3A_4372 : vector<16x2048xi32>
    %ne3A_4374 = arith.constant 0 : i32
    %ne3A_4375 = vector.broadcast %ne3A_4374 : i32 to vector<16x2048xi32>
    %ne3A_4376 = arith.cmpi ne, %and3A_4373, %ne3A_4375 : vector<16x2048xi32>
    %roll3A_4377 = arith.constant 1024 : i32
    %roll3A_4378 = tpu.dynamic_rotate %select_n3A_4370 by %roll3A_4377 dim 1 : vector<16x2048xi32>, i32 -> vector<16x2048xi32>
    %roll3A_4379 = arith.constant 1024 : i32
    %roll3A_4380 = tpu.dynamic_rotate %select_n3A_4370 by %roll3A_4379 dim 1 : vector<16x2048xi32>, i32 -> vector<16x2048xi32>
    %select_n3A_4381 = arith.select %ne3A_4376, %roll3A_4378, %roll3A_4380 : vector<16x2048xi1>, vector<16x2048xi32>
    %lt3A_4382 = arith.cmpi slt, %select_n3A_4370, %select_n3A_4381 : vector<16x2048xi32>
    %not3A_4383 = arith.constant dense<true> : vector<16x2048xi1>
    %not3A_4384 = arith.xori %ne3A_4376, %not3A_4383 : vector<16x2048xi1>
    %and3A_4385 = arith.constant 2048 : i32
    %and3A_4386 = vector.broadcast %and3A_4385 : i32 to vector<16x2048xi32>
    %and3A_4387 = arith.andi %iota3A_2885, %and3A_4386 : vector<16x2048xi32>
    %eq3A_4388 = arith.constant 0 : i32
    %eq3A_4389 = vector.broadcast %eq3A_4388 : i32 to vector<16x2048xi32>
    %eq3A_4390 = arith.cmpi eq, %and3A_4387, %eq3A_4389 : vector<16x2048xi32>
    %eq3A_4391 = arith.xori %not3A_4384, %lt3A_4382 : vector<16x2048xi1>
    %eq3A_4392 = arith.constant dense<true> : vector<16x2048xi1>
    %eq3A_4393 = arith.xori %eq3A_4391, %eq3A_4392 : vector<16x2048xi1>
    %eq3A_4394 = arith.xori %eq3A_4390, %eq3A_4393 : vector<16x2048xi1>
    %eq3A_4395 = arith.constant dense<true> : vector<16x2048xi1>
    %eq3A_4396 = arith.xori %eq3A_4394, %eq3A_4395 : vector<16x2048xi1>
    %select_n3A_4397 = arith.select %eq3A_4396, %select_n3A_4370, %select_n3A_4381 : vector<16x2048xi1>, vector<16x2048xi32>
    %and3A_4398 = arith.constant 512 : i32
    %and3A_4399 = vector.broadcast %and3A_4398 : i32 to vector<16x2048xi32>
    %and3A_4400 = arith.andi %iota3A_2885, %and3A_4399 : vector<16x2048xi32>
    %ne3A_4401 = arith.constant 0 : i32
    %ne3A_4402 = vector.broadcast %ne3A_4401 : i32 to vector<16x2048xi32>
    %ne3A_4403 = arith.cmpi ne, %and3A_4400, %ne3A_4402 : vector<16x2048xi32>
    %roll3A_4404 = arith.constant 512 : i32
    %roll3A_4405 = tpu.dynamic_rotate %select_n3A_4397 by %roll3A_4404 dim 1 : vector<16x2048xi32>, i32 -> vector<16x2048xi32>
    %roll3A_4406 = arith.constant 1536 : i32
    %roll3A_4407 = tpu.dynamic_rotate %select_n3A_4397 by %roll3A_4406 dim 1 : vector<16x2048xi32>, i32 -> vector<16x2048xi32>
    %select_n3A_4408 = arith.select %ne3A_4403, %roll3A_4405, %roll3A_4407 : vector<16x2048xi1>, vector<16x2048xi32>
    %lt3A_4409 = arith.cmpi slt, %select_n3A_4397, %select_n3A_4408 : vector<16x2048xi32>
    %not3A_4410 = arith.constant dense<true> : vector<16x2048xi1>
    %not3A_4411 = arith.xori %ne3A_4403, %not3A_4410 : vector<16x2048xi1>
    %and3A_4412 = arith.constant 2048 : i32
    %and3A_4413 = vector.broadcast %and3A_4412 : i32 to vector<16x2048xi32>
    %and3A_4414 = arith.andi %iota3A_2885, %and3A_4413 : vector<16x2048xi32>
    %eq3A_4415 = arith.constant 0 : i32
    %eq3A_4416 = vector.broadcast %eq3A_4415 : i32 to vector<16x2048xi32>
    %eq3A_4417 = arith.cmpi eq, %and3A_4414, %eq3A_4416 : vector<16x2048xi32>
    %eq3A_4418 = arith.xori %not3A_4411, %lt3A_4409 : vector<16x2048xi1>
    %eq3A_4419 = arith.constant dense<true> : vector<16x2048xi1>
    %eq3A_4420 = arith.xori %eq3A_4418, %eq3A_4419 : vector<16x2048xi1>
    %eq3A_4421 = arith.xori %eq3A_4417, %eq3A_4420 : vector<16x2048xi1>
    %eq3A_4422 = arith.constant dense<true> : vector<16x2048xi1>
    %eq3A_4423 = arith.xori %eq3A_4421, %eq3A_4422 : vector<16x2048xi1>
    %select_n3A_4424 = arith.select %eq3A_4423, %select_n3A_4397, %select_n3A_4408 : vector<16x2048xi1>, vector<16x2048xi32>
    %and3A_4425 = arith.constant 256 : i32
    %and3A_4426 = vector.broadcast %and3A_4425 : i32 to vector<16x2048xi32>
    %and3A_4427 = arith.andi %iota3A_2885, %and3A_4426 : vector<16x2048xi32>
    %ne3A_4428 = arith.constant 0 : i32
    %ne3A_4429 = vector.broadcast %ne3A_4428 : i32 to vector<16x2048xi32>
    %ne3A_4430 = arith.cmpi ne, %and3A_4427, %ne3A_4429 : vector<16x2048xi32>
    %roll3A_4431 = arith.constant 256 : i32
    %roll3A_4432 = tpu.dynamic_rotate %select_n3A_4424 by %roll3A_4431 dim 1 : vector<16x2048xi32>, i32 -> vector<16x2048xi32>
    %roll3A_4433 = arith.constant 1792 : i32
    %roll3A_4434 = tpu.dynamic_rotate %select_n3A_4424 by %roll3A_4433 dim 1 : vector<16x2048xi32>, i32 -> vector<16x2048xi32>
    %select_n3A_4435 = arith.select %ne3A_4430, %roll3A_4432, %roll3A_4434 : vector<16x2048xi1>, vector<16x2048xi32>
    %lt3A_4436 = arith.cmpi slt, %select_n3A_4424, %select_n3A_4435 : vector<16x2048xi32>
    %not3A_4437 = arith.constant dense<true> : vector<16x2048xi1>
    %not3A_4438 = arith.xori %ne3A_4430, %not3A_4437 : vector<16x2048xi1>
    %and3A_4439 = arith.constant 2048 : i32
    %and3A_4440 = vector.broadcast %and3A_4439 : i32 to vector<16x2048xi32>
    %and3A_4441 = arith.andi %iota3A_2885, %and3A_4440 : vector<16x2048xi32>
    %eq3A_4442 = arith.constant 0 : i32
    %eq3A_4443 = vector.broadcast %eq3A_4442 : i32 to vector<16x2048xi32>
    %eq3A_4444 = arith.cmpi eq, %and3A_4441, %eq3A_4443 : vector<16x2048xi32>
    %eq3A_4445 = arith.xori %not3A_4438, %lt3A_4436 : vector<16x2048xi1>
    %eq3A_4446 = arith.constant dense<true> : vector<16x2048xi1>
    %eq3A_4447 = arith.xori %eq3A_4445, %eq3A_4446 : vector<16x2048xi1>
    %eq3A_4448 = arith.xori %eq3A_4444, %eq3A_4447 : vector<16x2048xi1>
    %eq3A_4449 = arith.constant dense<true> : vector<16x2048xi1>
    %eq3A_4450 = arith.xori %eq3A_4448, %eq3A_4449 : vector<16x2048xi1>
    %select_n3A_4451 = arith.select %eq3A_4450, %select_n3A_4424, %select_n3A_4435 : vector<16x2048xi1>, vector<16x2048xi32>
    %and3A_4452 = arith.constant 128 : i32
    %and3A_4453 = vector.broadcast %and3A_4452 : i32 to vector<16x2048xi32>
    %and3A_4454 = arith.andi %iota3A_2885, %and3A_4453 : vector<16x2048xi32>
    %ne3A_4455 = arith.constant 0 : i32
    %ne3A_4456 = vector.broadcast %ne3A_4455 : i32 to vector<16x2048xi32>
    %ne3A_4457 = arith.cmpi ne, %and3A_4454, %ne3A_4456 : vector<16x2048xi32>
    %roll3A_4458 = arith.constant 128 : i32
    %roll3A_4459 = tpu.dynamic_rotate %select_n3A_4451 by %roll3A_4458 dim 1 : vector<16x2048xi32>, i32 -> vector<16x2048xi32>
    %roll3A_4460 = arith.constant 1920 : i32
    %roll3A_4461 = tpu.dynamic_rotate %select_n3A_4451 by %roll3A_4460 dim 1 : vector<16x2048xi32>, i32 -> vector<16x2048xi32>
    %select_n3A_4462 = arith.select %ne3A_4457, %roll3A_4459, %roll3A_4461 : vector<16x2048xi1>, vector<16x2048xi32>
    %lt3A_4463 = arith.cmpi slt, %select_n3A_4451, %select_n3A_4462 : vector<16x2048xi32>
    %not3A_4464 = arith.constant dense<true> : vector<16x2048xi1>
    %not3A_4465 = arith.xori %ne3A_4457, %not3A_4464 : vector<16x2048xi1>
    %and3A_4466 = arith.constant 2048 : i32
    %and3A_4467 = vector.broadcast %and3A_4466 : i32 to vector<16x2048xi32>
    %and3A_4468 = arith.andi %iota3A_2885, %and3A_4467 : vector<16x2048xi32>
    %eq3A_4469 = arith.constant 0 : i32
    %eq3A_4470 = vector.broadcast %eq3A_4469 : i32 to vector<16x2048xi32>
    %eq3A_4471 = arith.cmpi eq, %and3A_4468, %eq3A_4470 : vector<16x2048xi32>
    %eq3A_4472 = arith.xori %not3A_4465, %lt3A_4463 : vector<16x2048xi1>
    %eq3A_4473 = arith.constant dense<true> : vector<16x2048xi1>
    %eq3A_4474 = arith.xori %eq3A_4472, %eq3A_4473 : vector<16x2048xi1>
    %eq3A_4475 = arith.xori %eq3A_4471, %eq3A_4474 : vector<16x2048xi1>
    %eq3A_4476 = arith.constant dense<true> : vector<16x2048xi1>
    %eq3A_4477 = arith.xori %eq3A_4475, %eq3A_4476 : vector<16x2048xi1>
    %select_n3A_4478 = arith.select %eq3A_4477, %select_n3A_4451, %select_n3A_4462 : vector<16x2048xi1>, vector<16x2048xi32>
    %and3A_4479 = arith.constant 64 : i32
    %and3A_4480 = vector.broadcast %and3A_4479 : i32 to vector<16x2048xi32>
    %and3A_4481 = arith.andi %iota3A_2885, %and3A_4480 : vector<16x2048xi32>
    %ne3A_4482 = arith.constant 0 : i32
    %ne3A_4483 = vector.broadcast %ne3A_4482 : i32 to vector<16x2048xi32>
    %ne3A_4484 = arith.cmpi ne, %and3A_4481, %ne3A_4483 : vector<16x2048xi32>
    %roll3A_4485 = arith.constant 64 : i32
    %roll3A_4486 = tpu.dynamic_rotate %select_n3A_4478 by %roll3A_4485 dim 1 : vector<16x2048xi32>, i32 -> vector<16x2048xi32>
    %roll3A_4487 = arith.constant 1984 : i32
    %roll3A_4488 = tpu.dynamic_rotate %select_n3A_4478 by %roll3A_4487 dim 1 : vector<16x2048xi32>, i32 -> vector<16x2048xi32>
    %select_n3A_4489 = arith.select %ne3A_4484, %roll3A_4486, %roll3A_4488 : vector<16x2048xi1>, vector<16x2048xi32>
    %lt3A_4490 = arith.cmpi slt, %select_n3A_4478, %select_n3A_4489 : vector<16x2048xi32>
    %not3A_4491 = arith.constant dense<true> : vector<16x2048xi1>
    %not3A_4492 = arith.xori %ne3A_4484, %not3A_4491 : vector<16x2048xi1>
    %and3A_4493 = arith.constant 2048 : i32
    %and3A_4494 = vector.broadcast %and3A_4493 : i32 to vector<16x2048xi32>
    %and3A_4495 = arith.andi %iota3A_2885, %and3A_4494 : vector<16x2048xi32>
    %eq3A_4496 = arith.constant 0 : i32
    %eq3A_4497 = vector.broadcast %eq3A_4496 : i32 to vector<16x2048xi32>
    %eq3A_4498 = arith.cmpi eq, %and3A_4495, %eq3A_4497 : vector<16x2048xi32>
    %eq3A_4499 = arith.xori %not3A_4492, %lt3A_4490 : vector<16x2048xi1>
    %eq3A_4500 = arith.constant dense<true> : vector<16x2048xi1>
    %eq3A_4501 = arith.xori %eq3A_4499, %eq3A_4500 : vector<16x2048xi1>
    %eq3A_4502 = arith.xori %eq3A_4498, %eq3A_4501 : vector<16x2048xi1>
    %eq3A_4503 = arith.constant dense<true> : vector<16x2048xi1>
    %eq3A_4504 = arith.xori %eq3A_4502, %eq3A_4503 : vector<16x2048xi1>
    %select_n3A_4505 = arith.select %eq3A_4504, %select_n3A_4478, %select_n3A_4489 : vector<16x2048xi1>, vector<16x2048xi32>
    %and3A_4506 = arith.constant 32 : i32
    %and3A_4507 = vector.broadcast %and3A_4506 : i32 to vector<16x2048xi32>
    %and3A_4508 = arith.andi %iota3A_2885, %and3A_4507 : vector<16x2048xi32>
    %ne3A_4509 = arith.constant 0 : i32
    %ne3A_4510 = vector.broadcast %ne3A_4509 : i32 to vector<16x2048xi32>
    %ne3A_4511 = arith.cmpi ne, %and3A_4508, %ne3A_4510 : vector<16x2048xi32>
    %roll3A_4512 = arith.constant 32 : i32
    %roll3A_4513 = tpu.dynamic_rotate %select_n3A_4505 by %roll3A_4512 dim 1 : vector<16x2048xi32>, i32 -> vector<16x2048xi32>
    %roll3A_4514 = arith.constant 2016 : i32
    %roll3A_4515 = tpu.dynamic_rotate %select_n3A_4505 by %roll3A_4514 dim 1 : vector<16x2048xi32>, i32 -> vector<16x2048xi32>
    %select_n3A_4516 = arith.select %ne3A_4511, %roll3A_4513, %roll3A_4515 : vector<16x2048xi1>, vector<16x2048xi32>
    %lt3A_4517 = arith.cmpi slt, %select_n3A_4505, %select_n3A_4516 : vector<16x2048xi32>
    %not3A_4518 = arith.constant dense<true> : vector<16x2048xi1>
    %not3A_4519 = arith.xori %ne3A_4511, %not3A_4518 : vector<16x2048xi1>
    %and3A_4520 = arith.constant 2048 : i32
    %and3A_4521 = vector.broadcast %and3A_4520 : i32 to vector<16x2048xi32>
    %and3A_4522 = arith.andi %iota3A_2885, %and3A_4521 : vector<16x2048xi32>
    %eq3A_4523 = arith.constant 0 : i32
    %eq3A_4524 = vector.broadcast %eq3A_4523 : i32 to vector<16x2048xi32>
    %eq3A_4525 = arith.cmpi eq, %and3A_4522, %eq3A_4524 : vector<16x2048xi32>
    %eq3A_4526 = arith.xori %not3A_4519, %lt3A_4517 : vector<16x2048xi1>
    %eq3A_4527 = arith.constant dense<true> : vector<16x2048xi1>
    %eq3A_4528 = arith.xori %eq3A_4526, %eq3A_4527 : vector<16x2048xi1>
    %eq3A_4529 = arith.xori %eq3A_4525, %eq3A_4528 : vector<16x2048xi1>
    %eq3A_4530 = arith.constant dense<true> : vector<16x2048xi1>
    %eq3A_4531 = arith.xori %eq3A_4529, %eq3A_4530 : vector<16x2048xi1>
    %select_n3A_4532 = arith.select %eq3A_4531, %select_n3A_4505, %select_n3A_4516 : vector<16x2048xi1>, vector<16x2048xi32>
    %and3A_4533 = arith.constant 16 : i32
    %and3A_4534 = vector.broadcast %and3A_4533 : i32 to vector<16x2048xi32>
    %and3A_4535 = arith.andi %iota3A_2885, %and3A_4534 : vector<16x2048xi32>
    %ne3A_4536 = arith.constant 0 : i32
    %ne3A_4537 = vector.broadcast %ne3A_4536 : i32 to vector<16x2048xi32>
    %ne3A_4538 = arith.cmpi ne, %and3A_4535, %ne3A_4537 : vector<16x2048xi32>
    %roll3A_4539 = arith.constant 16 : i32
    %roll3A_4540 = tpu.dynamic_rotate %select_n3A_4532 by %roll3A_4539 dim 1 : vector<16x2048xi32>, i32 -> vector<16x2048xi32>
    %roll3A_4541 = arith.constant 2032 : i32
    %roll3A_4542 = tpu.dynamic_rotate %select_n3A_4532 by %roll3A_4541 dim 1 : vector<16x2048xi32>, i32 -> vector<16x2048xi32>
    %select_n3A_4543 = arith.select %ne3A_4538, %roll3A_4540, %roll3A_4542 : vector<16x2048xi1>, vector<16x2048xi32>
    %lt3A_4544 = arith.cmpi slt, %select_n3A_4532, %select_n3A_4543 : vector<16x2048xi32>
    %not3A_4545 = arith.constant dense<true> : vector<16x2048xi1>
    %not3A_4546 = arith.xori %ne3A_4538, %not3A_4545 : vector<16x2048xi1>
    %and3A_4547 = arith.constant 2048 : i32
    %and3A_4548 = vector.broadcast %and3A_4547 : i32 to vector<16x2048xi32>
    %and3A_4549 = arith.andi %iota3A_2885, %and3A_4548 : vector<16x2048xi32>
    %eq3A_4550 = arith.constant 0 : i32
    %eq3A_4551 = vector.broadcast %eq3A_4550 : i32 to vector<16x2048xi32>
    %eq3A_4552 = arith.cmpi eq, %and3A_4549, %eq3A_4551 : vector<16x2048xi32>
    %eq3A_4553 = arith.xori %not3A_4546, %lt3A_4544 : vector<16x2048xi1>
    %eq3A_4554 = arith.constant dense<true> : vector<16x2048xi1>
    %eq3A_4555 = arith.xori %eq3A_4553, %eq3A_4554 : vector<16x2048xi1>
    %eq3A_4556 = arith.xori %eq3A_4552, %eq3A_4555 : vector<16x2048xi1>
    %eq3A_4557 = arith.constant dense<true> : vector<16x2048xi1>
    %eq3A_4558 = arith.xori %eq3A_4556, %eq3A_4557 : vector<16x2048xi1>
    %select_n3A_4559 = arith.select %eq3A_4558, %select_n3A_4532, %select_n3A_4543 : vector<16x2048xi1>, vector<16x2048xi32>
    %and3A_4560 = arith.constant 8 : i32
    %and3A_4561 = vector.broadcast %and3A_4560 : i32 to vector<16x2048xi32>
    %and3A_4562 = arith.andi %iota3A_2885, %and3A_4561 : vector<16x2048xi32>
    %ne3A_4563 = arith.constant 0 : i32
    %ne3A_4564 = vector.broadcast %ne3A_4563 : i32 to vector<16x2048xi32>
    %ne3A_4565 = arith.cmpi ne, %and3A_4562, %ne3A_4564 : vector<16x2048xi32>
    %roll3A_4566 = arith.constant 8 : i32
    %roll3A_4567 = tpu.dynamic_rotate %select_n3A_4559 by %roll3A_4566 dim 1 : vector<16x2048xi32>, i32 -> vector<16x2048xi32>
    %roll3A_4568 = arith.constant 2040 : i32
    %roll3A_4569 = tpu.dynamic_rotate %select_n3A_4559 by %roll3A_4568 dim 1 : vector<16x2048xi32>, i32 -> vector<16x2048xi32>
    %select_n3A_4570 = arith.select %ne3A_4565, %roll3A_4567, %roll3A_4569 : vector<16x2048xi1>, vector<16x2048xi32>
    %lt3A_4571 = arith.cmpi slt, %select_n3A_4559, %select_n3A_4570 : vector<16x2048xi32>
    %not3A_4572 = arith.constant dense<true> : vector<16x2048xi1>
    %not3A_4573 = arith.xori %ne3A_4565, %not3A_4572 : vector<16x2048xi1>
    %and3A_4574 = arith.constant 2048 : i32
    %and3A_4575 = vector.broadcast %and3A_4574 : i32 to vector<16x2048xi32>
    %and3A_4576 = arith.andi %iota3A_2885, %and3A_4575 : vector<16x2048xi32>
    %eq3A_4577 = arith.constant 0 : i32
    %eq3A_4578 = vector.broadcast %eq3A_4577 : i32 to vector<16x2048xi32>
    %eq3A_4579 = arith.cmpi eq, %and3A_4576, %eq3A_4578 : vector<16x2048xi32>
    %eq3A_4580 = arith.xori %not3A_4573, %lt3A_4571 : vector<16x2048xi1>
    %eq3A_4581 = arith.constant dense<true> : vector<16x2048xi1>
    %eq3A_4582 = arith.xori %eq3A_4580, %eq3A_4581 : vector<16x2048xi1>
    %eq3A_4583 = arith.xori %eq3A_4579, %eq3A_4582 : vector<16x2048xi1>
    %eq3A_4584 = arith.constant dense<true> : vector<16x2048xi1>
    %eq3A_4585 = arith.xori %eq3A_4583, %eq3A_4584 : vector<16x2048xi1>
    %select_n3A_4586 = arith.select %eq3A_4585, %select_n3A_4559, %select_n3A_4570 : vector<16x2048xi1>, vector<16x2048xi32>
    %and3A_4587 = arith.constant 4 : i32
    %and3A_4588 = vector.broadcast %and3A_4587 : i32 to vector<16x2048xi32>
    %and3A_4589 = arith.andi %iota3A_2885, %and3A_4588 : vector<16x2048xi32>
    %ne3A_4590 = arith.constant 0 : i32
    %ne3A_4591 = vector.broadcast %ne3A_4590 : i32 to vector<16x2048xi32>
    %ne3A_4592 = arith.cmpi ne, %and3A_4589, %ne3A_4591 : vector<16x2048xi32>
    %roll3A_4593 = arith.constant 4 : i32
    %roll3A_4594 = tpu.dynamic_rotate %select_n3A_4586 by %roll3A_4593 dim 1 : vector<16x2048xi32>, i32 -> vector<16x2048xi32>
    %roll3A_4595 = arith.constant 2044 : i32
    %roll3A_4596 = tpu.dynamic_rotate %select_n3A_4586 by %roll3A_4595 dim 1 : vector<16x2048xi32>, i32 -> vector<16x2048xi32>
    %select_n3A_4597 = arith.select %ne3A_4592, %roll3A_4594, %roll3A_4596 : vector<16x2048xi1>, vector<16x2048xi32>
    %lt3A_4598 = arith.cmpi slt, %select_n3A_4586, %select_n3A_4597 : vector<16x2048xi32>
    %not3A_4599 = arith.constant dense<true> : vector<16x2048xi1>
    %not3A_4600 = arith.xori %ne3A_4592, %not3A_4599 : vector<16x2048xi1>
    %and3A_4601 = arith.constant 2048 : i32
    %and3A_4602 = vector.broadcast %and3A_4601 : i32 to vector<16x2048xi32>
    %and3A_4603 = arith.andi %iota3A_2885, %and3A_4602 : vector<16x2048xi32>
    %eq3A_4604 = arith.constant 0 : i32
    %eq3A_4605 = vector.broadcast %eq3A_4604 : i32 to vector<16x2048xi32>
    %eq3A_4606 = arith.cmpi eq, %and3A_4603, %eq3A_4605 : vector<16x2048xi32>
    %eq3A_4607 = arith.xori %not3A_4600, %lt3A_4598 : vector<16x2048xi1>
    %eq3A_4608 = arith.constant dense<true> : vector<16x2048xi1>
    %eq3A_4609 = arith.xori %eq3A_4607, %eq3A_4608 : vector<16x2048xi1>
    %eq3A_4610 = arith.xori %eq3A_4606, %eq3A_4609 : vector<16x2048xi1>
    %eq3A_4611 = arith.constant dense<true> : vector<16x2048xi1>
    %eq3A_4612 = arith.xori %eq3A_4610, %eq3A_4611 : vector<16x2048xi1>
    %select_n3A_4613 = arith.select %eq3A_4612, %select_n3A_4586, %select_n3A_4597 : vector<16x2048xi1>, vector<16x2048xi32>
    %and3A_4614 = arith.constant 2 : i32
    %and3A_4615 = vector.broadcast %and3A_4614 : i32 to vector<16x2048xi32>
    %and3A_4616 = arith.andi %iota3A_2885, %and3A_4615 : vector<16x2048xi32>
    %ne3A_4617 = arith.constant 0 : i32
    %ne3A_4618 = vector.broadcast %ne3A_4617 : i32 to vector<16x2048xi32>
    %ne3A_4619 = arith.cmpi ne, %and3A_4616, %ne3A_4618 : vector<16x2048xi32>
    %roll3A_4620 = arith.constant 2 : i32
    %roll3A_4621 = tpu.dynamic_rotate %select_n3A_4613 by %roll3A_4620 dim 1 : vector<16x2048xi32>, i32 -> vector<16x2048xi32>
    %roll3A_4622 = arith.constant 2046 : i32
    %roll3A_4623 = tpu.dynamic_rotate %select_n3A_4613 by %roll3A_4622 dim 1 : vector<16x2048xi32>, i32 -> vector<16x2048xi32>
    %select_n3A_4624 = arith.select %ne3A_4619, %roll3A_4621, %roll3A_4623 : vector<16x2048xi1>, vector<16x2048xi32>
    %lt3A_4625 = arith.cmpi slt, %select_n3A_4613, %select_n3A_4624 : vector<16x2048xi32>
    %not3A_4626 = arith.constant dense<true> : vector<16x2048xi1>
    %not3A_4627 = arith.xori %ne3A_4619, %not3A_4626 : vector<16x2048xi1>
    %and3A_4628 = arith.constant 2048 : i32
    %and3A_4629 = vector.broadcast %and3A_4628 : i32 to vector<16x2048xi32>
    %and3A_4630 = arith.andi %iota3A_2885, %and3A_4629 : vector<16x2048xi32>
    %eq3A_4631 = arith.constant 0 : i32
    %eq3A_4632 = vector.broadcast %eq3A_4631 : i32 to vector<16x2048xi32>
    %eq3A_4633 = arith.cmpi eq, %and3A_4630, %eq3A_4632 : vector<16x2048xi32>
    %eq3A_4634 = arith.xori %not3A_4627, %lt3A_4625 : vector<16x2048xi1>
    %eq3A_4635 = arith.constant dense<true> : vector<16x2048xi1>
    %eq3A_4636 = arith.xori %eq3A_4634, %eq3A_4635 : vector<16x2048xi1>
    %eq3A_4637 = arith.xori %eq3A_4633, %eq3A_4636 : vector<16x2048xi1>
    %eq3A_4638 = arith.constant dense<true> : vector<16x2048xi1>
    %eq3A_4639 = arith.xori %eq3A_4637, %eq3A_4638 : vector<16x2048xi1>
    %select_n3A_4640 = arith.select %eq3A_4639, %select_n3A_4613, %select_n3A_4624 : vector<16x2048xi1>, vector<16x2048xi32>
    %and3A_4641 = arith.constant 1 : i32
    %and3A_4642 = vector.broadcast %and3A_4641 : i32 to vector<16x2048xi32>
    %and3A_4643 = arith.andi %iota3A_2885, %and3A_4642 : vector<16x2048xi32>
    %ne3A_4644 = arith.constant 0 : i32
    %ne3A_4645 = vector.broadcast %ne3A_4644 : i32 to vector<16x2048xi32>
    %ne3A_4646 = arith.cmpi ne, %and3A_4643, %ne3A_4645 : vector<16x2048xi32>
    %roll3A_4647 = arith.constant 1 : i32
    %roll3A_4648 = tpu.dynamic_rotate %select_n3A_4640 by %roll3A_4647 dim 1 : vector<16x2048xi32>, i32 -> vector<16x2048xi32>
    %roll3A_4649 = arith.constant 2047 : i32
    %roll3A_4650 = tpu.dynamic_rotate %select_n3A_4640 by %roll3A_4649 dim 1 : vector<16x2048xi32>, i32 -> vector<16x2048xi32>
    %select_n3A_4651 = arith.select %ne3A_4646, %roll3A_4648, %roll3A_4650 : vector<16x2048xi1>, vector<16x2048xi32>
    %lt3A_4652 = arith.cmpi slt, %select_n3A_4640, %select_n3A_4651 : vector<16x2048xi32>
    %not3A_4653 = arith.constant dense<true> : vector<16x2048xi1>
    %not3A_4654 = arith.xori %ne3A_4646, %not3A_4653 : vector<16x2048xi1>
    %and3A_4655 = arith.constant 2048 : i32
    %and3A_4656 = vector.broadcast %and3A_4655 : i32 to vector<16x2048xi32>
    %and3A_4657 = arith.andi %iota3A_2885, %and3A_4656 : vector<16x2048xi32>
    %eq3A_4658 = arith.constant 0 : i32
    %eq3A_4659 = vector.broadcast %eq3A_4658 : i32 to vector<16x2048xi32>
    %eq3A_4660 = arith.cmpi eq, %and3A_4657, %eq3A_4659 : vector<16x2048xi32>
    %eq3A_4661 = arith.xori %not3A_4654, %lt3A_4652 : vector<16x2048xi1>
    %eq3A_4662 = arith.constant dense<true> : vector<16x2048xi1>
    %eq3A_4663 = arith.xori %eq3A_4661, %eq3A_4662 : vector<16x2048xi1>
    %eq3A_4664 = arith.xori %eq3A_4660, %eq3A_4663 : vector<16x2048xi1>
    %eq3A_4665 = arith.constant dense<true> : vector<16x2048xi1>
    %eq3A_4666 = arith.xori %eq3A_4664, %eq3A_4665 : vector<16x2048xi1>
    %select_n3A_4667 = arith.select %eq3A_4666, %select_n3A_4640, %select_n3A_4651 : vector<16x2048xi1>, vector<16x2048xi32>
    %slice3A_4668 = vector.extract_strided_slice %select_n3A_4667 {offsets = [0, 0], sizes = [16, 1536], strides = [1, 1]} : vector<16x2048xi32> to vector<16x1536xi32>
    %iota3A_4669 = tpu.iota {dimensions = array<i32: 0>} : vector<16x1xi32>
    %mul3A = arith.constant 4096 : i32
    %mul3A_4670 = vector.broadcast %mul3A : i32 to vector<16x1xi32>
    %mul3A_4671 = arith.muli %iota3A_4669, %mul3A_4670 : vector<16x1xi32>
    %iota3A_4672 = tpu.iota {dimensions = array<i32: 1>} : vector<16x1024xi32>
    %add3A = arith.constant 3072 : i32
    %add3A_4673 = vector.broadcast %add3A : i32 to vector<16x1024xi32>
    %add3A_4674 = arith.addi %iota3A_4672, %add3A_4673 : vector<16x1024xi32>
    %concatenate3A_4675 = tpu.concatenate %add3A_4674, %slice3A in 1 : vector<16x1024xi32>, vector<16x1536xi32> -> vector<16x2560xi32>
    %add3A_4676 = vector.broadcast %mul3A_4671 : vector<16x1xi32> to vector<16x2560xi32>
    %add3A_4677 = arith.addi %concatenate3A_4675, %add3A_4676 : vector<16x2560xi32>
    %swap3A = arith.constant 0 : index
    %swap3A_4678 = arith.constant 0 : index
    %swap3A_4679 = vector.load %arg1[%swap3A, %swap3A_4678] : memref<16x2560xi32, #tpu.memory_space<vmem>>, vector<16x2560xi32>
    tpu.vector_store %arg1[%swap3A, %swap3A_4678], %add3A_4677 {strides = array<i32>} : memref<16x2560xi32, #tpu.memory_space<vmem>>, vector<16x2560xi32>,
    %add3A_4680 = vector.broadcast %mul3A_4671 : vector<16x1xi32> to vector<16x1536xi32>
    %add3A_4681 = arith.addi %slice3A_4668, %add3A_4680 : vector<16x1536xi32>
    %swap3A_4682 = arith.constant 0 : index
    %swap3A_4683 = arith.constant 0 : index
    %swap3A_4684 = vector.load %arg2[%swap3A_4682, %swap3A_4683] : memref<16x1536xi32, #tpu.memory_space<vmem>>, vector<16x1536xi32>
    tpu.vector_store %arg2[%swap3A_4682, %swap3A_4683], %add3A_4681 {strides = array<i32>} : memref<16x1536xi32, #tpu.memory_space<vmem>>, vector<16x1536xi32>,
    return
  }
}

</mosaic_0001>

<sc_bundles>
// kernel: kernel.4.cloned.1.call-start
scs
__scs_entry_jumppad:
0x0: {  	(pc) =	sbr.rel $0x88, $3  }
0x1: {  	(tag) =	ssettag $0x0;
	lr =	simm.s32 $0x1  }
0x2: {  	[smem:$0x3F9D] =	sst lr;
	_ =	strace $0xD0000000  }
0x3: {  	_ = 	snop  }
0x4: {  	_ = 	snop  }
0x5: {  	_ = 	snop  }
0x6: {  	_ = 	snop  }
0x7: {  	_ = 	snop  }
__scs_overlays_trampoline_lowered:
0x8: {  	[smem:$0x3FAC] =	sst s0  }
0x9: {  	[smem:$0x3FAD] =	sst s1  }
0xa: {  	[smem:$0x3FAE] =	sst s2  }
0xb: {  	[smem:$0x3FAF] =	sst s3  }
0xc: {  	[smem:$0x3FB0] =	sst s4  }
0xd: {  	[smem:$0x3FB1] =	sst s5  }
0xe: {  	[smem:$0x3FB2] =	sst s6  }
0xf: {  	[smem:$0x3FB3] =	sst s7  }
0x10: {  	[smem:$0x3FB4] =	sst s8  }
0x11: {  	[smem:$0x3FB5] =	sst s9;
	s0 =	simm.s32 @!p0 $0x0  }
0x12: {  	s1 =	sld [smem:$0x3F9B];
	s0 =	simm.s32 @p0 $0x1  }
0x13: {  	[smem:$0x3FB6] =	sst s0;
	s0 =	simm.s32 @!p1 $0x0  }
0x14: {  	s2 =	sld [smem:$0x3F9A];
	s0 =	simm.s32 @p1 $0x1  }
0x15: {  	[smem:$0x3FB7] =	sst s0;
	s0 =	simm.s32 @!p2 $0x0  }
0x16: {  	s3 =	sld [smem:$0x3FDB];
	s0 =	simm.s32 @p2 $0x1  }
0x17: {  	s4 =	simm.s32 $0x1BF5;
	[smem:$0x3FB9] =	sst s0  }
0x18: {  	s0 =	sld [smem:$0x3F9C];
	_ =	swait.ge [sflag:s4], $0x0  }
0x19: {  	s7 =	sld [smem:$0x3F9D]  }
0x1a: {  	s8 =	sadd.s32 $0xFFFFE003, lr  }
0x1b: {  	s9 =	sadd.s32 $0xFFFFFEF7, lr;
	s5 =	simm.s32 $0xFFFFFFFF;
	p2 =	slt.u32 s8, $0xFFFFF086  }
0x1c: {  	p1 =	slt.u32 s9, $0xF7A;
	s5 =	simm.s32 @!p2 $0x0  }
0x1d: {  	s5 =	simm.s32 @p1 $0x1;
	p0 =	seq.s32 s7, s2  }
0x1e: {  	s7 =	smul.u32 @!p0 $0xF7A, s2;
	p2 =	seq.s32 @!p0 s5, $0x0  }
0x1f: {  	s9 =	smul.u32 $0xF7A, s1;
	s8 =	simm.s32 @!p0 $0x1BF5;
	p2 =	por !p2, p0  }
0x20: {  	[sflag:s8] =	ssyncset.s32 @!p0 $0xFFFFF086;
	s6 =	sadd.s32 @!p0 s3, s7;
	s7 =	simm.s32 @!p0 $0x108  }
0x21: {  	s3 =	sadd.s32 s3, s9;
	s6 =	sadd.s32 @!p0 $0x88, s6;
	s7 =	simm.s32 @p2 $0x1082  }
0x22: {  	[simem:s7], [sflag:s8] =	dma.local @!p0 [hbm:s6], $0xF7A  }
0x23: {  	s9 =	sor.u32 $0xD0000000, s2;
	s6 =	simm.s32 $0x108;
	_ =	swait.ge @!p0 [sflag:s8], $0x0  }
0x24: {  	s3 =	sadd.s32 $0x88, s3;
	s6 =	simm.s32 @!p1 $0x1082;
	[sflag:s4] =	ssyncset.s32 $0xFFFFF086  }
0x25: {  	[simem:s6], [sflag:s4] =	dma.local [hbm:s3], $0xF7A  }
0x26: {  	[smem:$0x3F9D] =	sst s1;
	(tag) =	ssettag s2;
	_ =	strace s9  }
0x27: {  	s1 =	sld [smem:$0x3FAD]  }
0x28: {  	s2 =	sld [smem:$0x3FAE]  }
0x29: {  	s4 =	sld [smem:$0x3FB0]  }
0x2a: {  	p0 =	seq.s32 s5, $0x0;
	s5 =	sld [smem:$0x3FB1]  }
0x2b: {  	s6 =	sld [smem:$0x3FB2]  }
0x2c: {  	s7 =	sld [smem:$0x3FB3]  }
0x2d: {  	s3 =	simm.s32 $0x108;
	s8 =	sld [smem:$0x3FB4]  }
0x2e: {  	s3 =	simm.s32 @!p0 $0x1082;
	s9 =	sld [smem:$0x3FB5]  }
0x2f: {  	lr =	sadd.s32 s0, s3;
	s0 =	sld [smem:$0x3FAC]  }
0x30: {  	s3 =	sld [smem:$0x3FAF]  }
0x31: {  	[smem:$0x3FB8] =	sst s10  }
0x32: {  	s10 =	sld [smem:$0x3FB6];
	_ =	sdelay $0x3  }
0x33: {  	p0 =	seq.s32 s10, $0x1;
	s10 =	sld [smem:$0x3FB8];
	_ =	sdelay $0x3  }
0x34: {  	[smem:$0x3FB8] =	sst s10  }
0x35: {  	s10 =	sld [smem:$0x3FB7];
	_ =	sdelay $0x3  }
0x36: {  	p1 =	seq.s32 s10, $0x1;
	s10 =	sld [smem:$0x3FB8];
	_ =	sdelay $0x3  }
0x37: {  	[smem:$0x3FB8] =	sst s10  }
0x38: {  	s10 =	sld [smem:$0x3FB9]  }
0x39: {  	_ = 	snop;
	(pc) =	sbr.ind lr, $3  }
0x3a: {  	_ = 	snop  }
0x3b: {  	_ = 	snop  }
0x3c: {  	p2 =	seq.s32 s10, $0x1;
	s10 =	sld [smem:$0x3FB8]  }
0x3d: {  	_ =	shalt  }
0x3e: {  	_ =	shalt  }
0x3f: {  	_ =	shalt  }
0x40: {  	_ =	shalt  }
0x41: {  	_ =	shalt  }
0x42: {  	_ =	shalt  }
0x43: {  	_ =	shalt  }
0x44: {  	_ =	shalt  }
0x45: {  	_ =	shalt  }
0x46: {  	_ =	shalt  }
0x47: {  	_ =	shalt  }
0x48: {  	_ =	shalt  }
0x49: {  	_ =	shalt  }
0x4a: {  	_ =	shalt  }
0x4b: {  	_ =	shalt  }
0x4c: {  	_ =	shalt  }
0x4d: {  	_ =	shalt  }
0x4e: {  	_ =	shalt  }
0x4f: {  	_ =	shalt  }
0x50: {  	_ =	shalt  }
0x51: {  	_ =	shalt  }
0x52: {  	_ =	shalt  }
0x53: {  	_ =	shalt  }
0x54: {  	_ =	shalt  }
0x55: {  	_ =	shalt  }
0x56: {  	_ =	shalt  }
0x57: {  	_ =	shalt  }
0x58: {  	_ =	shalt  }
0x59: {  	_ =	shalt  }
0x5a: {  	_ =	shalt  }
0x5b: {  	_ =	shalt  }
0x5c: {  	_ =	shalt  }
0x5d: {  	_ =	shalt  }
0x5e: {  	_ =	shalt  }
0x5f: {  	_ =	shalt  }
0x60: {  	_ =	shalt  }
0x61: {  	_ =	shalt  }
0x62: {  	_ =	shalt  }
0x63: {  	_ =	shalt  }
0x64: {  	_ =	shalt  }
0x65: {  	_ =	shalt  }
0x66: {  	_ =	shalt  }
0x67: {  	_ =	shalt  }
0x68: {  	_ =	shalt  }
0x69: {  	_ =	shalt  }
0x6a: {  	_ =	shalt  }
0x6b: {  	_ =	shalt  }
0x6c: {  	_ =	shalt  }
0x6d: {  	_ =	shalt  }
0x6e: {  	_ =	shalt  }
0x6f: {  	_ =	shalt  }
0x70: {  	_ =	shalt  }
0x71: {  	_ =	shalt  }
0x72: {  	_ =	shalt  }
0x73: {  	_ =	shalt  }
0x74: {  	_ =	shalt  }
0x75: {  	_ =	shalt  }
0x76: {  	_ =	shalt  }
0x77: {  	_ =	shalt  }
0x78: {  	_ =	shalt  }
0x79: {  	_ =	shalt  }
0x7a: {  	_ =	shalt  }
0x7b: {  	_ =	shalt  }
0x7c: {  	_ =	shalt  }
0x7d: {  	_ =	shalt  }
0x7e: {  	_ =	shalt  }
0x7f: {  	_ =	shalt  }
0x80: {  	_ =	shalt  }
0x81: {  	_ =	shalt  }
0x82: {  	_ =	shalt  }
0x83: {  	_ =	shalt  }
0x84: {  	_ =	shalt  }
0x85: {  	_ =	shalt  }
0x86: {  	_ =	shalt  }
0x87: {  	_ =	shalt  }
.Lfunc_end0:
.L_simem_size_0:
called_computation.1_lowered:
.L_overlay_start_0:
0x88: {  	s2 =	sld [smem:$0x3FD9]  }
0x89: {  	s3 =	sld [smem:$0x3FFE];
	_ =	sdelay $0x1  }
0x8a: {  	s1 =	srdreg.scid  }
0x8b: {  	s0 =	sand.u32 $0x1, s1  }
0x8c: {  	s14 =	sshll.u32 s0, $0xA;
	s2 =	sadd.s32 s3, s2  }
0x8d: {  	s2 =	sadd.s32 s2, s14  }
0x8e: {  	[smem:$0x3FC4] =	sst s2  }
0x8f: {  	_ = 	snop  }
0x90: {  	s2 =	sld [smem:$0x3FD0];
	_ =	sdelay $0x2  }
0x91: {  	s15 =	simm.s32 $0xA;
	s4 =	simm.s32 $0x10  }
0x92: {  	[smem:s4], [sflag:s15] =	dma.local [hbm:s2], $0x1  }
0x93: {  	_ =	swait.eq [sflag:s15], $0x1  }
0x94: {  	s16 =	sld [smem:$0x10]  }
0x95: {  	s17 =	sld [smem:$0x11];
	[sflag:s15] =	ssyncset.done $0x0  }
0x96: {  	s5 =	sld [smem:$0x12];
	[sflag:s15] =	ssyncadd.s32 $0xFFFFFFFF  }
0x97: {  	s18 =	sld [smem:$0x13];
	(tm) =	ssettm $0x1  }
0x98: {  	s6 =	sld [smem:$0x3FFB];
	_ =	sdelay $0x3  }
0x99: {  	_ =	strace s6  }
0x9a: {  	s6 =	sld [smem:$0x3FFC];
	_ =	sdelay $0x3  }
0x9b: {  	_ =	strace s6  }
0x9c: {  	s6 =	sld [smem:$0x3FFD];
	_ =	sdelay $0x3  }
0x9d: {  	_ =	strace s6  }
0x9e: {  	_ =	strace $0x8FFFFFFF  }
0x9f: {  	s19 =	sld [smem:$0x3FDB];
	_ =	sdelay $0x1  }
0xa0: {  	s7 =	simm.s32 $_scs_section_size  }
0xa1: {  	s8 =	simm.s32 $_size__tile_overlayer_lowered;
	s9 =	simm.s32 $_tile_overlayer_lowered  }
0xa2: {  	s22 =	simm.s32 $0x1BFF;
	s21 =	sshll.u32 s9, $0x1;
	s6 =	sadd.s32 s7, s19  }
0xa3: {  	s10 =	simm.s32 $0x0;
	s20 =	sshll.u32 s8, $0x1;
	s8 =	sadd.s32 s21, s6  }
0xa4: {  	[timem:s10], [sflag:s22] =	dma.local [hbm:s8], s20  }
0xa5: {  	_ =	swait.ge [sflag:s22], s20  }
0xa6: {  	s7 =	ssub.s32 $0x0, s20;
	[sflag:s22] =	ssyncset.done $0x0  }
0xa7: {  	[sflag:s22] =	ssyncadd.s32 s7;
	_ =	sdelay $0x1  }
0xa8: {  	s23 =	simm.s32 $0x1B8B  }
0xa9: {  	_ =	swait.ge [sflag:s23], $0x1  }
0xaa: {  	[sflag:s23] =	ssyncset.done $0x0  }
0xab: {  	s25 =	simm.s32 $0x1B8E;
	s24 =	sld [smem:$0x3FFE];
	[sflag:s23] =	ssyncadd.s32 $0xFFFFFFFF  }
0xac: {  	s26 =	simm.s32 $execute0_lowered;
	[smem:$0x3FD2] =	sst s25  }
0xad: {  	s8 =	sshll.u32 s26, $0x1;
	_ =	strace $0x80000049;
	[dreg:$0x1] =	wrdreg $0xFFFFFFFF  }
0xae: {  	s28 =	simm.s32 $_size_execute0_lowered;
	s6 =	sadd.s32 s6, s8;
	[dreg:$0x0] =	wrdreg $0x0  }
0xaf: {  	s8 =	sshll.u32 s28, $0x1;
	[dreg:$0x2] =	wrdreg s6  }
0xb0: {  	[dreg:$0x3] =	wrdreg s8  }
0xb1: {  	[dreg:$0x4] =	wrdreg $0xC0  }
0xb2: {  	_ =	task [dreg:s10], $0x5FFFF  }
0xb3: {  	[dreg:$0x1] =	wrdreg $0xFFFFFFFF  }
0xb4: {  	[dreg:$0x0] =	wrdreg $0x60  }
0xb5: {  	[dreg:$0x2] =	wrdreg s24  }
0xb6: {  	[dreg:$0x3] =	wrdreg s5  }
0xb7: {  	[dreg:$0x4] =	wrdreg s16  }
0xb8: {  	[dreg:$0x5] =	wrdreg s17  }
0xb9: {  	[dreg:$0x6] =	wrdreg s18  }
0xba: {  	[dreg:$0x7] =	wrdreg $0x9  }
0xbb: {  	_ =	task.clear_ibuf [dreg:s10], $0x8FFFF;
	_ =	strace $0x90000049  }
0xbc: {  	s29 =	simm.s32 $0x9;
	_ =	strace $0x8000004B  }
0xbd: {  	_ =	swait.ge [sflag:s29], $0x1  }
0xbe: {  	[sflag:s29] =	ssyncadd.s32 $0xFFFFFFFF  }
0xbf: {  	_ =	strace $0x9000004B  }
0xc0: {  	_ =	sfence  }
0xc1: {  	s30 =	sld [smem:$0x0];
	_ =	sdelay $0x2  }
0xc2: {  	s31 =	sshll.u32 s1, $0xD;
	s1 =	sshrl.u32 s1, $0x2  }
0xc3: {  	s3 =	sand.u32 $0x4000, s31;
	s1 =	sadd.s32 s1, s30  }
0xc4: {  	s0 =	sor.u32 s3, s0;
	s1 =	sshll.u32 s1, $0x11  }
0xc5: {  	s0 =	sor.u32 s1, s0  }
0xc6: {  	s0 =	sadd.s32 $0x8F2B, s0  }
0xc7: {  	[sflag:s0] =	ssyncadd.remote.s32 $0x1  }
0xc8: {  	_ =	sfence.sel $0xFFFF  }
0xc9: {  	[dreg:$0x0] =	wrdreg $0xFFFFFFFF;
	(pc) =	sbr.abs _section_cstart, $3  }
0xca: {  	[dreg:$0x1] =	wrdreg $0xFFFFFFFF  }
0xcb: {  	_ =	task.clear_ibuf [dreg:s10], $0x2FFFF;
	_ =	strace $0x9FFFFFFF  }
0xcc: {  	(tm) =	ssettm $0x7FFFFFFF  }
0xcd: {  	_ =	shalt  }
tec
execute0_lowered:
.L_overlay_start_1:
0x0: {  	(tag) =	ssettag $0x1  }
0x1: {  	s15 =	rddreg [dreg:$0x0]  }
0x2: {  	s3 =	rddreg [dreg:$0x1]  }
0x3: {  	s5 =	rddreg [dreg:$0x2]  }
0x4: {  	s10 =	rddreg [dreg:$0x3]  }
0x5: {  	s4 =	srdreg.scid;
	s1 =	stileid.u32  }
0x6: {  	s14 =	rddreg [dreg:$0x4];
	s16 =	sand.u32 $0x1, s4;
	s30 =	sshll.u32 s1, $0x1  }
0x7: {  	s0 =	rddreg [dreg:$0x5];
	s2 =	simm.s32 $0x0;
	s6 =	sor.u32 s16, s30  }
0x8: {  	[smem:$0x7FF] =	sst s2;
	s4 =	smul.u32 $0xA0, s6  }
0x9: {  	s8 =	simm.s32 $0x1;
	p1 =	seq.s32 s16, $0x1;
	_ =	strace $0x8000004A  }
0xa: {  	p0 =	seq.s32 s6, $0x0;
	s4 =	sadd.s32 s3, s4;
	s3 =	simm.s32 $0x2  }
0xb: {  	[tilespmem:s2], [sflag:$0x2] =	stream.linear.gather [hbm4b:s4+s2], $0x500, $0x38;
	[tilespmem:$0x14800] =	vst v63  }
0xc: {  	s6 =	smul.u32 $0x60, s6;
	p0 =	por !p0, !p1;
	_ =	swait.ge [sflag:s3], $0x500  }
0xd: {  	s9 =	simm.s32 $0x800;
	p0 =	por !p0, !p0;
	[sflag:s3] =	ssyncset.done $0x0  }
0xe: {  	s5 =	sadd.s32 s5, s6;
	s6 =	simm.s32 $0x500;
	[sflag:s3] =	ssyncadd.s32 $0xFFFFFB00  }
0xf: {  	[tilespmem:s6], [sflag:$0x2] =	stream.linear.gather [hbm4b:s5+s2], $0x300, $0x38;
	[tilespmem:$0x14800] =	vst v63  }
0x10: {  	s7 =	sadd.s32 $0x180000, s15;
	s8 =	simm.s32 @!p0 $0x0;
	_ =	swait.ge [sflag:s3], $0x300  }
0x11: {  	s12 =	smul.u32 $0x14000, s16;
	s13 =	ssub.s32 s1, s8;
	[sflag:s3] =	ssyncset.done $0x0  }
0x12: {  	s8 =	simm.s32 $0x1;
	s11 =	smul.u32 $0x28000, s13;
	[sflag:s3] =	ssyncadd.s32 $0xFFFFFD00  }
0x13: {  	[tilespmem:s9], [sflag:$0x1] =	stream.indirect.gather [hbm4b:s7+s6], $0x40, s2, s6, $0xb8;
	[tilespmem:$0x14800] =	vst v63  }
0x14: {  	s11 =	sadd.s32 s12, s11;
	_ =	swait.ge [sflag:s8], $0x14000  }
0x15: {  	s12 =	sshrl.u32 s11, $0x3;
	[sflag:s8] =	ssyncset.done $0x0  }
0x16: {  	s10 =	sadd.s32 s10, s12;
	[sflag:s8] =	ssyncadd.s32 $0xFFFEC000  }
0x17: {  	[hbm4b:s10+s2] =	stream.linear.scatter [tilespmem:s9], [sflag:$0x2], $0x14000, $0x38;
	[tilespmem:$0x14800] =	vst v63  }
0x18: {  	_ =	swait.ge [sflag:s3], $0x14000  }
0x19: {  	[sflag:s3] =	ssyncset.done $0x0  }
0x1a: {  	s11 =	sadd.s32 $0x280000, s15;
	[sflag:s3] =	ssyncadd.s32 $0xFFFEC000  }
0x1b: {  	[tilespmem:s9], [sflag:$0x1] =	stream.indirect.gather [hbm4b:s11+s6], $0x40, s2, s6, $0xb8;
	[tilespmem:$0x14800] =	vst v63  }
0x1c: {  	_ =	swait.ge [sflag:s8], $0x14000  }
0x1d: {  	s12 =	sadd.s32 s12, s15;
	[sflag:s8] =	ssyncset.done $0x0  }
0x1e: {  	s12 =	sadd.s32 $0x200000, s12;
	[sflag:s8] =	ssyncadd.s32 $0xFFFEC000  }
0x1f: {  	[hbm4b:s12+s2] =	stream.linear.scatter [tilespmem:s9], [sflag:$0x2], $0x14000, $0x38;
	[tilespmem:$0x14800] =	vst v63  }
0x20: {  	_ =	swait.ge [sflag:s3], $0x14000  }
0x21: {  	s18 =	smul.u32 $0xC000, s16;
	[sflag:s3] =	ssyncset.done $0x0  }
0x22: {  	s17 =	smul.u32 $0x18000, s13;
	s13 =	simm.s32 $0x300;
	[sflag:s3] =	ssyncadd.s32 $0xFFFEC000  }
0x23: {  	[tilespmem:s9], [sflag:$0x1] =	stream.indirect.gather [hbm4b:s7+s13], $0x40, s6, s13, $0xb8;
	[tilespmem:$0x14800] =	vst v63  }
0x24: {  	s17 =	sadd.s32 s18, s17;
	_ =	swait.ge [sflag:s8], $0xC000  }
0x25: {  	s17 =	sshrl.u32 s17, $0x3;
	[sflag:s8] =	ssyncset.done $0x0  }
0x26: {  	s16 =	ssub.s32 $0x2, s16;
	s14 =	sadd.s32 s14, s17;
	[sflag:s8] =	ssyncadd.s32 $0xFFFF4000  }
0x27: {  	[hbm4b:s14+s2] =	stream.linear.scatter [tilespmem:s9], [sflag:$0x2], $0xC000, $0x38;
	[tilespmem:$0x14800] =	vst v63  }
0x28: {  	s31 =	sshrl.u32 s16, $0x1;
	_ =	swait.ge [sflag:s3], $0xC000  }
0x29: {  	s16 =	ssub.s32 s16, s31;
	[sflag:s3] =	ssyncset.done $0x0  }
0x2a: {  	s16 =	smax.u32 s16, $0x1;
	[sflag:s3] =	ssyncadd.s32 $0xFFFF4000  }
0x2b: {  	[tilespmem:s9], [sflag:$0x1] =	stream.indirect.gather [hbm4b:s11+s13], $0x40, s6, s13, $0xb8;
	[tilespmem:$0x14800] =	vst v63  }
0x2c: {  	p0 =	sne.s32 s16, $0x1;
	_ =	swait.ge [sflag:s8], $0xC000  }
.Ltmp0:
0x2d: {  	s15 =	sadd.s32 s17, s15;
	[sflag:s8] =	ssyncset.done $0x0;
	(pc) =	sbr.rel @!p0 .LBB2_2-.Ltmp0, $4  }
0x2e: {  	s15 =	sadd.s32 $0x250000, s15;
	[sflag:s8] =	ssyncadd.s32 $0xFFFF4000  }
0x2f: {  	[hbm4b:s15+s2] =	stream.linear.scatter [tilespmem:s9], [sflag:$0x2], $0xC000, $0x38;
	[tilespmem:$0x14800] =	vst v63  }
0x30: {  	_ =	swait.ge [sflag:s3], $0xC000  }
0x31: {  	s16 =	sadd.s32 $0xFFFFFFFF, s16;
	[sflag:s3] =	ssyncset.done $0x0  }
.LBB2_1:
0x32: {  	p0 =	sne.s32 s16, $0x1;
	s16 =	sadd.s32 $0xFFFFFFFF, s16;
	[sflag:s3] =	ssyncadd.s32 $0xFFFF4000  }
0x33: {  	[tilespmem:s2], [sflag:$0x2] =	stream.linear.gather [hbm4b:s4+s2], $0x500, $0x38;
	[tilespmem:$0x14800] =	vst v63  }
0x34: {  	_ =	swait.ge [sflag:s3], $0x500  }
0x35: {  	[sflag:s3] =	ssyncset.done $0x0  }
0x36: {  	[sflag:s3] =	ssyncadd.s32 $0xFFFFFB00  }
0x37: {  	[tilespmem:s6], [sflag:$0x2] =	stream.linear.gather [hbm4b:s5+s2], $0x300, $0x38;
	[tilespmem:$0x14800] =	vst v63  }
0x38: {  	_ =	swait.ge [sflag:s3], $0x300  }
0x39: {  	[sflag:s3] =	ssyncset.done $0x0  }
0x3a: {  	[sflag:s3] =	ssyncadd.s32 $0xFFFFFD00  }
0x3b: {  	[tilespmem:s9], [sflag:$0x1] =	stream.indirect.gather [hbm4b:s7+s6], $0x40, s2, s6, $0xb8;
	[tilespmem:$0x14800] =	vst v63  }
0x3c: {  	_ =	swait.ge [sflag:s8], $0x14000  }
0x3d: {  	[sflag:s8] =	ssyncset.done $0x0  }
0x3e: {  	[sflag:s8] =	ssyncadd.s32 $0xFFFEC000  }
0x3f: {  	[hbm4b:s10+s2] =	stream.linear.scatter [tilespmem:s9], [sflag:$0x2], $0x14000, $0x38;
	[tilespmem:$0x14800] =	vst v63  }
0x40: {  	_ =	swait.ge [sflag:s3], $0x14000  }
0x41: {  	[sflag:s3] =	ssyncset.done $0x0  }
0x42: {  	[sflag:s3] =	ssyncadd.s32 $0xFFFEC000  }
0x43: {  	[tilespmem:s9], [sflag:$0x1] =	stream.indirect.gather [hbm4b:s11+s6], $0x40, s2, s6, $0xb8;
	[tilespmem:$0x14800] =	vst v63  }
0x44: {  	_ =	swait.ge [sflag:s8], $0x14000  }
0x45: {  	[sflag:s8] =	ssyncset.done $0x0  }
0x46: {  	[sflag:s8] =	ssyncadd.s32 $0xFFFEC000  }
0x47: {  	[hbm4b:s12+s2] =	stream.linear.scatter [tilespmem:s9], [sflag:$0x2], $0x14000, $0x38;
	[tilespmem:$0x14800] =	vst v63  }
0x48: {  	_ =	swait.ge [sflag:s3], $0x14000  }
0x49: {  	[sflag:s3] =	ssyncset.done $0x0  }
0x4a: {  	[sflag:s3] =	ssyncadd.s32 $0xFFFEC000  }
0x4b: {  	[tilespmem:s9], [sflag:$0x1] =	stream.indirect.gather [hbm4b:s7+s13], $0x40, s6, s13, $0xb8;
	[tilespmem:$0x14800] =	vst v63  }
0x4c: {  	_ =	swait.ge [sflag:s8], $0xC000  }
0x4d: {  	[sflag:s8] =	ssyncset.done $0x0  }
0x4e: {  	[sflag:s8] =	ssyncadd.s32 $0xFFFF4000  }
0x4f: {  	[hbm4b:s14+s2] =	stream.linear.scatter [tilespmem:s9], [sflag:$0x2], $0xC000, $0x38;
	[tilespmem:$0x14800] =	vst v63  }
0x50: {  	_ =	swait.ge [sflag:s3], $0xC000  }
0x51: {  	[sflag:s3] =	ssyncset.done $0x0  }
0x52: {  	[sflag:s3] =	ssyncadd.s32 $0xFFFF4000  }
0x53: {  	[tilespmem:s9], [sflag:$0x1] =	stream.indirect.gather [hbm4b:s11+s13], $0x40, s6, s13, $0xb8;
	[tilespmem:$0x14800] =	vst v63  }
0x54: {  	_ =	swait.ge [sflag:s8], $0xC000  }
.Ltmp1:
0x55: {  	[sflag:s8] =	ssyncset.done $0x0;
	(pc) =	sbr.rel @p0 .LBB2_1-.Ltmp1, $4  }
0x56: {  	[sflag:s8] =	ssyncadd.s32 $0xFFFF4000  }
0x57: {  	[hbm4b:s15+s2] =	stream.linear.scatter [tilespmem:s9], [sflag:$0x2], $0xC000, $0x38;
	[tilespmem:$0x14800] =	vst v63  }
0x58: {  	_ =	swait.ge [sflag:s3], $0xC000  }
0x59: {  	[sflag:s3] =	ssyncset.done $0x0  }
.LBB2_2:
0x5a: {  	[sflag:s3] =	ssyncadd.s32 $0xFFFF4000  }
0x5b: {  	_ =	sfence.sel $0x180000  }
0x5c: {  	[bflag:$0x0] =	sbarrier.arrive $0xFFFF  }
0x5d: {  	p0 =	sne.s32 s1, $0x0;
	_ =	strace $0x9000004A  }
0x5e: {  	s0 =	sadd.s32 @!p0 $0x100000, s0;
	[bflag:$0x2] =	sbarrier.arrive $0xFFFF  }
0x5f: {  	[sflag:s0] =	ssyncadd.tile.s32 @!p0 $0x1;
	_ =	shalt  }
.Lfunc_end2:
_tile_overlayer_lowered:
.L_overlay_start_2:
0x60: {  	(tag) =	ssettag $0x2  }
0x61: {  	s0 =	rddreg [dreg:$0x0];
	s2 =	stileid.u32  }
0x62: {  	s1 =	rddreg [dreg:$0x1];
	p0 =	sne.s32 s2, $0x0  }
0x63: {  	s3 =	rddreg [dreg:$0x2];
	[bflag:$0x3] =	sbarrier.arrive $0xFFFF;
	s2 =	simm.s32 @!p0 $0x1C02  }
0x64: {  	[timem:s3], [sflag:s2] =	dma.local @!p0 [hbm:s0], s1  }
0x65: {  	s0 =	simm.s32 @!p0 $0x2  }
0x66: {  	_ =	swait.ge @!p0 [sflag:s0], s1  }
0x67: {  	s1 =	ssub.s32 @!p0 $0x0, s1;
	[sflag:s0] =	ssyncset.done @!p0 $0x0  }
0x68: {  	[sflag:s0] =	ssyncadd.s32 @!p0 s1  }
0x69: {  	[bflag:$0x3] =	sbarrier.arrive $0xFFFF  }
0x6a: {  	_ =	shalt  }

// kernel: scatter_offload_async_start
scs
__scs_entry_jumppad:
0x0: {  	(pc) =	sbr.rel $0x88, $3  }
0x1: {  	(tag) =	ssettag $0x0;
	lr =	simm.s32 $0x1  }
0x2: {  	[smem:$0x3F9D] =	sst lr;
	_ =	strace $0xD0000000  }
0x3: {  	_ = 	snop  }
0x4: {  	_ = 	snop  }
0x5: {  	_ = 	snop  }
0x6: {  	_ = 	snop  }
0x7: {  	_ = 	snop  }
__scs_overlays_trampoline_lowered:
0x8: {  	[smem:$0x3FAC] =	sst s0  }
0x9: {  	[smem:$0x3FAD] =	sst s1  }
0xa: {  	[smem:$0x3FAE] =	sst s2  }
0xb: {  	[smem:$0x3FAF] =	sst s3  }
0xc: {  	[smem:$0x3FB0] =	sst s4  }
0xd: {  	[smem:$0x3FB1] =	sst s5  }
0xe: {  	[smem:$0x3FB2] =	sst s6  }
0xf: {  	[smem:$0x3FB3] =	sst s7  }
0x10: {  	[smem:$0x3FB4] =	sst s8  }
0x11: {  	[smem:$0x3FB5] =	sst s9;
	s0 =	simm.s32 @!p0 $0x0  }
0x12: {  	s1 =	sld [smem:$0x3F9B];
	s0 =	simm.s32 @p0 $0x1  }
0x13: {  	[smem:$0x3FB6] =	sst s0;
	s0 =	simm.s32 @!p1 $0x0  }
0x14: {  	s2 =	sld [smem:$0x3F9A];
	s0 =	simm.s32 @p1 $0x1  }
0x15: {  	[smem:$0x3FB7] =	sst s0;
	s0 =	simm.s32 @!p2 $0x0  }
0x16: {  	s3 =	sld [smem:$0x3FDB];
	s0 =	simm.s32 @p2 $0x1  }
0x17: {  	s4 =	simm.s32 $0x1BF5;
	[smem:$0x3FB9] =	sst s0  }
0x18: {  	s0 =	sld [smem:$0x3F9C];
	_ =	swait.ge [sflag:s4], $0x0  }
0x19: {  	s7 =	sld [smem:$0x3F9D]  }
0x1a: {  	s8 =	sadd.s32 $0xFFFFE003, lr  }
0x1b: {  	s9 =	sadd.s32 $0xFFFFFEF7, lr;
	s5 =	simm.s32 $0xFFFFFFFF;
	p2 =	slt.u32 s8, $0xFFFFF086  }
0x1c: {  	p1 =	slt.u32 s9, $0xF7A;
	s5 =	simm.s32 @!p2 $0x0  }
0x1d: {  	s5 =	simm.s32 @p1 $0x1;
	p0 =	seq.s32 s7, s2  }
0x1e: {  	s7 =	smul.u32 @!p0 $0xF7A, s2;
	p2 =	seq.s32 @!p0 s5, $0x0  }
0x1f: {  	s9 =	smul.u32 $0xF7A, s1;
	s8 =	simm.s32 @!p0 $0x1BF5;
	p2 =	por !p2, p0  }
0x20: {  	[sflag:s8] =	ssyncset.s32 @!p0 $0xFFFFF086;
	s6 =	sadd.s32 @!p0 s3, s7;
	s7 =	simm.s32 @!p0 $0x108  }
0x21: {  	s3 =	sadd.s32 s3, s9;
	s6 =	sadd.s32 @!p0 $0x88, s6;
	s7 =	simm.s32 @p2 $0x1082  }
0x22: {  	[simem:s7], [sflag:s8] =	dma.local @!p0 [hbm:s6], $0xF7A  }
0x23: {  	s9 =	sor.u32 $0xD0000000, s2;
	s6 =	simm.s32 $0x108;
	_ =	swait.ge @!p0 [sflag:s8], $0x0  }
0x24: {  	s3 =	sadd.s32 $0x88, s3;
	s6 =	simm.s32 @!p1 $0x1082;
	[sflag:s4] =	ssyncset.s32 $0xFFFFF086  }
0x25: {  	[simem:s6], [sflag:s4] =	dma.local [hbm:s3], $0xF7A  }
0x26: {  	[smem:$0x3F9D] =	sst s1;
	(tag) =	ssettag s2;
	_ =	strace s9  }
0x27: {  	s1 =	sld [smem:$0x3FAD]  }
0x28: {  	s2 =	sld [smem:$0x3FAE]  }
0x29: {  	s4 =	sld [smem:$0x3FB0]  }
0x2a: {  	p0 =	seq.s32 s5, $0x0;
	s5 =	sld [smem:$0x3FB1]  }
0x2b: {  	s6 =	sld [smem:$0x3FB2]  }
0x2c: {  	s7 =	sld [smem:$0x3FB3]  }
0x2d: {  	s3 =	simm.s32 $0x108;
	s8 =	sld [smem:$0x3FB4]  }
0x2e: {  	s3 =	simm.s32 @!p0 $0x1082;
	s9 =	sld [smem:$0x3FB5]  }
0x2f: {  	lr =	sadd.s32 s0, s3;
	s0 =	sld [smem:$0x3FAC]  }
0x30: {  	s3 =	sld [smem:$0x3FAF]  }
0x31: {  	[smem:$0x3FB8] =	sst s10  }
0x32: {  	s10 =	sld [smem:$0x3FB6];
	_ =	sdelay $0x3  }
0x33: {  	p0 =	seq.s32 s10, $0x1;
	s10 =	sld [smem:$0x3FB8];
	_ =	sdelay $0x3  }
0x34: {  	[smem:$0x3FB8] =	sst s10  }
0x35: {  	s10 =	sld [smem:$0x3FB7];
	_ =	sdelay $0x3  }
0x36: {  	p1 =	seq.s32 s10, $0x1;
	s10 =	sld [smem:$0x3FB8];
	_ =	sdelay $0x3  }
0x37: {  	[smem:$0x3FB8] =	sst s10  }
0x38: {  	s10 =	sld [smem:$0x3FB9]  }
0x39: {  	_ = 	snop;
	(pc) =	sbr.ind lr, $3  }
0x3a: {  	_ = 	snop  }
0x3b: {  	_ = 	snop  }
0x3c: {  	p2 =	seq.s32 s10, $0x1;
	s10 =	sld [smem:$0x3FB8]  }
0x3d: {  	_ =	shalt  }
0x3e: {  	_ =	shalt  }
0x3f: {  	_ =	shalt  }
0x40: {  	_ =	shalt  }
0x41: {  	_ =	shalt  }
0x42: {  	_ =	shalt  }
0x43: {  	_ =	shalt  }
0x44: {  	_ =	shalt  }
0x45: {  	_ =	shalt  }
0x46: {  	_ =	shalt  }
0x47: {  	_ =	shalt  }
0x48: {  	_ =	shalt  }
0x49: {  	_ =	shalt  }
0x4a: {  	_ =	shalt  }
0x4b: {  	_ =	shalt  }
0x4c: {  	_ =	shalt  }
0x4d: {  	_ =	shalt  }
0x4e: {  	_ =	shalt  }
0x4f: {  	_ =	shalt  }
0x50: {  	_ =	shalt  }
0x51: {  	_ =	shalt  }
0x52: {  	_ =	shalt  }
0x53: {  	_ =	shalt  }
0x54: {  	_ =	shalt  }
0x55: {  	_ =	shalt  }
0x56: {  	_ =	shalt  }
0x57: {  	_ =	shalt  }
0x58: {  	_ =	shalt  }
0x59: {  	_ =	shalt  }
0x5a: {  	_ =	shalt  }
0x5b: {  	_ =	shalt  }
0x5c: {  	_ =	shalt  }
0x5d: {  	_ =	shalt  }
0x5e: {  	_ =	shalt  }
0x5f: {  	_ =	shalt  }
0x60: {  	_ =	shalt  }
0x61: {  	_ =	shalt  }
0x62: {  	_ =	shalt  }
0x63: {  	_ =	shalt  }
0x64: {  	_ =	shalt  }
0x65: {  	_ =	shalt  }
0x66: {  	_ =	shalt  }
0x67: {  	_ =	shalt  }
0x68: {  	_ =	shalt  }
0x69: {  	_ =	shalt  }
0x6a: {  	_ =	shalt  }
0x6b: {  	_ =	shalt  }
0x6c: {  	_ =	shalt  }
0x6d: {  	_ =	shalt  }
0x6e: {  	_ =	shalt  }
0x6f: {  	_ =	shalt  }
0x70: {  	_ =	shalt  }
0x71: {  	_ =	shalt  }
0x72: {  	_ =	shalt  }
0x73: {  	_ =	shalt  }
0x74: {  	_ =	shalt  }
0x75: {  	_ =	shalt  }
0x76: {  	_ =	shalt  }
0x77: {  	_ =	shalt  }
0x78: {  	_ =	shalt  }
0x79: {  	_ =	shalt  }
0x7a: {  	_ =	shalt  }
0x7b: {  	_ =	shalt  }
0x7c: {  	_ =	shalt  }
0x7d: {  	_ =	shalt  }
0x7e: {  	_ =	shalt  }
0x7f: {  	_ =	shalt  }
0x80: {  	_ =	shalt  }
0x81: {  	_ =	shalt  }
0x82: {  	_ =	shalt  }
0x83: {  	_ =	shalt  }
0x84: {  	_ =	shalt  }
0x85: {  	_ =	shalt  }
0x86: {  	_ =	shalt  }
0x87: {  	_ =	shalt  }
.Lfunc_end0:
.L_simem_size_0:
called_computation_lowered:
.L_overlay_start_0:
0x88: {  	s0 =	sld [smem:$0x3FD9]  }
0x89: {  	s1 =	sld [smem:$0x3FFE];
	_ =	sdelay $0x3  }
0x8a: {  	s0 =	sadd.s32 s1, s0  }
0x8b: {  	[smem:$0x3FC4] =	sst s0  }
0x8c: {  	_ = 	snop  }
0x8d: {  	s0 =	sld [smem:$0x3FD0];
	_ =	sdelay $0x2  }
0x8e: {  	s14 =	simm.s32 $0xA;
	s2 =	simm.s32 $0x10  }
0x8f: {  	[smem:s2], [sflag:s14] =	dma.local [hbm:s0], $0x1  }
0x90: {  	_ =	swait.eq [sflag:s14], $0x1  }
0x91: {  	s15 =	sld [smem:$0x11];
	[sflag:s14] =	ssyncset.done $0x0  }
0x92: {  	s16 =	sld [smem:$0x12];
	[sflag:s14] =	ssyncadd.s32 $0xFFFFFFFF  }
0x93: {  	s17 =	sld [smem:$0x13];
	(tm) =	ssettm $0x1  }
0x94: {  	s3 =	sld [smem:$0x3FFB];
	_ =	sdelay $0x3  }
0x95: {  	_ =	strace s3  }
0x96: {  	s3 =	sld [smem:$0x3FFC];
	_ =	sdelay $0x3  }
0x97: {  	_ =	strace s3  }
0x98: {  	s3 =	sld [smem:$0x3FFD];
	_ =	sdelay $0x3  }
0x99: {  	_ =	strace s3  }
0x9a: {  	_ =	strace $0x8FFFFFFF  }
0x9b: {  	s18 =	sld [smem:$0x3FDB];
	_ =	sdelay $0x1  }
0x9c: {  	s4 =	simm.s32 $_scs_section_size  }
0x9d: {  	s5 =	simm.s32 $_size__tile_overlayer_lowered;
	s6 =	simm.s32 $_tile_overlayer_lowered  }
0x9e: {  	s21 =	simm.s32 $0x1BFF;
	s20 =	sshll.u32 s6, $0x1;
	s3 =	sadd.s32 s4, s18  }
0x9f: {  	s7 =	simm.s32 $0x0;
	s19 =	sshll.u32 s5, $0x1;
	s5 =	sadd.s32 s20, s3  }
0xa0: {  	[timem:s7], [sflag:s21] =	dma.local [hbm:s5], s19  }
0xa1: {  	_ =	swait.ge [sflag:s21], s19  }
0xa2: {  	s4 =	ssub.s32 $0x0, s19;
	[sflag:s21] =	ssyncset.done $0x0  }
0xa3: {  	[sflag:s21] =	ssyncadd.s32 s4;
	_ =	sdelay $0x1  }
0xa4: {  	s22 =	simm.s32 $0x1B8B  }
0xa5: {  	_ =	swait.ge [sflag:s22], $0x1  }
0xa6: {  	[sflag:s22] =	ssyncset.done $0x0  }
0xa7: {  	s23 =	simm.s32 $0x1B8E;
	[sflag:s22] =	ssyncadd.s32 $0xFFFFFFFF  }
0xa8: {  	s24 =	simm.s32 $execute0_lowered;
	[smem:$0x3FD2] =	sst s23  }
0xa9: {  	s4 =	sshll.u32 s24, $0x1;
	_ =	strace $0x80000046;
	[dreg:$0x1] =	wrdreg $0xFFFFFFFF  }
0xaa: {  	s25 =	simm.s32 $_size_execute0_lowered;
	s3 =	sadd.s32 s3, s4;
	[dreg:$0x0] =	wrdreg $0x0  }
0xab: {  	s4 =	sshll.u32 s25, $0x1;
	[dreg:$0x2] =	wrdreg s3  }
0xac: {  	[dreg:$0x3] =	wrdreg s4  }
0xad: {  	[dreg:$0x4] =	wrdreg $0xC0  }
0xae: {  	_ =	task [dreg:s7], $0x5FFFF  }
0xaf: {  	[dreg:$0x1] =	wrdreg $0xFFFFFFFF  }
0xb0: {  	[dreg:$0x0] =	wrdreg $0x60  }
0xb1: {  	[dreg:$0x2] =	wrdreg s15  }
0xb2: {  	[dreg:$0x3] =	wrdreg s17  }
0xb3: {  	[dreg:$0x4] =	wrdreg s16  }
0xb4: {  	[dreg:$0x5] =	wrdreg $0x9  }
0xb5: {  	_ =	task.clear_ibuf [dreg:s7], $0x6FFFF;
	_ =	strace $0x90000046  }
0xb6: {  	s26 =	simm.s32 $0x9;
	_ =	strace $0x80000048  }
0xb7: {  	_ =	swait.ge [sflag:s26], $0x1  }
0xb8: {  	[sflag:s26] =	ssyncadd.s32 $0xFFFFFFFF  }
0xb9: {  	_ =	strace $0x90000048  }
0xba: {  	_ =	sfence  }
0xbb: {  	s28 =	sld [smem:$0x0];
	_ =	sdelay $0x1  }
0xbc: {  	s29 =	srdreg.scid  }
0xbd: {  	s30 =	sshll.u32 s29, $0xD;
	s31 =	sshrl.u32 s29, $0x2  }
0xbe: {  	s1 =	sand.u32 $0x1, s29;
	s2 =	sand.u32 $0x4000, s30;
	s0 =	sadd.s32 s31, s28  }
0xbf: {  	s1 =	sor.u32 s2, s1;
	s0 =	sshll.u32 s0, $0x11  }
0xc0: {  	s0 =	sor.u32 s0, s1  }
0xc1: {  	s0 =	sadd.s32 $0x8F2B, s0  }
0xc2: {  	[sflag:s0] =	ssyncadd.remote.s32 $0x1  }
0xc3: {  	_ =	sfence.sel $0xFFFF  }
0xc4: {  	[dreg:$0x0] =	wrdreg $0xFFFFFFFF;
	(pc) =	sbr.abs _section_cstart, $3  }
0xc5: {  	[dreg:$0x1] =	wrdreg $0xFFFFFFFF  }
0xc6: {  	_ =	task.clear_ibuf [dreg:s7], $0x2FFFF;
	_ =	strace $0x9FFFFFFF  }
0xc7: {  	(tm) =	ssettm $0x7FFFFFFF  }
tec
execute0_lowered:
.L_overlay_start_1:
0x0: {  	(tag) =	ssettag $0x1  }
0x1: {  	s1 =	rddreg [dreg:$0x0]  }
0x2: {  	s5 =	rddreg [dreg:$0x1]  }
0x3: {  	s6 =	rddreg [dreg:$0x2]  }
0x4: {  	s0 =	rddreg [dreg:$0x3];
	s7 =	stileid.u32  }
0x5: {  	_ =	strace $0x80000047;
	s3 =	simm.s32 $0x3E;
	p0 =	sne.s32 s7, $0x0  }
0x6: {  	[sflag:s3] =	ssyncpa.u1 $0x0;
	s4 =	simm.s32 @!p0 $0x1C3E;
	s2 =	simm.s32 @!p0 $0x0  }
0x7: {  	[spmem:s2], [sflag:s4] =	dma.local @!p0 [hbm:s1], $0x180  }
0x8: {  	s4 =	simm.s32 @!p0 $0x3E  }
0x9: {  	_ =	swait.ge @!p0 [sflag:s4], $0x180  }
0xa: {  	[sflag:s4] =	ssyncset.done @!p0 $0x0  }
0xb: {  	[sflag:s4] =	ssyncadd.s32 @!p0 $0xFFFFFE80  }
0xc: {  	s9 =	simm.s32 $0x1C0;
	[bflag:$0x0] =	sbarrier.arrive $0xFFFF  }
0xd: {  	s7 =	sshll.u32 s7, $0x5;
	[sflag:s3] =	ssyncpa.u1 $0x1;
	s3 =	simm.s32 $0x1  }
0xe: {  	s8 =	sadd.s32 s5, s7;
	s4 =	simm.s32 $0x2;
	[sflag:s3] =	ssyncpa.u1 $0x0  }
0xf: {  	s5 =	simm.s32 $0x0;
	(ifvalue) =	ssetifvalue $0xC00;
	[sflag:s4] =	ssyncpa.u1 $0x0  }
0x10: {  	[tilespmem:s9], [sflag:$0x2] =	stream.linear.gather [hbm4b:s8+s5], $0x100, $0x38;
	[tilespmem:$0x4C0] =	vst v63  }
0x11: {  	s23 =	simm.s32 $0x3C0;
	s6 =	sadd.s32 s6, s7  }
0x12: {  	[tilespmem:s23], [sflag:$0x2] =	stream.linear.gather [hbm4b:s6+s5], $0x100, $0x38;
	[tilespmem:$0x4C0] =	vst v63  }
0x13: {  	_ =	swait.ge [sflag:s4], $0x200  }
0x14: {  	[sflag:s4] =	ssyncset.done $0x0  }
0x15: {  	[sflag:s4] =	ssyncadd.s32 $0xFFFFFE00  }
0x16: {  	v0 =	vld.msk [tilespmem:s9+$0x0 ss:$0x1], $0xffff;
	_ =	sdelay $0x4  }
0x17: {  	v0 =	vmin.u32 v0, $0xC00;
	_ =	sdelay $0x3  }
0x18: {  	vm0 =	vmmov $0xffff;
	s24 =	simm.s32 $0x1D0  }
0x19: {  	[spmem:s5] =	stream.indirect_vreg.scatter.add.s32 [tilespmem:s23], [sflag:$0x1], $0x1, v0, vm0, $0x4038;
	[tilespmem:$0x4C0] =	vst v63  }
0x1a: {  	v0 =	vld.msk [tilespmem:s24+$0x0 ss:$0x1], $0xffff;
	_ =	sdelay $0x4  }
0x1b: {  	v0 =	vmin.u32 v0, $0xC00;
	_ =	sdelay $0x3  }
0x1c: {  	s25 =	simm.s32 $0x3D0;
	s26 =	simm.s32 $0x1E0  }
0x1d: {  	[spmem:s5] =	stream.indirect_vreg.scatter.add.s32 [tilespmem:s25], [sflag:$0x1], $0x1, v0, vm0, $0x4038;
	[tilespmem:$0x4C0] =	vst v63  }
0x1e: {  	v0 =	vld.msk [tilespmem:s26+$0x0 ss:$0x1], $0xffff;
	_ =	sdelay $0x4  }
0x1f: {  	v0 =	vmin.u32 v0, $0xC00;
	_ =	sdelay $0x3  }
0x20: {  	s28 =	simm.s32 $0x3E0;
	s29 =	simm.s32 $0x1F0  }
0x21: {  	[spmem:s5] =	stream.indirect_vreg.scatter.add.s32 [tilespmem:s28], [sflag:$0x1], $0x1, v0, vm0, $0x4038;
	[tilespmem:$0x4C0] =	vst v63  }
0x22: {  	v0 =	vld.msk [tilespmem:s29+$0x0 ss:$0x1], $0xffff;
	_ =	sdelay $0x4  }
0x23: {  	v0 =	vmin.u32 v0, $0xC00;
	_ =	sdelay $0x3  }
0x24: {  	s30 =	simm.s32 $0x3F0;
	s31 =	simm.s32 $0x200  }
0x25: {  	[spmem:s5] =	stream.indirect_vreg.scatter.add.s32 [tilespmem:s30], [sflag:$0x1], $0x1, v0, vm0, $0x4038;
	[tilespmem:$0x4C0] =	vst v63  }
0x26: {  	v0 =	vld.msk [tilespmem:s31+$0x0 ss:$0x1], $0xffff;
	_ =	sdelay $0x4  }
0x27: {  	v0 =	vmin.u32 v0, $0xC00;
	_ =	sdelay $0x3  }
0x28: {  	s7 =	simm.s32 $0x400;
	s8 =	simm.s32 $0x210  }
0x29: {  	[spmem:s5] =	stream.indirect_vreg.scatter.add.s32 [tilespmem:s7], [sflag:$0x1], $0x1, v0, vm0, $0x4038;
	[tilespmem:$0x4C0] =	vst v63  }
0x2a: {  	v0 =	vld.msk [tilespmem:s8+$0x0 ss:$0x1], $0xffff;
	_ =	sdelay $0x4  }
0x2b: {  	v0 =	vmin.u32 v0, $0xC00;
	_ =	sdelay $0x3  }
0x2c: {  	s10 =	simm.s32 $0x220;
	s9 =	simm.s32 $0x410  }
0x2d: {  	[spmem:s5] =	stream.indirect_vreg.scatter.add.s32 [tilespmem:s9], [sflag:$0x1], $0x1, v0, vm0, $0x4038;
	[tilespmem:$0x4C0] =	vst v63  }
0x2e: {  	v0 =	vld.msk [tilespmem:s10+$0x0 ss:$0x1], $0xffff;
	_ =	sdelay $0x4  }
0x2f: {  	v0 =	vmin.u32 v0, $0xC00;
	_ =	sdelay $0x3  }
0x30: {  	s11 =	simm.s32 $0x420;
	s12 =	simm.s32 $0x230  }
0x31: {  	[spmem:s5] =	stream.indirect_vreg.scatter.add.s32 [tilespmem:s11], [sflag:$0x1], $0x1, v0, vm0, $0x4038;
	[tilespmem:$0x4C0] =	vst v63  }
0x32: {  	v0 =	vld.msk [tilespmem:s12+$0x0 ss:$0x1], $0xffff;
	_ =	sdelay $0x4  }
0x33: {  	v0 =	vmin.u32 v0, $0xC00;
	_ =	sdelay $0x3  }
0x34: {  	s13 =	simm.s32 $0x430;
	s14 =	simm.s32 $0x240  }
0x35: {  	[spmem:s5] =	stream.indirect_vreg.scatter.add.s32 [tilespmem:s13], [sflag:$0x1], $0x1, v0, vm0, $0x4038;
	[tilespmem:$0x4C0] =	vst v63  }
0x36: {  	v0 =	vld.msk [tilespmem:s14+$0x0 ss:$0x1], $0xffff;
	_ =	sdelay $0x4  }
0x37: {  	v0 =	vmin.u32 v0, $0xC00;
	_ =	sdelay $0x3  }
0x38: {  	s15 =	simm.s32 $0x440;
	s16 =	simm.s32 $0x250  }
0x39: {  	[spmem:s5] =	stream.indirect_vreg.scatter.add.s32 [tilespmem:s15], [sflag:$0x1], $0x1, v0, vm0, $0x4038;
	[tilespmem:$0x4C0] =	vst v63  }
0x3a: {  	v0 =	vld.msk [tilespmem:s16+$0x0 ss:$0x1], $0xffff;
	_ =	sdelay $0x4  }
0x3b: {  	v0 =	vmin.u32 v0, $0xC00;
	_ =	sdelay $0x3  }
0x3c: {  	s17 =	simm.s32 $0x450;
	s18 =	simm.s32 $0x260  }
0x3d: {  	[spmem:s5] =	stream.indirect_vreg.scatter.add.s32 [tilespmem:s17], [sflag:$0x1], $0x1, v0, vm0, $0x4038;
	[tilespmem:$0x4C0] =	vst v63  }
0x3e: {  	v0 =	vld.msk [tilespmem:s18+$0x0 ss:$0x1], $0xffff;
	_ =	sdelay $0x4  }
0x3f: {  	v0 =	vmin.u32 v0, $0xC00;
	_ =	sdelay $0x3  }
0x40: {  	s19 =	simm.s32 $0x460;
	s20 =	simm.s32 $0x270  }
0x41: {  	[spmem:s5] =	stream.indirect_vreg.scatter.add.s32 [tilespmem:s19], [sflag:$0x1], $0x1, v0, vm0, $0x4038;
	[tilespmem:$0x4C0] =	vst v63  }
0x42: {  	v0 =	vld.msk [tilespmem:s20+$0x0 ss:$0x1], $0xffff;
	_ =	sdelay $0x4  }
0x43: {  	v0 =	vmin.u32 v0, $0xC00;
	_ =	sdelay $0x3  }
0x44: {  	s21 =	simm.s32 $0x470;
	s22 =	simm.s32 $0x280  }
0x45: {  	[spmem:s5] =	stream.indirect_vreg.scatter.add.s32 [tilespmem:s21], [sflag:$0x1], $0x1, v0, vm0, $0x4038;
	[tilespmem:$0x4C0] =	vst v63  }
0x46: {  	v0 =	vld.msk [tilespmem:s22+$0x0 ss:$0x1], $0xffff;
	_ =	sdelay $0x4  }
0x47: {  	v0 =	vmin.u32 v0, $0xC00;
	_ =	sdelay $0x3  }
0x48: {  	s23 =	simm.s32 $0x480;
	s24 =	simm.s32 $0x290  }
0x49: {  	[spmem:s5] =	stream.indirect_vreg.scatter.add.s32 [tilespmem:s23], [sflag:$0x1], $0x1, v0, vm0, $0x4038;
	[tilespmem:$0x4C0] =	vst v63  }
0x4a: {  	v0 =	vld.msk [tilespmem:s24+$0x0 ss:$0x1], $0xffff;
	_ =	sdelay $0x4  }
0x4b: {  	v0 =	vmin.u32 v0, $0xC00;
	_ =	sdelay $0x3  }
0x4c: {  	s25 =	simm.s32 $0x490;
	s26 =	simm.s32 $0x2A0  }
0x4d: {  	[spmem:s5] =	stream.indirect_vreg.scatter.add.s32 [tilespmem:s25], [sflag:$0x1], $0x1, v0, vm0, $0x4038;
	[tilespmem:$0x4C0] =	vst v63  }
0x4e: {  	v0 =	vld.msk [tilespmem:s26+$0x0 ss:$0x1], $0xffff;
	_ =	sdelay $0x4  }
0x4f: {  	v0 =	vmin.u32 v0, $0xC00;
	_ =	sdelay $0x3  }
0x50: {  	s28 =	simm.s32 $0x4A0;
	s29 =	simm.s32 $0x2B0  }
0x51: {  	[spmem:s5] =	stream.indirect_vreg.scatter.add.s32 [tilespmem:s28], [sflag:$0x1], $0x1, v0, vm0, $0x4038;
	[tilespmem:$0x4C0] =	vst v63  }
0x52: {  	v0 =	vld.msk [tilespmem:s29+$0x0 ss:$0x1], $0xffff;
	_ =	sdelay $0x4  }
0x53: {  	v0 =	vmin.u32 v0, $0xC00;
	_ =	sdelay $0x3  }
0x54: {  	s30 =	simm.s32 $0x4B0  }
0x55: {  	[spmem:s5] =	stream.indirect_vreg.scatter.add.s32 [tilespmem:s30], [sflag:$0x1], $0x1, v0, vm0, $0x4038;
	[tilespmem:$0x4C0] =	vst v63  }
0x56: {  	_ =	swait.ge [sflag:s3], $0x100  }
0x57: {  	[sflag:s3] =	ssyncset.done $0x0  }
0x58: {  	[sflag:s3] =	ssyncadd.s32 $0xFFFFFF00  }
0x59: {  	_ =	sfence.sel $0x180000  }
0x5a: {  	[bflag:$0x0] =	sbarrier.arrive $0xFFFF  }
0x5b: {  	[sflag:s4] =	ssyncpa.u1 $0x1  }
0x5c: {  	[sflag:s3] =	ssyncpa.u1 $0x1  }
0x5d: {  	_ =	sfence.stream.spmem  }
0x5e: {  	s31 =	simm.s32 $0x3D;
	[bflag:$0x0] =	sbarrier.arrive $0xFFFF  }
0x5f: {  	s3 =	simm.s32 @p0 $0x3D;
	[sflag:s31] =	ssyncpa.u1 $0x0  }
0x60: {  	[sflag:s3] =	ssyncpa.u1 @p0 $0x1  }
0x61: {  	[bflag:$0x0] =	sbarrier.arrive @p0 $0xFFFF  }
0x62: {  	_ =	strace @p0 $0x90000047  }
0x63: {  	s3 =	simm.s32 @!p0 $0x1C3D;
	[bflag:$0x2] =	sbarrier.arrive @p0 $0xFFFF  }
0x64: {  	[hbm:s1], [sflag:s3] =	dma.local @!p0 [spmem:s2], $0x180  }
0x65: {  	s1 =	simm.s32 @!p0 $0x3D  }
0x66: {  	_ =	swait.ge @!p0 [sflag:s1], $0x180  }
0x67: {  	[sflag:s1] =	ssyncset.done @!p0 $0x0  }
0x68: {  	[sflag:s1] =	ssyncadd.s32 @!p0 $0xFFFFFE80  }
0x69: {  	[sflag:s1] =	ssyncpa.u1 @!p0 $0x1  }
0x6a: {  	[bflag:$0x0] =	sbarrier.arrive @!p0 $0xFFFF  }
0x6b: {  	_ =	strace @!p0 $0x90000047  }
0x6c: {  	s0 =	sadd.s32 @!p0 $0x100000, s0;
	[bflag:$0x2] =	sbarrier.arrive @!p0 $0xFFFF  }
0x6d: {  	[sflag:s0] =	ssyncadd.tile.s32 @!p0 $0x1;
	_ =	shalt  }
.Lfunc_end2:
_tile_overlayer_lowered:
.L_overlay_start_2:
0x6e: {  	(tag) =	ssettag $0x2  }
0x6f: {  	s0 =	rddreg [dreg:$0x0];
	s2 =	stileid.u32  }
0x70: {  	s1 =	rddreg [dreg:$0x1];
	p0 =	sne.s32 s2, $0x0  }
0x71: {  	s3 =	rddreg [dreg:$0x2];
	[bflag:$0x3] =	sbarrier.arrive $0xFFFF;
	s2 =	simm.s32 @!p0 $0x1C01  }
0x72: {  	[timem:s3], [sflag:s2] =	dma.local @!p0 [hbm:s0], s1  }
0x73: {  	s0 =	simm.s32 @!p0 $0x1  }
0x74: {  	_ =	swait.ge @!p0 [sflag:s0], s1  }
0x75: {  	s1 =	ssub.s32 @!p0 $0x0, s1;
	[sflag:s0] =	ssyncset.done @!p0 $0x0  }
0x76: {  	[sflag:s0] =	ssyncadd.s32 @!p0 s1  }
0x77: {  	[bflag:$0x3] =	sbarrier.arrive $0xFFFF  }
0x78: {  	_ =	shalt  }

</sc_bundles>
